<compile_context>
chip_gen: v7x
topology: tpu7x:2x2x1
jax: 0.10.2.dev20260603
libtpu: 0.0.44.dev20260713+nightly
codegen_flags: <defaults>
</compile_context>

<pallas_src>
import functools

import jax
import jax.numpy as jnp
from jax import lax
from jax.experimental import pallas as pl
from jax.experimental.pallas import tpu as pltpu
from jax.experimental.pallas import tpu_sc as plsc

E = 320000
D = 128
G = 256
L = 16
NC = 2
NS = 16
NW = NC * NS
SPW = G // NW
C = 128
NBUF = 4
NV = D // L
CD = C * D
OFF_PAD = G + L

NEG_INF = float("-inf")


def _sc_body(x_hbm, ids_hbm, w_hbm, b_hbm, out_hbm, buf, wv_ref, bv_ref,
             off_ref, probe_ref, stage, psem, *sems):
    cid = lax.axis_index("c")
    sid = lax.axis_index("s")
    wid = sid * NC + cid
    g0 = wid * SPW

    pltpu.sync_copy(w_hbm, wv_ref)
    pltpu.sync_copy(b_hbm, bv_ref)

    wvec = [wv_ref[pl.ds(L * k, L)] for k in range(NV)]
    bv = bv_ref[...]
    iota = lax.iota(jnp.int32, L)

    def lane_shuffle(v, idx):
        return lax.gather(
            v, idx[:, None],
            lax.GatherDimensionNumbers(
                offset_dims=(), collapsed_slice_dims=(0,),
                start_index_map=(0,)),
            slice_sizes=(1,),
            mode=lax.GatherScatterMode.PROMISE_IN_BOUNDS)

    queries = g0 + iota
    lo = jnp.zeros((L,), jnp.int32)
    hi = jnp.full((L,), E, jnp.int32)

    def search_round(_, carry):
        lo, hi = carry
        mid = jnp.minimum((lo + hi) >> 1, E - 1)
        pltpu.async_copy(ids_hbm.at[mid], probe_ref, psem).wait()
        ge = probe_ref[...] >= queries
        active = lo < hi
        hi = jnp.where(active, jnp.where(ge, mid, hi), hi)
        lo = jnp.where(active, jnp.where(ge, lo, mid + 1), lo)
        return lo, hi

    lo, hi = lax.fori_loop(0, 19, search_round, (lo, hi))
    off_ref[pl.ds(0, L)] = hi
    off_ref[pl.ds(L, L)] = hi

    def off_at(j):
        return off_ref[pl.ds(j, L)][0]

    e_lo, e_hi = off_at(0), off_at(SPW)
    nch = (e_hi - e_lo + (C - 1)) // C

    zero16 = jnp.zeros((L,), jnp.float32)
    ninf16 = jnp.full((L,), NEG_INF, jnp.float32)
    for j in range(SPW):
        for k in range(NV):
            stage[j, pl.ds(L * k, L)] = zero16
            stage[j, pl.ds(D + L * k, L)] = ninf16

    def issue(ci, slot):
        @pl.when(ci < nch)
        def _():
            start = e_lo + ci * C
            s_dma = jnp.minimum(start, E - C)
            pltpu.async_copy(
                x_hbm.at[pl.ds(s_dma * D, CD)],
                buf.at[pl.ds(slot * CD, CD)], sems[slot])

    def compute(ci, slot):
        lo = e_lo + ci * C
        s_dma = jnp.minimum(lo, E - C)
        j0 = lo - s_dma

        @pl.when(ci < nch)
        def _():
            pltpu.make_async_copy(
                x_hbm.at[pl.ds(0, CD)],
                buf.at[pl.ds(slot * CD, CD)], sems[slot]).wait()

        def seg_body(j, carry):
            sb = off_at(j)
            se = off_at(j + 1)
            a = jnp.maximum(sb, lo)
            bnd = jnp.minimum(se, lo + C)
            mj = bnd - a
            boff = slot * CD + (j0 + (a - lo)) * D

            @pl.when(mj > 0)
            def _():
                acc0 = (
                    tuple(stage[j, pl.ds(L * k, L)] for k in range(NV))
                    + tuple(stage[j, pl.ds(D + L * k, L)]
                            for k in range(NV)))

                def row_body(r, acc):
                    base = boff + r * D
                    xs = [buf[pl.ds(base + L * k, L)] for k in range(NV)]
                    p = xs[0] * wvec[0]
                    for k in range(1, NV):
                        p = p + xs[k] * wvec[k]
                    for sh in (8, 4, 2, 1):
                        p = p + lane_shuffle(p, iota ^ sh)
                    z = p + bv
                    e2 = jnp.exp(z + z)
                    wgt = (e2 - 1.0) / (e2 + 1.0)
                    news = tuple(acc[k] + xs[k] * wgt for k in range(NV))
                    newm = tuple(jnp.maximum(acc[NV + k], xs[k])
                                 for k in range(NV))
                    return news + newm

                acc = plsc.parallel_loop(
                    0, mj, unroll=4, carry=acc0)(row_body)
                for k in range(NV):
                    stage[j, pl.ds(L * k, L)] = acc[k]
                    stage[j, pl.ds(D + L * k, L)] = acc[NV + k]

            return carry

        lax.fori_loop(0, SPW, seg_body, 0)

    for b in range(NBUF - 1):
        issue(b, b)

    def group_body(t, carry):
        ci = NBUF * t
        for b in range(NBUF):
            issue(ci + b + (NBUF - 1), (b + NBUF - 1) % NBUF)
            compute(ci + b, b)
        return carry

    ngroups = (nch + (NBUF - 1)) // NBUF
    lax.fori_loop(0, ngroups, group_body, 0)

    pltpu.sync_copy(stage, out_hbm.at[pl.ds(g0, SPW), :])


@jax.jit
def kernel(edge_feats, segment_ids, W, b):
    ids32 = segment_ids.astype(jnp.int32)
    x_flat = edge_feats.reshape(E * D)
    w_flat = W.reshape(D).astype(jnp.float32)
    b16 = jnp.broadcast_to(b.astype(jnp.float32), (L,))

    mesh = plsc.VectorSubcoreMesh(
        core_axis_name="c", subcore_axis_name="s",
        num_cores=NC, num_subcores=NS)
    f = pl.kernel(
        _sc_body,
        out_type=jax.ShapeDtypeStruct((G, 2 * D), jnp.float32),
        mesh=mesh,
        scratch_types=(
            [
                pltpu.VMEM((NBUF * C * D,), jnp.float32),
                pltpu.VMEM((D,), jnp.float32),
                pltpu.VMEM((L,), jnp.float32),
                pltpu.VMEM((2 * L,), jnp.int32),
                pltpu.VMEM((L,), jnp.int32),
                pltpu.VMEM((SPW, 2 * D), jnp.float32),
                pltpu.SemaphoreType.DMA,
            ]
            + [pltpu.SemaphoreType.DMA] * NBUF
        ),
    )
    return f(x_flat, ids32, w_flat, b16)

# --- scband reference (transcript-rebuilt; emitter-appended) ---
"""Pipeline reference for scband-edge-weighted-sum-and-max-6373731467766 (READ-ONLY COPY).

The authoritative reference and input builder live on the scoring server;
editing this copy changes nothing except your own understanding.
"""

import jax, jax.numpy as jnp
import numpy as np

E = 320000
D = 128
G = 256

def setup_inputs(seed: int = 0) -> dict:
    key = jax.random.key(seed)
    k1, k2, k3, k4 = jax.random.split(key, 4)
    edge_feats = jax.random.normal(k1, (E, D), dtype=jnp.float32)
    segment_ids = jnp.sort(jax.random.randint(k2, (E,), 0, G, dtype=jnp.int64))
    # Parameters of atom_weighting = Linear(in_feats, 1) followed by Tanh
    W = jax.random.normal(k3, (D, 1), dtype=jnp.float32) * (1.0 / np.sqrt(D))
    b = jax.random.normal(k4, (1,), dtype=jnp.float32) * 0.01
    return {"edge_feats": edge_feats, "segment_ids": segment_ids, "W": W, "b": b}

def reference(edge_feats, segment_ids, W, b):
    # atom_weighting: tanh(Linear(edge_feats)) -> per-edge scalar weight [E, 1]
    w = jnp.tanh(edge_feats @ W + b)
    # dgl.sum_edges(g, 'e', 'w'): per-graph weighted sum of edge features
    h_g_sum = jax.ops.segment_sum(edge_feats * w, segment_ids, num_segments=G)
    # dgl.max_edges(bg, 'e'): per-graph elementwise max of edge features
    h_g_max = jax.ops.segment_max(edge_feats, segment_ids, num_segments=G)
    # concat along feature dim -> [G, 2*D]
    h_g = jnp.concatenate([h_g_sum, h_g_max], axis=1)
    return h_g

if __name__ == "__main__":
    import jax
    _d = setup_inputs()
    print(jax.jit(kernel)(*tuple(_d.values())))

</pallas_src>

<mosaic_0001>
#map = affine_map<(d0, d1) -> (0)>
#map1 = affine_map<(d0, d1) -> (0, 0)>
module attributes {stable_mosaic.version = 14 : i64} {
  func.func @_sc_body(%arg0: i32, %arg1: i32, %arg2: memref<40960000xf32, #tpu.memory_space<hbm>>, %arg3: memref<320000xi32, #tpu.memory_space<hbm>>, %arg4: memref<128xf32, #tpu.memory_space<hbm>>, %arg5: memref<16xf32, #tpu.memory_space<hbm>>, %arg6: memref<256x256xf32, #tpu.memory_space<hbm>>, %arg7: memref<65536xf32, #tpu.memory_space<vmem>>, %arg8: memref<128xf32, #tpu.memory_space<vmem>>, %arg9: memref<16xf32, #tpu.memory_space<vmem>>, %arg10: memref<32xi32, #tpu.memory_space<vmem>>, %arg11: memref<16xi32, #tpu.memory_space<vmem>>, %arg12: memref<8x256xf32, #tpu.memory_space<vmem>>, %arg13: memref<!tpu.dma_semaphore, #tpu.memory_space<semaphore_mem>>, %arg14: memref<!tpu.dma_semaphore, #tpu.memory_space<semaphore_mem>>, %arg15: memref<!tpu.dma_semaphore, #tpu.memory_space<semaphore_mem>>, %arg16: memref<!tpu.dma_semaphore, #tpu.memory_space<semaphore_mem>>, %arg17: memref<!tpu.dma_semaphore, #tpu.memory_space<semaphore_mem>>) attributes {dimension_semantics = [#tpu.dimension_semantics<core_parallel>, #tpu.dimension_semantics<subcore_parallel>], iteration_bounds = array<i64: 2, 16>, scalar_prefetch = 0 : i64, scratch_operands = 11 : i64, tpu.core_type = #tpu.core_type<sc_vector_subcore>, window_params = [{transform_indices = #map}, {transform_indices = #map}, {transform_indices = #map}, {transform_indices = #map}, {transform_indices = #map1}]} {
    %mul3A = arith.constant 2 : i32
    %mul3A_0 = arith.muli %arg1, %mul3A : i32
    %add3A = arith.addi %mul3A_0, %arg0 : i32
    %mul3A_1 = arith.constant 8 : i32
    %mul3A_2 = arith.muli %add3A, %mul3A_1 : i32
    "tpu.region"() ({
      %run_scoped3A = tpu.sem_alloc : memref<!tpu.dma_semaphore, #tpu.memory_space<semaphore_mem>>
      tpu.enqueue_dma source(%arg4 : memref<128xf32, #tpu.memory_space<hbm>>) target(%arg8 : memref<128xf32, #tpu.memory_space<vmem>>) target_semaphore(%run_scoped3A : memref<!tpu.dma_semaphore, #tpu.memory_space<semaphore_mem>>)
      tpu.wait_dma2 semaphore(%run_scoped3A : memref<!tpu.dma_semaphore, #tpu.memory_space<semaphore_mem>>) src(%arg4 : memref<128xf32, #tpu.memory_space<hbm>>) dst(%arg8 : memref<128xf32, #tpu.memory_space<vmem>>)
      tpu.yield
    }) : () -> ()
    "tpu.region"() ({
      %run_scoped3A = tpu.sem_alloc : memref<!tpu.dma_semaphore, #tpu.memory_space<semaphore_mem>>
      tpu.enqueue_dma source(%arg5 : memref<16xf32, #tpu.memory_space<hbm>>) target(%arg9 : memref<16xf32, #tpu.memory_space<vmem>>) target_semaphore(%run_scoped3A : memref<!tpu.dma_semaphore, #tpu.memory_space<semaphore_mem>>)
      tpu.wait_dma2 semaphore(%run_scoped3A : memref<!tpu.dma_semaphore, #tpu.memory_space<semaphore_mem>>) src(%arg5 : memref<16xf32, #tpu.memory_space<hbm>>) dst(%arg9 : memref<16xf32, #tpu.memory_space<vmem>>)
      tpu.yield
    }) : () -> ()
    %get3A = arith.constant 0 : index
    %get3A_3 = tpu.vector_load %arg8[%get3A] {strides = array<i32>} : memref<128xf32, #tpu.memory_space<vmem>>, vector<16xf32>,
    %get3A_4 = vector.shape_cast %get3A_3 : vector<16xf32> to vector<16xf32>
    %get3A_5 = arith.constant 16 : index
    %get3A_6 = tpu.vector_load %arg8[%get3A_5] {strides = array<i32>} : memref<128xf32, #tpu.memory_space<vmem>>, vector<16xf32>,
    %get3A_7 = vector.shape_cast %get3A_6 : vector<16xf32> to vector<16xf32>
    %get3A_8 = arith.constant 32 : index
    %get3A_9 = tpu.vector_load %arg8[%get3A_8] {strides = array<i32>} : memref<128xf32, #tpu.memory_space<vmem>>, vector<16xf32>,
    %get3A_10 = vector.shape_cast %get3A_9 : vector<16xf32> to vector<16xf32>
    %get3A_11 = arith.constant 48 : index
    %get3A_12 = tpu.vector_load %arg8[%get3A_11] {strides = array<i32>} : memref<128xf32, #tpu.memory_space<vmem>>, vector<16xf32>,
    %get3A_13 = vector.shape_cast %get3A_12 : vector<16xf32> to vector<16xf32>
    %get3A_14 = arith.constant 64 : index
    %get3A_15 = tpu.vector_load %arg8[%get3A_14] {strides = array<i32>} : memref<128xf32, #tpu.memory_space<vmem>>, vector<16xf32>,
    %get3A_16 = vector.shape_cast %get3A_15 : vector<16xf32> to vector<16xf32>
    %get3A_17 = arith.constant 80 : index
    %get3A_18 = tpu.vector_load %arg8[%get3A_17] {strides = array<i32>} : memref<128xf32, #tpu.memory_space<vmem>>, vector<16xf32>,
    %get3A_19 = vector.shape_cast %get3A_18 : vector<16xf32> to vector<16xf32>
    %get3A_20 = arith.constant 96 : index
    %get3A_21 = tpu.vector_load %arg8[%get3A_20] {strides = array<i32>} : memref<128xf32, #tpu.memory_space<vmem>>, vector<16xf32>,
    %get3A_22 = vector.shape_cast %get3A_21 : vector<16xf32> to vector<16xf32>
    %get3A_23 = arith.constant 112 : index
    %get3A_24 = tpu.vector_load %arg8[%get3A_23] {strides = array<i32>} : memref<128xf32, #tpu.memory_space<vmem>>, vector<16xf32>,
    %get3A_25 = vector.shape_cast %get3A_24 : vector<16xf32> to vector<16xf32>
    %get3A_26 = arith.constant 0 : index
    %get3A_27 = tpu.vector_load %arg9[%get3A_26] {strides = array<i32>} : memref<16xf32, #tpu.memory_space<vmem>>, vector<16xf32>,
    %get3A_28 = vector.shape_cast %get3A_27 : vector<16xf32> to vector<16xf32>
    %iota3A = tpu.iota {dimensions = array<i32: 0>} : vector<16xi32>
    %add3A_29 = vector.broadcast %mul3A_2 : i32 to vector<16xi32>
    %add3A_30 = arith.addi %add3A_29, %iota3A : vector<16xi32>
    %broadcast_in_dim3A = arith.constant 0 : i32
    %broadcast_in_dim3A_31 = vector.broadcast %broadcast_in_dim3A : i32 to vector<16xi32>
    %broadcast_in_dim3A_32 = arith.constant 320000 : i32
    %broadcast_in_dim3A_33 = vector.broadcast %broadcast_in_dim3A_32 : i32 to vector<16xi32>
    %scan3A = arith.constant 0 : i32
    %scan3A_34 = arith.constant 19 : i32
    %scan3A_35 = arith.addi %scan3A, %scan3A_34 : i32
    %scan3A_36 = arith.constant 1 : i32
    %scan3A_37:2 = scf.for %scan3A_892 = %scan3A to %scan3A_35 step %scan3A_36 iter_args(%scan3A_893 = %broadcast_in_dim3A_31, %scan3A_894 = %broadcast_in_dim3A_33) -> (vector<16xi32>, vector<16xi32>)  : i32 {
      %add3A_895 = arith.addi %scan3A_893, %scan3A_894 : vector<16xi32>
      %shift_right_arithmetic3A = arith.constant 1 : i32
      %shift_right_arithmetic3A_896 = vector.broadcast %shift_right_arithmetic3A : i32 to vector<16xi32>
      %shift_right_arithmetic3A_897 = arith.shrsi %add3A_895, %shift_right_arithmetic3A_896 : vector<16xi32>
      %min3A = arith.constant 319999 : i32
      %min3A_898 = vector.broadcast %min3A : i32 to vector<16xi32>
      %min3A_899 = arith.minsi %shift_right_arithmetic3A_897, %min3A_898 : vector<16xi32>
      %dma_start3A = arith.constant 0 : i32
      %dma_start3A_900 = tpu.memref_slice %arg3[%dma_start3A] : memref<320000xi32, #tpu.memory_space<hbm>> -> memref<320000xi32, #tpu.memory_space<hbm>>
      tpu.enqueue_indirect_dma source(%dma_start3A_900 : memref<320000xi32, #tpu.memory_space<hbm>>) target(%arg11 : memref<16xi32, #tpu.memory_space<vmem>>) offsets(%min3A_899 : vector<16xi32>) semaphore(%arg13 : memref<!tpu.dma_semaphore, #tpu.memory_space<semaphore_mem>>)
      %dma_wait3A = arith.constant 0 : i32
      %dma_wait3A_901 = tpu.memref_slice %arg3[%dma_wait3A] : memref<320000xi32, #tpu.memory_space<hbm>> -> memref<320000xi32, #tpu.memory_space<hbm>>
      tpu.wait_indirect_dma semaphore(%arg13 : memref<!tpu.dma_semaphore, #tpu.memory_space<semaphore_mem>>) src(%dma_wait3A_901 : memref<320000xi32, #tpu.memory_space<hbm>>) dst(%arg11 : memref<16xi32, #tpu.memory_space<vmem>>)
      %get3A_902 = arith.constant 0 : index
      %get3A_903 = tpu.vector_load %arg11[%get3A_902] {strides = array<i32>} : memref<16xi32, #tpu.memory_space<vmem>>, vector<16xi32>,
      %get3A_904 = vector.shape_cast %get3A_903 : vector<16xi32> to vector<16xi32>
      %ge3A = arith.cmpi sge, %get3A_904, %add3A_30 : vector<16xi32>
      %lt3A = arith.cmpi slt, %scan3A_893, %scan3A_894 : vector<16xi32>
      %select_n3A_905 = arith.select %ge3A, %min3A_899, %scan3A_894 : vector<16xi1>, vector<16xi32>
      %select_n3A_906 = arith.select %lt3A, %select_n3A_905, %scan3A_894 : vector<16xi1>, vector<16xi32>
      %add3A_907 = arith.constant 1 : i32
      %add3A_908 = vector.broadcast %add3A_907 : i32 to vector<16xi32>
      %add3A_909 = arith.addi %min3A_899, %add3A_908 : vector<16xi32>
      %select_n3A_910 = arith.select %ge3A, %scan3A_893, %add3A_909 : vector<16xi1>, vector<16xi32>
      %select_n3A_911 = arith.select %lt3A, %select_n3A_910, %scan3A_893 : vector<16xi1>, vector<16xi32>
      scf.yield %select_n3A_911, %select_n3A_906 : vector<16xi32>, vector<16xi32>
    }
    %scan3A_38 = arith.constant 19 : i32
    %swap3A = arith.constant 0 : index
    %swap3A_39 = tpu.vector_load %arg10[%swap3A] {strides = array<i32>} : memref<32xi32, #tpu.memory_space<vmem>>, vector<16xi32>,
    %swap3A_40 = vector.shape_cast %swap3A_39 : vector<16xi32> to vector<16xi32>
    %swap3A_41 = vector.shape_cast %scan3A_37#1 : vector<16xi32> to vector<16xi32>
    tpu.vector_store %arg10[%swap3A], %swap3A_41 {strides = array<i32>} : memref<32xi32, #tpu.memory_space<vmem>>, vector<16xi32>,
    %swap3A_42 = arith.constant 16 : index
    %swap3A_43 = tpu.vector_load %arg10[%swap3A_42] {strides = array<i32>} : memref<32xi32, #tpu.memory_space<vmem>>, vector<16xi32>,
    %swap3A_44 = vector.shape_cast %swap3A_43 : vector<16xi32> to vector<16xi32>
    %swap3A_45 = vector.shape_cast %scan3A_37#1 : vector<16xi32> to vector<16xi32>
    tpu.vector_store %arg10[%swap3A_42], %swap3A_45 {strides = array<i32>} : memref<32xi32, #tpu.memory_space<vmem>>, vector<16xi32>,
    %get3A_46 = arith.constant 0 : index
    %get3A_47 = tpu.vector_load %arg10[%get3A_46] {strides = array<i32>} : memref<32xi32, #tpu.memory_space<vmem>>, vector<16xi32>,
    %get3A_48 = vector.shape_cast %get3A_47 : vector<16xi32> to vector<16xi32>
    %slice3A = vector.extract_strided_slice %get3A_48 {offsets = [0], sizes = [1], strides = [1]} : vector<16xi32> to vector<1xi32>
    %squeeze3A = vector.extract %slice3A[0] : i32 from vector<1xi32>
    %get3A_49 = arith.constant 8 : index
    %get3A_50 = tpu.vector_load %arg10[%get3A_49] {strides = array<i32>} : memref<32xi32, #tpu.memory_space<vmem>>, vector<16xi32>,
    %get3A_51 = vector.shape_cast %get3A_50 : vector<16xi32> to vector<16xi32>
    %slice3A_52 = vector.extract_strided_slice %get3A_51 {offsets = [0], sizes = [1], strides = [1]} : vector<16xi32> to vector<1xi32>
    %squeeze3A_53 = vector.extract %slice3A_52[0] : i32 from vector<1xi32>
    %sub3A = arith.subi %squeeze3A_53, %squeeze3A : i32
    %add3A_54 = arith.constant 127 : i32
    %add3A_55 = arith.addi %sub3A, %add3A_54 : i32
    %jit3A = arith.constant 128 : i32
    %div3A = arith.divsi %add3A_55, %jit3A : i32
    %sign3A = arith.constant 0 : i32
    %sign3A_56 = arith.cmpi sgt, %add3A_55, %sign3A : i32
    %sign3A_57 = arith.extui %sign3A_56 : i1 to i32
    %sign3A_58 = arith.constant 0 : i32
    %sign3A_59 = arith.cmpi slt, %add3A_55, %sign3A_58 : i32
    %sign3A_60 = arith.extui %sign3A_59 : i1 to i32
    %sign3A_61 = arith.subi %sign3A_57, %sign3A_60 : i32
    %sign3A_62 = arith.constant 0 : i32
    %sign3A_63 = arith.cmpi sgt, %jit3A, %sign3A_62 : i32
    %sign3A_64 = arith.extui %sign3A_63 : i1 to i32
    %sign3A_65 = arith.constant 0 : i32
    %sign3A_66 = arith.cmpi slt, %jit3A, %sign3A_65 : i32
    %sign3A_67 = arith.extui %sign3A_66 : i1 to i32
    %sign3A_68 = arith.subi %sign3A_64, %sign3A_67 : i32
    %ne3A = arith.cmpi ne, %sign3A_61, %sign3A_68 : i32
    %rem3A = arith.remsi %add3A_55, %jit3A : i32
    %ne3A_69 = arith.constant 0 : i32
    %ne3A_70 = arith.cmpi ne, %rem3A, %ne3A_69 : i32
    %and3A = arith.andi %ne3A, %ne3A_70 : i1
    %sub3A_71 = arith.constant 1 : i32
    %sub3A_72 = arith.subi %div3A, %sub3A_71 : i32
    %select_n3A = arith.select %and3A, %sub3A_72, %div3A : i32
    %broadcast_in_dim3A_73 = arith.constant 0.000000e+00 : f32
    %broadcast_in_dim3A_74 = vector.broadcast %broadcast_in_dim3A_73 : f32 to vector<16xf32>
    %broadcast_in_dim3A_75 = arith.constant 0xFF800000 : f32
    %broadcast_in_dim3A_76 = vector.broadcast %broadcast_in_dim3A_75 : f32 to vector<16xf32>
    %swap3A_77 = arith.constant 0 : i32
    %swap3A_78 = arith.index_cast %swap3A_77 : i32 to index
    %swap3A_79 = arith.constant 0 : index
    %swap3A_80 = tpu.vector_load %arg12[%swap3A_78, %swap3A_79] {strides = array<i32>} : memref<8x256xf32, #tpu.memory_space<vmem>>, vector<1x16xf32>,
    %swap3A_81 = vector.shape_cast %swap3A_80 : vector<1x16xf32> to vector<16xf32>
    %swap3A_82 = vector.shape_cast %broadcast_in_dim3A_74 : vector<16xf32> to vector<1x16xf32>
    tpu.vector_store %arg12[%swap3A_78, %swap3A_79], %swap3A_82 {strides = array<i32>} : memref<8x256xf32, #tpu.memory_space<vmem>>, vector<1x16xf32>,
    %swap3A_83 = arith.constant 0 : i32
    %swap3A_84 = arith.index_cast %swap3A_83 : i32 to index
    %swap3A_85 = arith.constant 128 : index
    %swap3A_86 = tpu.vector_load %arg12[%swap3A_84, %swap3A_85] {strides = array<i32>} : memref<8x256xf32, #tpu.memory_space<vmem>>, vector<1x16xf32>,
    %swap3A_87 = vector.shape_cast %swap3A_86 : vector<1x16xf32> to vector<16xf32>
    %swap3A_88 = vector.shape_cast %broadcast_in_dim3A_76 : vector<16xf32> to vector<1x16xf32>
    tpu.vector_store %arg12[%swap3A_84, %swap3A_85], %swap3A_88 {strides = array<i32>} : memref<8x256xf32, #tpu.memory_space<vmem>>, vector<1x16xf32>,
    %swap3A_89 = arith.constant 0 : i32
    %swap3A_90 = arith.index_cast %swap3A_89 : i32 to index
    %swap3A_91 = arith.constant 16 : index
    %swap3A_92 = tpu.vector_load %arg12[%swap3A_90, %swap3A_91] {strides = array<i32>} : memref<8x256xf32, #tpu.memory_space<vmem>>, vector<1x16xf32>,
    %swap3A_93 = vector.shape_cast %swap3A_92 : vector<1x16xf32> to vector<16xf32>
    %swap3A_94 = vector.shape_cast %broadcast_in_dim3A_74 : vector<16xf32> to vector<1x16xf32>
    tpu.vector_store %arg12[%swap3A_90, %swap3A_91], %swap3A_94 {strides = array<i32>} : memref<8x256xf32, #tpu.memory_space<vmem>>, vector<1x16xf32>,
    %swap3A_95 = arith.constant 0 : i32
    %swap3A_96 = arith.index_cast %swap3A_95 : i32 to index
    %swap3A_97 = arith.constant 144 : index
    %swap3A_98 = tpu.vector_load %arg12[%swap3A_96, %swap3A_97] {strides = array<i32>} : memref<8x256xf32, #tpu.memory_space<vmem>>, vector<1x16xf32>,
    %swap3A_99 = vector.shape_cast %swap3A_98 : vector<1x16xf32> to vector<16xf32>
    %swap3A_100 = vector.shape_cast %broadcast_in_dim3A_76 : vector<16xf32> to vector<1x16xf32>
    tpu.vector_store %arg12[%swap3A_96, %swap3A_97], %swap3A_100 {strides = array<i32>} : memref<8x256xf32, #tpu.memory_space<vmem>>, vector<1x16xf32>,
    %swap3A_101 = arith.constant 0 : i32
    %swap3A_102 = arith.index_cast %swap3A_101 : i32 to index
    %swap3A_103 = arith.constant 32 : index
    %swap3A_104 = tpu.vector_load %arg12[%swap3A_102, %swap3A_103] {strides = array<i32>} : memref<8x256xf32, #tpu.memory_space<vmem>>, vector<1x16xf32>,
    %swap3A_105 = vector.shape_cast %swap3A_104 : vector<1x16xf32> to vector<16xf32>
    %swap3A_106 = vector.shape_cast %broadcast_in_dim3A_74 : vector<16xf32> to vector<1x16xf32>
    tpu.vector_store %arg12[%swap3A_102, %swap3A_103], %swap3A_106 {strides = array<i32>} : memref<8x256xf32, #tpu.memory_space<vmem>>, vector<1x16xf32>,
    %swap3A_107 = arith.constant 0 : i32
    %swap3A_108 = arith.index_cast %swap3A_107 : i32 to index
    %swap3A_109 = arith.constant 160 : index
    %swap3A_110 = tpu.vector_load %arg12[%swap3A_108, %swap3A_109] {strides = array<i32>} : memref<8x256xf32, #tpu.memory_space<vmem>>, vector<1x16xf32>,
    %swap3A_111 = vector.shape_cast %swap3A_110 : vector<1x16xf32> to vector<16xf32>
    %swap3A_112 = vector.shape_cast %broadcast_in_dim3A_76 : vector<16xf32> to vector<1x16xf32>
    tpu.vector_store %arg12[%swap3A_108, %swap3A_109], %swap3A_112 {strides = array<i32>} : memref<8x256xf32, #tpu.memory_space<vmem>>, vector<1x16xf32>,
    %swap3A_113 = arith.constant 0 : i32
    %swap3A_114 = arith.index_cast %swap3A_113 : i32 to index
    %swap3A_115 = arith.constant 48 : index
    %swap3A_116 = tpu.vector_load %arg12[%swap3A_114, %swap3A_115] {strides = array<i32>} : memref<8x256xf32, #tpu.memory_space<vmem>>, vector<1x16xf32>,
    %swap3A_117 = vector.shape_cast %swap3A_116 : vector<1x16xf32> to vector<16xf32>
    %swap3A_118 = vector.shape_cast %broadcast_in_dim3A_74 : vector<16xf32> to vector<1x16xf32>
    tpu.vector_store %arg12[%swap3A_114, %swap3A_115], %swap3A_118 {strides = array<i32>} : memref<8x256xf32, #tpu.memory_space<vmem>>, vector<1x16xf32>,
    %swap3A_119 = arith.constant 0 : i32
    %swap3A_120 = arith.index_cast %swap3A_119 : i32 to index
    %swap3A_121 = arith.constant 176 : index
    %swap3A_122 = tpu.vector_load %arg12[%swap3A_120, %swap3A_121] {strides = array<i32>} : memref<8x256xf32, #tpu.memory_space<vmem>>, vector<1x16xf32>,
    %swap3A_123 = vector.shape_cast %swap3A_122 : vector<1x16xf32> to vector<16xf32>
    %swap3A_124 = vector.shape_cast %broadcast_in_dim3A_76 : vector<16xf32> to vector<1x16xf32>
    tpu.vector_store %arg12[%swap3A_120, %swap3A_121], %swap3A_124 {strides = array<i32>} : memref<8x256xf32, #tpu.memory_space<vmem>>, vector<1x16xf32>,
    %swap3A_125 = arith.constant 0 : i32
    %swap3A_126 = arith.index_cast %swap3A_125 : i32 to index
    %swap3A_127 = arith.constant 64 : index
    %swap3A_128 = tpu.vector_load %arg12[%swap3A_126, %swap3A_127] {strides = array<i32>} : memref<8x256xf32, #tpu.memory_space<vmem>>, vector<1x16xf32>,
    %swap3A_129 = vector.shape_cast %swap3A_128 : vector<1x16xf32> to vector<16xf32>
    %swap3A_130 = vector.shape_cast %broadcast_in_dim3A_74 : vector<16xf32> to vector<1x16xf32>
    tpu.vector_store %arg12[%swap3A_126, %swap3A_127], %swap3A_130 {strides = array<i32>} : memref<8x256xf32, #tpu.memory_space<vmem>>, vector<1x16xf32>,
    %swap3A_131 = arith.constant 0 : i32
    %swap3A_132 = arith.index_cast %swap3A_131 : i32 to index
    %swap3A_133 = arith.constant 192 : index
    %swap3A_134 = tpu.vector_load %arg12[%swap3A_132, %swap3A_133] {strides = array<i32>} : memref<8x256xf32, #tpu.memory_space<vmem>>, vector<1x16xf32>,
    %swap3A_135 = vector.shape_cast %swap3A_134 : vector<1x16xf32> to vector<16xf32>
    %swap3A_136 = vector.shape_cast %broadcast_in_dim3A_76 : vector<16xf32> to vector<1x16xf32>
    tpu.vector_store %arg12[%swap3A_132, %swap3A_133], %swap3A_136 {strides = array<i32>} : memref<8x256xf32, #tpu.memory_space<vmem>>, vector<1x16xf32>,
    %swap3A_137 = arith.constant 0 : i32
    %swap3A_138 = arith.index_cast %swap3A_137 : i32 to index
    %swap3A_139 = arith.constant 80 : index
    %swap3A_140 = tpu.vector_load %arg12[%swap3A_138, %swap3A_139] {strides = array<i32>} : memref<8x256xf32, #tpu.memory_space<vmem>>, vector<1x16xf32>,
    %swap3A_141 = vector.shape_cast %swap3A_140 : vector<1x16xf32> to vector<16xf32>
    %swap3A_142 = vector.shape_cast %broadcast_in_dim3A_74 : vector<16xf32> to vector<1x16xf32>
    tpu.vector_store %arg12[%swap3A_138, %swap3A_139], %swap3A_142 {strides = array<i32>} : memref<8x256xf32, #tpu.memory_space<vmem>>, vector<1x16xf32>,
    %swap3A_143 = arith.constant 0 : i32
    %swap3A_144 = arith.index_cast %swap3A_143 : i32 to index
    %swap3A_145 = arith.constant 208 : index
    %swap3A_146 = tpu.vector_load %arg12[%swap3A_144, %swap3A_145] {strides = array<i32>} : memref<8x256xf32, #tpu.memory_space<vmem>>, vector<1x16xf32>,
    %swap3A_147 = vector.shape_cast %swap3A_146 : vector<1x16xf32> to vector<16xf32>
    %swap3A_148 = vector.shape_cast %broadcast_in_dim3A_76 : vector<16xf32> to vector<1x16xf32>
    tpu.vector_store %arg12[%swap3A_144, %swap3A_145], %swap3A_148 {strides = array<i32>} : memref<8x256xf32, #tpu.memory_space<vmem>>, vector<1x16xf32>,
    %swap3A_149 = arith.constant 0 : i32
    %swap3A_150 = arith.index_cast %swap3A_149 : i32 to index
    %swap3A_151 = arith.constant 96 : index
    %swap3A_152 = tpu.vector_load %arg12[%swap3A_150, %swap3A_151] {strides = array<i32>} : memref<8x256xf32, #tpu.memory_space<vmem>>, vector<1x16xf32>,
    %swap3A_153 = vector.shape_cast %swap3A_152 : vector<1x16xf32> to vector<16xf32>
    %swap3A_154 = vector.shape_cast %broadcast_in_dim3A_74 : vector<16xf32> to vector<1x16xf32>
    tpu.vector_store %arg12[%swap3A_150, %swap3A_151], %swap3A_154 {strides = array<i32>} : memref<8x256xf32, #tpu.memory_space<vmem>>, vector<1x16xf32>,
    %swap3A_155 = arith.constant 0 : i32
    %swap3A_156 = arith.index_cast %swap3A_155 : i32 to index
    %swap3A_157 = arith.constant 224 : index
    %swap3A_158 = tpu.vector_load %arg12[%swap3A_156, %swap3A_157] {strides = array<i32>} : memref<8x256xf32, #tpu.memory_space<vmem>>, vector<1x16xf32>,
    %swap3A_159 = vector.shape_cast %swap3A_158 : vector<1x16xf32> to vector<16xf32>
    %swap3A_160 = vector.shape_cast %broadcast_in_dim3A_76 : vector<16xf32> to vector<1x16xf32>
    tpu.vector_store %arg12[%swap3A_156, %swap3A_157], %swap3A_160 {strides = array<i32>} : memref<8x256xf32, #tpu.memory_space<vmem>>, vector<1x16xf32>,
    %swap3A_161 = arith.constant 0 : i32
    %swap3A_162 = arith.index_cast %swap3A_161 : i32 to index
    %swap3A_163 = arith.constant 112 : index
    %swap3A_164 = tpu.vector_load %arg12[%swap3A_162, %swap3A_163] {strides = array<i32>} : memref<8x256xf32, #tpu.memory_space<vmem>>, vector<1x16xf32>,
    %swap3A_165 = vector.shape_cast %swap3A_164 : vector<1x16xf32> to vector<16xf32>
    %swap3A_166 = vector.shape_cast %broadcast_in_dim3A_74 : vector<16xf32> to vector<1x16xf32>
    tpu.vector_store %arg12[%swap3A_162, %swap3A_163], %swap3A_166 {strides = array<i32>} : memref<8x256xf32, #tpu.memory_space<vmem>>, vector<1x16xf32>,
    %swap3A_167 = arith.constant 0 : i32
    %swap3A_168 = arith.index_cast %swap3A_167 : i32 to index
    %swap3A_169 = arith.constant 240 : index
    %swap3A_170 = tpu.vector_load %arg12[%swap3A_168, %swap3A_169] {strides = array<i32>} : memref<8x256xf32, #tpu.memory_space<vmem>>, vector<1x16xf32>,
    %swap3A_171 = vector.shape_cast %swap3A_170 : vector<1x16xf32> to vector<16xf32>
    %swap3A_172 = vector.shape_cast %broadcast_in_dim3A_76 : vector<16xf32> to vector<1x16xf32>
    tpu.vector_store %arg12[%swap3A_168, %swap3A_169], %swap3A_172 {strides = array<i32>} : memref<8x256xf32, #tpu.memory_space<vmem>>, vector<1x16xf32>,
    %swap3A_173 = arith.constant 1 : i32
    %swap3A_174 = arith.index_cast %swap3A_173 : i32 to index
    %swap3A_175 = arith.constant 0 : index
    %swap3A_176 = tpu.vector_load %arg12[%swap3A_174, %swap3A_175] {strides = array<i32>} : memref<8x256xf32, #tpu.memory_space<vmem>>, vector<1x16xf32>,
    %swap3A_177 = vector.shape_cast %swap3A_176 : vector<1x16xf32> to vector<16xf32>
    %swap3A_178 = vector.shape_cast %broadcast_in_dim3A_74 : vector<16xf32> to vector<1x16xf32>
    tpu.vector_store %arg12[%swap3A_174, %swap3A_175], %swap3A_178 {strides = array<i32>} : memref<8x256xf32, #tpu.memory_space<vmem>>, vector<1x16xf32>,
    %swap3A_179 = arith.constant 1 : i32
    %swap3A_180 = arith.index_cast %swap3A_179 : i32 to index
    %swap3A_181 = arith.constant 128 : index
    %swap3A_182 = tpu.vector_load %arg12[%swap3A_180, %swap3A_181] {strides = array<i32>} : memref<8x256xf32, #tpu.memory_space<vmem>>, vector<1x16xf32>,
    %swap3A_183 = vector.shape_cast %swap3A_182 : vector<1x16xf32> to vector<16xf32>
    %swap3A_184 = vector.shape_cast %broadcast_in_dim3A_76 : vector<16xf32> to vector<1x16xf32>
    tpu.vector_store %arg12[%swap3A_180, %swap3A_181], %swap3A_184 {strides = array<i32>} : memref<8x256xf32, #tpu.memory_space<vmem>>, vector<1x16xf32>,
    %swap3A_185 = arith.constant 1 : i32
    %swap3A_186 = arith.index_cast %swap3A_185 : i32 to index
    %swap3A_187 = arith.constant 16 : index
    %swap3A_188 = tpu.vector_load %arg12[%swap3A_186, %swap3A_187] {strides = array<i32>} : memref<8x256xf32, #tpu.memory_space<vmem>>, vector<1x16xf32>,
    %swap3A_189 = vector.shape_cast %swap3A_188 : vector<1x16xf32> to vector<16xf32>
    %swap3A_190 = vector.shape_cast %broadcast_in_dim3A_74 : vector<16xf32> to vector<1x16xf32>
    tpu.vector_store %arg12[%swap3A_186, %swap3A_187], %swap3A_190 {strides = array<i32>} : memref<8x256xf32, #tpu.memory_space<vmem>>, vector<1x16xf32>,
    %swap3A_191 = arith.constant 1 : i32
    %swap3A_192 = arith.index_cast %swap3A_191 : i32 to index
    %swap3A_193 = arith.constant 144 : index
    %swap3A_194 = tpu.vector_load %arg12[%swap3A_192, %swap3A_193] {strides = array<i32>} : memref<8x256xf32, #tpu.memory_space<vmem>>, vector<1x16xf32>,
    %swap3A_195 = vector.shape_cast %swap3A_194 : vector<1x16xf32> to vector<16xf32>
    %swap3A_196 = vector.shape_cast %broadcast_in_dim3A_76 : vector<16xf32> to vector<1x16xf32>
    tpu.vector_store %arg12[%swap3A_192, %swap3A_193], %swap3A_196 {strides = array<i32>} : memref<8x256xf32, #tpu.memory_space<vmem>>, vector<1x16xf32>,
    %swap3A_197 = arith.constant 1 : i32
    %swap3A_198 = arith.index_cast %swap3A_197 : i32 to index
    %swap3A_199 = arith.constant 32 : index
    %swap3A_200 = tpu.vector_load %arg12[%swap3A_198, %swap3A_199] {strides = array<i32>} : memref<8x256xf32, #tpu.memory_space<vmem>>, vector<1x16xf32>,
    %swap3A_201 = vector.shape_cast %swap3A_200 : vector<1x16xf32> to vector<16xf32>
    %swap3A_202 = vector.shape_cast %broadcast_in_dim3A_74 : vector<16xf32> to vector<1x16xf32>
    tpu.vector_store %arg12[%swap3A_198, %swap3A_199], %swap3A_202 {strides = array<i32>} : memref<8x256xf32, #tpu.memory_space<vmem>>, vector<1x16xf32>,
    %swap3A_203 = arith.constant 1 : i32
    %swap3A_204 = arith.index_cast %swap3A_203 : i32 to index
    %swap3A_205 = arith.constant 160 : index
    %swap3A_206 = tpu.vector_load %arg12[%swap3A_204, %swap3A_205] {strides = array<i32>} : memref<8x256xf32, #tpu.memory_space<vmem>>, vector<1x16xf32>,
    %swap3A_207 = vector.shape_cast %swap3A_206 : vector<1x16xf32> to vector<16xf32>
    %swap3A_208 = vector.shape_cast %broadcast_in_dim3A_76 : vector<16xf32> to vector<1x16xf32>
    tpu.vector_store %arg12[%swap3A_204, %swap3A_205], %swap3A_208 {strides = array<i32>} : memref<8x256xf32, #tpu.memory_space<vmem>>, vector<1x16xf32>,
    %swap3A_209 = arith.constant 1 : i32
    %swap3A_210 = arith.index_cast %swap3A_209 : i32 to index
    %swap3A_211 = arith.constant 48 : index
    %swap3A_212 = tpu.vector_load %arg12[%swap3A_210, %swap3A_211] {strides = array<i32>} : memref<8x256xf32, #tpu.memory_space<vmem>>, vector<1x16xf32>,
    %swap3A_213 = vector.shape_cast %swap3A_212 : vector<1x16xf32> to vector<16xf32>
    %swap3A_214 = vector.shape_cast %broadcast_in_dim3A_74 : vector<16xf32> to vector<1x16xf32>
    tpu.vector_store %arg12[%swap3A_210, %swap3A_211], %swap3A_214 {strides = array<i32>} : memref<8x256xf32, #tpu.memory_space<vmem>>, vector<1x16xf32>,
    %swap3A_215 = arith.constant 1 : i32
    %swap3A_216 = arith.index_cast %swap3A_215 : i32 to index
    %swap3A_217 = arith.constant 176 : index
    %swap3A_218 = tpu.vector_load %arg12[%swap3A_216, %swap3A_217] {strides = array<i32>} : memref<8x256xf32, #tpu.memory_space<vmem>>, vector<1x16xf32>,
    %swap3A_219 = vector.shape_cast %swap3A_218 : vector<1x16xf32> to vector<16xf32>
    %swap3A_220 = vector.shape_cast %broadcast_in_dim3A_76 : vector<16xf32> to vector<1x16xf32>
    tpu.vector_store %arg12[%swap3A_216, %swap3A_217], %swap3A_220 {strides = array<i32>} : memref<8x256xf32, #tpu.memory_space<vmem>>, vector<1x16xf32>,
    %swap3A_221 = arith.constant 1 : i32
    %swap3A_222 = arith.index_cast %swap3A_221 : i32 to index
    %swap3A_223 = arith.constant 64 : index
    %swap3A_224 = tpu.vector_load %arg12[%swap3A_222, %swap3A_223] {strides = array<i32>} : memref<8x256xf32, #tpu.memory_space<vmem>>, vector<1x16xf32>,
    %swap3A_225 = vector.shape_cast %swap3A_224 : vector<1x16xf32> to vector<16xf32>
    %swap3A_226 = vector.shape_cast %broadcast_in_dim3A_74 : vector<16xf32> to vector<1x16xf32>
    tpu.vector_store %arg12[%swap3A_222, %swap3A_223], %swap3A_226 {strides = array<i32>} : memref<8x256xf32, #tpu.memory_space<vmem>>, vector<1x16xf32>,
    %swap3A_227 = arith.constant 1 : i32
    %swap3A_228 = arith.index_cast %swap3A_227 : i32 to index
    %swap3A_229 = arith.constant 192 : index
    %swap3A_230 = tpu.vector_load %arg12[%swap3A_228, %swap3A_229] {strides = array<i32>} : memref<8x256xf32, #tpu.memory_space<vmem>>, vector<1x16xf32>,
    %swap3A_231 = vector.shape_cast %swap3A_230 : vector<1x16xf32> to vector<16xf32>
    %swap3A_232 = vector.shape_cast %broadcast_in_dim3A_76 : vector<16xf32> to vector<1x16xf32>
    tpu.vector_store %arg12[%swap3A_228, %swap3A_229], %swap3A_232 {strides = array<i32>} : memref<8x256xf32, #tpu.memory_space<vmem>>, vector<1x16xf32>,
    %swap3A_233 = arith.constant 1 : i32
    %swap3A_234 = arith.index_cast %swap3A_233 : i32 to index
    %swap3A_235 = arith.constant 80 : index
    %swap3A_236 = tpu.vector_load %arg12[%swap3A_234, %swap3A_235] {strides = array<i32>} : memref<8x256xf32, #tpu.memory_space<vmem>>, vector<1x16xf32>,
    %swap3A_237 = vector.shape_cast %swap3A_236 : vector<1x16xf32> to vector<16xf32>
    %swap3A_238 = vector.shape_cast %broadcast_in_dim3A_74 : vector<16xf32> to vector<1x16xf32>
    tpu.vector_store %arg12[%swap3A_234, %swap3A_235], %swap3A_238 {strides = array<i32>} : memref<8x256xf32, #tpu.memory_space<vmem>>, vector<1x16xf32>,
    %swap3A_239 = arith.constant 1 : i32
    %swap3A_240 = arith.index_cast %swap3A_239 : i32 to index
    %swap3A_241 = arith.constant 208 : index
    %swap3A_242 = tpu.vector_load %arg12[%swap3A_240, %swap3A_241] {strides = array<i32>} : memref<8x256xf32, #tpu.memory_space<vmem>>, vector<1x16xf32>,
    %swap3A_243 = vector.shape_cast %swap3A_242 : vector<1x16xf32> to vector<16xf32>
    %swap3A_244 = vector.shape_cast %broadcast_in_dim3A_76 : vector<16xf32> to vector<1x16xf32>
    tpu.vector_store %arg12[%swap3A_240, %swap3A_241], %swap3A_244 {strides = array<i32>} : memref<8x256xf32, #tpu.memory_space<vmem>>, vector<1x16xf32>,
    %swap3A_245 = arith.constant 1 : i32
    %swap3A_246 = arith.index_cast %swap3A_245 : i32 to index
    %swap3A_247 = arith.constant 96 : index
    %swap3A_248 = tpu.vector_load %arg12[%swap3A_246, %swap3A_247] {strides = array<i32>} : memref<8x256xf32, #tpu.memory_space<vmem>>, vector<1x16xf32>,
    %swap3A_249 = vector.shape_cast %swap3A_248 : vector<1x16xf32> to vector<16xf32>
    %swap3A_250 = vector.shape_cast %broadcast_in_dim3A_74 : vector<16xf32> to vector<1x16xf32>
    tpu.vector_store %arg12[%swap3A_246, %swap3A_247], %swap3A_250 {strides = array<i32>} : memref<8x256xf32, #tpu.memory_space<vmem>>, vector<1x16xf32>,
    %swap3A_251 = arith.constant 1 : i32
    %swap3A_252 = arith.index_cast %swap3A_251 : i32 to index
    %swap3A_253 = arith.constant 224 : index
    %swap3A_254 = tpu.vector_load %arg12[%swap3A_252, %swap3A_253] {strides = array<i32>} : memref<8x256xf32, #tpu.memory_space<vmem>>, vector<1x16xf32>,
    %swap3A_255 = vector.shape_cast %swap3A_254 : vector<1x16xf32> to vector<16xf32>
    %swap3A_256 = vector.shape_cast %broadcast_in_dim3A_76 : vector<16xf32> to vector<1x16xf32>
    tpu.vector_store %arg12[%swap3A_252, %swap3A_253], %swap3A_256 {strides = array<i32>} : memref<8x256xf32, #tpu.memory_space<vmem>>, vector<1x16xf32>,
    %swap3A_257 = arith.constant 1 : i32
    %swap3A_258 = arith.index_cast %swap3A_257 : i32 to index
    %swap3A_259 = arith.constant 112 : index
    %swap3A_260 = tpu.vector_load %arg12[%swap3A_258, %swap3A_259] {strides = array<i32>} : memref<8x256xf32, #tpu.memory_space<vmem>>, vector<1x16xf32>,
    %swap3A_261 = vector.shape_cast %swap3A_260 : vector<1x16xf32> to vector<16xf32>
    %swap3A_262 = vector.shape_cast %broadcast_in_dim3A_74 : vector<16xf32> to vector<1x16xf32>
    tpu.vector_store %arg12[%swap3A_258, %swap3A_259], %swap3A_262 {strides = array<i32>} : memref<8x256xf32, #tpu.memory_space<vmem>>, vector<1x16xf32>,
    %swap3A_263 = arith.constant 1 : i32
    %swap3A_264 = arith.index_cast %swap3A_263 : i32 to index
    %swap3A_265 = arith.constant 240 : index
    %swap3A_266 = tpu.vector_load %arg12[%swap3A_264, %swap3A_265] {strides = array<i32>} : memref<8x256xf32, #tpu.memory_space<vmem>>, vector<1x16xf32>,
    %swap3A_267 = vector.shape_cast %swap3A_266 : vector<1x16xf32> to vector<16xf32>
    %swap3A_268 = vector.shape_cast %broadcast_in_dim3A_76 : vector<16xf32> to vector<1x16xf32>
    tpu.vector_store %arg12[%swap3A_264, %swap3A_265], %swap3A_268 {strides = array<i32>} : memref<8x256xf32, #tpu.memory_space<vmem>>, vector<1x16xf32>,
    %swap3A_269 = arith.constant 2 : i32
    %swap3A_270 = arith.index_cast %swap3A_269 : i32 to index
    %swap3A_271 = arith.constant 0 : index
    %swap3A_272 = tpu.vector_load %arg12[%swap3A_270, %swap3A_271] {strides = array<i32>} : memref<8x256xf32, #tpu.memory_space<vmem>>, vector<1x16xf32>,
    %swap3A_273 = vector.shape_cast %swap3A_272 : vector<1x16xf32> to vector<16xf32>
    %swap3A_274 = vector.shape_cast %broadcast_in_dim3A_74 : vector<16xf32> to vector<1x16xf32>
    tpu.vector_store %arg12[%swap3A_270, %swap3A_271], %swap3A_274 {strides = array<i32>} : memref<8x256xf32, #tpu.memory_space<vmem>>, vector<1x16xf32>,
    %swap3A_275 = arith.constant 2 : i32
    %swap3A_276 = arith.index_cast %swap3A_275 : i32 to index
    %swap3A_277 = arith.constant 128 : index
    %swap3A_278 = tpu.vector_load %arg12[%swap3A_276, %swap3A_277] {strides = array<i32>} : memref<8x256xf32, #tpu.memory_space<vmem>>, vector<1x16xf32>,
    %swap3A_279 = vector.shape_cast %swap3A_278 : vector<1x16xf32> to vector<16xf32>
    %swap3A_280 = vector.shape_cast %broadcast_in_dim3A_76 : vector<16xf32> to vector<1x16xf32>
    tpu.vector_store %arg12[%swap3A_276, %swap3A_277], %swap3A_280 {strides = array<i32>} : memref<8x256xf32, #tpu.memory_space<vmem>>, vector<1x16xf32>,
    %swap3A_281 = arith.constant 2 : i32
    %swap3A_282 = arith.index_cast %swap3A_281 : i32 to index
    %swap3A_283 = arith.constant 16 : index
    %swap3A_284 = tpu.vector_load %arg12[%swap3A_282, %swap3A_283] {strides = array<i32>} : memref<8x256xf32, #tpu.memory_space<vmem>>, vector<1x16xf32>,
    %swap3A_285 = vector.shape_cast %swap3A_284 : vector<1x16xf32> to vector<16xf32>
    %swap3A_286 = vector.shape_cast %broadcast_in_dim3A_74 : vector<16xf32> to vector<1x16xf32>
    tpu.vector_store %arg12[%swap3A_282, %swap3A_283], %swap3A_286 {strides = array<i32>} : memref<8x256xf32, #tpu.memory_space<vmem>>, vector<1x16xf32>,
    %swap3A_287 = arith.constant 2 : i32
    %swap3A_288 = arith.index_cast %swap3A_287 : i32 to index
    %swap3A_289 = arith.constant 144 : index
    %swap3A_290 = tpu.vector_load %arg12[%swap3A_288, %swap3A_289] {strides = array<i32>} : memref<8x256xf32, #tpu.memory_space<vmem>>, vector<1x16xf32>,
    %swap3A_291 = vector.shape_cast %swap3A_290 : vector<1x16xf32> to vector<16xf32>
    %swap3A_292 = vector.shape_cast %broadcast_in_dim3A_76 : vector<16xf32> to vector<1x16xf32>
    tpu.vector_store %arg12[%swap3A_288, %swap3A_289], %swap3A_292 {strides = array<i32>} : memref<8x256xf32, #tpu.memory_space<vmem>>, vector<1x16xf32>,
    %swap3A_293 = arith.constant 2 : i32
    %swap3A_294 = arith.index_cast %swap3A_293 : i32 to index
    %swap3A_295 = arith.constant 32 : index
    %swap3A_296 = tpu.vector_load %arg12[%swap3A_294, %swap3A_295] {strides = array<i32>} : memref<8x256xf32, #tpu.memory_space<vmem>>, vector<1x16xf32>,
    %swap3A_297 = vector.shape_cast %swap3A_296 : vector<1x16xf32> to vector<16xf32>
    %swap3A_298 = vector.shape_cast %broadcast_in_dim3A_74 : vector<16xf32> to vector<1x16xf32>
    tpu.vector_store %arg12[%swap3A_294, %swap3A_295], %swap3A_298 {strides = array<i32>} : memref<8x256xf32, #tpu.memory_space<vmem>>, vector<1x16xf32>,
    %swap3A_299 = arith.constant 2 : i32
    %swap3A_300 = arith.index_cast %swap3A_299 : i32 to index
    %swap3A_301 = arith.constant 160 : index
    %swap3A_302 = tpu.vector_load %arg12[%swap3A_300, %swap3A_301] {strides = array<i32>} : memref<8x256xf32, #tpu.memory_space<vmem>>, vector<1x16xf32>,
    %swap3A_303 = vector.shape_cast %swap3A_302 : vector<1x16xf32> to vector<16xf32>
    %swap3A_304 = vector.shape_cast %broadcast_in_dim3A_76 : vector<16xf32> to vector<1x16xf32>
    tpu.vector_store %arg12[%swap3A_300, %swap3A_301], %swap3A_304 {strides = array<i32>} : memref<8x256xf32, #tpu.memory_space<vmem>>, vector<1x16xf32>,
    %swap3A_305 = arith.constant 2 : i32
    %swap3A_306 = arith.index_cast %swap3A_305 : i32 to index
    %swap3A_307 = arith.constant 48 : index
    %swap3A_308 = tpu.vector_load %arg12[%swap3A_306, %swap3A_307] {strides = array<i32>} : memref<8x256xf32, #tpu.memory_space<vmem>>, vector<1x16xf32>,
    %swap3A_309 = vector.shape_cast %swap3A_308 : vector<1x16xf32> to vector<16xf32>
    %swap3A_310 = vector.shape_cast %broadcast_in_dim3A_74 : vector<16xf32> to vector<1x16xf32>
    tpu.vector_store %arg12[%swap3A_306, %swap3A_307], %swap3A_310 {strides = array<i32>} : memref<8x256xf32, #tpu.memory_space<vmem>>, vector<1x16xf32>,
    %swap3A_311 = arith.constant 2 : i32
    %swap3A_312 = arith.index_cast %swap3A_311 : i32 to index
    %swap3A_313 = arith.constant 176 : index
    %swap3A_314 = tpu.vector_load %arg12[%swap3A_312, %swap3A_313] {strides = array<i32>} : memref<8x256xf32, #tpu.memory_space<vmem>>, vector<1x16xf32>,
    %swap3A_315 = vector.shape_cast %swap3A_314 : vector<1x16xf32> to vector<16xf32>
    %swap3A_316 = vector.shape_cast %broadcast_in_dim3A_76 : vector<16xf32> to vector<1x16xf32>
    tpu.vector_store %arg12[%swap3A_312, %swap3A_313], %swap3A_316 {strides = array<i32>} : memref<8x256xf32, #tpu.memory_space<vmem>>, vector<1x16xf32>,
    %swap3A_317 = arith.constant 2 : i32
    %swap3A_318 = arith.index_cast %swap3A_317 : i32 to index
    %swap3A_319 = arith.constant 64 : index
    %swap3A_320 = tpu.vector_load %arg12[%swap3A_318, %swap3A_319] {strides = array<i32>} : memref<8x256xf32, #tpu.memory_space<vmem>>, vector<1x16xf32>,
    %swap3A_321 = vector.shape_cast %swap3A_320 : vector<1x16xf32> to vector<16xf32>
    %swap3A_322 = vector.shape_cast %broadcast_in_dim3A_74 : vector<16xf32> to vector<1x16xf32>
    tpu.vector_store %arg12[%swap3A_318, %swap3A_319], %swap3A_322 {strides = array<i32>} : memref<8x256xf32, #tpu.memory_space<vmem>>, vector<1x16xf32>,
    %swap3A_323 = arith.constant 2 : i32
    %swap3A_324 = arith.index_cast %swap3A_323 : i32 to index
    %swap3A_325 = arith.constant 192 : index
    %swap3A_326 = tpu.vector_load %arg12[%swap3A_324, %swap3A_325] {strides = array<i32>} : memref<8x256xf32, #tpu.memory_space<vmem>>, vector<1x16xf32>,
    %swap3A_327 = vector.shape_cast %swap3A_326 : vector<1x16xf32> to vector<16xf32>
    %swap3A_328 = vector.shape_cast %broadcast_in_dim3A_76 : vector<16xf32> to vector<1x16xf32>
    tpu.vector_store %arg12[%swap3A_324, %swap3A_325], %swap3A_328 {strides = array<i32>} : memref<8x256xf32, #tpu.memory_space<vmem>>, vector<1x16xf32>,
    %swap3A_329 = arith.constant 2 : i32
    %swap3A_330 = arith.index_cast %swap3A_329 : i32 to index
    %swap3A_331 = arith.constant 80 : index
    %swap3A_332 = tpu.vector_load %arg12[%swap3A_330, %swap3A_331] {strides = array<i32>} : memref<8x256xf32, #tpu.memory_space<vmem>>, vector<1x16xf32>,
    %swap3A_333 = vector.shape_cast %swap3A_332 : vector<1x16xf32> to vector<16xf32>
    %swap3A_334 = vector.shape_cast %broadcast_in_dim3A_74 : vector<16xf32> to vector<1x16xf32>
    tpu.vector_store %arg12[%swap3A_330, %swap3A_331], %swap3A_334 {strides = array<i32>} : memref<8x256xf32, #tpu.memory_space<vmem>>, vector<1x16xf32>,
    %swap3A_335 = arith.constant 2 : i32
    %swap3A_336 = arith.index_cast %swap3A_335 : i32 to index
    %swap3A_337 = arith.constant 208 : index
    %swap3A_338 = tpu.vector_load %arg12[%swap3A_336, %swap3A_337] {strides = array<i32>} : memref<8x256xf32, #tpu.memory_space<vmem>>, vector<1x16xf32>,
    %swap3A_339 = vector.shape_cast %swap3A_338 : vector<1x16xf32> to vector<16xf32>
    %swap3A_340 = vector.shape_cast %broadcast_in_dim3A_76 : vector<16xf32> to vector<1x16xf32>
    tpu.vector_store %arg12[%swap3A_336, %swap3A_337], %swap3A_340 {strides = array<i32>} : memref<8x256xf32, #tpu.memory_space<vmem>>, vector<1x16xf32>,
    %swap3A_341 = arith.constant 2 : i32
    %swap3A_342 = arith.index_cast %swap3A_341 : i32 to index
    %swap3A_343 = arith.constant 96 : index
    %swap3A_344 = tpu.vector_load %arg12[%swap3A_342, %swap3A_343] {strides = array<i32>} : memref<8x256xf32, #tpu.memory_space<vmem>>, vector<1x16xf32>,
    %swap3A_345 = vector.shape_cast %swap3A_344 : vector<1x16xf32> to vector<16xf32>
    %swap3A_346 = vector.shape_cast %broadcast_in_dim3A_74 : vector<16xf32> to vector<1x16xf32>
    tpu.vector_store %arg12[%swap3A_342, %swap3A_343], %swap3A_346 {strides = array<i32>} : memref<8x256xf32, #tpu.memory_space<vmem>>, vector<1x16xf32>,
    %swap3A_347 = arith.constant 2 : i32
    %swap3A_348 = arith.index_cast %swap3A_347 : i32 to index
    %swap3A_349 = arith.constant 224 : index
    %swap3A_350 = tpu.vector_load %arg12[%swap3A_348, %swap3A_349] {strides = array<i32>} : memref<8x256xf32, #tpu.memory_space<vmem>>, vector<1x16xf32>,
    %swap3A_351 = vector.shape_cast %swap3A_350 : vector<1x16xf32> to vector<16xf32>
    %swap3A_352 = vector.shape_cast %broadcast_in_dim3A_76 : vector<16xf32> to vector<1x16xf32>
    tpu.vector_store %arg12[%swap3A_348, %swap3A_349], %swap3A_352 {strides = array<i32>} : memref<8x256xf32, #tpu.memory_space<vmem>>, vector<1x16xf32>,
    %swap3A_353 = arith.constant 2 : i32
    %swap3A_354 = arith.index_cast %swap3A_353 : i32 to index
    %swap3A_355 = arith.constant 112 : index
    %swap3A_356 = tpu.vector_load %arg12[%swap3A_354, %swap3A_355] {strides = array<i32>} : memref<8x256xf32, #tpu.memory_space<vmem>>, vector<1x16xf32>,
    %swap3A_357 = vector.shape_cast %swap3A_356 : vector<1x16xf32> to vector<16xf32>
    %swap3A_358 = vector.shape_cast %broadcast_in_dim3A_74 : vector<16xf32> to vector<1x16xf32>
    tpu.vector_store %arg12[%swap3A_354, %swap3A_355], %swap3A_358 {strides = array<i32>} : memref<8x256xf32, #tpu.memory_space<vmem>>, vector<1x16xf32>,
    %swap3A_359 = arith.constant 2 : i32
    %swap3A_360 = arith.index_cast %swap3A_359 : i32 to index
    %swap3A_361 = arith.constant 240 : index
    %swap3A_362 = tpu.vector_load %arg12[%swap3A_360, %swap3A_361] {strides = array<i32>} : memref<8x256xf32, #tpu.memory_space<vmem>>, vector<1x16xf32>,
    %swap3A_363 = vector.shape_cast %swap3A_362 : vector<1x16xf32> to vector<16xf32>
    %swap3A_364 = vector.shape_cast %broadcast_in_dim3A_76 : vector<16xf32> to vector<1x16xf32>
    tpu.vector_store %arg12[%swap3A_360, %swap3A_361], %swap3A_364 {strides = array<i32>} : memref<8x256xf32, #tpu.memory_space<vmem>>, vector<1x16xf32>,
    %swap3A_365 = arith.constant 3 : i32
    %swap3A_366 = arith.index_cast %swap3A_365 : i32 to index
    %swap3A_367 = arith.constant 0 : index
    %swap3A_368 = tpu.vector_load %arg12[%swap3A_366, %swap3A_367] {strides = array<i32>} : memref<8x256xf32, #tpu.memory_space<vmem>>, vector<1x16xf32>,
    %swap3A_369 = vector.shape_cast %swap3A_368 : vector<1x16xf32> to vector<16xf32>
    %swap3A_370 = vector.shape_cast %broadcast_in_dim3A_74 : vector<16xf32> to vector<1x16xf32>
    tpu.vector_store %arg12[%swap3A_366, %swap3A_367], %swap3A_370 {strides = array<i32>} : memref<8x256xf32, #tpu.memory_space<vmem>>, vector<1x16xf32>,
    %swap3A_371 = arith.constant 3 : i32
    %swap3A_372 = arith.index_cast %swap3A_371 : i32 to index
    %swap3A_373 = arith.constant 128 : index
    %swap3A_374 = tpu.vector_load %arg12[%swap3A_372, %swap3A_373] {strides = array<i32>} : memref<8x256xf32, #tpu.memory_space<vmem>>, vector<1x16xf32>,
    %swap3A_375 = vector.shape_cast %swap3A_374 : vector<1x16xf32> to vector<16xf32>
    %swap3A_376 = vector.shape_cast %broadcast_in_dim3A_76 : vector<16xf32> to vector<1x16xf32>
    tpu.vector_store %arg12[%swap3A_372, %swap3A_373], %swap3A_376 {strides = array<i32>} : memref<8x256xf32, #tpu.memory_space<vmem>>, vector<1x16xf32>,
    %swap3A_377 = arith.constant 3 : i32
    %swap3A_378 = arith.index_cast %swap3A_377 : i32 to index
    %swap3A_379 = arith.constant 16 : index
    %swap3A_380 = tpu.vector_load %arg12[%swap3A_378, %swap3A_379] {strides = array<i32>} : memref<8x256xf32, #tpu.memory_space<vmem>>, vector<1x16xf32>,
    %swap3A_381 = vector.shape_cast %swap3A_380 : vector<1x16xf32> to vector<16xf32>
    %swap3A_382 = vector.shape_cast %broadcast_in_dim3A_74 : vector<16xf32> to vector<1x16xf32>
    tpu.vector_store %arg12[%swap3A_378, %swap3A_379], %swap3A_382 {strides = array<i32>} : memref<8x256xf32, #tpu.memory_space<vmem>>, vector<1x16xf32>,
    %swap3A_383 = arith.constant 3 : i32
    %swap3A_384 = arith.index_cast %swap3A_383 : i32 to index
    %swap3A_385 = arith.constant 144 : index
    %swap3A_386 = tpu.vector_load %arg12[%swap3A_384, %swap3A_385] {strides = array<i32>} : memref<8x256xf32, #tpu.memory_space<vmem>>, vector<1x16xf32>,
    %swap3A_387 = vector.shape_cast %swap3A_386 : vector<1x16xf32> to vector<16xf32>
    %swap3A_388 = vector.shape_cast %broadcast_in_dim3A_76 : vector<16xf32> to vector<1x16xf32>
    tpu.vector_store %arg12[%swap3A_384, %swap3A_385], %swap3A_388 {strides = array<i32>} : memref<8x256xf32, #tpu.memory_space<vmem>>, vector<1x16xf32>,
    %swap3A_389 = arith.constant 3 : i32
    %swap3A_390 = arith.index_cast %swap3A_389 : i32 to index
    %swap3A_391 = arith.constant 32 : index
    %swap3A_392 = tpu.vector_load %arg12[%swap3A_390, %swap3A_391] {strides = array<i32>} : memref<8x256xf32, #tpu.memory_space<vmem>>, vector<1x16xf32>,
    %swap3A_393 = vector.shape_cast %swap3A_392 : vector<1x16xf32> to vector<16xf32>
    %swap3A_394 = vector.shape_cast %broadcast_in_dim3A_74 : vector<16xf32> to vector<1x16xf32>
    tpu.vector_store %arg12[%swap3A_390, %swap3A_391], %swap3A_394 {strides = array<i32>} : memref<8x256xf32, #tpu.memory_space<vmem>>, vector<1x16xf32>,
    %swap3A_395 = arith.constant 3 : i32
    %swap3A_396 = arith.index_cast %swap3A_395 : i32 to index
    %swap3A_397 = arith.constant 160 : index
    %swap3A_398 = tpu.vector_load %arg12[%swap3A_396, %swap3A_397] {strides = array<i32>} : memref<8x256xf32, #tpu.memory_space<vmem>>, vector<1x16xf32>,
    %swap3A_399 = vector.shape_cast %swap3A_398 : vector<1x16xf32> to vector<16xf32>
    %swap3A_400 = vector.shape_cast %broadcast_in_dim3A_76 : vector<16xf32> to vector<1x16xf32>
    tpu.vector_store %arg12[%swap3A_396, %swap3A_397], %swap3A_400 {strides = array<i32>} : memref<8x256xf32, #tpu.memory_space<vmem>>, vector<1x16xf32>,
    %swap3A_401 = arith.constant 3 : i32
    %swap3A_402 = arith.index_cast %swap3A_401 : i32 to index
    %swap3A_403 = arith.constant 48 : index
    %swap3A_404 = tpu.vector_load %arg12[%swap3A_402, %swap3A_403] {strides = array<i32>} : memref<8x256xf32, #tpu.memory_space<vmem>>, vector<1x16xf32>,
    %swap3A_405 = vector.shape_cast %swap3A_404 : vector<1x16xf32> to vector<16xf32>
    %swap3A_406 = vector.shape_cast %broadcast_in_dim3A_74 : vector<16xf32> to vector<1x16xf32>
    tpu.vector_store %arg12[%swap3A_402, %swap3A_403], %swap3A_406 {strides = array<i32>} : memref<8x256xf32, #tpu.memory_space<vmem>>, vector<1x16xf32>,
    %swap3A_407 = arith.constant 3 : i32
    %swap3A_408 = arith.index_cast %swap3A_407 : i32 to index
    %swap3A_409 = arith.constant 176 : index
    %swap3A_410 = tpu.vector_load %arg12[%swap3A_408, %swap3A_409] {strides = array<i32>} : memref<8x256xf32, #tpu.memory_space<vmem>>, vector<1x16xf32>,
    %swap3A_411 = vector.shape_cast %swap3A_410 : vector<1x16xf32> to vector<16xf32>
    %swap3A_412 = vector.shape_cast %broadcast_in_dim3A_76 : vector<16xf32> to vector<1x16xf32>
    tpu.vector_store %arg12[%swap3A_408, %swap3A_409], %swap3A_412 {strides = array<i32>} : memref<8x256xf32, #tpu.memory_space<vmem>>, vector<1x16xf32>,
    %swap3A_413 = arith.constant 3 : i32
    %swap3A_414 = arith.index_cast %swap3A_413 : i32 to index
    %swap3A_415 = arith.constant 64 : index
    %swap3A_416 = tpu.vector_load %arg12[%swap3A_414, %swap3A_415] {strides = array<i32>} : memref<8x256xf32, #tpu.memory_space<vmem>>, vector<1x16xf32>,
    %swap3A_417 = vector.shape_cast %swap3A_416 : vector<1x16xf32> to vector<16xf32>
    %swap3A_418 = vector.shape_cast %broadcast_in_dim3A_74 : vector<16xf32> to vector<1x16xf32>
    tpu.vector_store %arg12[%swap3A_414, %swap3A_415], %swap3A_418 {strides = array<i32>} : memref<8x256xf32, #tpu.memory_space<vmem>>, vector<1x16xf32>,
    %swap3A_419 = arith.constant 3 : i32
    %swap3A_420 = arith.index_cast %swap3A_419 : i32 to index
    %swap3A_421 = arith.constant 192 : index
    %swap3A_422 = tpu.vector_load %arg12[%swap3A_420, %swap3A_421] {strides = array<i32>} : memref<8x256xf32, #tpu.memory_space<vmem>>, vector<1x16xf32>,
    %swap3A_423 = vector.shape_cast %swap3A_422 : vector<1x16xf32> to vector<16xf32>
    %swap3A_424 = vector.shape_cast %broadcast_in_dim3A_76 : vector<16xf32> to vector<1x16xf32>
    tpu.vector_store %arg12[%swap3A_420, %swap3A_421], %swap3A_424 {strides = array<i32>} : memref<8x256xf32, #tpu.memory_space<vmem>>, vector<1x16xf32>,
    %swap3A_425 = arith.constant 3 : i32
    %swap3A_426 = arith.index_cast %swap3A_425 : i32 to index
    %swap3A_427 = arith.constant 80 : index
    %swap3A_428 = tpu.vector_load %arg12[%swap3A_426, %swap3A_427] {strides = array<i32>} : memref<8x256xf32, #tpu.memory_space<vmem>>, vector<1x16xf32>,
    %swap3A_429 = vector.shape_cast %swap3A_428 : vector<1x16xf32> to vector<16xf32>
    %swap3A_430 = vector.shape_cast %broadcast_in_dim3A_74 : vector<16xf32> to vector<1x16xf32>
    tpu.vector_store %arg12[%swap3A_426, %swap3A_427], %swap3A_430 {strides = array<i32>} : memref<8x256xf32, #tpu.memory_space<vmem>>, vector<1x16xf32>,
    %swap3A_431 = arith.constant 3 : i32
    %swap3A_432 = arith.index_cast %swap3A_431 : i32 to index
    %swap3A_433 = arith.constant 208 : index
    %swap3A_434 = tpu.vector_load %arg12[%swap3A_432, %swap3A_433] {strides = array<i32>} : memref<8x256xf32, #tpu.memory_space<vmem>>, vector<1x16xf32>,
    %swap3A_435 = vector.shape_cast %swap3A_434 : vector<1x16xf32> to vector<16xf32>
    %swap3A_436 = vector.shape_cast %broadcast_in_dim3A_76 : vector<16xf32> to vector<1x16xf32>
    tpu.vector_store %arg12[%swap3A_432, %swap3A_433], %swap3A_436 {strides = array<i32>} : memref<8x256xf32, #tpu.memory_space<vmem>>, vector<1x16xf32>,
    %swap3A_437 = arith.constant 3 : i32
    %swap3A_438 = arith.index_cast %swap3A_437 : i32 to index
    %swap3A_439 = arith.constant 96 : index
    %swap3A_440 = tpu.vector_load %arg12[%swap3A_438, %swap3A_439] {strides = array<i32>} : memref<8x256xf32, #tpu.memory_space<vmem>>, vector<1x16xf32>,
    %swap3A_441 = vector.shape_cast %swap3A_440 : vector<1x16xf32> to vector<16xf32>
    %swap3A_442 = vector.shape_cast %broadcast_in_dim3A_74 : vector<16xf32> to vector<1x16xf32>
    tpu.vector_store %arg12[%swap3A_438, %swap3A_439], %swap3A_442 {strides = array<i32>} : memref<8x256xf32, #tpu.memory_space<vmem>>, vector<1x16xf32>,
    %swap3A_443 = arith.constant 3 : i32
    %swap3A_444 = arith.index_cast %swap3A_443 : i32 to index
    %swap3A_445 = arith.constant 224 : index
    %swap3A_446 = tpu.vector_load %arg12[%swap3A_444, %swap3A_445] {strides = array<i32>} : memref<8x256xf32, #tpu.memory_space<vmem>>, vector<1x16xf32>,
    %swap3A_447 = vector.shape_cast %swap3A_446 : vector<1x16xf32> to vector<16xf32>
    %swap3A_448 = vector.shape_cast %broadcast_in_dim3A_76 : vector<16xf32> to vector<1x16xf32>
    tpu.vector_store %arg12[%swap3A_444, %swap3A_445], %swap3A_448 {strides = array<i32>} : memref<8x256xf32, #tpu.memory_space<vmem>>, vector<1x16xf32>,
    %swap3A_449 = arith.constant 3 : i32
    %swap3A_450 = arith.index_cast %swap3A_449 : i32 to index
    %swap3A_451 = arith.constant 112 : index
    %swap3A_452 = tpu.vector_load %arg12[%swap3A_450, %swap3A_451] {strides = array<i32>} : memref<8x256xf32, #tpu.memory_space<vmem>>, vector<1x16xf32>,
    %swap3A_453 = vector.shape_cast %swap3A_452 : vector<1x16xf32> to vector<16xf32>
    %swap3A_454 = vector.shape_cast %broadcast_in_dim3A_74 : vector<16xf32> to vector<1x16xf32>
    tpu.vector_store %arg12[%swap3A_450, %swap3A_451], %swap3A_454 {strides = array<i32>} : memref<8x256xf32, #tpu.memory_space<vmem>>, vector<1x16xf32>,
    %swap3A_455 = arith.constant 3 : i32
    %swap3A_456 = arith.index_cast %swap3A_455 : i32 to index
    %swap3A_457 = arith.constant 240 : index
    %swap3A_458 = tpu.vector_load %arg12[%swap3A_456, %swap3A_457] {strides = array<i32>} : memref<8x256xf32, #tpu.memory_space<vmem>>, vector<1x16xf32>,
    %swap3A_459 = vector.shape_cast %swap3A_458 : vector<1x16xf32> to vector<16xf32>
    %swap3A_460 = vector.shape_cast %broadcast_in_dim3A_76 : vector<16xf32> to vector<1x16xf32>
    tpu.vector_store %arg12[%swap3A_456, %swap3A_457], %swap3A_460 {strides = array<i32>} : memref<8x256xf32, #tpu.memory_space<vmem>>, vector<1x16xf32>,
    %swap3A_461 = arith.constant 4 : i32
    %swap3A_462 = arith.index_cast %swap3A_461 : i32 to index
    %swap3A_463 = arith.constant 0 : index
    %swap3A_464 = tpu.vector_load %arg12[%swap3A_462, %swap3A_463] {strides = array<i32>} : memref<8x256xf32, #tpu.memory_space<vmem>>, vector<1x16xf32>,
    %swap3A_465 = vector.shape_cast %swap3A_464 : vector<1x16xf32> to vector<16xf32>
    %swap3A_466 = vector.shape_cast %broadcast_in_dim3A_74 : vector<16xf32> to vector<1x16xf32>
    tpu.vector_store %arg12[%swap3A_462, %swap3A_463], %swap3A_466 {strides = array<i32>} : memref<8x256xf32, #tpu.memory_space<vmem>>, vector<1x16xf32>,
    %swap3A_467 = arith.constant 4 : i32
    %swap3A_468 = arith.index_cast %swap3A_467 : i32 to index
    %swap3A_469 = arith.constant 128 : index
    %swap3A_470 = tpu.vector_load %arg12[%swap3A_468, %swap3A_469] {strides = array<i32>} : memref<8x256xf32, #tpu.memory_space<vmem>>, vector<1x16xf32>,
    %swap3A_471 = vector.shape_cast %swap3A_470 : vector<1x16xf32> to vector<16xf32>
    %swap3A_472 = vector.shape_cast %broadcast_in_dim3A_76 : vector<16xf32> to vector<1x16xf32>
    tpu.vector_store %arg12[%swap3A_468, %swap3A_469], %swap3A_472 {strides = array<i32>} : memref<8x256xf32, #tpu.memory_space<vmem>>, vector<1x16xf32>,
    %swap3A_473 = arith.constant 4 : i32
    %swap3A_474 = arith.index_cast %swap3A_473 : i32 to index
    %swap3A_475 = arith.constant 16 : index
    %swap3A_476 = tpu.vector_load %arg12[%swap3A_474, %swap3A_475] {strides = array<i32>} : memref<8x256xf32, #tpu.memory_space<vmem>>, vector<1x16xf32>,
    %swap3A_477 = vector.shape_cast %swap3A_476 : vector<1x16xf32> to vector<16xf32>
    %swap3A_478 = vector.shape_cast %broadcast_in_dim3A_74 : vector<16xf32> to vector<1x16xf32>
    tpu.vector_store %arg12[%swap3A_474, %swap3A_475], %swap3A_478 {strides = array<i32>} : memref<8x256xf32, #tpu.memory_space<vmem>>, vector<1x16xf32>,
    %swap3A_479 = arith.constant 4 : i32
    %swap3A_480 = arith.index_cast %swap3A_479 : i32 to index
    %swap3A_481 = arith.constant 144 : index
    %swap3A_482 = tpu.vector_load %arg12[%swap3A_480, %swap3A_481] {strides = array<i32>} : memref<8x256xf32, #tpu.memory_space<vmem>>, vector<1x16xf32>,
    %swap3A_483 = vector.shape_cast %swap3A_482 : vector<1x16xf32> to vector<16xf32>
    %swap3A_484 = vector.shape_cast %broadcast_in_dim3A_76 : vector<16xf32> to vector<1x16xf32>
    tpu.vector_store %arg12[%swap3A_480, %swap3A_481], %swap3A_484 {strides = array<i32>} : memref<8x256xf32, #tpu.memory_space<vmem>>, vector<1x16xf32>,
    %swap3A_485 = arith.constant 4 : i32
    %swap3A_486 = arith.index_cast %swap3A_485 : i32 to index
    %swap3A_487 = arith.constant 32 : index
    %swap3A_488 = tpu.vector_load %arg12[%swap3A_486, %swap3A_487] {strides = array<i32>} : memref<8x256xf32, #tpu.memory_space<vmem>>, vector<1x16xf32>,
    %swap3A_489 = vector.shape_cast %swap3A_488 : vector<1x16xf32> to vector<16xf32>
    %swap3A_490 = vector.shape_cast %broadcast_in_dim3A_74 : vector<16xf32> to vector<1x16xf32>
    tpu.vector_store %arg12[%swap3A_486, %swap3A_487], %swap3A_490 {strides = array<i32>} : memref<8x256xf32, #tpu.memory_space<vmem>>, vector<1x16xf32>,
    %swap3A_491 = arith.constant 4 : i32
    %swap3A_492 = arith.index_cast %swap3A_491 : i32 to index
    %swap3A_493 = arith.constant 160 : index
    %swap3A_494 = tpu.vector_load %arg12[%swap3A_492, %swap3A_493] {strides = array<i32>} : memref<8x256xf32, #tpu.memory_space<vmem>>, vector<1x16xf32>,
    %swap3A_495 = vector.shape_cast %swap3A_494 : vector<1x16xf32> to vector<16xf32>
    %swap3A_496 = vector.shape_cast %broadcast_in_dim3A_76 : vector<16xf32> to vector<1x16xf32>
    tpu.vector_store %arg12[%swap3A_492, %swap3A_493], %swap3A_496 {strides = array<i32>} : memref<8x256xf32, #tpu.memory_space<vmem>>, vector<1x16xf32>,
    %swap3A_497 = arith.constant 4 : i32
    %swap3A_498 = arith.index_cast %swap3A_497 : i32 to index
    %swap3A_499 = arith.constant 48 : index
    %swap3A_500 = tpu.vector_load %arg12[%swap3A_498, %swap3A_499] {strides = array<i32>} : memref<8x256xf32, #tpu.memory_space<vmem>>, vector<1x16xf32>,
    %swap3A_501 = vector.shape_cast %swap3A_500 : vector<1x16xf32> to vector<16xf32>
    %swap3A_502 = vector.shape_cast %broadcast_in_dim3A_74 : vector<16xf32> to vector<1x16xf32>
    tpu.vector_store %arg12[%swap3A_498, %swap3A_499], %swap3A_502 {strides = array<i32>} : memref<8x256xf32, #tpu.memory_space<vmem>>, vector<1x16xf32>,
    %swap3A_503 = arith.constant 4 : i32
    %swap3A_504 = arith.index_cast %swap3A_503 : i32 to index
    %swap3A_505 = arith.constant 176 : index
    %swap3A_506 = tpu.vector_load %arg12[%swap3A_504, %swap3A_505] {strides = array<i32>} : memref<8x256xf32, #tpu.memory_space<vmem>>, vector<1x16xf32>,
    %swap3A_507 = vector.shape_cast %swap3A_506 : vector<1x16xf32> to vector<16xf32>
    %swap3A_508 = vector.shape_cast %broadcast_in_dim3A_76 : vector<16xf32> to vector<1x16xf32>
    tpu.vector_store %arg12[%swap3A_504, %swap3A_505], %swap3A_508 {strides = array<i32>} : memref<8x256xf32, #tpu.memory_space<vmem>>, vector<1x16xf32>,
    %swap3A_509 = arith.constant 4 : i32
    %swap3A_510 = arith.index_cast %swap3A_509 : i32 to index
    %swap3A_511 = arith.constant 64 : index
    %swap3A_512 = tpu.vector_load %arg12[%swap3A_510, %swap3A_511] {strides = array<i32>} : memref<8x256xf32, #tpu.memory_space<vmem>>, vector<1x16xf32>,
    %swap3A_513 = vector.shape_cast %swap3A_512 : vector<1x16xf32> to vector<16xf32>
    %swap3A_514 = vector.shape_cast %broadcast_in_dim3A_74 : vector<16xf32> to vector<1x16xf32>
    tpu.vector_store %arg12[%swap3A_510, %swap3A_511], %swap3A_514 {strides = array<i32>} : memref<8x256xf32, #tpu.memory_space<vmem>>, vector<1x16xf32>,
    %swap3A_515 = arith.constant 4 : i32
    %swap3A_516 = arith.index_cast %swap3A_515 : i32 to index
    %swap3A_517 = arith.constant 192 : index
    %swap3A_518 = tpu.vector_load %arg12[%swap3A_516, %swap3A_517] {strides = array<i32>} : memref<8x256xf32, #tpu.memory_space<vmem>>, vector<1x16xf32>,
    %swap3A_519 = vector.shape_cast %swap3A_518 : vector<1x16xf32> to vector<16xf32>
    %swap3A_520 = vector.shape_cast %broadcast_in_dim3A_76 : vector<16xf32> to vector<1x16xf32>
    tpu.vector_store %arg12[%swap3A_516, %swap3A_517], %swap3A_520 {strides = array<i32>} : memref<8x256xf32, #tpu.memory_space<vmem>>, vector<1x16xf32>,
    %swap3A_521 = arith.constant 4 : i32
    %swap3A_522 = arith.index_cast %swap3A_521 : i32 to index
    %swap3A_523 = arith.constant 80 : index
    %swap3A_524 = tpu.vector_load %arg12[%swap3A_522, %swap3A_523] {strides = array<i32>} : memref<8x256xf32, #tpu.memory_space<vmem>>, vector<1x16xf32>,
    %swap3A_525 = vector.shape_cast %swap3A_524 : vector<1x16xf32> to vector<16xf32>
    %swap3A_526 = vector.shape_cast %broadcast_in_dim3A_74 : vector<16xf32> to vector<1x16xf32>
    tpu.vector_store %arg12[%swap3A_522, %swap3A_523], %swap3A_526 {strides = array<i32>} : memref<8x256xf32, #tpu.memory_space<vmem>>, vector<1x16xf32>,
    %swap3A_527 = arith.constant 4 : i32
    %swap3A_528 = arith.index_cast %swap3A_527 : i32 to index
    %swap3A_529 = arith.constant 208 : index
    %swap3A_530 = tpu.vector_load %arg12[%swap3A_528, %swap3A_529] {strides = array<i32>} : memref<8x256xf32, #tpu.memory_space<vmem>>, vector<1x16xf32>,
    %swap3A_531 = vector.shape_cast %swap3A_530 : vector<1x16xf32> to vector<16xf32>
    %swap3A_532 = vector.shape_cast %broadcast_in_dim3A_76 : vector<16xf32> to vector<1x16xf32>
    tpu.vector_store %arg12[%swap3A_528, %swap3A_529], %swap3A_532 {strides = array<i32>} : memref<8x256xf32, #tpu.memory_space<vmem>>, vector<1x16xf32>,
    %swap3A_533 = arith.constant 4 : i32
    %swap3A_534 = arith.index_cast %swap3A_533 : i32 to index
    %swap3A_535 = arith.constant 96 : index
    %swap3A_536 = tpu.vector_load %arg12[%swap3A_534, %swap3A_535] {strides = array<i32>} : memref<8x256xf32, #tpu.memory_space<vmem>>, vector<1x16xf32>,
    %swap3A_537 = vector.shape_cast %swap3A_536 : vector<1x16xf32> to vector<16xf32>
    %swap3A_538 = vector.shape_cast %broadcast_in_dim3A_74 : vector<16xf32> to vector<1x16xf32>
    tpu.vector_store %arg12[%swap3A_534, %swap3A_535], %swap3A_538 {strides = array<i32>} : memref<8x256xf32, #tpu.memory_space<vmem>>, vector<1x16xf32>,
    %swap3A_539 = arith.constant 4 : i32
    %swap3A_540 = arith.index_cast %swap3A_539 : i32 to index
    %swap3A_541 = arith.constant 224 : index
    %swap3A_542 = tpu.vector_load %arg12[%swap3A_540, %swap3A_541] {strides = array<i32>} : memref<8x256xf32, #tpu.memory_space<vmem>>, vector<1x16xf32>,
    %swap3A_543 = vector.shape_cast %swap3A_542 : vector<1x16xf32> to vector<16xf32>
    %swap3A_544 = vector.shape_cast %broadcast_in_dim3A_76 : vector<16xf32> to vector<1x16xf32>
    tpu.vector_store %arg12[%swap3A_540, %swap3A_541], %swap3A_544 {strides = array<i32>} : memref<8x256xf32, #tpu.memory_space<vmem>>, vector<1x16xf32>,
    %swap3A_545 = arith.constant 4 : i32
    %swap3A_546 = arith.index_cast %swap3A_545 : i32 to index
    %swap3A_547 = arith.constant 112 : index
    %swap3A_548 = tpu.vector_load %arg12[%swap3A_546, %swap3A_547] {strides = array<i32>} : memref<8x256xf32, #tpu.memory_space<vmem>>, vector<1x16xf32>,
    %swap3A_549 = vector.shape_cast %swap3A_548 : vector<1x16xf32> to vector<16xf32>
    %swap3A_550 = vector.shape_cast %broadcast_in_dim3A_74 : vector<16xf32> to vector<1x16xf32>
    tpu.vector_store %arg12[%swap3A_546, %swap3A_547], %swap3A_550 {strides = array<i32>} : memref<8x256xf32, #tpu.memory_space<vmem>>, vector<1x16xf32>,
    %swap3A_551 = arith.constant 4 : i32
    %swap3A_552 = arith.index_cast %swap3A_551 : i32 to index
    %swap3A_553 = arith.constant 240 : index
    %swap3A_554 = tpu.vector_load %arg12[%swap3A_552, %swap3A_553] {strides = array<i32>} : memref<8x256xf32, #tpu.memory_space<vmem>>, vector<1x16xf32>,
    %swap3A_555 = vector.shape_cast %swap3A_554 : vector<1x16xf32> to vector<16xf32>
    %swap3A_556 = vector.shape_cast %broadcast_in_dim3A_76 : vector<16xf32> to vector<1x16xf32>
    tpu.vector_store %arg12[%swap3A_552, %swap3A_553], %swap3A_556 {strides = array<i32>} : memref<8x256xf32, #tpu.memory_space<vmem>>, vector<1x16xf32>,
    %swap3A_557 = arith.constant 5 : i32
    %swap3A_558 = arith.index_cast %swap3A_557 : i32 to index
    %swap3A_559 = arith.constant 0 : index
    %swap3A_560 = tpu.vector_load %arg12[%swap3A_558, %swap3A_559] {strides = array<i32>} : memref<8x256xf32, #tpu.memory_space<vmem>>, vector<1x16xf32>,
    %swap3A_561 = vector.shape_cast %swap3A_560 : vector<1x16xf32> to vector<16xf32>
    %swap3A_562 = vector.shape_cast %broadcast_in_dim3A_74 : vector<16xf32> to vector<1x16xf32>
    tpu.vector_store %arg12[%swap3A_558, %swap3A_559], %swap3A_562 {strides = array<i32>} : memref<8x256xf32, #tpu.memory_space<vmem>>, vector<1x16xf32>,
    %swap3A_563 = arith.constant 5 : i32
    %swap3A_564 = arith.index_cast %swap3A_563 : i32 to index
    %swap3A_565 = arith.constant 128 : index
    %swap3A_566 = tpu.vector_load %arg12[%swap3A_564, %swap3A_565] {strides = array<i32>} : memref<8x256xf32, #tpu.memory_space<vmem>>, vector<1x16xf32>,
    %swap3A_567 = vector.shape_cast %swap3A_566 : vector<1x16xf32> to vector<16xf32>
    %swap3A_568 = vector.shape_cast %broadcast_in_dim3A_76 : vector<16xf32> to vector<1x16xf32>
    tpu.vector_store %arg12[%swap3A_564, %swap3A_565], %swap3A_568 {strides = array<i32>} : memref<8x256xf32, #tpu.memory_space<vmem>>, vector<1x16xf32>,
    %swap3A_569 = arith.constant 5 : i32
    %swap3A_570 = arith.index_cast %swap3A_569 : i32 to index
    %swap3A_571 = arith.constant 16 : index
    %swap3A_572 = tpu.vector_load %arg12[%swap3A_570, %swap3A_571] {strides = array<i32>} : memref<8x256xf32, #tpu.memory_space<vmem>>, vector<1x16xf32>,
    %swap3A_573 = vector.shape_cast %swap3A_572 : vector<1x16xf32> to vector<16xf32>
    %swap3A_574 = vector.shape_cast %broadcast_in_dim3A_74 : vector<16xf32> to vector<1x16xf32>
    tpu.vector_store %arg12[%swap3A_570, %swap3A_571], %swap3A_574 {strides = array<i32>} : memref<8x256xf32, #tpu.memory_space<vmem>>, vector<1x16xf32>,
    %swap3A_575 = arith.constant 5 : i32
    %swap3A_576 = arith.index_cast %swap3A_575 : i32 to index
    %swap3A_577 = arith.constant 144 : index
    %swap3A_578 = tpu.vector_load %arg12[%swap3A_576, %swap3A_577] {strides = array<i32>} : memref<8x256xf32, #tpu.memory_space<vmem>>, vector<1x16xf32>,
    %swap3A_579 = vector.shape_cast %swap3A_578 : vector<1x16xf32> to vector<16xf32>
    %swap3A_580 = vector.shape_cast %broadcast_in_dim3A_76 : vector<16xf32> to vector<1x16xf32>
    tpu.vector_store %arg12[%swap3A_576, %swap3A_577], %swap3A_580 {strides = array<i32>} : memref<8x256xf32, #tpu.memory_space<vmem>>, vector<1x16xf32>,
    %swap3A_581 = arith.constant 5 : i32
    %swap3A_582 = arith.index_cast %swap3A_581 : i32 to index
    %swap3A_583 = arith.constant 32 : index
    %swap3A_584 = tpu.vector_load %arg12[%swap3A_582, %swap3A_583] {strides = array<i32>} : memref<8x256xf32, #tpu.memory_space<vmem>>, vector<1x16xf32>,
    %swap3A_585 = vector.shape_cast %swap3A_584 : vector<1x16xf32> to vector<16xf32>
    %swap3A_586 = vector.shape_cast %broadcast_in_dim3A_74 : vector<16xf32> to vector<1x16xf32>
    tpu.vector_store %arg12[%swap3A_582, %swap3A_583], %swap3A_586 {strides = array<i32>} : memref<8x256xf32, #tpu.memory_space<vmem>>, vector<1x16xf32>,
    %swap3A_587 = arith.constant 5 : i32
    %swap3A_588 = arith.index_cast %swap3A_587 : i32 to index
    %swap3A_589 = arith.constant 160 : index
    %swap3A_590 = tpu.vector_load %arg12[%swap3A_588, %swap3A_589] {strides = array<i32>} : memref<8x256xf32, #tpu.memory_space<vmem>>, vector<1x16xf32>,
    %swap3A_591 = vector.shape_cast %swap3A_590 : vector<1x16xf32> to vector<16xf32>
    %swap3A_592 = vector.shape_cast %broadcast_in_dim3A_76 : vector<16xf32> to vector<1x16xf32>
    tpu.vector_store %arg12[%swap3A_588, %swap3A_589], %swap3A_592 {strides = array<i32>} : memref<8x256xf32, #tpu.memory_space<vmem>>, vector<1x16xf32>,
    %swap3A_593 = arith.constant 5 : i32
    %swap3A_594 = arith.index_cast %swap3A_593 : i32 to index
    %swap3A_595 = arith.constant 48 : index
    %swap3A_596 = tpu.vector_load %arg12[%swap3A_594, %swap3A_595] {strides = array<i32>} : memref<8x256xf32, #tpu.memory_space<vmem>>, vector<1x16xf32>,
    %swap3A_597 = vector.shape_cast %swap3A_596 : vector<1x16xf32> to vector<16xf32>
    %swap3A_598 = vector.shape_cast %broadcast_in_dim3A_74 : vector<16xf32> to vector<1x16xf32>
    tpu.vector_store %arg12[%swap3A_594, %swap3A_595], %swap3A_598 {strides = array<i32>} : memref<8x256xf32, #tpu.memory_space<vmem>>, vector<1x16xf32>,
    %swap3A_599 = arith.constant 5 : i32
    %swap3A_600 = arith.index_cast %swap3A_599 : i32 to index
    %swap3A_601 = arith.constant 176 : index
    %swap3A_602 = tpu.vector_load %arg12[%swap3A_600, %swap3A_601] {strides = array<i32>} : memref<8x256xf32, #tpu.memory_space<vmem>>, vector<1x16xf32>,
    %swap3A_603 = vector.shape_cast %swap3A_602 : vector<1x16xf32> to vector<16xf32>
    %swap3A_604 = vector.shape_cast %broadcast_in_dim3A_76 : vector<16xf32> to vector<1x16xf32>
    tpu.vector_store %arg12[%swap3A_600, %swap3A_601], %swap3A_604 {strides = array<i32>} : memref<8x256xf32, #tpu.memory_space<vmem>>, vector<1x16xf32>,
    %swap3A_605 = arith.constant 5 : i32
    %swap3A_606 = arith.index_cast %swap3A_605 : i32 to index
    %swap3A_607 = arith.constant 64 : index
    %swap3A_608 = tpu.vector_load %arg12[%swap3A_606, %swap3A_607] {strides = array<i32>} : memref<8x256xf32, #tpu.memory_space<vmem>>, vector<1x16xf32>,
    %swap3A_609 = vector.shape_cast %swap3A_608 : vector<1x16xf32> to vector<16xf32>
    %swap3A_610 = vector.shape_cast %broadcast_in_dim3A_74 : vector<16xf32> to vector<1x16xf32>
    tpu.vector_store %arg12[%swap3A_606, %swap3A_607], %swap3A_610 {strides = array<i32>} : memref<8x256xf32, #tpu.memory_space<vmem>>, vector<1x16xf32>,
    %swap3A_611 = arith.constant 5 : i32
    %swap3A_612 = arith.index_cast %swap3A_611 : i32 to index
    %swap3A_613 = arith.constant 192 : index
    %swap3A_614 = tpu.vector_load %arg12[%swap3A_612, %swap3A_613] {strides = array<i32>} : memref<8x256xf32, #tpu.memory_space<vmem>>, vector<1x16xf32>,
    %swap3A_615 = vector.shape_cast %swap3A_614 : vector<1x16xf32> to vector<16xf32>
    %swap3A_616 = vector.shape_cast %broadcast_in_dim3A_76 : vector<16xf32> to vector<1x16xf32>
    tpu.vector_store %arg12[%swap3A_612, %swap3A_613], %swap3A_616 {strides = array<i32>} : memref<8x256xf32, #tpu.memory_space<vmem>>, vector<1x16xf32>,
    %swap3A_617 = arith.constant 5 : i32
    %swap3A_618 = arith.index_cast %swap3A_617 : i32 to index
    %swap3A_619 = arith.constant 80 : index
    %swap3A_620 = tpu.vector_load %arg12[%swap3A_618, %swap3A_619] {strides = array<i32>} : memref<8x256xf32, #tpu.memory_space<vmem>>, vector<1x16xf32>,
    %swap3A_621 = vector.shape_cast %swap3A_620 : vector<1x16xf32> to vector<16xf32>
    %swap3A_622 = vector.shape_cast %broadcast_in_dim3A_74 : vector<16xf32> to vector<1x16xf32>
    tpu.vector_store %arg12[%swap3A_618, %swap3A_619], %swap3A_622 {strides = array<i32>} : memref<8x256xf32, #tpu.memory_space<vmem>>, vector<1x16xf32>,
    %swap3A_623 = arith.constant 5 : i32
    %swap3A_624 = arith.index_cast %swap3A_623 : i32 to index
    %swap3A_625 = arith.constant 208 : index
    %swap3A_626 = tpu.vector_load %arg12[%swap3A_624, %swap3A_625] {strides = array<i32>} : memref<8x256xf32, #tpu.memory_space<vmem>>, vector<1x16xf32>,
    %swap3A_627 = vector.shape_cast %swap3A_626 : vector<1x16xf32> to vector<16xf32>
    %swap3A_628 = vector.shape_cast %broadcast_in_dim3A_76 : vector<16xf32> to vector<1x16xf32>
    tpu.vector_store %arg12[%swap3A_624, %swap3A_625], %swap3A_628 {strides = array<i32>} : memref<8x256xf32, #tpu.memory_space<vmem>>, vector<1x16xf32>,
    %swap3A_629 = arith.constant 5 : i32
    %swap3A_630 = arith.index_cast %swap3A_629 : i32 to index
    %swap3A_631 = arith.constant 96 : index
    %swap3A_632 = tpu.vector_load %arg12[%swap3A_630, %swap3A_631] {strides = array<i32>} : memref<8x256xf32, #tpu.memory_space<vmem>>, vector<1x16xf32>,
    %swap3A_633 = vector.shape_cast %swap3A_632 : vector<1x16xf32> to vector<16xf32>
    %swap3A_634 = vector.shape_cast %broadcast_in_dim3A_74 : vector<16xf32> to vector<1x16xf32>
    tpu.vector_store %arg12[%swap3A_630, %swap3A_631], %swap3A_634 {strides = array<i32>} : memref<8x256xf32, #tpu.memory_space<vmem>>, vector<1x16xf32>,
    %swap3A_635 = arith.constant 5 : i32
    %swap3A_636 = arith.index_cast %swap3A_635 : i32 to index
    %swap3A_637 = arith.constant 224 : index
    %swap3A_638 = tpu.vector_load %arg12[%swap3A_636, %swap3A_637] {strides = array<i32>} : memref<8x256xf32, #tpu.memory_space<vmem>>, vector<1x16xf32>,
    %swap3A_639 = vector.shape_cast %swap3A_638 : vector<1x16xf32> to vector<16xf32>
    %swap3A_640 = vector.shape_cast %broadcast_in_dim3A_76 : vector<16xf32> to vector<1x16xf32>
    tpu.vector_store %arg12[%swap3A_636, %swap3A_637], %swap3A_640 {strides = array<i32>} : memref<8x256xf32, #tpu.memory_space<vmem>>, vector<1x16xf32>,
    %swap3A_641 = arith.constant 5 : i32
    %swap3A_642 = arith.index_cast %swap3A_641 : i32 to index
    %swap3A_643 = arith.constant 112 : index
    %swap3A_644 = tpu.vector_load %arg12[%swap3A_642, %swap3A_643] {strides = array<i32>} : memref<8x256xf32, #tpu.memory_space<vmem>>, vector<1x16xf32>,
    %swap3A_645 = vector.shape_cast %swap3A_644 : vector<1x16xf32> to vector<16xf32>
    %swap3A_646 = vector.shape_cast %broadcast_in_dim3A_74 : vector<16xf32> to vector<1x16xf32>
    tpu.vector_store %arg12[%swap3A_642, %swap3A_643], %swap3A_646 {strides = array<i32>} : memref<8x256xf32, #tpu.memory_space<vmem>>, vector<1x16xf32>,
    %swap3A_647 = arith.constant 5 : i32
    %swap3A_648 = arith.index_cast %swap3A_647 : i32 to index
    %swap3A_649 = arith.constant 240 : index
    %swap3A_650 = tpu.vector_load %arg12[%swap3A_648, %swap3A_649] {strides = array<i32>} : memref<8x256xf32, #tpu.memory_space<vmem>>, vector<1x16xf32>,
    %swap3A_651 = vector.shape_cast %swap3A_650 : vector<1x16xf32> to vector<16xf32>
    %swap3A_652 = vector.shape_cast %broadcast_in_dim3A_76 : vector<16xf32> to vector<1x16xf32>
    tpu.vector_store %arg12[%swap3A_648, %swap3A_649], %swap3A_652 {strides = array<i32>} : memref<8x256xf32, #tpu.memory_space<vmem>>, vector<1x16xf32>,
    %swap3A_653 = arith.constant 6 : i32
    %swap3A_654 = arith.index_cast %swap3A_653 : i32 to index
    %swap3A_655 = arith.constant 0 : index
    %swap3A_656 = tpu.vector_load %arg12[%swap3A_654, %swap3A_655] {strides = array<i32>} : memref<8x256xf32, #tpu.memory_space<vmem>>, vector<1x16xf32>,
    %swap3A_657 = vector.shape_cast %swap3A_656 : vector<1x16xf32> to vector<16xf32>
    %swap3A_658 = vector.shape_cast %broadcast_in_dim3A_74 : vector<16xf32> to vector<1x16xf32>
    tpu.vector_store %arg12[%swap3A_654, %swap3A_655], %swap3A_658 {strides = array<i32>} : memref<8x256xf32, #tpu.memory_space<vmem>>, vector<1x16xf32>,
    %swap3A_659 = arith.constant 6 : i32
    %swap3A_660 = arith.index_cast %swap3A_659 : i32 to index
    %swap3A_661 = arith.constant 128 : index
    %swap3A_662 = tpu.vector_load %arg12[%swap3A_660, %swap3A_661] {strides = array<i32>} : memref<8x256xf32, #tpu.memory_space<vmem>>, vector<1x16xf32>,
    %swap3A_663 = vector.shape_cast %swap3A_662 : vector<1x16xf32> to vector<16xf32>
    %swap3A_664 = vector.shape_cast %broadcast_in_dim3A_76 : vector<16xf32> to vector<1x16xf32>
    tpu.vector_store %arg12[%swap3A_660, %swap3A_661], %swap3A_664 {strides = array<i32>} : memref<8x256xf32, #tpu.memory_space<vmem>>, vector<1x16xf32>,
    %swap3A_665 = arith.constant 6 : i32
    %swap3A_666 = arith.index_cast %swap3A_665 : i32 to index
    %swap3A_667 = arith.constant 16 : index
    %swap3A_668 = tpu.vector_load %arg12[%swap3A_666, %swap3A_667] {strides = array<i32>} : memref<8x256xf32, #tpu.memory_space<vmem>>, vector<1x16xf32>,
    %swap3A_669 = vector.shape_cast %swap3A_668 : vector<1x16xf32> to vector<16xf32>
    %swap3A_670 = vector.shape_cast %broadcast_in_dim3A_74 : vector<16xf32> to vector<1x16xf32>
    tpu.vector_store %arg12[%swap3A_666, %swap3A_667], %swap3A_670 {strides = array<i32>} : memref<8x256xf32, #tpu.memory_space<vmem>>, vector<1x16xf32>,
    %swap3A_671 = arith.constant 6 : i32
    %swap3A_672 = arith.index_cast %swap3A_671 : i32 to index
    %swap3A_673 = arith.constant 144 : index
    %swap3A_674 = tpu.vector_load %arg12[%swap3A_672, %swap3A_673] {strides = array<i32>} : memref<8x256xf32, #tpu.memory_space<vmem>>, vector<1x16xf32>,
    %swap3A_675 = vector.shape_cast %swap3A_674 : vector<1x16xf32> to vector<16xf32>
    %swap3A_676 = vector.shape_cast %broadcast_in_dim3A_76 : vector<16xf32> to vector<1x16xf32>
    tpu.vector_store %arg12[%swap3A_672, %swap3A_673], %swap3A_676 {strides = array<i32>} : memref<8x256xf32, #tpu.memory_space<vmem>>, vector<1x16xf32>,
    %swap3A_677 = arith.constant 6 : i32
    %swap3A_678 = arith.index_cast %swap3A_677 : i32 to index
    %swap3A_679 = arith.constant 32 : index
    %swap3A_680 = tpu.vector_load %arg12[%swap3A_678, %swap3A_679] {strides = array<i32>} : memref<8x256xf32, #tpu.memory_space<vmem>>, vector<1x16xf32>,
    %swap3A_681 = vector.shape_cast %swap3A_680 : vector<1x16xf32> to vector<16xf32>
    %swap3A_682 = vector.shape_cast %broadcast_in_dim3A_74 : vector<16xf32> to vector<1x16xf32>
    tpu.vector_store %arg12[%swap3A_678, %swap3A_679], %swap3A_682 {strides = array<i32>} : memref<8x256xf32, #tpu.memory_space<vmem>>, vector<1x16xf32>,
    %swap3A_683 = arith.constant 6 : i32
    %swap3A_684 = arith.index_cast %swap3A_683 : i32 to index
    %swap3A_685 = arith.constant 160 : index
    %swap3A_686 = tpu.vector_load %arg12[%swap3A_684, %swap3A_685] {strides = array<i32>} : memref<8x256xf32, #tpu.memory_space<vmem>>, vector<1x16xf32>,
    %swap3A_687 = vector.shape_cast %swap3A_686 : vector<1x16xf32> to vector<16xf32>
    %swap3A_688 = vector.shape_cast %broadcast_in_dim3A_76 : vector<16xf32> to vector<1x16xf32>
    tpu.vector_store %arg12[%swap3A_684, %swap3A_685], %swap3A_688 {strides = array<i32>} : memref<8x256xf32, #tpu.memory_space<vmem>>, vector<1x16xf32>,
    %swap3A_689 = arith.constant 6 : i32
    %swap3A_690 = arith.index_cast %swap3A_689 : i32 to index
    %swap3A_691 = arith.constant 48 : index
    %swap3A_692 = tpu.vector_load %arg12[%swap3A_690, %swap3A_691] {strides = array<i32>} : memref<8x256xf32, #tpu.memory_space<vmem>>, vector<1x16xf32>,
    %swap3A_693 = vector.shape_cast %swap3A_692 : vector<1x16xf32> to vector<16xf32>
    %swap3A_694 = vector.shape_cast %broadcast_in_dim3A_74 : vector<16xf32> to vector<1x16xf32>
    tpu.vector_store %arg12[%swap3A_690, %swap3A_691], %swap3A_694 {strides = array<i32>} : memref<8x256xf32, #tpu.memory_space<vmem>>, vector<1x16xf32>,
    %swap3A_695 = arith.constant 6 : i32
    %swap3A_696 = arith.index_cast %swap3A_695 : i32 to index
    %swap3A_697 = arith.constant 176 : index
    %swap3A_698 = tpu.vector_load %arg12[%swap3A_696, %swap3A_697] {strides = array<i32>} : memref<8x256xf32, #tpu.memory_space<vmem>>, vector<1x16xf32>,
    %swap3A_699 = vector.shape_cast %swap3A_698 : vector<1x16xf32> to vector<16xf32>
    %swap3A_700 = vector.shape_cast %broadcast_in_dim3A_76 : vector<16xf32> to vector<1x16xf32>
    tpu.vector_store %arg12[%swap3A_696, %swap3A_697], %swap3A_700 {strides = array<i32>} : memref<8x256xf32, #tpu.memory_space<vmem>>, vector<1x16xf32>,
    %swap3A_701 = arith.constant 6 : i32
    %swap3A_702 = arith.index_cast %swap3A_701 : i32 to index
    %swap3A_703 = arith.constant 64 : index
    %swap3A_704 = tpu.vector_load %arg12[%swap3A_702, %swap3A_703] {strides = array<i32>} : memref<8x256xf32, #tpu.memory_space<vmem>>, vector<1x16xf32>,
    %swap3A_705 = vector.shape_cast %swap3A_704 : vector<1x16xf32> to vector<16xf32>
    %swap3A_706 = vector.shape_cast %broadcast_in_dim3A_74 : vector<16xf32> to vector<1x16xf32>
    tpu.vector_store %arg12[%swap3A_702, %swap3A_703], %swap3A_706 {strides = array<i32>} : memref<8x256xf32, #tpu.memory_space<vmem>>, vector<1x16xf32>,
    %swap3A_707 = arith.constant 6 : i32
    %swap3A_708 = arith.index_cast %swap3A_707 : i32 to index
    %swap3A_709 = arith.constant 192 : index
    %swap3A_710 = tpu.vector_load %arg12[%swap3A_708, %swap3A_709] {strides = array<i32>} : memref<8x256xf32, #tpu.memory_space<vmem>>, vector<1x16xf32>,
    %swap3A_711 = vector.shape_cast %swap3A_710 : vector<1x16xf32> to vector<16xf32>
    %swap3A_712 = vector.shape_cast %broadcast_in_dim3A_76 : vector<16xf32> to vector<1x16xf32>
    tpu.vector_store %arg12[%swap3A_708, %swap3A_709], %swap3A_712 {strides = array<i32>} : memref<8x256xf32, #tpu.memory_space<vmem>>, vector<1x16xf32>,
    %swap3A_713 = arith.constant 6 : i32
    %swap3A_714 = arith.index_cast %swap3A_713 : i32 to index
    %swap3A_715 = arith.constant 80 : index
    %swap3A_716 = tpu.vector_load %arg12[%swap3A_714, %swap3A_715] {strides = array<i32>} : memref<8x256xf32, #tpu.memory_space<vmem>>, vector<1x16xf32>,
    %swap3A_717 = vector.shape_cast %swap3A_716 : vector<1x16xf32> to vector<16xf32>
    %swap3A_718 = vector.shape_cast %broadcast_in_dim3A_74 : vector<16xf32> to vector<1x16xf32>
    tpu.vector_store %arg12[%swap3A_714, %swap3A_715], %swap3A_718 {strides = array<i32>} : memref<8x256xf32, #tpu.memory_space<vmem>>, vector<1x16xf32>,
    %swap3A_719 = arith.constant 6 : i32
    %swap3A_720 = arith.index_cast %swap3A_719 : i32 to index
    %swap3A_721 = arith.constant 208 : index
    %swap3A_722 = tpu.vector_load %arg12[%swap3A_720, %swap3A_721] {strides = array<i32>} : memref<8x256xf32, #tpu.memory_space<vmem>>, vector<1x16xf32>,
    %swap3A_723 = vector.shape_cast %swap3A_722 : vector<1x16xf32> to vector<16xf32>
    %swap3A_724 = vector.shape_cast %broadcast_in_dim3A_76 : vector<16xf32> to vector<1x16xf32>
    tpu.vector_store %arg12[%swap3A_720, %swap3A_721], %swap3A_724 {strides = array<i32>} : memref<8x256xf32, #tpu.memory_space<vmem>>, vector<1x16xf32>,
    %swap3A_725 = arith.constant 6 : i32
    %swap3A_726 = arith.index_cast %swap3A_725 : i32 to index
    %swap3A_727 = arith.constant 96 : index
    %swap3A_728 = tpu.vector_load %arg12[%swap3A_726, %swap3A_727] {strides = array<i32>} : memref<8x256xf32, #tpu.memory_space<vmem>>, vector<1x16xf32>,
    %swap3A_729 = vector.shape_cast %swap3A_728 : vector<1x16xf32> to vector<16xf32>
    %swap3A_730 = vector.shape_cast %broadcast_in_dim3A_74 : vector<16xf32> to vector<1x16xf32>
    tpu.vector_store %arg12[%swap3A_726, %swap3A_727], %swap3A_730 {strides = array<i32>} : memref<8x256xf32, #tpu.memory_space<vmem>>, vector<1x16xf32>,
    %swap3A_731 = arith.constant 6 : i32
    %swap3A_732 = arith.index_cast %swap3A_731 : i32 to index
    %swap3A_733 = arith.constant 224 : index
    %swap3A_734 = tpu.vector_load %arg12[%swap3A_732, %swap3A_733] {strides = array<i32>} : memref<8x256xf32, #tpu.memory_space<vmem>>, vector<1x16xf32>,
    %swap3A_735 = vector.shape_cast %swap3A_734 : vector<1x16xf32> to vector<16xf32>
    %swap3A_736 = vector.shape_cast %broadcast_in_dim3A_76 : vector<16xf32> to vector<1x16xf32>
    tpu.vector_store %arg12[%swap3A_732, %swap3A_733], %swap3A_736 {strides = array<i32>} : memref<8x256xf32, #tpu.memory_space<vmem>>, vector<1x16xf32>,
    %swap3A_737 = arith.constant 6 : i32
    %swap3A_738 = arith.index_cast %swap3A_737 : i32 to index
    %swap3A_739 = arith.constant 112 : index
    %swap3A_740 = tpu.vector_load %arg12[%swap3A_738, %swap3A_739] {strides = array<i32>} : memref<8x256xf32, #tpu.memory_space<vmem>>, vector<1x16xf32>,
    %swap3A_741 = vector.shape_cast %swap3A_740 : vector<1x16xf32> to vector<16xf32>
    %swap3A_742 = vector.shape_cast %broadcast_in_dim3A_74 : vector<16xf32> to vector<1x16xf32>
    tpu.vector_store %arg12[%swap3A_738, %swap3A_739], %swap3A_742 {strides = array<i32>} : memref<8x256xf32, #tpu.memory_space<vmem>>, vector<1x16xf32>,
    %swap3A_743 = arith.constant 6 : i32
    %swap3A_744 = arith.index_cast %swap3A_743 : i32 to index
    %swap3A_745 = arith.constant 240 : index
    %swap3A_746 = tpu.vector_load %arg12[%swap3A_744, %swap3A_745] {strides = array<i32>} : memref<8x256xf32, #tpu.memory_space<vmem>>, vector<1x16xf32>,
    %swap3A_747 = vector.shape_cast %swap3A_746 : vector<1x16xf32> to vector<16xf32>
    %swap3A_748 = vector.shape_cast %broadcast_in_dim3A_76 : vector<16xf32> to vector<1x16xf32>
    tpu.vector_store %arg12[%swap3A_744, %swap3A_745], %swap3A_748 {strides = array<i32>} : memref<8x256xf32, #tpu.memory_space<vmem>>, vector<1x16xf32>,
    %swap3A_749 = arith.constant 7 : i32
    %swap3A_750 = arith.index_cast %swap3A_749 : i32 to index
    %swap3A_751 = arith.constant 0 : index
    %swap3A_752 = tpu.vector_load %arg12[%swap3A_750, %swap3A_751] {strides = array<i32>} : memref<8x256xf32, #tpu.memory_space<vmem>>, vector<1x16xf32>,
    %swap3A_753 = vector.shape_cast %swap3A_752 : vector<1x16xf32> to vector<16xf32>
    %swap3A_754 = vector.shape_cast %broadcast_in_dim3A_74 : vector<16xf32> to vector<1x16xf32>
    tpu.vector_store %arg12[%swap3A_750, %swap3A_751], %swap3A_754 {strides = array<i32>} : memref<8x256xf32, #tpu.memory_space<vmem>>, vector<1x16xf32>,
    %swap3A_755 = arith.constant 7 : i32
    %swap3A_756 = arith.index_cast %swap3A_755 : i32 to index
    %swap3A_757 = arith.constant 128 : index
    %swap3A_758 = tpu.vector_load %arg12[%swap3A_756, %swap3A_757] {strides = array<i32>} : memref<8x256xf32, #tpu.memory_space<vmem>>, vector<1x16xf32>,
    %swap3A_759 = vector.shape_cast %swap3A_758 : vector<1x16xf32> to vector<16xf32>
    %swap3A_760 = vector.shape_cast %broadcast_in_dim3A_76 : vector<16xf32> to vector<1x16xf32>
    tpu.vector_store %arg12[%swap3A_756, %swap3A_757], %swap3A_760 {strides = array<i32>} : memref<8x256xf32, #tpu.memory_space<vmem>>, vector<1x16xf32>,
    %swap3A_761 = arith.constant 7 : i32
    %swap3A_762 = arith.index_cast %swap3A_761 : i32 to index
    %swap3A_763 = arith.constant 16 : index
    %swap3A_764 = tpu.vector_load %arg12[%swap3A_762, %swap3A_763] {strides = array<i32>} : memref<8x256xf32, #tpu.memory_space<vmem>>, vector<1x16xf32>,
    %swap3A_765 = vector.shape_cast %swap3A_764 : vector<1x16xf32> to vector<16xf32>
    %swap3A_766 = vector.shape_cast %broadcast_in_dim3A_74 : vector<16xf32> to vector<1x16xf32>
    tpu.vector_store %arg12[%swap3A_762, %swap3A_763], %swap3A_766 {strides = array<i32>} : memref<8x256xf32, #tpu.memory_space<vmem>>, vector<1x16xf32>,
    %swap3A_767 = arith.constant 7 : i32
    %swap3A_768 = arith.index_cast %swap3A_767 : i32 to index
    %swap3A_769 = arith.constant 144 : index
    %swap3A_770 = tpu.vector_load %arg12[%swap3A_768, %swap3A_769] {strides = array<i32>} : memref<8x256xf32, #tpu.memory_space<vmem>>, vector<1x16xf32>,
    %swap3A_771 = vector.shape_cast %swap3A_770 : vector<1x16xf32> to vector<16xf32>
    %swap3A_772 = vector.shape_cast %broadcast_in_dim3A_76 : vector<16xf32> to vector<1x16xf32>
    tpu.vector_store %arg12[%swap3A_768, %swap3A_769], %swap3A_772 {strides = array<i32>} : memref<8x256xf32, #tpu.memory_space<vmem>>, vector<1x16xf32>,
    %swap3A_773 = arith.constant 7 : i32
    %swap3A_774 = arith.index_cast %swap3A_773 : i32 to index
    %swap3A_775 = arith.constant 32 : index
    %swap3A_776 = tpu.vector_load %arg12[%swap3A_774, %swap3A_775] {strides = array<i32>} : memref<8x256xf32, #tpu.memory_space<vmem>>, vector<1x16xf32>,
    %swap3A_777 = vector.shape_cast %swap3A_776 : vector<1x16xf32> to vector<16xf32>
    %swap3A_778 = vector.shape_cast %broadcast_in_dim3A_74 : vector<16xf32> to vector<1x16xf32>
    tpu.vector_store %arg12[%swap3A_774, %swap3A_775], %swap3A_778 {strides = array<i32>} : memref<8x256xf32, #tpu.memory_space<vmem>>, vector<1x16xf32>,
    %swap3A_779 = arith.constant 7 : i32
    %swap3A_780 = arith.index_cast %swap3A_779 : i32 to index
    %swap3A_781 = arith.constant 160 : index
    %swap3A_782 = tpu.vector_load %arg12[%swap3A_780, %swap3A_781] {strides = array<i32>} : memref<8x256xf32, #tpu.memory_space<vmem>>, vector<1x16xf32>,
    %swap3A_783 = vector.shape_cast %swap3A_782 : vector<1x16xf32> to vector<16xf32>
    %swap3A_784 = vector.shape_cast %broadcast_in_dim3A_76 : vector<16xf32> to vector<1x16xf32>
    tpu.vector_store %arg12[%swap3A_780, %swap3A_781], %swap3A_784 {strides = array<i32>} : memref<8x256xf32, #tpu.memory_space<vmem>>, vector<1x16xf32>,
    %swap3A_785 = arith.constant 7 : i32
    %swap3A_786 = arith.index_cast %swap3A_785 : i32 to index
    %swap3A_787 = arith.constant 48 : index
    %swap3A_788 = tpu.vector_load %arg12[%swap3A_786, %swap3A_787] {strides = array<i32>} : memref<8x256xf32, #tpu.memory_space<vmem>>, vector<1x16xf32>,
    %swap3A_789 = vector.shape_cast %swap3A_788 : vector<1x16xf32> to vector<16xf32>
    %swap3A_790 = vector.shape_cast %broadcast_in_dim3A_74 : vector<16xf32> to vector<1x16xf32>
    tpu.vector_store %arg12[%swap3A_786, %swap3A_787], %swap3A_790 {strides = array<i32>} : memref<8x256xf32, #tpu.memory_space<vmem>>, vector<1x16xf32>,
    %swap3A_791 = arith.constant 7 : i32
    %swap3A_792 = arith.index_cast %swap3A_791 : i32 to index
    %swap3A_793 = arith.constant 176 : index
    %swap3A_794 = tpu.vector_load %arg12[%swap3A_792, %swap3A_793] {strides = array<i32>} : memref<8x256xf32, #tpu.memory_space<vmem>>, vector<1x16xf32>,
    %swap3A_795 = vector.shape_cast %swap3A_794 : vector<1x16xf32> to vector<16xf32>
    %swap3A_796 = vector.shape_cast %broadcast_in_dim3A_76 : vector<16xf32> to vector<1x16xf32>
    tpu.vector_store %arg12[%swap3A_792, %swap3A_793], %swap3A_796 {strides = array<i32>} : memref<8x256xf32, #tpu.memory_space<vmem>>, vector<1x16xf32>,
    %swap3A_797 = arith.constant 7 : i32
    %swap3A_798 = arith.index_cast %swap3A_797 : i32 to index
    %swap3A_799 = arith.constant 64 : index
    %swap3A_800 = tpu.vector_load %arg12[%swap3A_798, %swap3A_799] {strides = array<i32>} : memref<8x256xf32, #tpu.memory_space<vmem>>, vector<1x16xf32>,
    %swap3A_801 = vector.shape_cast %swap3A_800 : vector<1x16xf32> to vector<16xf32>
    %swap3A_802 = vector.shape_cast %broadcast_in_dim3A_74 : vector<16xf32> to vector<1x16xf32>
    tpu.vector_store %arg12[%swap3A_798, %swap3A_799], %swap3A_802 {strides = array<i32>} : memref<8x256xf32, #tpu.memory_space<vmem>>, vector<1x16xf32>,
    %swap3A_803 = arith.constant 7 : i32
    %swap3A_804 = arith.index_cast %swap3A_803 : i32 to index
    %swap3A_805 = arith.constant 192 : index
    %swap3A_806 = tpu.vector_load %arg12[%swap3A_804, %swap3A_805] {strides = array<i32>} : memref<8x256xf32, #tpu.memory_space<vmem>>, vector<1x16xf32>,
    %swap3A_807 = vector.shape_cast %swap3A_806 : vector<1x16xf32> to vector<16xf32>
    %swap3A_808 = vector.shape_cast %broadcast_in_dim3A_76 : vector<16xf32> to vector<1x16xf32>
    tpu.vector_store %arg12[%swap3A_804, %swap3A_805], %swap3A_808 {strides = array<i32>} : memref<8x256xf32, #tpu.memory_space<vmem>>, vector<1x16xf32>,
    %swap3A_809 = arith.constant 7 : i32
    %swap3A_810 = arith.index_cast %swap3A_809 : i32 to index
    %swap3A_811 = arith.constant 80 : index
    %swap3A_812 = tpu.vector_load %arg12[%swap3A_810, %swap3A_811] {strides = array<i32>} : memref<8x256xf32, #tpu.memory_space<vmem>>, vector<1x16xf32>,
    %swap3A_813 = vector.shape_cast %swap3A_812 : vector<1x16xf32> to vector<16xf32>
    %swap3A_814 = vector.shape_cast %broadcast_in_dim3A_74 : vector<16xf32> to vector<1x16xf32>
    tpu.vector_store %arg12[%swap3A_810, %swap3A_811], %swap3A_814 {strides = array<i32>} : memref<8x256xf32, #tpu.memory_space<vmem>>, vector<1x16xf32>,
    %swap3A_815 = arith.constant 7 : i32
    %swap3A_816 = arith.index_cast %swap3A_815 : i32 to index
    %swap3A_817 = arith.constant 208 : index
    %swap3A_818 = tpu.vector_load %arg12[%swap3A_816, %swap3A_817] {strides = array<i32>} : memref<8x256xf32, #tpu.memory_space<vmem>>, vector<1x16xf32>,
    %swap3A_819 = vector.shape_cast %swap3A_818 : vector<1x16xf32> to vector<16xf32>
    %swap3A_820 = vector.shape_cast %broadcast_in_dim3A_76 : vector<16xf32> to vector<1x16xf32>
    tpu.vector_store %arg12[%swap3A_816, %swap3A_817], %swap3A_820 {strides = array<i32>} : memref<8x256xf32, #tpu.memory_space<vmem>>, vector<1x16xf32>,
    %swap3A_821 = arith.constant 7 : i32
    %swap3A_822 = arith.index_cast %swap3A_821 : i32 to index
    %swap3A_823 = arith.constant 96 : index
    %swap3A_824 = tpu.vector_load %arg12[%swap3A_822, %swap3A_823] {strides = array<i32>} : memref<8x256xf32, #tpu.memory_space<vmem>>, vector<1x16xf32>,
    %swap3A_825 = vector.shape_cast %swap3A_824 : vector<1x16xf32> to vector<16xf32>
    %swap3A_826 = vector.shape_cast %broadcast_in_dim3A_74 : vector<16xf32> to vector<1x16xf32>
    tpu.vector_store %arg12[%swap3A_822, %swap3A_823], %swap3A_826 {strides = array<i32>} : memref<8x256xf32, #tpu.memory_space<vmem>>, vector<1x16xf32>,
    %swap3A_827 = arith.constant 7 : i32
    %swap3A_828 = arith.index_cast %swap3A_827 : i32 to index
    %swap3A_829 = arith.constant 224 : index
    %swap3A_830 = tpu.vector_load %arg12[%swap3A_828, %swap3A_829] {strides = array<i32>} : memref<8x256xf32, #tpu.memory_space<vmem>>, vector<1x16xf32>,
    %swap3A_831 = vector.shape_cast %swap3A_830 : vector<1x16xf32> to vector<16xf32>
    %swap3A_832 = vector.shape_cast %broadcast_in_dim3A_76 : vector<16xf32> to vector<1x16xf32>
    tpu.vector_store %arg12[%swap3A_828, %swap3A_829], %swap3A_832 {strides = array<i32>} : memref<8x256xf32, #tpu.memory_space<vmem>>, vector<1x16xf32>,
    %swap3A_833 = arith.constant 7 : i32
    %swap3A_834 = arith.index_cast %swap3A_833 : i32 to index
    %swap3A_835 = arith.constant 112 : index
    %swap3A_836 = tpu.vector_load %arg12[%swap3A_834, %swap3A_835] {strides = array<i32>} : memref<8x256xf32, #tpu.memory_space<vmem>>, vector<1x16xf32>,
    %swap3A_837 = vector.shape_cast %swap3A_836 : vector<1x16xf32> to vector<16xf32>
    %swap3A_838 = vector.shape_cast %broadcast_in_dim3A_74 : vector<16xf32> to vector<1x16xf32>
    tpu.vector_store %arg12[%swap3A_834, %swap3A_835], %swap3A_838 {strides = array<i32>} : memref<8x256xf32, #tpu.memory_space<vmem>>, vector<1x16xf32>,
    %swap3A_839 = arith.constant 7 : i32
    %swap3A_840 = arith.index_cast %swap3A_839 : i32 to index
    %swap3A_841 = arith.constant 240 : index
    %swap3A_842 = tpu.vector_load %arg12[%swap3A_840, %swap3A_841] {strides = array<i32>} : memref<8x256xf32, #tpu.memory_space<vmem>>, vector<1x16xf32>,
    %swap3A_843 = vector.shape_cast %swap3A_842 : vector<1x16xf32> to vector<16xf32>
    %swap3A_844 = vector.shape_cast %broadcast_in_dim3A_76 : vector<16xf32> to vector<1x16xf32>
    tpu.vector_store %arg12[%swap3A_840, %swap3A_841], %swap3A_844 {strides = array<i32>} : memref<8x256xf32, #tpu.memory_space<vmem>>, vector<1x16xf32>,
    %gt3A = arith.constant 0 : i32
    %gt3A_845 = arith.cmpi sgt, %select_n3A, %gt3A : i32
    %convert_element_type3A = arith.extui %gt3A_845 : i1 to i32
    %cond3A = arith.constant 0 : i32
    %cond3A_846 = arith.cmpi ne, %convert_element_type3A, %cond3A : i32
    scf.if %cond3A_846 {
      %add3A_892 = arith.constant 0 : i32
      %add3A_893 = arith.addi %squeeze3A, %add3A_892 : i32
      %min3A = arith.constant 319872 : i32
      %min3A_894 = arith.minsi %add3A_893, %min3A : i32
      %mul3A_895 = arith.constant 128 : i32
      %mul3A_896 = arith.muli %min3A_894, %mul3A_895 : i32
      %dma_start3A = arith.constant 0 : i32
      %dma_start3A_897 = tpu.memref_slice %arg7[%dma_start3A] : memref<65536xf32, #tpu.memory_space<vmem>> -> memref<16384xf32, #tpu.memory_space<vmem>>
      %dma_start3A_898 = tpu.memref_slice %arg2[%mul3A_896] : memref<40960000xf32, #tpu.memory_space<hbm>> -> memref<16384xf32, #tpu.memory_space<hbm>>
      %dma_start3A_899 = arith.constant 0 : i32
      %dma_start3A_900 = tpu.memref_slice %arg7[%dma_start3A_899] : memref<65536xf32, #tpu.memory_space<vmem>> -> memref<16384xf32, #tpu.memory_space<vmem>>
      %dma_start3A_901 = tpu.memref_slice %arg2[%mul3A_896] : memref<40960000xf32, #tpu.memory_space<hbm>> -> memref<16384xf32, #tpu.memory_space<hbm>>
      tpu.enqueue_dma source(%dma_start3A_901 : memref<16384xf32, #tpu.memory_space<hbm>>) target(%dma_start3A_900 : memref<16384xf32, #tpu.memory_space<vmem>>) target_semaphore(%arg14 : memref<!tpu.dma_semaphore, #tpu.memory_space<semaphore_mem>>)
    } else {
    }
    %gt3A_847 = arith.constant 1 : i32
    %gt3A_848 = arith.cmpi sgt, %select_n3A, %gt3A_847 : i32
    %convert_element_type3A_849 = arith.extui %gt3A_848 : i1 to i32
    %cond3A_850 = arith.constant 0 : i32
    %cond3A_851 = arith.cmpi ne, %convert_element_type3A_849, %cond3A_850 : i32
    scf.if %cond3A_851 {
      %add3A_892 = arith.constant 128 : i32
      %add3A_893 = arith.addi %squeeze3A, %add3A_892 : i32
      %min3A = arith.constant 319872 : i32
      %min3A_894 = arith.minsi %add3A_893, %min3A : i32
      %mul3A_895 = arith.constant 128 : i32
      %mul3A_896 = arith.muli %min3A_894, %mul3A_895 : i32
      %dma_start3A = arith.constant 16384 : i32
      %dma_start3A_897 = tpu.memref_slice %arg7[%dma_start3A] : memref<65536xf32, #tpu.memory_space<vmem>> -> memref<16384xf32, #tpu.memory_space<vmem>>
      %dma_start3A_898 = tpu.memref_slice %arg2[%mul3A_896] : memref<40960000xf32, #tpu.memory_space<hbm>> -> memref<16384xf32, #tpu.memory_space<hbm>>
      %dma_start3A_899 = arith.constant 16384 : i32
      %dma_start3A_900 = tpu.memref_slice %arg7[%dma_start3A_899] : memref<65536xf32, #tpu.memory_space<vmem>> -> memref<16384xf32, #tpu.memory_space<vmem>>
      %dma_start3A_901 = tpu.memref_slice %arg2[%mul3A_896] : memref<40960000xf32, #tpu.memory_space<hbm>> -> memref<16384xf32, #tpu.memory_space<hbm>>
      tpu.enqueue_dma source(%dma_start3A_901 : memref<16384xf32, #tpu.memory_space<hbm>>) target(%dma_start3A_900 : memref<16384xf32, #tpu.memory_space<vmem>>) target_semaphore(%arg15 : memref<!tpu.dma_semaphore, #tpu.memory_space<semaphore_mem>>)
    } else {
    }
    %gt3A_852 = arith.constant 2 : i32
    %gt3A_853 = arith.cmpi sgt, %select_n3A, %gt3A_852 : i32
    %convert_element_type3A_854 = arith.extui %gt3A_853 : i1 to i32
    %cond3A_855 = arith.constant 0 : i32
    %cond3A_856 = arith.cmpi ne, %convert_element_type3A_854, %cond3A_855 : i32
    scf.if %cond3A_856 {
      %add3A_892 = arith.constant 256 : i32
      %add3A_893 = arith.addi %squeeze3A, %add3A_892 : i32
      %min3A = arith.constant 319872 : i32
      %min3A_894 = arith.minsi %add3A_893, %min3A : i32
      %mul3A_895 = arith.constant 128 : i32
      %mul3A_896 = arith.muli %min3A_894, %mul3A_895 : i32
      %dma_start3A = arith.constant 32768 : i32
      %dma_start3A_897 = tpu.memref_slice %arg7[%dma_start3A] : memref<65536xf32, #tpu.memory_space<vmem>> -> memref<16384xf32, #tpu.memory_space<vmem>>
      %dma_start3A_898 = tpu.memref_slice %arg2[%mul3A_896] : memref<40960000xf32, #tpu.memory_space<hbm>> -> memref<16384xf32, #tpu.memory_space<hbm>>
      %dma_start3A_899 = arith.constant 32768 : i32
      %dma_start3A_900 = tpu.memref_slice %arg7[%dma_start3A_899] : memref<65536xf32, #tpu.memory_space<vmem>> -> memref<16384xf32, #tpu.memory_space<vmem>>
      %dma_start3A_901 = tpu.memref_slice %arg2[%mul3A_896] : memref<40960000xf32, #tpu.memory_space<hbm>> -> memref<16384xf32, #tpu.memory_space<hbm>>
      tpu.enqueue_dma source(%dma_start3A_901 : memref<16384xf32, #tpu.memory_space<hbm>>) target(%dma_start3A_900 : memref<16384xf32, #tpu.memory_space<vmem>>) target_semaphore(%arg16 : memref<!tpu.dma_semaphore, #tpu.memory_space<semaphore_mem>>)
    } else {
    }
    %add3A_857 = arith.constant 3 : i32
    %add3A_858 = arith.addi %select_n3A, %add3A_857 : i32
    %jit3A_859 = arith.constant 4 : i32
    %div3A_860 = arith.divsi %add3A_858, %jit3A_859 : i32
    %sign3A_861 = arith.constant 0 : i32
    %sign3A_862 = arith.cmpi sgt, %add3A_858, %sign3A_861 : i32
    %sign3A_863 = arith.extui %sign3A_862 : i1 to i32
    %sign3A_864 = arith.constant 0 : i32
    %sign3A_865 = arith.cmpi slt, %add3A_858, %sign3A_864 : i32
    %sign3A_866 = arith.extui %sign3A_865 : i1 to i32
    %sign3A_867 = arith.subi %sign3A_863, %sign3A_866 : i32
    %sign3A_868 = arith.constant 0 : i32
    %sign3A_869 = arith.cmpi sgt, %jit3A_859, %sign3A_868 : i32
    %sign3A_870 = arith.extui %sign3A_869 : i1 to i32
    %sign3A_871 = arith.constant 0 : i32
    %sign3A_872 = arith.cmpi slt, %jit3A_859, %sign3A_871 : i32
    %sign3A_873 = arith.extui %sign3A_872 : i1 to i32
    %sign3A_874 = arith.subi %sign3A_870, %sign3A_873 : i32
    %ne3A_875 = arith.cmpi ne, %sign3A_867, %sign3A_874 : i32
    %rem3A_876 = arith.remsi %add3A_858, %jit3A_859 : i32
    %ne3A_877 = arith.constant 0 : i32
    %ne3A_878 = arith.cmpi ne, %rem3A_876, %ne3A_877 : i32
    %and3A_879 = arith.andi %ne3A_875, %ne3A_878 : i1
    %sub3A_880 = arith.constant 1 : i32
    %sub3A_881 = arith.subi %div3A_860, %sub3A_880 : i32
    %select_n3A_882 = arith.select %and3A_879, %sub3A_881, %div3A_860 : i32
    %while3A = arith.constant 0 : i32
    %while3A_883 = arith.constant 0 : i32
    %while3A_884 = arith.subi %select_n3A_882, %while3A_883 : i32
    %while3A_885 = arith.addi %while3A_883, %while3A_884 : i32
    %while3A_886 = arith.constant 1 : i32
    %while3A_887 = arith.divsi %while3A_884, %while3A_886 : i32
    %while3A_888 = arith.muli %while3A_887, %while3A_886 : i32
    %while3A_889 = arith.addi %while3A_883, %while3A_888 : i32
    %while3A_890 = arith.constant 1 : i32
    scf.for %while3A_892 = %while3A_883 to %while3A_889 step %while3A_890  : i32 {
      %mul3A_893 = arith.constant 4 : i32
      %mul3A_894 = arith.muli %mul3A_893, %while3A_892 : i32
      %add3A_895 = arith.constant 0 : i32
      %add3A_896 = arith.addi %mul3A_894, %add3A_895 : i32
      %add3A_897 = arith.constant 3 : i32
      %add3A_898 = arith.addi %add3A_896, %add3A_897 : i32
      %lt3A = arith.cmpi slt, %add3A_898, %select_n3A : i32
      %convert_element_type3A_899 = arith.extui %lt3A : i1 to i32
      %cond3A_900 = arith.constant 0 : i32
      %cond3A_901 = arith.cmpi ne, %convert_element_type3A_899, %cond3A_900 : i32
      scf.if %cond3A_901 {
        %mul3A_997 = arith.constant 128 : i32
        %mul3A_998 = arith.muli %add3A_898, %mul3A_997 : i32
        %add3A_999 = arith.addi %squeeze3A, %mul3A_998 : i32
        %min3A_1000 = arith.constant 319872 : i32
        %min3A_1001 = arith.minsi %add3A_999, %min3A_1000 : i32
        %mul3A_1002 = arith.constant 128 : i32
        %mul3A_1003 = arith.muli %min3A_1001, %mul3A_1002 : i32
        %dma_start3A = arith.constant 49152 : i32
        %dma_start3A_1004 = tpu.memref_slice %arg7[%dma_start3A] : memref<65536xf32, #tpu.memory_space<vmem>> -> memref<16384xf32, #tpu.memory_space<vmem>>
        %dma_start3A_1005 = tpu.memref_slice %arg2[%mul3A_1003] : memref<40960000xf32, #tpu.memory_space<hbm>> -> memref<16384xf32, #tpu.memory_space<hbm>>
        %dma_start3A_1006 = arith.constant 49152 : i32
        %dma_start3A_1007 = tpu.memref_slice %arg7[%dma_start3A_1006] : memref<65536xf32, #tpu.memory_space<vmem>> -> memref<16384xf32, #tpu.memory_space<vmem>>
        %dma_start3A_1008 = tpu.memref_slice %arg2[%mul3A_1003] : memref<40960000xf32, #tpu.memory_space<hbm>> -> memref<16384xf32, #tpu.memory_space<hbm>>
        tpu.enqueue_dma source(%dma_start3A_1008 : memref<16384xf32, #tpu.memory_space<hbm>>) target(%dma_start3A_1007 : memref<16384xf32, #tpu.memory_space<vmem>>) target_semaphore(%arg17 : memref<!tpu.dma_semaphore, #tpu.memory_space<semaphore_mem>>)
      } else {
      }
      %add3A_902 = arith.constant 0 : i32
      %add3A_903 = arith.addi %mul3A_894, %add3A_902 : i32
      %mul3A_904 = arith.constant 128 : i32
      %mul3A_905 = arith.muli %add3A_903, %mul3A_904 : i32
      %add3A_906 = arith.addi %squeeze3A, %mul3A_905 : i32
      %min3A = arith.constant 319872 : i32
      %min3A_907 = arith.minsi %add3A_906, %min3A : i32
      %sub3A_908 = arith.subi %add3A_906, %min3A_907 : i32
      %lt3A_909 = arith.cmpi slt, %add3A_903, %select_n3A : i32
      %convert_element_type3A_910 = arith.extui %lt3A_909 : i1 to i32
      %cond3A_911 = arith.constant 0 : i32
      %cond3A_912 = arith.cmpi ne, %convert_element_type3A_910, %cond3A_911 : i32
      scf.if %cond3A_912 {
        %dma_wait3A = arith.constant 0 : i32
        %dma_wait3A_997 = tpu.memref_slice %arg7[%dma_wait3A] : memref<65536xf32, #tpu.memory_space<vmem>> -> memref<16384xf32, #tpu.memory_space<vmem>>
        %dma_wait3A_998 = arith.constant 0 : i32
        %dma_wait3A_999 = tpu.memref_slice %arg2[%dma_wait3A_998] : memref<40960000xf32, #tpu.memory_space<hbm>> -> memref<16384xf32, #tpu.memory_space<hbm>>
        %dma_wait3A_1000 = arith.constant 0 : i32
        %dma_wait3A_1001 = tpu.memref_slice %arg7[%dma_wait3A_1000] : memref<65536xf32, #tpu.memory_space<vmem>> -> memref<16384xf32, #tpu.memory_space<vmem>>
        %dma_wait3A_1002 = arith.constant 0 : i32
        %dma_wait3A_1003 = tpu.memref_slice %arg2[%dma_wait3A_1002] : memref<40960000xf32, #tpu.memory_space<hbm>> -> memref<16384xf32, #tpu.memory_space<hbm>>
        tpu.wait_dma2 semaphore(%arg14 : memref<!tpu.dma_semaphore, #tpu.memory_space<semaphore_mem>>) src(%dma_wait3A_1003 : memref<16384xf32, #tpu.memory_space<hbm>>) dst(%dma_wait3A_1001 : memref<16384xf32, #tpu.memory_space<vmem>>)
      } else {
      }
      %scan3A_913 = arith.constant 0 : i32
      %scan3A_914 = arith.constant 0 : i32
      %scan3A_915 = arith.constant 8 : i32
      %scan3A_916 = arith.addi %scan3A_914, %scan3A_915 : i32
      %scan3A_917 = arith.constant 1 : i32
      scf.for %scan3A_997 = %scan3A_914 to %scan3A_916 step %scan3A_917  : i32 {
        %get3A_998 = arith.index_cast %scan3A_997 : i32 to index
        %get3A_999 = tpu.vector_load %arg10[%get3A_998] {strides = array<i32>} : memref<32xi32, #tpu.memory_space<vmem>>, vector<16xi32>,
        %get3A_1000 = vector.shape_cast %get3A_999 : vector<16xi32> to vector<16xi32>
        %slice3A_1001 = vector.extract_strided_slice %get3A_1000 {offsets = [0], sizes = [1], strides = [1]} : vector<16xi32> to vector<1xi32>
        %squeeze3A_1002 = vector.extract %slice3A_1001[0] : i32 from vector<1xi32>
        %add3A_1003 = arith.constant 1 : i32
        %add3A_1004 = arith.addi %scan3A_997, %add3A_1003 : i32
        %get3A_1005 = arith.index_cast %add3A_1004 : i32 to index
        %get3A_1006 = tpu.vector_load %arg10[%get3A_1005] {strides = array<i32>} : memref<32xi32, #tpu.memory_space<vmem>>, vector<16xi32>,
        %get3A_1007 = vector.shape_cast %get3A_1006 : vector<16xi32> to vector<16xi32>
        %slice3A_1008 = vector.extract_strided_slice %get3A_1007 {offsets = [0], sizes = [1], strides = [1]} : vector<16xi32> to vector<1xi32>
        %squeeze3A_1009 = vector.extract %slice3A_1008[0] : i32 from vector<1xi32>
        %max3A = arith.maxsi %squeeze3A_1002, %add3A_906 : i32
        %add3A_1010 = arith.constant 128 : i32
        %add3A_1011 = arith.addi %add3A_906, %add3A_1010 : i32
        %min3A_1012 = arith.minsi %squeeze3A_1009, %add3A_1011 : i32
        %sub3A_1013 = arith.subi %min3A_1012, %max3A : i32
        %sub3A_1014 = arith.subi %max3A, %add3A_906 : i32
        %add3A_1015 = arith.addi %sub3A_908, %sub3A_1014 : i32
        %mul3A_1016 = arith.constant 128 : i32
        %mul3A_1017 = arith.muli %add3A_1015, %mul3A_1016 : i32
        %add3A_1018 = arith.constant 0 : i32
        %add3A_1019 = arith.addi %add3A_1018, %mul3A_1017 : i32
        %gt3A_1020 = arith.constant 0 : i32
        %gt3A_1021 = arith.cmpi sgt, %sub3A_1013, %gt3A_1020 : i32
        %convert_element_type3A_1022 = arith.extui %gt3A_1021 : i1 to i32
        %cond3A_1023 = arith.constant 0 : i32
        %cond3A_1024 = arith.cmpi ne, %convert_element_type3A_1022, %cond3A_1023 : i32
        scf.if %cond3A_1024 {
          %get3A_1025 = arith.index_cast %scan3A_997 : i32 to index
          %get3A_1026 = arith.constant 0 : index
          %get3A_1027 = tpu.vector_load %arg12[%get3A_1025, %get3A_1026] {strides = array<i32>} : memref<8x256xf32, #tpu.memory_space<vmem>>, vector<1x16xf32>,
          %get3A_1028 = vector.shape_cast %get3A_1027 : vector<1x16xf32> to vector<16xf32>
          %get3A_1029 = arith.index_cast %scan3A_997 : i32 to index
          %get3A_1030 = arith.constant 16 : index
          %get3A_1031 = tpu.vector_load %arg12[%get3A_1029, %get3A_1030] {strides = array<i32>} : memref<8x256xf32, #tpu.memory_space<vmem>>, vector<1x16xf32>,
          %get3A_1032 = vector.shape_cast %get3A_1031 : vector<1x16xf32> to vector<16xf32>
          %get3A_1033 = arith.index_cast %scan3A_997 : i32 to index
          %get3A_1034 = arith.constant 32 : index
          %get3A_1035 = tpu.vector_load %arg12[%get3A_1033, %get3A_1034] {strides = array<i32>} : memref<8x256xf32, #tpu.memory_space<vmem>>, vector<1x16xf32>,
          %get3A_1036 = vector.shape_cast %get3A_1035 : vector<1x16xf32> to vector<16xf32>
          %get3A_1037 = arith.index_cast %scan3A_997 : i32 to index
          %get3A_1038 = arith.constant 48 : index
          %get3A_1039 = tpu.vector_load %arg12[%get3A_1037, %get3A_1038] {strides = array<i32>} : memref<8x256xf32, #tpu.memory_space<vmem>>, vector<1x16xf32>,
          %get3A_1040 = vector.shape_cast %get3A_1039 : vector<1x16xf32> to vector<16xf32>
          %get3A_1041 = arith.index_cast %scan3A_997 : i32 to index
          %get3A_1042 = arith.constant 64 : index
          %get3A_1043 = tpu.vector_load %arg12[%get3A_1041, %get3A_1042] {strides = array<i32>} : memref<8x256xf32, #tpu.memory_space<vmem>>, vector<1x16xf32>,
          %get3A_1044 = vector.shape_cast %get3A_1043 : vector<1x16xf32> to vector<16xf32>
          %get3A_1045 = arith.index_cast %scan3A_997 : i32 to index
          %get3A_1046 = arith.constant 80 : index
          %get3A_1047 = tpu.vector_load %arg12[%get3A_1045, %get3A_1046] {strides = array<i32>} : memref<8x256xf32, #tpu.memory_space<vmem>>, vector<1x16xf32>,
          %get3A_1048 = vector.shape_cast %get3A_1047 : vector<1x16xf32> to vector<16xf32>
          %get3A_1049 = arith.index_cast %scan3A_997 : i32 to index
          %get3A_1050 = arith.constant 96 : index
          %get3A_1051 = tpu.vector_load %arg12[%get3A_1049, %get3A_1050] {strides = array<i32>} : memref<8x256xf32, #tpu.memory_space<vmem>>, vector<1x16xf32>,
          %get3A_1052 = vector.shape_cast %get3A_1051 : vector<1x16xf32> to vector<16xf32>
          %get3A_1053 = arith.index_cast %scan3A_997 : i32 to index
          %get3A_1054 = arith.constant 112 : index
          %get3A_1055 = tpu.vector_load %arg12[%get3A_1053, %get3A_1054] {strides = array<i32>} : memref<8x256xf32, #tpu.memory_space<vmem>>, vector<1x16xf32>,
          %get3A_1056 = vector.shape_cast %get3A_1055 : vector<1x16xf32> to vector<16xf32>
          %get3A_1057 = arith.index_cast %scan3A_997 : i32 to index
          %get3A_1058 = arith.constant 128 : index
          %get3A_1059 = tpu.vector_load %arg12[%get3A_1057, %get3A_1058] {strides = array<i32>} : memref<8x256xf32, #tpu.memory_space<vmem>>, vector<1x16xf32>,
          %get3A_1060 = vector.shape_cast %get3A_1059 : vector<1x16xf32> to vector<16xf32>
          %get3A_1061 = arith.index_cast %scan3A_997 : i32 to index
          %get3A_1062 = arith.constant 144 : index
          %get3A_1063 = tpu.vector_load %arg12[%get3A_1061, %get3A_1062] {strides = array<i32>} : memref<8x256xf32, #tpu.memory_space<vmem>>, vector<1x16xf32>,
          %get3A_1064 = vector.shape_cast %get3A_1063 : vector<1x16xf32> to vector<16xf32>
          %get3A_1065 = arith.index_cast %scan3A_997 : i32 to index
          %get3A_1066 = arith.constant 160 : index
          %get3A_1067 = tpu.vector_load %arg12[%get3A_1065, %get3A_1066] {strides = array<i32>} : memref<8x256xf32, #tpu.memory_space<vmem>>, vector<1x16xf32>,
          %get3A_1068 = vector.shape_cast %get3A_1067 : vector<1x16xf32> to vector<16xf32>
          %get3A_1069 = arith.index_cast %scan3A_997 : i32 to index
          %get3A_1070 = arith.constant 176 : index
          %get3A_1071 = tpu.vector_load %arg12[%get3A_1069, %get3A_1070] {strides = array<i32>} : memref<8x256xf32, #tpu.memory_space<vmem>>, vector<1x16xf32>,
          %get3A_1072 = vector.shape_cast %get3A_1071 : vector<1x16xf32> to vector<16xf32>
          %get3A_1073 = arith.index_cast %scan3A_997 : i32 to index
          %get3A_1074 = arith.constant 192 : index
          %get3A_1075 = tpu.vector_load %arg12[%get3A_1073, %get3A_1074] {strides = array<i32>} : memref<8x256xf32, #tpu.memory_space<vmem>>, vector<1x16xf32>,
          %get3A_1076 = vector.shape_cast %get3A_1075 : vector<1x16xf32> to vector<16xf32>
          %get3A_1077 = arith.index_cast %scan3A_997 : i32 to index
          %get3A_1078 = arith.constant 208 : index
          %get3A_1079 = tpu.vector_load %arg12[%get3A_1077, %get3A_1078] {strides = array<i32>} : memref<8x256xf32, #tpu.memory_space<vmem>>, vector<1x16xf32>,
          %get3A_1080 = vector.shape_cast %get3A_1079 : vector<1x16xf32> to vector<16xf32>
          %get3A_1081 = arith.index_cast %scan3A_997 : i32 to index
          %get3A_1082 = arith.constant 224 : index
          %get3A_1083 = tpu.vector_load %arg12[%get3A_1081, %get3A_1082] {strides = array<i32>} : memref<8x256xf32, #tpu.memory_space<vmem>>, vector<1x16xf32>,
          %get3A_1084 = vector.shape_cast %get3A_1083 : vector<1x16xf32> to vector<16xf32>
          %get3A_1085 = arith.index_cast %scan3A_997 : i32 to index
          %get3A_1086 = arith.constant 240 : index
          %get3A_1087 = tpu.vector_load %arg12[%get3A_1085, %get3A_1086] {strides = array<i32>} : memref<8x256xf32, #tpu.memory_space<vmem>>, vector<1x16xf32>,
          %get3A_1088 = vector.shape_cast %get3A_1087 : vector<1x16xf32> to vector<16xf32>
          %parallel_loop3A = arith.constant 0 : i32
          %parallel_loop3A_1089 = arith.constant 1 : i32
          %parallel_loop3A_1090:16 = scf.for %parallel_loop3A_1171 = %parallel_loop3A to %sub3A_1013 step %parallel_loop3A_1089 iter_args(%parallel_loop3A_1172 = %get3A_1028, %parallel_loop3A_1173 = %get3A_1032, %parallel_loop3A_1174 = %get3A_1036, %parallel_loop3A_1175 = %get3A_1040, %parallel_loop3A_1176 = %get3A_1044, %parallel_loop3A_1177 = %get3A_1048, %parallel_loop3A_1178 = %get3A_1052, %parallel_loop3A_1179 = %get3A_1056, %parallel_loop3A_1180 = %get3A_1060, %parallel_loop3A_1181 = %get3A_1064, %parallel_loop3A_1182 = %get3A_1068, %parallel_loop3A_1183 = %get3A_1072, %parallel_loop3A_1184 = %get3A_1076, %parallel_loop3A_1185 = %get3A_1080, %parallel_loop3A_1186 = %get3A_1084, %parallel_loop3A_1187 = %get3A_1088) -> (vector<16xf32>, vector<16xf32>, vector<16xf32>, vector<16xf32>, vector<16xf32>, vector<16xf32>, vector<16xf32>, vector<16xf32>, vector<16xf32>, vector<16xf32>, vector<16xf32>, vector<16xf32>, vector<16xf32>, vector<16xf32>, vector<16xf32>, vector<16xf32>)  : i32 {
            %parallel_loop3A_1188 = arith.constant 128 : i32
            %parallel_loop3A_1189 = arith.muli %parallel_loop3A_1171, %parallel_loop3A_1188 : i32
            %parallel_loop3A_1190 = arith.addi %add3A_1019, %parallel_loop3A_1189 : i32
            %parallel_loop3A_1191 = arith.constant 0 : i32
            %parallel_loop3A_1192 = arith.addi %parallel_loop3A_1190, %parallel_loop3A_1191 : i32
            %parallel_loop3A_1193 = arith.index_cast %parallel_loop3A_1192 : i32 to index
            %parallel_loop3A_1194 = tpu.vector_load %arg7[%parallel_loop3A_1193] {strides = array<i32>} : memref<65536xf32, #tpu.memory_space<vmem>>, vector<16xf32>,
            %parallel_loop3A_1195 = vector.shape_cast %parallel_loop3A_1194 : vector<16xf32> to vector<16xf32>
            %parallel_loop3A_1196 = arith.constant 16 : i32
            %parallel_loop3A_1197 = arith.addi %parallel_loop3A_1190, %parallel_loop3A_1196 : i32
            %parallel_loop3A_1198 = arith.index_cast %parallel_loop3A_1197 : i32 to index
            %parallel_loop3A_1199 = tpu.vector_load %arg7[%parallel_loop3A_1198] {strides = array<i32>} : memref<65536xf32, #tpu.memory_space<vmem>>, vector<16xf32>,
            %parallel_loop3A_1200 = vector.shape_cast %parallel_loop3A_1199 : vector<16xf32> to vector<16xf32>
            %parallel_loop3A_1201 = arith.constant 32 : i32
            %parallel_loop3A_1202 = arith.addi %parallel_loop3A_1190, %parallel_loop3A_1201 : i32
            %parallel_loop3A_1203 = arith.index_cast %parallel_loop3A_1202 : i32 to index
            %parallel_loop3A_1204 = tpu.vector_load %arg7[%parallel_loop3A_1203] {strides = array<i32>} : memref<65536xf32, #tpu.memory_space<vmem>>, vector<16xf32>,
            %parallel_loop3A_1205 = vector.shape_cast %parallel_loop3A_1204 : vector<16xf32> to vector<16xf32>
            %parallel_loop3A_1206 = arith.constant 48 : i32
            %parallel_loop3A_1207 = arith.addi %parallel_loop3A_1190, %parallel_loop3A_1206 : i32
            %parallel_loop3A_1208 = arith.index_cast %parallel_loop3A_1207 : i32 to index
            %parallel_loop3A_1209 = tpu.vector_load %arg7[%parallel_loop3A_1208] {strides = array<i32>} : memref<65536xf32, #tpu.memory_space<vmem>>, vector<16xf32>,
            %parallel_loop3A_1210 = vector.shape_cast %parallel_loop3A_1209 : vector<16xf32> to vector<16xf32>
            %parallel_loop3A_1211 = arith.constant 64 : i32
            %parallel_loop3A_1212 = arith.addi %parallel_loop3A_1190, %parallel_loop3A_1211 : i32
            %parallel_loop3A_1213 = arith.index_cast %parallel_loop3A_1212 : i32 to index
            %parallel_loop3A_1214 = tpu.vector_load %arg7[%parallel_loop3A_1213] {strides = array<i32>} : memref<65536xf32, #tpu.memory_space<vmem>>, vector<16xf32>,
            %parallel_loop3A_1215 = vector.shape_cast %parallel_loop3A_1214 : vector<16xf32> to vector<16xf32>
            %parallel_loop3A_1216 = arith.constant 80 : i32
            %parallel_loop3A_1217 = arith.addi %parallel_loop3A_1190, %parallel_loop3A_1216 : i32
            %parallel_loop3A_1218 = arith.index_cast %parallel_loop3A_1217 : i32 to index
            %parallel_loop3A_1219 = tpu.vector_load %arg7[%parallel_loop3A_1218] {strides = array<i32>} : memref<65536xf32, #tpu.memory_space<vmem>>, vector<16xf32>,
            %parallel_loop3A_1220 = vector.shape_cast %parallel_loop3A_1219 : vector<16xf32> to vector<16xf32>
            %parallel_loop3A_1221 = arith.constant 96 : i32
            %parallel_loop3A_1222 = arith.addi %parallel_loop3A_1190, %parallel_loop3A_1221 : i32
            %parallel_loop3A_1223 = arith.index_cast %parallel_loop3A_1222 : i32 to index
            %parallel_loop3A_1224 = tpu.vector_load %arg7[%parallel_loop3A_1223] {strides = array<i32>} : memref<65536xf32, #tpu.memory_space<vmem>>, vector<16xf32>,
            %parallel_loop3A_1225 = vector.shape_cast %parallel_loop3A_1224 : vector<16xf32> to vector<16xf32>
            %parallel_loop3A_1226 = arith.constant 112 : i32
            %parallel_loop3A_1227 = arith.addi %parallel_loop3A_1190, %parallel_loop3A_1226 : i32
            %parallel_loop3A_1228 = arith.index_cast %parallel_loop3A_1227 : i32 to index
            %parallel_loop3A_1229 = tpu.vector_load %arg7[%parallel_loop3A_1228] {strides = array<i32>} : memref<65536xf32, #tpu.memory_space<vmem>>, vector<16xf32>,
            %parallel_loop3A_1230 = vector.shape_cast %parallel_loop3A_1229 : vector<16xf32> to vector<16xf32>
            %parallel_loop3A_1231 = arith.mulf %parallel_loop3A_1195, %get3A_4 : vector<16xf32>
            %parallel_loop3A_1232 = arith.mulf %parallel_loop3A_1200, %get3A_7 : vector<16xf32>
            %parallel_loop3A_1233 = arith.addf %parallel_loop3A_1231, %parallel_loop3A_1232 : vector<16xf32>
            %parallel_loop3A_1234 = arith.mulf %parallel_loop3A_1205, %get3A_10 : vector<16xf32>
            %parallel_loop3A_1235 = arith.addf %parallel_loop3A_1233, %parallel_loop3A_1234 : vector<16xf32>
            %parallel_loop3A_1236 = arith.mulf %parallel_loop3A_1210, %get3A_13 : vector<16xf32>
            %parallel_loop3A_1237 = arith.addf %parallel_loop3A_1235, %parallel_loop3A_1236 : vector<16xf32>
            %parallel_loop3A_1238 = arith.mulf %parallel_loop3A_1215, %get3A_16 : vector<16xf32>
            %parallel_loop3A_1239 = arith.addf %parallel_loop3A_1237, %parallel_loop3A_1238 : vector<16xf32>
            %parallel_loop3A_1240 = arith.mulf %parallel_loop3A_1220, %get3A_19 : vector<16xf32>
            %parallel_loop3A_1241 = arith.addf %parallel_loop3A_1239, %parallel_loop3A_1240 : vector<16xf32>
            %parallel_loop3A_1242 = arith.mulf %parallel_loop3A_1225, %get3A_22 : vector<16xf32>
            %parallel_loop3A_1243 = arith.addf %parallel_loop3A_1241, %parallel_loop3A_1242 : vector<16xf32>
            %parallel_loop3A_1244 = arith.mulf %parallel_loop3A_1230, %get3A_25 : vector<16xf32>
            %parallel_loop3A_1245 = arith.addf %parallel_loop3A_1243, %parallel_loop3A_1244 : vector<16xf32>
            %parallel_loop3A_1246 = arith.constant 8 : i32
            %parallel_loop3A_1247 = vector.broadcast %parallel_loop3A_1246 : i32 to vector<16xi32>
            %parallel_loop3A_1248 = arith.xori %iota3A, %parallel_loop3A_1247 : vector<16xi32>
            %parallel_loop3A_1249 = vector.shape_cast %parallel_loop3A_1248 : vector<16xi32> to vector<16x1xi32>
            %parallel_loop3A_1250 = vector.shape_cast %parallel_loop3A_1249 : vector<16x1xi32> to vector<16xi32>
            %parallel_loop3A_1251 = tpu.dynamic_gather %parallel_loop3A_1245[%parallel_loop3A_1250] in [0] : vector<16xf32>, vector<16xi32> -> vector<16xf32>
            %parallel_loop3A_1252 = arith.addf %parallel_loop3A_1245, %parallel_loop3A_1251 : vector<16xf32>
            %parallel_loop3A_1253 = arith.constant 4 : i32
            %parallel_loop3A_1254 = vector.broadcast %parallel_loop3A_1253 : i32 to vector<16xi32>
            %parallel_loop3A_1255 = arith.xori %iota3A, %parallel_loop3A_1254 : vector<16xi32>
            %parallel_loop3A_1256 = vector.shape_cast %parallel_loop3A_1255 : vector<16xi32> to vector<16x1xi32>
            %parallel_loop3A_1257 = vector.shape_cast %parallel_loop3A_1256 : vector<16x1xi32> to vector<16xi32>
            %parallel_loop3A_1258 = tpu.dynamic_gather %parallel_loop3A_1252[%parallel_loop3A_1257] in [0] : vector<16xf32>, vector<16xi32> -> vector<16xf32>
            %parallel_loop3A_1259 = arith.addf %parallel_loop3A_1252, %parallel_loop3A_1258 : vector<16xf32>
            %parallel_loop3A_1260 = arith.constant 2 : i32
            %parallel_loop3A_1261 = vector.broadcast %parallel_loop3A_1260 : i32 to vector<16xi32>
            %parallel_loop3A_1262 = arith.xori %iota3A, %parallel_loop3A_1261 : vector<16xi32>
            %parallel_loop3A_1263 = vector.shape_cast %parallel_loop3A_1262 : vector<16xi32> to vector<16x1xi32>
            %parallel_loop3A_1264 = vector.shape_cast %parallel_loop3A_1263 : vector<16x1xi32> to vector<16xi32>
            %parallel_loop3A_1265 = tpu.dynamic_gather %parallel_loop3A_1259[%parallel_loop3A_1264] in [0] : vector<16xf32>, vector<16xi32> -> vector<16xf32>
            %parallel_loop3A_1266 = arith.addf %parallel_loop3A_1259, %parallel_loop3A_1265 : vector<16xf32>
            %parallel_loop3A_1267 = arith.constant 1 : i32
            %parallel_loop3A_1268 = vector.broadcast %parallel_loop3A_1267 : i32 to vector<16xi32>
            %parallel_loop3A_1269 = arith.xori %iota3A, %parallel_loop3A_1268 : vector<16xi32>
            %parallel_loop3A_1270 = vector.shape_cast %parallel_loop3A_1269 : vector<16xi32> to vector<16x1xi32>
            %parallel_loop3A_1271 = vector.shape_cast %parallel_loop3A_1270 : vector<16x1xi32> to vector<16xi32>
            %parallel_loop3A_1272 = tpu.dynamic_gather %parallel_loop3A_1266[%parallel_loop3A_1271] in [0] : vector<16xf32>, vector<16xi32> -> vector<16xf32>
            %parallel_loop3A_1273 = arith.addf %parallel_loop3A_1266, %parallel_loop3A_1272 : vector<16xf32>
            %parallel_loop3A_1274 = arith.addf %parallel_loop3A_1273, %get3A_28 : vector<16xf32>
            %parallel_loop3A_1275 = arith.addf %parallel_loop3A_1274, %parallel_loop3A_1274 : vector<16xf32>
            %parallel_loop3A_1276 = math.exp %parallel_loop3A_1275 : vector<16xf32>
            %parallel_loop3A_1277 = arith.constant 1.000000e+00 : f32
            %parallel_loop3A_1278 = vector.broadcast %parallel_loop3A_1277 : f32 to vector<16xf32>
            %parallel_loop3A_1279 = arith.subf %parallel_loop3A_1276, %parallel_loop3A_1278 : vector<16xf32>
            %parallel_loop3A_1280 = arith.constant 1.000000e+00 : f32
            %parallel_loop3A_1281 = vector.broadcast %parallel_loop3A_1280 : f32 to vector<16xf32>
            %parallel_loop3A_1282 = arith.addf %parallel_loop3A_1276, %parallel_loop3A_1281 : vector<16xf32>
            %parallel_loop3A_1283 = arith.divf %parallel_loop3A_1279, %parallel_loop3A_1282 : vector<16xf32>
            %parallel_loop3A_1284 = arith.mulf %parallel_loop3A_1195, %parallel_loop3A_1283 : vector<16xf32>
            %parallel_loop3A_1285 = arith.addf %parallel_loop3A_1172, %parallel_loop3A_1284 : vector<16xf32>
            %parallel_loop3A_1286 = arith.mulf %parallel_loop3A_1200, %parallel_loop3A_1283 : vector<16xf32>
            %parallel_loop3A_1287 = arith.addf %parallel_loop3A_1173, %parallel_loop3A_1286 : vector<16xf32>
            %parallel_loop3A_1288 = arith.mulf %parallel_loop3A_1205, %parallel_loop3A_1283 : vector<16xf32>
            %parallel_loop3A_1289 = arith.addf %parallel_loop3A_1174, %parallel_loop3A_1288 : vector<16xf32>
            %parallel_loop3A_1290 = arith.mulf %parallel_loop3A_1210, %parallel_loop3A_1283 : vector<16xf32>
            %parallel_loop3A_1291 = arith.addf %parallel_loop3A_1175, %parallel_loop3A_1290 : vector<16xf32>
            %parallel_loop3A_1292 = arith.mulf %parallel_loop3A_1215, %parallel_loop3A_1283 : vector<16xf32>
            %parallel_loop3A_1293 = arith.addf %parallel_loop3A_1176, %parallel_loop3A_1292 : vector<16xf32>
            %parallel_loop3A_1294 = arith.mulf %parallel_loop3A_1220, %parallel_loop3A_1283 : vector<16xf32>
            %parallel_loop3A_1295 = arith.addf %parallel_loop3A_1177, %parallel_loop3A_1294 : vector<16xf32>
            %parallel_loop3A_1296 = arith.mulf %parallel_loop3A_1225, %parallel_loop3A_1283 : vector<16xf32>
            %parallel_loop3A_1297 = arith.addf %parallel_loop3A_1178, %parallel_loop3A_1296 : vector<16xf32>
            %parallel_loop3A_1298 = arith.mulf %parallel_loop3A_1230, %parallel_loop3A_1283 : vector<16xf32>
            %parallel_loop3A_1299 = arith.addf %parallel_loop3A_1179, %parallel_loop3A_1298 : vector<16xf32>
            %parallel_loop3A_1300 = arith.maximumf %parallel_loop3A_1180, %parallel_loop3A_1195 : vector<16xf32>
            %parallel_loop3A_1301 = arith.maximumf %parallel_loop3A_1181, %parallel_loop3A_1200 : vector<16xf32>
            %parallel_loop3A_1302 = arith.maximumf %parallel_loop3A_1182, %parallel_loop3A_1205 : vector<16xf32>
            %parallel_loop3A_1303 = arith.maximumf %parallel_loop3A_1183, %parallel_loop3A_1210 : vector<16xf32>
            %parallel_loop3A_1304 = arith.maximumf %parallel_loop3A_1184, %parallel_loop3A_1215 : vector<16xf32>
            %parallel_loop3A_1305 = arith.maximumf %parallel_loop3A_1185, %parallel_loop3A_1220 : vector<16xf32>
            %parallel_loop3A_1306 = arith.maximumf %parallel_loop3A_1186, %parallel_loop3A_1225 : vector<16xf32>
            %parallel_loop3A_1307 = arith.maximumf %parallel_loop3A_1187, %parallel_loop3A_1230 : vector<16xf32>
            scf.yield %parallel_loop3A_1285, %parallel_loop3A_1287, %parallel_loop3A_1289, %parallel_loop3A_1291, %parallel_loop3A_1293, %parallel_loop3A_1295, %parallel_loop3A_1297, %parallel_loop3A_1299, %parallel_loop3A_1300, %parallel_loop3A_1301, %parallel_loop3A_1302, %parallel_loop3A_1303, %parallel_loop3A_1304, %parallel_loop3A_1305, %parallel_loop3A_1306, %parallel_loop3A_1307 : vector<16xf32>, vector<16xf32>, vector<16xf32>, vector<16xf32>, vector<16xf32>, vector<16xf32>, vector<16xf32>, vector<16xf32>, vector<16xf32>, vector<16xf32>, vector<16xf32>, vector<16xf32>, vector<16xf32>, vector<16xf32>, vector<16xf32>, vector<16xf32>
          } {sc.loop_unroll_factor = 4 : i64, sc.parallel_access}
          %swap3A_1091 = arith.index_cast %scan3A_997 : i32 to index
          %swap3A_1092 = arith.constant 0 : index
          %swap3A_1093 = tpu.vector_load %arg12[%swap3A_1091, %swap3A_1092] {strides = array<i32>} : memref<8x256xf32, #tpu.memory_space<vmem>>, vector<1x16xf32>,
          %swap3A_1094 = vector.shape_cast %swap3A_1093 : vector<1x16xf32> to vector<16xf32>
          %swap3A_1095 = vector.shape_cast %parallel_loop3A_1090#0 : vector<16xf32> to vector<1x16xf32>
          tpu.vector_store %arg12[%swap3A_1091, %swap3A_1092], %swap3A_1095 {strides = array<i32>} : memref<8x256xf32, #tpu.memory_space<vmem>>, vector<1x16xf32>,
          %swap3A_1096 = arith.index_cast %scan3A_997 : i32 to index
          %swap3A_1097 = arith.constant 128 : index
          %swap3A_1098 = tpu.vector_load %arg12[%swap3A_1096, %swap3A_1097] {strides = array<i32>} : memref<8x256xf32, #tpu.memory_space<vmem>>, vector<1x16xf32>,
          %swap3A_1099 = vector.shape_cast %swap3A_1098 : vector<1x16xf32> to vector<16xf32>
          %swap3A_1100 = vector.shape_cast %parallel_loop3A_1090#8 : vector<16xf32> to vector<1x16xf32>
          tpu.vector_store %arg12[%swap3A_1096, %swap3A_1097], %swap3A_1100 {strides = array<i32>} : memref<8x256xf32, #tpu.memory_space<vmem>>, vector<1x16xf32>,
          %swap3A_1101 = arith.index_cast %scan3A_997 : i32 to index
          %swap3A_1102 = arith.constant 16 : index
          %swap3A_1103 = tpu.vector_load %arg12[%swap3A_1101, %swap3A_1102] {strides = array<i32>} : memref<8x256xf32, #tpu.memory_space<vmem>>, vector<1x16xf32>,
          %swap3A_1104 = vector.shape_cast %swap3A_1103 : vector<1x16xf32> to vector<16xf32>
          %swap3A_1105 = vector.shape_cast %parallel_loop3A_1090#1 : vector<16xf32> to vector<1x16xf32>
          tpu.vector_store %arg12[%swap3A_1101, %swap3A_1102], %swap3A_1105 {strides = array<i32>} : memref<8x256xf32, #tpu.memory_space<vmem>>, vector<1x16xf32>,
          %swap3A_1106 = arith.index_cast %scan3A_997 : i32 to index
          %swap3A_1107 = arith.constant 144 : index
          %swap3A_1108 = tpu.vector_load %arg12[%swap3A_1106, %swap3A_1107] {strides = array<i32>} : memref<8x256xf32, #tpu.memory_space<vmem>>, vector<1x16xf32>,
          %swap3A_1109 = vector.shape_cast %swap3A_1108 : vector<1x16xf32> to vector<16xf32>
          %swap3A_1110 = vector.shape_cast %parallel_loop3A_1090#9 : vector<16xf32> to vector<1x16xf32>
          tpu.vector_store %arg12[%swap3A_1106, %swap3A_1107], %swap3A_1110 {strides = array<i32>} : memref<8x256xf32, #tpu.memory_space<vmem>>, vector<1x16xf32>,
          %swap3A_1111 = arith.index_cast %scan3A_997 : i32 to index
          %swap3A_1112 = arith.constant 32 : index
          %swap3A_1113 = tpu.vector_load %arg12[%swap3A_1111, %swap3A_1112] {strides = array<i32>} : memref<8x256xf32, #tpu.memory_space<vmem>>, vector<1x16xf32>,
          %swap3A_1114 = vector.shape_cast %swap3A_1113 : vector<1x16xf32> to vector<16xf32>
          %swap3A_1115 = vector.shape_cast %parallel_loop3A_1090#2 : vector<16xf32> to vector<1x16xf32>
          tpu.vector_store %arg12[%swap3A_1111, %swap3A_1112], %swap3A_1115 {strides = array<i32>} : memref<8x256xf32, #tpu.memory_space<vmem>>, vector<1x16xf32>,
          %swap3A_1116 = arith.index_cast %scan3A_997 : i32 to index
          %swap3A_1117 = arith.constant 160 : index
          %swap3A_1118 = tpu.vector_load %arg12[%swap3A_1116, %swap3A_1117] {strides = array<i32>} : memref<8x256xf32, #tpu.memory_space<vmem>>, vector<1x16xf32>,
          %swap3A_1119 = vector.shape_cast %swap3A_1118 : vector<1x16xf32> to vector<16xf32>
          %swap3A_1120 = vector.shape_cast %parallel_loop3A_1090#10 : vector<16xf32> to vector<1x16xf32>
          tpu.vector_store %arg12[%swap3A_1116, %swap3A_1117], %swap3A_1120 {strides = array<i32>} : memref<8x256xf32, #tpu.memory_space<vmem>>, vector<1x16xf32>,
          %swap3A_1121 = arith.index_cast %scan3A_997 : i32 to index
          %swap3A_1122 = arith.constant 48 : index
          %swap3A_1123 = tpu.vector_load %arg12[%swap3A_1121, %swap3A_1122] {strides = array<i32>} : memref<8x256xf32, #tpu.memory_space<vmem>>, vector<1x16xf32>,
          %swap3A_1124 = vector.shape_cast %swap3A_1123 : vector<1x16xf32> to vector<16xf32>
          %swap3A_1125 = vector.shape_cast %parallel_loop3A_1090#3 : vector<16xf32> to vector<1x16xf32>
          tpu.vector_store %arg12[%swap3A_1121, %swap3A_1122], %swap3A_1125 {strides = array<i32>} : memref<8x256xf32, #tpu.memory_space<vmem>>, vector<1x16xf32>,
          %swap3A_1126 = arith.index_cast %scan3A_997 : i32 to index
          %swap3A_1127 = arith.constant 176 : index
          %swap3A_1128 = tpu.vector_load %arg12[%swap3A_1126, %swap3A_1127] {strides = array<i32>} : memref<8x256xf32, #tpu.memory_space<vmem>>, vector<1x16xf32>,
          %swap3A_1129 = vector.shape_cast %swap3A_1128 : vector<1x16xf32> to vector<16xf32>
          %swap3A_1130 = vector.shape_cast %parallel_loop3A_1090#11 : vector<16xf32> to vector<1x16xf32>
          tpu.vector_store %arg12[%swap3A_1126, %swap3A_1127], %swap3A_1130 {strides = array<i32>} : memref<8x256xf32, #tpu.memory_space<vmem>>, vector<1x16xf32>,
          %swap3A_1131 = arith.index_cast %scan3A_997 : i32 to index
          %swap3A_1132 = arith.constant 64 : index
          %swap3A_1133 = tpu.vector_load %arg12[%swap3A_1131, %swap3A_1132] {strides = array<i32>} : memref<8x256xf32, #tpu.memory_space<vmem>>, vector<1x16xf32>,
          %swap3A_1134 = vector.shape_cast %swap3A_1133 : vector<1x16xf32> to vector<16xf32>
          %swap3A_1135 = vector.shape_cast %parallel_loop3A_1090#4 : vector<16xf32> to vector<1x16xf32>
          tpu.vector_store %arg12[%swap3A_1131, %swap3A_1132], %swap3A_1135 {strides = array<i32>} : memref<8x256xf32, #tpu.memory_space<vmem>>, vector<1x16xf32>,
          %swap3A_1136 = arith.index_cast %scan3A_997 : i32 to index
          %swap3A_1137 = arith.constant 192 : index
          %swap3A_1138 = tpu.vector_load %arg12[%swap3A_1136, %swap3A_1137] {strides = array<i32>} : memref<8x256xf32, #tpu.memory_space<vmem>>, vector<1x16xf32>,
          %swap3A_1139 = vector.shape_cast %swap3A_1138 : vector<1x16xf32> to vector<16xf32>
          %swap3A_1140 = vector.shape_cast %parallel_loop3A_1090#12 : vector<16xf32> to vector<1x16xf32>
          tpu.vector_store %arg12[%swap3A_1136, %swap3A_1137], %swap3A_1140 {strides = array<i32>} : memref<8x256xf32, #tpu.memory_space<vmem>>, vector<1x16xf32>,
          %swap3A_1141 = arith.index_cast %scan3A_997 : i32 to index
          %swap3A_1142 = arith.constant 80 : index
          %swap3A_1143 = tpu.vector_load %arg12[%swap3A_1141, %swap3A_1142] {strides = array<i32>} : memref<8x256xf32, #tpu.memory_space<vmem>>, vector<1x16xf32>,
          %swap3A_1144 = vector.shape_cast %swap3A_1143 : vector<1x16xf32> to vector<16xf32>
          %swap3A_1145 = vector.shape_cast %parallel_loop3A_1090#5 : vector<16xf32> to vector<1x16xf32>
          tpu.vector_store %arg12[%swap3A_1141, %swap3A_1142], %swap3A_1145 {strides = array<i32>} : memref<8x256xf32, #tpu.memory_space<vmem>>, vector<1x16xf32>,
          %swap3A_1146 = arith.index_cast %scan3A_997 : i32 to index
          %swap3A_1147 = arith.constant 208 : index
          %swap3A_1148 = tpu.vector_load %arg12[%swap3A_1146, %swap3A_1147] {strides = array<i32>} : memref<8x256xf32, #tpu.memory_space<vmem>>, vector<1x16xf32>,
          %swap3A_1149 = vector.shape_cast %swap3A_1148 : vector<1x16xf32> to vector<16xf32>
          %swap3A_1150 = vector.shape_cast %parallel_loop3A_1090#13 : vector<16xf32> to vector<1x16xf32>
          tpu.vector_store %arg12[%swap3A_1146, %swap3A_1147], %swap3A_1150 {strides = array<i32>} : memref<8x256xf32, #tpu.memory_space<vmem>>, vector<1x16xf32>,
          %swap3A_1151 = arith.index_cast %scan3A_997 : i32 to index
          %swap3A_1152 = arith.constant 96 : index
          %swap3A_1153 = tpu.vector_load %arg12[%swap3A_1151, %swap3A_1152] {strides = array<i32>} : memref<8x256xf32, #tpu.memory_space<vmem>>, vector<1x16xf32>,
          %swap3A_1154 = vector.shape_cast %swap3A_1153 : vector<1x16xf32> to vector<16xf32>
          %swap3A_1155 = vector.shape_cast %parallel_loop3A_1090#6 : vector<16xf32> to vector<1x16xf32>
          tpu.vector_store %arg12[%swap3A_1151, %swap3A_1152], %swap3A_1155 {strides = array<i32>} : memref<8x256xf32, #tpu.memory_space<vmem>>, vector<1x16xf32>,
          %swap3A_1156 = arith.index_cast %scan3A_997 : i32 to index
          %swap3A_1157 = arith.constant 224 : index
          %swap3A_1158 = tpu.vector_load %arg12[%swap3A_1156, %swap3A_1157] {strides = array<i32>} : memref<8x256xf32, #tpu.memory_space<vmem>>, vector<1x16xf32>,
          %swap3A_1159 = vector.shape_cast %swap3A_1158 : vector<1x16xf32> to vector<16xf32>
          %swap3A_1160 = vector.shape_cast %parallel_loop3A_1090#14 : vector<16xf32> to vector<1x16xf32>
          tpu.vector_store %arg12[%swap3A_1156, %swap3A_1157], %swap3A_1160 {strides = array<i32>} : memref<8x256xf32, #tpu.memory_space<vmem>>, vector<1x16xf32>,
          %swap3A_1161 = arith.index_cast %scan3A_997 : i32 to index
          %swap3A_1162 = arith.constant 112 : index
          %swap3A_1163 = tpu.vector_load %arg12[%swap3A_1161, %swap3A_1162] {strides = array<i32>} : memref<8x256xf32, #tpu.memory_space<vmem>>, vector<1x16xf32>,
          %swap3A_1164 = vector.shape_cast %swap3A_1163 : vector<1x16xf32> to vector<16xf32>
          %swap3A_1165 = vector.shape_cast %parallel_loop3A_1090#7 : vector<16xf32> to vector<1x16xf32>
          tpu.vector_store %arg12[%swap3A_1161, %swap3A_1162], %swap3A_1165 {strides = array<i32>} : memref<8x256xf32, #tpu.memory_space<vmem>>, vector<1x16xf32>,
          %swap3A_1166 = arith.index_cast %scan3A_997 : i32 to index
          %swap3A_1167 = arith.constant 240 : index
          %swap3A_1168 = tpu.vector_load %arg12[%swap3A_1166, %swap3A_1167] {strides = array<i32>} : memref<8x256xf32, #tpu.memory_space<vmem>>, vector<1x16xf32>,
          %swap3A_1169 = vector.shape_cast %swap3A_1168 : vector<1x16xf32> to vector<16xf32>
          %swap3A_1170 = vector.shape_cast %parallel_loop3A_1090#15 : vector<16xf32> to vector<1x16xf32>
          tpu.vector_store %arg12[%swap3A_1166, %swap3A_1167], %swap3A_1170 {strides = array<i32>} : memref<8x256xf32, #tpu.memory_space<vmem>>, vector<1x16xf32>,
        } else {
        }
      }
      %scan3A_918 = arith.constant 8 : i32
      %add3A_919 = arith.constant 1 : i32
      %add3A_920 = arith.addi %mul3A_894, %add3A_919 : i32
      %add3A_921 = arith.constant 3 : i32
      %add3A_922 = arith.addi %add3A_920, %add3A_921 : i32
      %lt3A_923 = arith.cmpi slt, %add3A_922, %select_n3A : i32
      %convert_element_type3A_924 = arith.extui %lt3A_923 : i1 to i32
      %cond3A_925 = arith.constant 0 : i32
      %cond3A_926 = arith.cmpi ne, %convert_element_type3A_924, %cond3A_925 : i32
      scf.if %cond3A_926 {
        %mul3A_997 = arith.constant 128 : i32
        %mul3A_998 = arith.muli %add3A_922, %mul3A_997 : i32
        %add3A_999 = arith.addi %squeeze3A, %mul3A_998 : i32
        %min3A_1000 = arith.constant 319872 : i32
        %min3A_1001 = arith.minsi %add3A_999, %min3A_1000 : i32
        %mul3A_1002 = arith.constant 128 : i32
        %mul3A_1003 = arith.muli %min3A_1001, %mul3A_1002 : i32
        %dma_start3A = arith.constant 0 : i32
        %dma_start3A_1004 = tpu.memref_slice %arg7[%dma_start3A] : memref<65536xf32, #tpu.memory_space<vmem>> -> memref<16384xf32, #tpu.memory_space<vmem>>
        %dma_start3A_1005 = tpu.memref_slice %arg2[%mul3A_1003] : memref<40960000xf32, #tpu.memory_space<hbm>> -> memref<16384xf32, #tpu.memory_space<hbm>>
        %dma_start3A_1006 = arith.constant 0 : i32
        %dma_start3A_1007 = tpu.memref_slice %arg7[%dma_start3A_1006] : memref<65536xf32, #tpu.memory_space<vmem>> -> memref<16384xf32, #tpu.memory_space<vmem>>
        %dma_start3A_1008 = tpu.memref_slice %arg2[%mul3A_1003] : memref<40960000xf32, #tpu.memory_space<hbm>> -> memref<16384xf32, #tpu.memory_space<hbm>>
        tpu.enqueue_dma source(%dma_start3A_1008 : memref<16384xf32, #tpu.memory_space<hbm>>) target(%dma_start3A_1007 : memref<16384xf32, #tpu.memory_space<vmem>>) target_semaphore(%arg14 : memref<!tpu.dma_semaphore, #tpu.memory_space<semaphore_mem>>)
      } else {
      }
      %add3A_927 = arith.constant 1 : i32
      %add3A_928 = arith.addi %mul3A_894, %add3A_927 : i32
      %mul3A_929 = arith.constant 128 : i32
      %mul3A_930 = arith.muli %add3A_928, %mul3A_929 : i32
      %add3A_931 = arith.addi %squeeze3A, %mul3A_930 : i32
      %min3A_932 = arith.constant 319872 : i32
      %min3A_933 = arith.minsi %add3A_931, %min3A_932 : i32
      %sub3A_934 = arith.subi %add3A_931, %min3A_933 : i32
      %lt3A_935 = arith.cmpi slt, %add3A_928, %select_n3A : i32
      %convert_element_type3A_936 = arith.extui %lt3A_935 : i1 to i32
      %cond3A_937 = arith.constant 0 : i32
      %cond3A_938 = arith.cmpi ne, %convert_element_type3A_936, %cond3A_937 : i32
      scf.if %cond3A_938 {
        %dma_wait3A = arith.constant 16384 : i32
        %dma_wait3A_997 = tpu.memref_slice %arg7[%dma_wait3A] : memref<65536xf32, #tpu.memory_space<vmem>> -> memref<16384xf32, #tpu.memory_space<vmem>>
        %dma_wait3A_998 = arith.constant 0 : i32
        %dma_wait3A_999 = tpu.memref_slice %arg2[%dma_wait3A_998] : memref<40960000xf32, #tpu.memory_space<hbm>> -> memref<16384xf32, #tpu.memory_space<hbm>>
        %dma_wait3A_1000 = arith.constant 16384 : i32
        %dma_wait3A_1001 = tpu.memref_slice %arg7[%dma_wait3A_1000] : memref<65536xf32, #tpu.memory_space<vmem>> -> memref<16384xf32, #tpu.memory_space<vmem>>
        %dma_wait3A_1002 = arith.constant 0 : i32
        %dma_wait3A_1003 = tpu.memref_slice %arg2[%dma_wait3A_1002] : memref<40960000xf32, #tpu.memory_space<hbm>> -> memref<16384xf32, #tpu.memory_space<hbm>>
        tpu.wait_dma2 semaphore(%arg15 : memref<!tpu.dma_semaphore, #tpu.memory_space<semaphore_mem>>) src(%dma_wait3A_1003 : memref<16384xf32, #tpu.memory_space<hbm>>) dst(%dma_wait3A_1001 : memref<16384xf32, #tpu.memory_space<vmem>>)
      } else {
      }
      %scan3A_939 = arith.constant 0 : i32
      %scan3A_940 = arith.constant 0 : i32
      %scan3A_941 = arith.constant 8 : i32
      %scan3A_942 = arith.addi %scan3A_940, %scan3A_941 : i32
      %scan3A_943 = arith.constant 1 : i32
      scf.for %scan3A_997 = %scan3A_940 to %scan3A_942 step %scan3A_943  : i32 {
        %get3A_998 = arith.index_cast %scan3A_997 : i32 to index
        %get3A_999 = tpu.vector_load %arg10[%get3A_998] {strides = array<i32>} : memref<32xi32, #tpu.memory_space<vmem>>, vector<16xi32>,
        %get3A_1000 = vector.shape_cast %get3A_999 : vector<16xi32> to vector<16xi32>
        %slice3A_1001 = vector.extract_strided_slice %get3A_1000 {offsets = [0], sizes = [1], strides = [1]} : vector<16xi32> to vector<1xi32>
        %squeeze3A_1002 = vector.extract %slice3A_1001[0] : i32 from vector<1xi32>
        %add3A_1003 = arith.constant 1 : i32
        %add3A_1004 = arith.addi %scan3A_997, %add3A_1003 : i32
        %get3A_1005 = arith.index_cast %add3A_1004 : i32 to index
        %get3A_1006 = tpu.vector_load %arg10[%get3A_1005] {strides = array<i32>} : memref<32xi32, #tpu.memory_space<vmem>>, vector<16xi32>,
        %get3A_1007 = vector.shape_cast %get3A_1006 : vector<16xi32> to vector<16xi32>
        %slice3A_1008 = vector.extract_strided_slice %get3A_1007 {offsets = [0], sizes = [1], strides = [1]} : vector<16xi32> to vector<1xi32>
        %squeeze3A_1009 = vector.extract %slice3A_1008[0] : i32 from vector<1xi32>
        %max3A = arith.maxsi %squeeze3A_1002, %add3A_931 : i32
        %add3A_1010 = arith.constant 128 : i32
        %add3A_1011 = arith.addi %add3A_931, %add3A_1010 : i32
        %min3A_1012 = arith.minsi %squeeze3A_1009, %add3A_1011 : i32
        %sub3A_1013 = arith.subi %min3A_1012, %max3A : i32
        %sub3A_1014 = arith.subi %max3A, %add3A_931 : i32
        %add3A_1015 = arith.addi %sub3A_934, %sub3A_1014 : i32
        %mul3A_1016 = arith.constant 128 : i32
        %mul3A_1017 = arith.muli %add3A_1015, %mul3A_1016 : i32
        %add3A_1018 = arith.constant 16384 : i32
        %add3A_1019 = arith.addi %add3A_1018, %mul3A_1017 : i32
        %gt3A_1020 = arith.constant 0 : i32
        %gt3A_1021 = arith.cmpi sgt, %sub3A_1013, %gt3A_1020 : i32
        %convert_element_type3A_1022 = arith.extui %gt3A_1021 : i1 to i32
        %cond3A_1023 = arith.constant 0 : i32
        %cond3A_1024 = arith.cmpi ne, %convert_element_type3A_1022, %cond3A_1023 : i32
        scf.if %cond3A_1024 {
          %get3A_1025 = arith.index_cast %scan3A_997 : i32 to index
          %get3A_1026 = arith.constant 0 : index
          %get3A_1027 = tpu.vector_load %arg12[%get3A_1025, %get3A_1026] {strides = array<i32>} : memref<8x256xf32, #tpu.memory_space<vmem>>, vector<1x16xf32>,
          %get3A_1028 = vector.shape_cast %get3A_1027 : vector<1x16xf32> to vector<16xf32>
          %get3A_1029 = arith.index_cast %scan3A_997 : i32 to index
          %get3A_1030 = arith.constant 16 : index
          %get3A_1031 = tpu.vector_load %arg12[%get3A_1029, %get3A_1030] {strides = array<i32>} : memref<8x256xf32, #tpu.memory_space<vmem>>, vector<1x16xf32>,
          %get3A_1032 = vector.shape_cast %get3A_1031 : vector<1x16xf32> to vector<16xf32>
          %get3A_1033 = arith.index_cast %scan3A_997 : i32 to index
          %get3A_1034 = arith.constant 32 : index
          %get3A_1035 = tpu.vector_load %arg12[%get3A_1033, %get3A_1034] {strides = array<i32>} : memref<8x256xf32, #tpu.memory_space<vmem>>, vector<1x16xf32>,
          %get3A_1036 = vector.shape_cast %get3A_1035 : vector<1x16xf32> to vector<16xf32>
          %get3A_1037 = arith.index_cast %scan3A_997 : i32 to index
          %get3A_1038 = arith.constant 48 : index
          %get3A_1039 = tpu.vector_load %arg12[%get3A_1037, %get3A_1038] {strides = array<i32>} : memref<8x256xf32, #tpu.memory_space<vmem>>, vector<1x16xf32>,
          %get3A_1040 = vector.shape_cast %get3A_1039 : vector<1x16xf32> to vector<16xf32>
          %get3A_1041 = arith.index_cast %scan3A_997 : i32 to index
          %get3A_1042 = arith.constant 64 : index
          %get3A_1043 = tpu.vector_load %arg12[%get3A_1041, %get3A_1042] {strides = array<i32>} : memref<8x256xf32, #tpu.memory_space<vmem>>, vector<1x16xf32>,
          %get3A_1044 = vector.shape_cast %get3A_1043 : vector<1x16xf32> to vector<16xf32>
          %get3A_1045 = arith.index_cast %scan3A_997 : i32 to index
          %get3A_1046 = arith.constant 80 : index
          %get3A_1047 = tpu.vector_load %arg12[%get3A_1045, %get3A_1046] {strides = array<i32>} : memref<8x256xf32, #tpu.memory_space<vmem>>, vector<1x16xf32>,
          %get3A_1048 = vector.shape_cast %get3A_1047 : vector<1x16xf32> to vector<16xf32>
          %get3A_1049 = arith.index_cast %scan3A_997 : i32 to index
          %get3A_1050 = arith.constant 96 : index
          %get3A_1051 = tpu.vector_load %arg12[%get3A_1049, %get3A_1050] {strides = array<i32>} : memref<8x256xf32, #tpu.memory_space<vmem>>, vector<1x16xf32>,
          %get3A_1052 = vector.shape_cast %get3A_1051 : vector<1x16xf32> to vector<16xf32>
          %get3A_1053 = arith.index_cast %scan3A_997 : i32 to index
          %get3A_1054 = arith.constant 112 : index
          %get3A_1055 = tpu.vector_load %arg12[%get3A_1053, %get3A_1054] {strides = array<i32>} : memref<8x256xf32, #tpu.memory_space<vmem>>, vector<1x16xf32>,
          %get3A_1056 = vector.shape_cast %get3A_1055 : vector<1x16xf32> to vector<16xf32>
          %get3A_1057 = arith.index_cast %scan3A_997 : i32 to index
          %get3A_1058 = arith.constant 128 : index
          %get3A_1059 = tpu.vector_load %arg12[%get3A_1057, %get3A_1058] {strides = array<i32>} : memref<8x256xf32, #tpu.memory_space<vmem>>, vector<1x16xf32>,
          %get3A_1060 = vector.shape_cast %get3A_1059 : vector<1x16xf32> to vector<16xf32>
          %get3A_1061 = arith.index_cast %scan3A_997 : i32 to index
          %get3A_1062 = arith.constant 144 : index
          %get3A_1063 = tpu.vector_load %arg12[%get3A_1061, %get3A_1062] {strides = array<i32>} : memref<8x256xf32, #tpu.memory_space<vmem>>, vector<1x16xf32>,
          %get3A_1064 = vector.shape_cast %get3A_1063 : vector<1x16xf32> to vector<16xf32>
          %get3A_1065 = arith.index_cast %scan3A_997 : i32 to index
          %get3A_1066 = arith.constant 160 : index
          %get3A_1067 = tpu.vector_load %arg12[%get3A_1065, %get3A_1066] {strides = array<i32>} : memref<8x256xf32, #tpu.memory_space<vmem>>, vector<1x16xf32>,
          %get3A_1068 = vector.shape_cast %get3A_1067 : vector<1x16xf32> to vector<16xf32>
          %get3A_1069 = arith.index_cast %scan3A_997 : i32 to index
          %get3A_1070 = arith.constant 176 : index
          %get3A_1071 = tpu.vector_load %arg12[%get3A_1069, %get3A_1070] {strides = array<i32>} : memref<8x256xf32, #tpu.memory_space<vmem>>, vector<1x16xf32>,
          %get3A_1072 = vector.shape_cast %get3A_1071 : vector<1x16xf32> to vector<16xf32>
          %get3A_1073 = arith.index_cast %scan3A_997 : i32 to index
          %get3A_1074 = arith.constant 192 : index
          %get3A_1075 = tpu.vector_load %arg12[%get3A_1073, %get3A_1074] {strides = array<i32>} : memref<8x256xf32, #tpu.memory_space<vmem>>, vector<1x16xf32>,
          %get3A_1076 = vector.shape_cast %get3A_1075 : vector<1x16xf32> to vector<16xf32>
          %get3A_1077 = arith.index_cast %scan3A_997 : i32 to index
          %get3A_1078 = arith.constant 208 : index
          %get3A_1079 = tpu.vector_load %arg12[%get3A_1077, %get3A_1078] {strides = array<i32>} : memref<8x256xf32, #tpu.memory_space<vmem>>, vector<1x16xf32>,
          %get3A_1080 = vector.shape_cast %get3A_1079 : vector<1x16xf32> to vector<16xf32>
          %get3A_1081 = arith.index_cast %scan3A_997 : i32 to index
          %get3A_1082 = arith.constant 224 : index
          %get3A_1083 = tpu.vector_load %arg12[%get3A_1081, %get3A_1082] {strides = array<i32>} : memref<8x256xf32, #tpu.memory_space<vmem>>, vector<1x16xf32>,
          %get3A_1084 = vector.shape_cast %get3A_1083 : vector<1x16xf32> to vector<16xf32>
          %get3A_1085 = arith.index_cast %scan3A_997 : i32 to index
          %get3A_1086 = arith.constant 240 : index
          %get3A_1087 = tpu.vector_load %arg12[%get3A_1085, %get3A_1086] {strides = array<i32>} : memref<8x256xf32, #tpu.memory_space<vmem>>, vector<1x16xf32>,
          %get3A_1088 = vector.shape_cast %get3A_1087 : vector<1x16xf32> to vector<16xf32>
          %parallel_loop3A = arith.constant 0 : i32
          %parallel_loop3A_1089 = arith.constant 1 : i32
          %parallel_loop3A_1090:16 = scf.for %parallel_loop3A_1171 = %parallel_loop3A to %sub3A_1013 step %parallel_loop3A_1089 iter_args(%parallel_loop3A_1172 = %get3A_1028, %parallel_loop3A_1173 = %get3A_1032, %parallel_loop3A_1174 = %get3A_1036, %parallel_loop3A_1175 = %get3A_1040, %parallel_loop3A_1176 = %get3A_1044, %parallel_loop3A_1177 = %get3A_1048, %parallel_loop3A_1178 = %get3A_1052, %parallel_loop3A_1179 = %get3A_1056, %parallel_loop3A_1180 = %get3A_1060, %parallel_loop3A_1181 = %get3A_1064, %parallel_loop3A_1182 = %get3A_1068, %parallel_loop3A_1183 = %get3A_1072, %parallel_loop3A_1184 = %get3A_1076, %parallel_loop3A_1185 = %get3A_1080, %parallel_loop3A_1186 = %get3A_1084, %parallel_loop3A_1187 = %get3A_1088) -> (vector<16xf32>, vector<16xf32>, vector<16xf32>, vector<16xf32>, vector<16xf32>, vector<16xf32>, vector<16xf32>, vector<16xf32>, vector<16xf32>, vector<16xf32>, vector<16xf32>, vector<16xf32>, vector<16xf32>, vector<16xf32>, vector<16xf32>, vector<16xf32>)  : i32 {
            %parallel_loop3A_1188 = arith.constant 128 : i32
            %parallel_loop3A_1189 = arith.muli %parallel_loop3A_1171, %parallel_loop3A_1188 : i32
            %parallel_loop3A_1190 = arith.addi %add3A_1019, %parallel_loop3A_1189 : i32
            %parallel_loop3A_1191 = arith.constant 0 : i32
            %parallel_loop3A_1192 = arith.addi %parallel_loop3A_1190, %parallel_loop3A_1191 : i32
            %parallel_loop3A_1193 = arith.index_cast %parallel_loop3A_1192 : i32 to index
            %parallel_loop3A_1194 = tpu.vector_load %arg7[%parallel_loop3A_1193] {strides = array<i32>} : memref<65536xf32, #tpu.memory_space<vmem>>, vector<16xf32>,
            %parallel_loop3A_1195 = vector.shape_cast %parallel_loop3A_1194 : vector<16xf32> to vector<16xf32>
            %parallel_loop3A_1196 = arith.constant 16 : i32
            %parallel_loop3A_1197 = arith.addi %parallel_loop3A_1190, %parallel_loop3A_1196 : i32
            %parallel_loop3A_1198 = arith.index_cast %parallel_loop3A_1197 : i32 to index
            %parallel_loop3A_1199 = tpu.vector_load %arg7[%parallel_loop3A_1198] {strides = array<i32>} : memref<65536xf32, #tpu.memory_space<vmem>>, vector<16xf32>,
            %parallel_loop3A_1200 = vector.shape_cast %parallel_loop3A_1199 : vector<16xf32> to vector<16xf32>
            %parallel_loop3A_1201 = arith.constant 32 : i32
            %parallel_loop3A_1202 = arith.addi %parallel_loop3A_1190, %parallel_loop3A_1201 : i32
            %parallel_loop3A_1203 = arith.index_cast %parallel_loop3A_1202 : i32 to index
            %parallel_loop3A_1204 = tpu.vector_load %arg7[%parallel_loop3A_1203] {strides = array<i32>} : memref<65536xf32, #tpu.memory_space<vmem>>, vector<16xf32>,
            %parallel_loop3A_1205 = vector.shape_cast %parallel_loop3A_1204 : vector<16xf32> to vector<16xf32>
            %parallel_loop3A_1206 = arith.constant 48 : i32
            %parallel_loop3A_1207 = arith.addi %parallel_loop3A_1190, %parallel_loop3A_1206 : i32
            %parallel_loop3A_1208 = arith.index_cast %parallel_loop3A_1207 : i32 to index
            %parallel_loop3A_1209 = tpu.vector_load %arg7[%parallel_loop3A_1208] {strides = array<i32>} : memref<65536xf32, #tpu.memory_space<vmem>>, vector<16xf32>,
            %parallel_loop3A_1210 = vector.shape_cast %parallel_loop3A_1209 : vector<16xf32> to vector<16xf32>
            %parallel_loop3A_1211 = arith.constant 64 : i32
            %parallel_loop3A_1212 = arith.addi %parallel_loop3A_1190, %parallel_loop3A_1211 : i32
            %parallel_loop3A_1213 = arith.index_cast %parallel_loop3A_1212 : i32 to index
            %parallel_loop3A_1214 = tpu.vector_load %arg7[%parallel_loop3A_1213] {strides = array<i32>} : memref<65536xf32, #tpu.memory_space<vmem>>, vector<16xf32>,
            %parallel_loop3A_1215 = vector.shape_cast %parallel_loop3A_1214 : vector<16xf32> to vector<16xf32>
            %parallel_loop3A_1216 = arith.constant 80 : i32
            %parallel_loop3A_1217 = arith.addi %parallel_loop3A_1190, %parallel_loop3A_1216 : i32
            %parallel_loop3A_1218 = arith.index_cast %parallel_loop3A_1217 : i32 to index
            %parallel_loop3A_1219 = tpu.vector_load %arg7[%parallel_loop3A_1218] {strides = array<i32>} : memref<65536xf32, #tpu.memory_space<vmem>>, vector<16xf32>,
            %parallel_loop3A_1220 = vector.shape_cast %parallel_loop3A_1219 : vector<16xf32> to vector<16xf32>
            %parallel_loop3A_1221 = arith.constant 96 : i32
            %parallel_loop3A_1222 = arith.addi %parallel_loop3A_1190, %parallel_loop3A_1221 : i32
            %parallel_loop3A_1223 = arith.index_cast %parallel_loop3A_1222 : i32 to index
            %parallel_loop3A_1224 = tpu.vector_load %arg7[%parallel_loop3A_1223] {strides = array<i32>} : memref<65536xf32, #tpu.memory_space<vmem>>, vector<16xf32>,
            %parallel_loop3A_1225 = vector.shape_cast %parallel_loop3A_1224 : vector<16xf32> to vector<16xf32>
            %parallel_loop3A_1226 = arith.constant 112 : i32
            %parallel_loop3A_1227 = arith.addi %parallel_loop3A_1190, %parallel_loop3A_1226 : i32
            %parallel_loop3A_1228 = arith.index_cast %parallel_loop3A_1227 : i32 to index
            %parallel_loop3A_1229 = tpu.vector_load %arg7[%parallel_loop3A_1228] {strides = array<i32>} : memref<65536xf32, #tpu.memory_space<vmem>>, vector<16xf32>,
            %parallel_loop3A_1230 = vector.shape_cast %parallel_loop3A_1229 : vector<16xf32> to vector<16xf32>
            %parallel_loop3A_1231 = arith.mulf %parallel_loop3A_1195, %get3A_4 : vector<16xf32>
            %parallel_loop3A_1232 = arith.mulf %parallel_loop3A_1200, %get3A_7 : vector<16xf32>
            %parallel_loop3A_1233 = arith.addf %parallel_loop3A_1231, %parallel_loop3A_1232 : vector<16xf32>
            %parallel_loop3A_1234 = arith.mulf %parallel_loop3A_1205, %get3A_10 : vector<16xf32>
            %parallel_loop3A_1235 = arith.addf %parallel_loop3A_1233, %parallel_loop3A_1234 : vector<16xf32>
            %parallel_loop3A_1236 = arith.mulf %parallel_loop3A_1210, %get3A_13 : vector<16xf32>
            %parallel_loop3A_1237 = arith.addf %parallel_loop3A_1235, %parallel_loop3A_1236 : vector<16xf32>
            %parallel_loop3A_1238 = arith.mulf %parallel_loop3A_1215, %get3A_16 : vector<16xf32>
            %parallel_loop3A_1239 = arith.addf %parallel_loop3A_1237, %parallel_loop3A_1238 : vector<16xf32>
            %parallel_loop3A_1240 = arith.mulf %parallel_loop3A_1220, %get3A_19 : vector<16xf32>
            %parallel_loop3A_1241 = arith.addf %parallel_loop3A_1239, %parallel_loop3A_1240 : vector<16xf32>
            %parallel_loop3A_1242 = arith.mulf %parallel_loop3A_1225, %get3A_22 : vector<16xf32>
            %parallel_loop3A_1243 = arith.addf %parallel_loop3A_1241, %parallel_loop3A_1242 : vector<16xf32>
            %parallel_loop3A_1244 = arith.mulf %parallel_loop3A_1230, %get3A_25 : vector<16xf32>
            %parallel_loop3A_1245 = arith.addf %parallel_loop3A_1243, %parallel_loop3A_1244 : vector<16xf32>
            %parallel_loop3A_1246 = arith.constant 8 : i32
            %parallel_loop3A_1247 = vector.broadcast %parallel_loop3A_1246 : i32 to vector<16xi32>
            %parallel_loop3A_1248 = arith.xori %iota3A, %parallel_loop3A_1247 : vector<16xi32>
            %parallel_loop3A_1249 = vector.shape_cast %parallel_loop3A_1248 : vector<16xi32> to vector<16x1xi32>
            %parallel_loop3A_1250 = vector.shape_cast %parallel_loop3A_1249 : vector<16x1xi32> to vector<16xi32>
            %parallel_loop3A_1251 = tpu.dynamic_gather %parallel_loop3A_1245[%parallel_loop3A_1250] in [0] : vector<16xf32>, vector<16xi32> -> vector<16xf32>
            %parallel_loop3A_1252 = arith.addf %parallel_loop3A_1245, %parallel_loop3A_1251 : vector<16xf32>
            %parallel_loop3A_1253 = arith.constant 4 : i32
            %parallel_loop3A_1254 = vector.broadcast %parallel_loop3A_1253 : i32 to vector<16xi32>
            %parallel_loop3A_1255 = arith.xori %iota3A, %parallel_loop3A_1254 : vector<16xi32>
            %parallel_loop3A_1256 = vector.shape_cast %parallel_loop3A_1255 : vector<16xi32> to vector<16x1xi32>
            %parallel_loop3A_1257 = vector.shape_cast %parallel_loop3A_1256 : vector<16x1xi32> to vector<16xi32>
            %parallel_loop3A_1258 = tpu.dynamic_gather %parallel_loop3A_1252[%parallel_loop3A_1257] in [0] : vector<16xf32>, vector<16xi32> -> vector<16xf32>
            %parallel_loop3A_1259 = arith.addf %parallel_loop3A_1252, %parallel_loop3A_1258 : vector<16xf32>
            %parallel_loop3A_1260 = arith.constant 2 : i32
            %parallel_loop3A_1261 = vector.broadcast %parallel_loop3A_1260 : i32 to vector<16xi32>
            %parallel_loop3A_1262 = arith.xori %iota3A, %parallel_loop3A_1261 : vector<16xi32>
            %parallel_loop3A_1263 = vector.shape_cast %parallel_loop3A_1262 : vector<16xi32> to vector<16x1xi32>
            %parallel_loop3A_1264 = vector.shape_cast %parallel_loop3A_1263 : vector<16x1xi32> to vector<16xi32>
            %parallel_loop3A_1265 = tpu.dynamic_gather %parallel_loop3A_1259[%parallel_loop3A_1264] in [0] : vector<16xf32>, vector<16xi32> -> vector<16xf32>
            %parallel_loop3A_1266 = arith.addf %parallel_loop3A_1259, %parallel_loop3A_1265 : vector<16xf32>
            %parallel_loop3A_1267 = arith.constant 1 : i32
            %parallel_loop3A_1268 = vector.broadcast %parallel_loop3A_1267 : i32 to vector<16xi32>
            %parallel_loop3A_1269 = arith.xori %iota3A, %parallel_loop3A_1268 : vector<16xi32>
            %parallel_loop3A_1270 = vector.shape_cast %parallel_loop3A_1269 : vector<16xi32> to vector<16x1xi32>
            %parallel_loop3A_1271 = vector.shape_cast %parallel_loop3A_1270 : vector<16x1xi32> to vector<16xi32>
            %parallel_loop3A_1272 = tpu.dynamic_gather %parallel_loop3A_1266[%parallel_loop3A_1271] in [0] : vector<16xf32>, vector<16xi32> -> vector<16xf32>
            %parallel_loop3A_1273 = arith.addf %parallel_loop3A_1266, %parallel_loop3A_1272 : vector<16xf32>
            %parallel_loop3A_1274 = arith.addf %parallel_loop3A_1273, %get3A_28 : vector<16xf32>
            %parallel_loop3A_1275 = arith.addf %parallel_loop3A_1274, %parallel_loop3A_1274 : vector<16xf32>
            %parallel_loop3A_1276 = math.exp %parallel_loop3A_1275 : vector<16xf32>
            %parallel_loop3A_1277 = arith.constant 1.000000e+00 : f32
            %parallel_loop3A_1278 = vector.broadcast %parallel_loop3A_1277 : f32 to vector<16xf32>
            %parallel_loop3A_1279 = arith.subf %parallel_loop3A_1276, %parallel_loop3A_1278 : vector<16xf32>
            %parallel_loop3A_1280 = arith.constant 1.000000e+00 : f32
            %parallel_loop3A_1281 = vector.broadcast %parallel_loop3A_1280 : f32 to vector<16xf32>
            %parallel_loop3A_1282 = arith.addf %parallel_loop3A_1276, %parallel_loop3A_1281 : vector<16xf32>
            %parallel_loop3A_1283 = arith.divf %parallel_loop3A_1279, %parallel_loop3A_1282 : vector<16xf32>
            %parallel_loop3A_1284 = arith.mulf %parallel_loop3A_1195, %parallel_loop3A_1283 : vector<16xf32>
            %parallel_loop3A_1285 = arith.addf %parallel_loop3A_1172, %parallel_loop3A_1284 : vector<16xf32>
            %parallel_loop3A_1286 = arith.mulf %parallel_loop3A_1200, %parallel_loop3A_1283 : vector<16xf32>
            %parallel_loop3A_1287 = arith.addf %parallel_loop3A_1173, %parallel_loop3A_1286 : vector<16xf32>
            %parallel_loop3A_1288 = arith.mulf %parallel_loop3A_1205, %parallel_loop3A_1283 : vector<16xf32>
            %parallel_loop3A_1289 = arith.addf %parallel_loop3A_1174, %parallel_loop3A_1288 : vector<16xf32>
            %parallel_loop3A_1290 = arith.mulf %parallel_loop3A_1210, %parallel_loop3A_1283 : vector<16xf32>
            %parallel_loop3A_1291 = arith.addf %parallel_loop3A_1175, %parallel_loop3A_1290 : vector<16xf32>
            %parallel_loop3A_1292 = arith.mulf %parallel_loop3A_1215, %parallel_loop3A_1283 : vector<16xf32>
            %parallel_loop3A_1293 = arith.addf %parallel_loop3A_1176, %parallel_loop3A_1292 : vector<16xf32>
            %parallel_loop3A_1294 = arith.mulf %parallel_loop3A_1220, %parallel_loop3A_1283 : vector<16xf32>
            %parallel_loop3A_1295 = arith.addf %parallel_loop3A_1177, %parallel_loop3A_1294 : vector<16xf32>
            %parallel_loop3A_1296 = arith.mulf %parallel_loop3A_1225, %parallel_loop3A_1283 : vector<16xf32>
            %parallel_loop3A_1297 = arith.addf %parallel_loop3A_1178, %parallel_loop3A_1296 : vector<16xf32>
            %parallel_loop3A_1298 = arith.mulf %parallel_loop3A_1230, %parallel_loop3A_1283 : vector<16xf32>
            %parallel_loop3A_1299 = arith.addf %parallel_loop3A_1179, %parallel_loop3A_1298 : vector<16xf32>
            %parallel_loop3A_1300 = arith.maximumf %parallel_loop3A_1180, %parallel_loop3A_1195 : vector<16xf32>
            %parallel_loop3A_1301 = arith.maximumf %parallel_loop3A_1181, %parallel_loop3A_1200 : vector<16xf32>
            %parallel_loop3A_1302 = arith.maximumf %parallel_loop3A_1182, %parallel_loop3A_1205 : vector<16xf32>
            %parallel_loop3A_1303 = arith.maximumf %parallel_loop3A_1183, %parallel_loop3A_1210 : vector<16xf32>
            %parallel_loop3A_1304 = arith.maximumf %parallel_loop3A_1184, %parallel_loop3A_1215 : vector<16xf32>
            %parallel_loop3A_1305 = arith.maximumf %parallel_loop3A_1185, %parallel_loop3A_1220 : vector<16xf32>
            %parallel_loop3A_1306 = arith.maximumf %parallel_loop3A_1186, %parallel_loop3A_1225 : vector<16xf32>
            %parallel_loop3A_1307 = arith.maximumf %parallel_loop3A_1187, %parallel_loop3A_1230 : vector<16xf32>
            scf.yield %parallel_loop3A_1285, %parallel_loop3A_1287, %parallel_loop3A_1289, %parallel_loop3A_1291, %parallel_loop3A_1293, %parallel_loop3A_1295, %parallel_loop3A_1297, %parallel_loop3A_1299, %parallel_loop3A_1300, %parallel_loop3A_1301, %parallel_loop3A_1302, %parallel_loop3A_1303, %parallel_loop3A_1304, %parallel_loop3A_1305, %parallel_loop3A_1306, %parallel_loop3A_1307 : vector<16xf32>, vector<16xf32>, vector<16xf32>, vector<16xf32>, vector<16xf32>, vector<16xf32>, vector<16xf32>, vector<16xf32>, vector<16xf32>, vector<16xf32>, vector<16xf32>, vector<16xf32>, vector<16xf32>, vector<16xf32>, vector<16xf32>, vector<16xf32>
          } {sc.loop_unroll_factor = 4 : i64, sc.parallel_access}
          %swap3A_1091 = arith.index_cast %scan3A_997 : i32 to index
          %swap3A_1092 = arith.constant 0 : index
          %swap3A_1093 = tpu.vector_load %arg12[%swap3A_1091, %swap3A_1092] {strides = array<i32>} : memref<8x256xf32, #tpu.memory_space<vmem>>, vector<1x16xf32>,
          %swap3A_1094 = vector.shape_cast %swap3A_1093 : vector<1x16xf32> to vector<16xf32>
          %swap3A_1095 = vector.shape_cast %parallel_loop3A_1090#0 : vector<16xf32> to vector<1x16xf32>
          tpu.vector_store %arg12[%swap3A_1091, %swap3A_1092], %swap3A_1095 {strides = array<i32>} : memref<8x256xf32, #tpu.memory_space<vmem>>, vector<1x16xf32>,
          %swap3A_1096 = arith.index_cast %scan3A_997 : i32 to index
          %swap3A_1097 = arith.constant 128 : index
          %swap3A_1098 = tpu.vector_load %arg12[%swap3A_1096, %swap3A_1097] {strides = array<i32>} : memref<8x256xf32, #tpu.memory_space<vmem>>, vector<1x16xf32>,
          %swap3A_1099 = vector.shape_cast %swap3A_1098 : vector<1x16xf32> to vector<16xf32>
          %swap3A_1100 = vector.shape_cast %parallel_loop3A_1090#8 : vector<16xf32> to vector<1x16xf32>
          tpu.vector_store %arg12[%swap3A_1096, %swap3A_1097], %swap3A_1100 {strides = array<i32>} : memref<8x256xf32, #tpu.memory_space<vmem>>, vector<1x16xf32>,
          %swap3A_1101 = arith.index_cast %scan3A_997 : i32 to index
          %swap3A_1102 = arith.constant 16 : index
          %swap3A_1103 = tpu.vector_load %arg12[%swap3A_1101, %swap3A_1102] {strides = array<i32>} : memref<8x256xf32, #tpu.memory_space<vmem>>, vector<1x16xf32>,
          %swap3A_1104 = vector.shape_cast %swap3A_1103 : vector<1x16xf32> to vector<16xf32>
          %swap3A_1105 = vector.shape_cast %parallel_loop3A_1090#1 : vector<16xf32> to vector<1x16xf32>
          tpu.vector_store %arg12[%swap3A_1101, %swap3A_1102], %swap3A_1105 {strides = array<i32>} : memref<8x256xf32, #tpu.memory_space<vmem>>, vector<1x16xf32>,
          %swap3A_1106 = arith.index_cast %scan3A_997 : i32 to index
          %swap3A_1107 = arith.constant 144 : index
          %swap3A_1108 = tpu.vector_load %arg12[%swap3A_1106, %swap3A_1107] {strides = array<i32>} : memref<8x256xf32, #tpu.memory_space<vmem>>, vector<1x16xf32>,
          %swap3A_1109 = vector.shape_cast %swap3A_1108 : vector<1x16xf32> to vector<16xf32>
          %swap3A_1110 = vector.shape_cast %parallel_loop3A_1090#9 : vector<16xf32> to vector<1x16xf32>
          tpu.vector_store %arg12[%swap3A_1106, %swap3A_1107], %swap3A_1110 {strides = array<i32>} : memref<8x256xf32, #tpu.memory_space<vmem>>, vector<1x16xf32>,
          %swap3A_1111 = arith.index_cast %scan3A_997 : i32 to index
          %swap3A_1112 = arith.constant 32 : index
          %swap3A_1113 = tpu.vector_load %arg12[%swap3A_1111, %swap3A_1112] {strides = array<i32>} : memref<8x256xf32, #tpu.memory_space<vmem>>, vector<1x16xf32>,
          %swap3A_1114 = vector.shape_cast %swap3A_1113 : vector<1x16xf32> to vector<16xf32>
          %swap3A_1115 = vector.shape_cast %parallel_loop3A_1090#2 : vector<16xf32> to vector<1x16xf32>
          tpu.vector_store %arg12[%swap3A_1111, %swap3A_1112], %swap3A_1115 {strides = array<i32>} : memref<8x256xf32, #tpu.memory_space<vmem>>, vector<1x16xf32>,
          %swap3A_1116 = arith.index_cast %scan3A_997 : i32 to index
          %swap3A_1117 = arith.constant 160 : index
          %swap3A_1118 = tpu.vector_load %arg12[%swap3A_1116, %swap3A_1117] {strides = array<i32>} : memref<8x256xf32, #tpu.memory_space<vmem>>, vector<1x16xf32>,
          %swap3A_1119 = vector.shape_cast %swap3A_1118 : vector<1x16xf32> to vector<16xf32>
          %swap3A_1120 = vector.shape_cast %parallel_loop3A_1090#10 : vector<16xf32> to vector<1x16xf32>
          tpu.vector_store %arg12[%swap3A_1116, %swap3A_1117], %swap3A_1120 {strides = array<i32>} : memref<8x256xf32, #tpu.memory_space<vmem>>, vector<1x16xf32>,
          %swap3A_1121 = arith.index_cast %scan3A_997 : i32 to index
          %swap3A_1122 = arith.constant 48 : index
          %swap3A_1123 = tpu.vector_load %arg12[%swap3A_1121, %swap3A_1122] {strides = array<i32>} : memref<8x256xf32, #tpu.memory_space<vmem>>, vector<1x16xf32>,
          %swap3A_1124 = vector.shape_cast %swap3A_1123 : vector<1x16xf32> to vector<16xf32>
          %swap3A_1125 = vector.shape_cast %parallel_loop3A_1090#3 : vector<16xf32> to vector<1x16xf32>
          tpu.vector_store %arg12[%swap3A_1121, %swap3A_1122], %swap3A_1125 {strides = array<i32>} : memref<8x256xf32, #tpu.memory_space<vmem>>, vector<1x16xf32>,
          %swap3A_1126 = arith.index_cast %scan3A_997 : i32 to index
          %swap3A_1127 = arith.constant 176 : index
          %swap3A_1128 = tpu.vector_load %arg12[%swap3A_1126, %swap3A_1127] {strides = array<i32>} : memref<8x256xf32, #tpu.memory_space<vmem>>, vector<1x16xf32>,
          %swap3A_1129 = vector.shape_cast %swap3A_1128 : vector<1x16xf32> to vector<16xf32>
          %swap3A_1130 = vector.shape_cast %parallel_loop3A_1090#11 : vector<16xf32> to vector<1x16xf32>
          tpu.vector_store %arg12[%swap3A_1126, %swap3A_1127], %swap3A_1130 {strides = array<i32>} : memref<8x256xf32, #tpu.memory_space<vmem>>, vector<1x16xf32>,
          %swap3A_1131 = arith.index_cast %scan3A_997 : i32 to index
          %swap3A_1132 = arith.constant 64 : index
          %swap3A_1133 = tpu.vector_load %arg12[%swap3A_1131, %swap3A_1132] {strides = array<i32>} : memref<8x256xf32, #tpu.memory_space<vmem>>, vector<1x16xf32>,
          %swap3A_1134 = vector.shape_cast %swap3A_1133 : vector<1x16xf32> to vector<16xf32>
          %swap3A_1135 = vector.shape_cast %parallel_loop3A_1090#4 : vector<16xf32> to vector<1x16xf32>
          tpu.vector_store %arg12[%swap3A_1131, %swap3A_1132], %swap3A_1135 {strides = array<i32>} : memref<8x256xf32, #tpu.memory_space<vmem>>, vector<1x16xf32>,
          %swap3A_1136 = arith.index_cast %scan3A_997 : i32 to index
          %swap3A_1137 = arith.constant 192 : index
          %swap3A_1138 = tpu.vector_load %arg12[%swap3A_1136, %swap3A_1137] {strides = array<i32>} : memref<8x256xf32, #tpu.memory_space<vmem>>, vector<1x16xf32>,
          %swap3A_1139 = vector.shape_cast %swap3A_1138 : vector<1x16xf32> to vector<16xf32>
          %swap3A_1140 = vector.shape_cast %parallel_loop3A_1090#12 : vector<16xf32> to vector<1x16xf32>
          tpu.vector_store %arg12[%swap3A_1136, %swap3A_1137], %swap3A_1140 {strides = array<i32>} : memref<8x256xf32, #tpu.memory_space<vmem>>, vector<1x16xf32>,
          %swap3A_1141 = arith.index_cast %scan3A_997 : i32 to index
          %swap3A_1142 = arith.constant 80 : index
          %swap3A_1143 = tpu.vector_load %arg12[%swap3A_1141, %swap3A_1142] {strides = array<i32>} : memref<8x256xf32, #tpu.memory_space<vmem>>, vector<1x16xf32>,
          %swap3A_1144 = vector.shape_cast %swap3A_1143 : vector<1x16xf32> to vector<16xf32>
          %swap3A_1145 = vector.shape_cast %parallel_loop3A_1090#5 : vector<16xf32> to vector<1x16xf32>
          tpu.vector_store %arg12[%swap3A_1141, %swap3A_1142], %swap3A_1145 {strides = array<i32>} : memref<8x256xf32, #tpu.memory_space<vmem>>, vector<1x16xf32>,
          %swap3A_1146 = arith.index_cast %scan3A_997 : i32 to index
          %swap3A_1147 = arith.constant 208 : index
          %swap3A_1148 = tpu.vector_load %arg12[%swap3A_1146, %swap3A_1147] {strides = array<i32>} : memref<8x256xf32, #tpu.memory_space<vmem>>, vector<1x16xf32>,
          %swap3A_1149 = vector.shape_cast %swap3A_1148 : vector<1x16xf32> to vector<16xf32>
          %swap3A_1150 = vector.shape_cast %parallel_loop3A_1090#13 : vector<16xf32> to vector<1x16xf32>
          tpu.vector_store %arg12[%swap3A_1146, %swap3A_1147], %swap3A_1150 {strides = array<i32>} : memref<8x256xf32, #tpu.memory_space<vmem>>, vector<1x16xf32>,
          %swap3A_1151 = arith.index_cast %scan3A_997 : i32 to index
          %swap3A_1152 = arith.constant 96 : index
          %swap3A_1153 = tpu.vector_load %arg12[%swap3A_1151, %swap3A_1152] {strides = array<i32>} : memref<8x256xf32, #tpu.memory_space<vmem>>, vector<1x16xf32>,
          %swap3A_1154 = vector.shape_cast %swap3A_1153 : vector<1x16xf32> to vector<16xf32>
          %swap3A_1155 = vector.shape_cast %parallel_loop3A_1090#6 : vector<16xf32> to vector<1x16xf32>
          tpu.vector_store %arg12[%swap3A_1151, %swap3A_1152], %swap3A_1155 {strides = array<i32>} : memref<8x256xf32, #tpu.memory_space<vmem>>, vector<1x16xf32>,
          %swap3A_1156 = arith.index_cast %scan3A_997 : i32 to index
          %swap3A_1157 = arith.constant 224 : index
          %swap3A_1158 = tpu.vector_load %arg12[%swap3A_1156, %swap3A_1157] {strides = array<i32>} : memref<8x256xf32, #tpu.memory_space<vmem>>, vector<1x16xf32>,
          %swap3A_1159 = vector.shape_cast %swap3A_1158 : vector<1x16xf32> to vector<16xf32>
          %swap3A_1160 = vector.shape_cast %parallel_loop3A_1090#14 : vector<16xf32> to vector<1x16xf32>
          tpu.vector_store %arg12[%swap3A_1156, %swap3A_1157], %swap3A_1160 {strides = array<i32>} : memref<8x256xf32, #tpu.memory_space<vmem>>, vector<1x16xf32>,
          %swap3A_1161 = arith.index_cast %scan3A_997 : i32 to index
          %swap3A_1162 = arith.constant 112 : index
          %swap3A_1163 = tpu.vector_load %arg12[%swap3A_1161, %swap3A_1162] {strides = array<i32>} : memref<8x256xf32, #tpu.memory_space<vmem>>, vector<1x16xf32>,
          %swap3A_1164 = vector.shape_cast %swap3A_1163 : vector<1x16xf32> to vector<16xf32>
          %swap3A_1165 = vector.shape_cast %parallel_loop3A_1090#7 : vector<16xf32> to vector<1x16xf32>
          tpu.vector_store %arg12[%swap3A_1161, %swap3A_1162], %swap3A_1165 {strides = array<i32>} : memref<8x256xf32, #tpu.memory_space<vmem>>, vector<1x16xf32>,
          %swap3A_1166 = arith.index_cast %scan3A_997 : i32 to index
          %swap3A_1167 = arith.constant 240 : index
          %swap3A_1168 = tpu.vector_load %arg12[%swap3A_1166, %swap3A_1167] {strides = array<i32>} : memref<8x256xf32, #tpu.memory_space<vmem>>, vector<1x16xf32>,
          %swap3A_1169 = vector.shape_cast %swap3A_1168 : vector<1x16xf32> to vector<16xf32>
          %swap3A_1170 = vector.shape_cast %parallel_loop3A_1090#15 : vector<16xf32> to vector<1x16xf32>
          tpu.vector_store %arg12[%swap3A_1166, %swap3A_1167], %swap3A_1170 {strides = array<i32>} : memref<8x256xf32, #tpu.memory_space<vmem>>, vector<1x16xf32>,
        } else {
        }
      }
      %scan3A_944 = arith.constant 8 : i32
      %add3A_945 = arith.constant 2 : i32
      %add3A_946 = arith.addi %mul3A_894, %add3A_945 : i32
      %add3A_947 = arith.constant 3 : i32
      %add3A_948 = arith.addi %add3A_946, %add3A_947 : i32
      %lt3A_949 = arith.cmpi slt, %add3A_948, %select_n3A : i32
      %convert_element_type3A_950 = arith.extui %lt3A_949 : i1 to i32
      %cond3A_951 = arith.constant 0 : i32
      %cond3A_952 = arith.cmpi ne, %convert_element_type3A_950, %cond3A_951 : i32
      scf.if %cond3A_952 {
        %mul3A_997 = arith.constant 128 : i32
        %mul3A_998 = arith.muli %add3A_948, %mul3A_997 : i32
        %add3A_999 = arith.addi %squeeze3A, %mul3A_998 : i32
        %min3A_1000 = arith.constant 319872 : i32
        %min3A_1001 = arith.minsi %add3A_999, %min3A_1000 : i32
        %mul3A_1002 = arith.constant 128 : i32
        %mul3A_1003 = arith.muli %min3A_1001, %mul3A_1002 : i32
        %dma_start3A = arith.constant 16384 : i32
        %dma_start3A_1004 = tpu.memref_slice %arg7[%dma_start3A] : memref<65536xf32, #tpu.memory_space<vmem>> -> memref<16384xf32, #tpu.memory_space<vmem>>
        %dma_start3A_1005 = tpu.memref_slice %arg2[%mul3A_1003] : memref<40960000xf32, #tpu.memory_space<hbm>> -> memref<16384xf32, #tpu.memory_space<hbm>>
        %dma_start3A_1006 = arith.constant 16384 : i32
        %dma_start3A_1007 = tpu.memref_slice %arg7[%dma_start3A_1006] : memref<65536xf32, #tpu.memory_space<vmem>> -> memref<16384xf32, #tpu.memory_space<vmem>>
        %dma_start3A_1008 = tpu.memref_slice %arg2[%mul3A_1003] : memref<40960000xf32, #tpu.memory_space<hbm>> -> memref<16384xf32, #tpu.memory_space<hbm>>
        tpu.enqueue_dma source(%dma_start3A_1008 : memref<16384xf32, #tpu.memory_space<hbm>>) target(%dma_start3A_1007 : memref<16384xf32, #tpu.memory_space<vmem>>) target_semaphore(%arg15 : memref<!tpu.dma_semaphore, #tpu.memory_space<semaphore_mem>>)
      } else {
      }
      %add3A_953 = arith.constant 2 : i32
      %add3A_954 = arith.addi %mul3A_894, %add3A_953 : i32
      %mul3A_955 = arith.constant 128 : i32
      %mul3A_956 = arith.muli %add3A_954, %mul3A_955 : i32
      %add3A_957 = arith.addi %squeeze3A, %mul3A_956 : i32
      %min3A_958 = arith.constant 319872 : i32
      %min3A_959 = arith.minsi %add3A_957, %min3A_958 : i32
      %sub3A_960 = arith.subi %add3A_957, %min3A_959 : i32
      %lt3A_961 = arith.cmpi slt, %add3A_954, %select_n3A : i32
      %convert_element_type3A_962 = arith.extui %lt3A_961 : i1 to i32
      %cond3A_963 = arith.constant 0 : i32
      %cond3A_964 = arith.cmpi ne, %convert_element_type3A_962, %cond3A_963 : i32
      scf.if %cond3A_964 {
        %dma_wait3A = arith.constant 32768 : i32
        %dma_wait3A_997 = tpu.memref_slice %arg7[%dma_wait3A] : memref<65536xf32, #tpu.memory_space<vmem>> -> memref<16384xf32, #tpu.memory_space<vmem>>
        %dma_wait3A_998 = arith.constant 0 : i32
        %dma_wait3A_999 = tpu.memref_slice %arg2[%dma_wait3A_998] : memref<40960000xf32, #tpu.memory_space<hbm>> -> memref<16384xf32, #tpu.memory_space<hbm>>
        %dma_wait3A_1000 = arith.constant 32768 : i32
        %dma_wait3A_1001 = tpu.memref_slice %arg7[%dma_wait3A_1000] : memref<65536xf32, #tpu.memory_space<vmem>> -> memref<16384xf32, #tpu.memory_space<vmem>>
        %dma_wait3A_1002 = arith.constant 0 : i32
        %dma_wait3A_1003 = tpu.memref_slice %arg2[%dma_wait3A_1002] : memref<40960000xf32, #tpu.memory_space<hbm>> -> memref<16384xf32, #tpu.memory_space<hbm>>
        tpu.wait_dma2 semaphore(%arg16 : memref<!tpu.dma_semaphore, #tpu.memory_space<semaphore_mem>>) src(%dma_wait3A_1003 : memref<16384xf32, #tpu.memory_space<hbm>>) dst(%dma_wait3A_1001 : memref<16384xf32, #tpu.memory_space<vmem>>)
      } else {
      }
      %scan3A_965 = arith.constant 0 : i32
      %scan3A_966 = arith.constant 0 : i32
      %scan3A_967 = arith.constant 8 : i32
      %scan3A_968 = arith.addi %scan3A_966, %scan3A_967 : i32
      %scan3A_969 = arith.constant 1 : i32
      scf.for %scan3A_997 = %scan3A_966 to %scan3A_968 step %scan3A_969  : i32 {
        %get3A_998 = arith.index_cast %scan3A_997 : i32 to index
        %get3A_999 = tpu.vector_load %arg10[%get3A_998] {strides = array<i32>} : memref<32xi32, #tpu.memory_space<vmem>>, vector<16xi32>,
        %get3A_1000 = vector.shape_cast %get3A_999 : vector<16xi32> to vector<16xi32>
        %slice3A_1001 = vector.extract_strided_slice %get3A_1000 {offsets = [0], sizes = [1], strides = [1]} : vector<16xi32> to vector<1xi32>
        %squeeze3A_1002 = vector.extract %slice3A_1001[0] : i32 from vector<1xi32>
        %add3A_1003 = arith.constant 1 : i32
        %add3A_1004 = arith.addi %scan3A_997, %add3A_1003 : i32
        %get3A_1005 = arith.index_cast %add3A_1004 : i32 to index
        %get3A_1006 = tpu.vector_load %arg10[%get3A_1005] {strides = array<i32>} : memref<32xi32, #tpu.memory_space<vmem>>, vector<16xi32>,
        %get3A_1007 = vector.shape_cast %get3A_1006 : vector<16xi32> to vector<16xi32>
        %slice3A_1008 = vector.extract_strided_slice %get3A_1007 {offsets = [0], sizes = [1], strides = [1]} : vector<16xi32> to vector<1xi32>
        %squeeze3A_1009 = vector.extract %slice3A_1008[0] : i32 from vector<1xi32>
        %max3A = arith.maxsi %squeeze3A_1002, %add3A_957 : i32
        %add3A_1010 = arith.constant 128 : i32
        %add3A_1011 = arith.addi %add3A_957, %add3A_1010 : i32
        %min3A_1012 = arith.minsi %squeeze3A_1009, %add3A_1011 : i32
        %sub3A_1013 = arith.subi %min3A_1012, %max3A : i32
        %sub3A_1014 = arith.subi %max3A, %add3A_957 : i32
        %add3A_1015 = arith.addi %sub3A_960, %sub3A_1014 : i32
        %mul3A_1016 = arith.constant 128 : i32
        %mul3A_1017 = arith.muli %add3A_1015, %mul3A_1016 : i32
        %add3A_1018 = arith.constant 32768 : i32
        %add3A_1019 = arith.addi %add3A_1018, %mul3A_1017 : i32
        %gt3A_1020 = arith.constant 0 : i32
        %gt3A_1021 = arith.cmpi sgt, %sub3A_1013, %gt3A_1020 : i32
        %convert_element_type3A_1022 = arith.extui %gt3A_1021 : i1 to i32
        %cond3A_1023 = arith.constant 0 : i32
        %cond3A_1024 = arith.cmpi ne, %convert_element_type3A_1022, %cond3A_1023 : i32
        scf.if %cond3A_1024 {
          %get3A_1025 = arith.index_cast %scan3A_997 : i32 to index
          %get3A_1026 = arith.constant 0 : index
          %get3A_1027 = tpu.vector_load %arg12[%get3A_1025, %get3A_1026] {strides = array<i32>} : memref<8x256xf32, #tpu.memory_space<vmem>>, vector<1x16xf32>,
          %get3A_1028 = vector.shape_cast %get3A_1027 : vector<1x16xf32> to vector<16xf32>
          %get3A_1029 = arith.index_cast %scan3A_997 : i32 to index
          %get3A_1030 = arith.constant 16 : index
          %get3A_1031 = tpu.vector_load %arg12[%get3A_1029, %get3A_1030] {strides = array<i32>} : memref<8x256xf32, #tpu.memory_space<vmem>>, vector<1x16xf32>,
          %get3A_1032 = vector.shape_cast %get3A_1031 : vector<1x16xf32> to vector<16xf32>
          %get3A_1033 = arith.index_cast %scan3A_997 : i32 to index
          %get3A_1034 = arith.constant 32 : index
          %get3A_1035 = tpu.vector_load %arg12[%get3A_1033, %get3A_1034] {strides = array<i32>} : memref<8x256xf32, #tpu.memory_space<vmem>>, vector<1x16xf32>,
          %get3A_1036 = vector.shape_cast %get3A_1035 : vector<1x16xf32> to vector<16xf32>
          %get3A_1037 = arith.index_cast %scan3A_997 : i32 to index
          %get3A_1038 = arith.constant 48 : index
          %get3A_1039 = tpu.vector_load %arg12[%get3A_1037, %get3A_1038] {strides = array<i32>} : memref<8x256xf32, #tpu.memory_space<vmem>>, vector<1x16xf32>,
          %get3A_1040 = vector.shape_cast %get3A_1039 : vector<1x16xf32> to vector<16xf32>
          %get3A_1041 = arith.index_cast %scan3A_997 : i32 to index
          %get3A_1042 = arith.constant 64 : index
          %get3A_1043 = tpu.vector_load %arg12[%get3A_1041, %get3A_1042] {strides = array<i32>} : memref<8x256xf32, #tpu.memory_space<vmem>>, vector<1x16xf32>,
          %get3A_1044 = vector.shape_cast %get3A_1043 : vector<1x16xf32> to vector<16xf32>
          %get3A_1045 = arith.index_cast %scan3A_997 : i32 to index
          %get3A_1046 = arith.constant 80 : index
          %get3A_1047 = tpu.vector_load %arg12[%get3A_1045, %get3A_1046] {strides = array<i32>} : memref<8x256xf32, #tpu.memory_space<vmem>>, vector<1x16xf32>,
          %get3A_1048 = vector.shape_cast %get3A_1047 : vector<1x16xf32> to vector<16xf32>
          %get3A_1049 = arith.index_cast %scan3A_997 : i32 to index
          %get3A_1050 = arith.constant 96 : index
          %get3A_1051 = tpu.vector_load %arg12[%get3A_1049, %get3A_1050] {strides = array<i32>} : memref<8x256xf32, #tpu.memory_space<vmem>>, vector<1x16xf32>,
          %get3A_1052 = vector.shape_cast %get3A_1051 : vector<1x16xf32> to vector<16xf32>
          %get3A_1053 = arith.index_cast %scan3A_997 : i32 to index
          %get3A_1054 = arith.constant 112 : index
          %get3A_1055 = tpu.vector_load %arg12[%get3A_1053, %get3A_1054] {strides = array<i32>} : memref<8x256xf32, #tpu.memory_space<vmem>>, vector<1x16xf32>,
          %get3A_1056 = vector.shape_cast %get3A_1055 : vector<1x16xf32> to vector<16xf32>
          %get3A_1057 = arith.index_cast %scan3A_997 : i32 to index
          %get3A_1058 = arith.constant 128 : index
          %get3A_1059 = tpu.vector_load %arg12[%get3A_1057, %get3A_1058] {strides = array<i32>} : memref<8x256xf32, #tpu.memory_space<vmem>>, vector<1x16xf32>,
          %get3A_1060 = vector.shape_cast %get3A_1059 : vector<1x16xf32> to vector<16xf32>
          %get3A_1061 = arith.index_cast %scan3A_997 : i32 to index
          %get3A_1062 = arith.constant 144 : index
          %get3A_1063 = tpu.vector_load %arg12[%get3A_1061, %get3A_1062] {strides = array<i32>} : memref<8x256xf32, #tpu.memory_space<vmem>>, vector<1x16xf32>,
          %get3A_1064 = vector.shape_cast %get3A_1063 : vector<1x16xf32> to vector<16xf32>
          %get3A_1065 = arith.index_cast %scan3A_997 : i32 to index
          %get3A_1066 = arith.constant 160 : index
          %get3A_1067 = tpu.vector_load %arg12[%get3A_1065, %get3A_1066] {strides = array<i32>} : memref<8x256xf32, #tpu.memory_space<vmem>>, vector<1x16xf32>,
          %get3A_1068 = vector.shape_cast %get3A_1067 : vector<1x16xf32> to vector<16xf32>
          %get3A_1069 = arith.index_cast %scan3A_997 : i32 to index
          %get3A_1070 = arith.constant 176 : index
          %get3A_1071 = tpu.vector_load %arg12[%get3A_1069, %get3A_1070] {strides = array<i32>} : memref<8x256xf32, #tpu.memory_space<vmem>>, vector<1x16xf32>,
          %get3A_1072 = vector.shape_cast %get3A_1071 : vector<1x16xf32> to vector<16xf32>
          %get3A_1073 = arith.index_cast %scan3A_997 : i32 to index
          %get3A_1074 = arith.constant 192 : index
          %get3A_1075 = tpu.vector_load %arg12[%get3A_1073, %get3A_1074] {strides = array<i32>} : memref<8x256xf32, #tpu.memory_space<vmem>>, vector<1x16xf32>,
          %get3A_1076 = vector.shape_cast %get3A_1075 : vector<1x16xf32> to vector<16xf32>
          %get3A_1077 = arith.index_cast %scan3A_997 : i32 to index
          %get3A_1078 = arith.constant 208 : index
          %get3A_1079 = tpu.vector_load %arg12[%get3A_1077, %get3A_1078] {strides = array<i32>} : memref<8x256xf32, #tpu.memory_space<vmem>>, vector<1x16xf32>,
          %get3A_1080 = vector.shape_cast %get3A_1079 : vector<1x16xf32> to vector<16xf32>
          %get3A_1081 = arith.index_cast %scan3A_997 : i32 to index
          %get3A_1082 = arith.constant 224 : index
          %get3A_1083 = tpu.vector_load %arg12[%get3A_1081, %get3A_1082] {strides = array<i32>} : memref<8x256xf32, #tpu.memory_space<vmem>>, vector<1x16xf32>,
          %get3A_1084 = vector.shape_cast %get3A_1083 : vector<1x16xf32> to vector<16xf32>
          %get3A_1085 = arith.index_cast %scan3A_997 : i32 to index
          %get3A_1086 = arith.constant 240 : index
          %get3A_1087 = tpu.vector_load %arg12[%get3A_1085, %get3A_1086] {strides = array<i32>} : memref<8x256xf32, #tpu.memory_space<vmem>>, vector<1x16xf32>,
          %get3A_1088 = vector.shape_cast %get3A_1087 : vector<1x16xf32> to vector<16xf32>
          %parallel_loop3A = arith.constant 0 : i32
          %parallel_loop3A_1089 = arith.constant 1 : i32
          %parallel_loop3A_1090:16 = scf.for %parallel_loop3A_1171 = %parallel_loop3A to %sub3A_1013 step %parallel_loop3A_1089 iter_args(%parallel_loop3A_1172 = %get3A_1028, %parallel_loop3A_1173 = %get3A_1032, %parallel_loop3A_1174 = %get3A_1036, %parallel_loop3A_1175 = %get3A_1040, %parallel_loop3A_1176 = %get3A_1044, %parallel_loop3A_1177 = %get3A_1048, %parallel_loop3A_1178 = %get3A_1052, %parallel_loop3A_1179 = %get3A_1056, %parallel_loop3A_1180 = %get3A_1060, %parallel_loop3A_1181 = %get3A_1064, %parallel_loop3A_1182 = %get3A_1068, %parallel_loop3A_1183 = %get3A_1072, %parallel_loop3A_1184 = %get3A_1076, %parallel_loop3A_1185 = %get3A_1080, %parallel_loop3A_1186 = %get3A_1084, %parallel_loop3A_1187 = %get3A_1088) -> (vector<16xf32>, vector<16xf32>, vector<16xf32>, vector<16xf32>, vector<16xf32>, vector<16xf32>, vector<16xf32>, vector<16xf32>, vector<16xf32>, vector<16xf32>, vector<16xf32>, vector<16xf32>, vector<16xf32>, vector<16xf32>, vector<16xf32>, vector<16xf32>)  : i32 {
            %parallel_loop3A_1188 = arith.constant 128 : i32
            %parallel_loop3A_1189 = arith.muli %parallel_loop3A_1171, %parallel_loop3A_1188 : i32
            %parallel_loop3A_1190 = arith.addi %add3A_1019, %parallel_loop3A_1189 : i32
            %parallel_loop3A_1191 = arith.constant 0 : i32
            %parallel_loop3A_1192 = arith.addi %parallel_loop3A_1190, %parallel_loop3A_1191 : i32
            %parallel_loop3A_1193 = arith.index_cast %parallel_loop3A_1192 : i32 to index
            %parallel_loop3A_1194 = tpu.vector_load %arg7[%parallel_loop3A_1193] {strides = array<i32>} : memref<65536xf32, #tpu.memory_space<vmem>>, vector<16xf32>,
            %parallel_loop3A_1195 = vector.shape_cast %parallel_loop3A_1194 : vector<16xf32> to vector<16xf32>
            %parallel_loop3A_1196 = arith.constant 16 : i32
            %parallel_loop3A_1197 = arith.addi %parallel_loop3A_1190, %parallel_loop3A_1196 : i32
            %parallel_loop3A_1198 = arith.index_cast %parallel_loop3A_1197 : i32 to index
            %parallel_loop3A_1199 = tpu.vector_load %arg7[%parallel_loop3A_1198] {strides = array<i32>} : memref<65536xf32, #tpu.memory_space<vmem>>, vector<16xf32>,
            %parallel_loop3A_1200 = vector.shape_cast %parallel_loop3A_1199 : vector<16xf32> to vector<16xf32>
            %parallel_loop3A_1201 = arith.constant 32 : i32
            %parallel_loop3A_1202 = arith.addi %parallel_loop3A_1190, %parallel_loop3A_1201 : i32
            %parallel_loop3A_1203 = arith.index_cast %parallel_loop3A_1202 : i32 to index
            %parallel_loop3A_1204 = tpu.vector_load %arg7[%parallel_loop3A_1203] {strides = array<i32>} : memref<65536xf32, #tpu.memory_space<vmem>>, vector<16xf32>,
            %parallel_loop3A_1205 = vector.shape_cast %parallel_loop3A_1204 : vector<16xf32> to vector<16xf32>
            %parallel_loop3A_1206 = arith.constant 48 : i32
            %parallel_loop3A_1207 = arith.addi %parallel_loop3A_1190, %parallel_loop3A_1206 : i32
            %parallel_loop3A_1208 = arith.index_cast %parallel_loop3A_1207 : i32 to index
            %parallel_loop3A_1209 = tpu.vector_load %arg7[%parallel_loop3A_1208] {strides = array<i32>} : memref<65536xf32, #tpu.memory_space<vmem>>, vector<16xf32>,
            %parallel_loop3A_1210 = vector.shape_cast %parallel_loop3A_1209 : vector<16xf32> to vector<16xf32>
            %parallel_loop3A_1211 = arith.constant 64 : i32
            %parallel_loop3A_1212 = arith.addi %parallel_loop3A_1190, %parallel_loop3A_1211 : i32
            %parallel_loop3A_1213 = arith.index_cast %parallel_loop3A_1212 : i32 to index
            %parallel_loop3A_1214 = tpu.vector_load %arg7[%parallel_loop3A_1213] {strides = array<i32>} : memref<65536xf32, #tpu.memory_space<vmem>>, vector<16xf32>,
            %parallel_loop3A_1215 = vector.shape_cast %parallel_loop3A_1214 : vector<16xf32> to vector<16xf32>
            %parallel_loop3A_1216 = arith.constant 80 : i32
            %parallel_loop3A_1217 = arith.addi %parallel_loop3A_1190, %parallel_loop3A_1216 : i32
            %parallel_loop3A_1218 = arith.index_cast %parallel_loop3A_1217 : i32 to index
            %parallel_loop3A_1219 = tpu.vector_load %arg7[%parallel_loop3A_1218] {strides = array<i32>} : memref<65536xf32, #tpu.memory_space<vmem>>, vector<16xf32>,
            %parallel_loop3A_1220 = vector.shape_cast %parallel_loop3A_1219 : vector<16xf32> to vector<16xf32>
            %parallel_loop3A_1221 = arith.constant 96 : i32
            %parallel_loop3A_1222 = arith.addi %parallel_loop3A_1190, %parallel_loop3A_1221 : i32
            %parallel_loop3A_1223 = arith.index_cast %parallel_loop3A_1222 : i32 to index
            %parallel_loop3A_1224 = tpu.vector_load %arg7[%parallel_loop3A_1223] {strides = array<i32>} : memref<65536xf32, #tpu.memory_space<vmem>>, vector<16xf32>,
            %parallel_loop3A_1225 = vector.shape_cast %parallel_loop3A_1224 : vector<16xf32> to vector<16xf32>
            %parallel_loop3A_1226 = arith.constant 112 : i32
            %parallel_loop3A_1227 = arith.addi %parallel_loop3A_1190, %parallel_loop3A_1226 : i32
            %parallel_loop3A_1228 = arith.index_cast %parallel_loop3A_1227 : i32 to index
            %parallel_loop3A_1229 = tpu.vector_load %arg7[%parallel_loop3A_1228] {strides = array<i32>} : memref<65536xf32, #tpu.memory_space<vmem>>, vector<16xf32>,
            %parallel_loop3A_1230 = vector.shape_cast %parallel_loop3A_1229 : vector<16xf32> to vector<16xf32>
            %parallel_loop3A_1231 = arith.mulf %parallel_loop3A_1195, %get3A_4 : vector<16xf32>
            %parallel_loop3A_1232 = arith.mulf %parallel_loop3A_1200, %get3A_7 : vector<16xf32>
            %parallel_loop3A_1233 = arith.addf %parallel_loop3A_1231, %parallel_loop3A_1232 : vector<16xf32>
            %parallel_loop3A_1234 = arith.mulf %parallel_loop3A_1205, %get3A_10 : vector<16xf32>
            %parallel_loop3A_1235 = arith.addf %parallel_loop3A_1233, %parallel_loop3A_1234 : vector<16xf32>
            %parallel_loop3A_1236 = arith.mulf %parallel_loop3A_1210, %get3A_13 : vector<16xf32>
            %parallel_loop3A_1237 = arith.addf %parallel_loop3A_1235, %parallel_loop3A_1236 : vector<16xf32>
            %parallel_loop3A_1238 = arith.mulf %parallel_loop3A_1215, %get3A_16 : vector<16xf32>
            %parallel_loop3A_1239 = arith.addf %parallel_loop3A_1237, %parallel_loop3A_1238 : vector<16xf32>
            %parallel_loop3A_1240 = arith.mulf %parallel_loop3A_1220, %get3A_19 : vector<16xf32>
            %parallel_loop3A_1241 = arith.addf %parallel_loop3A_1239, %parallel_loop3A_1240 : vector<16xf32>
            %parallel_loop3A_1242 = arith.mulf %parallel_loop3A_1225, %get3A_22 : vector<16xf32>
            %parallel_loop3A_1243 = arith.addf %parallel_loop3A_1241, %parallel_loop3A_1242 : vector<16xf32>
            %parallel_loop3A_1244 = arith.mulf %parallel_loop3A_1230, %get3A_25 : vector<16xf32>
            %parallel_loop3A_1245 = arith.addf %parallel_loop3A_1243, %parallel_loop3A_1244 : vector<16xf32>
            %parallel_loop3A_1246 = arith.constant 8 : i32
            %parallel_loop3A_1247 = vector.broadcast %parallel_loop3A_1246 : i32 to vector<16xi32>
            %parallel_loop3A_1248 = arith.xori %iota3A, %parallel_loop3A_1247 : vector<16xi32>
            %parallel_loop3A_1249 = vector.shape_cast %parallel_loop3A_1248 : vector<16xi32> to vector<16x1xi32>
            %parallel_loop3A_1250 = vector.shape_cast %parallel_loop3A_1249 : vector<16x1xi32> to vector<16xi32>
            %parallel_loop3A_1251 = tpu.dynamic_gather %parallel_loop3A_1245[%parallel_loop3A_1250] in [0] : vector<16xf32>, vector<16xi32> -> vector<16xf32>
            %parallel_loop3A_1252 = arith.addf %parallel_loop3A_1245, %parallel_loop3A_1251 : vector<16xf32>
            %parallel_loop3A_1253 = arith.constant 4 : i32
            %parallel_loop3A_1254 = vector.broadcast %parallel_loop3A_1253 : i32 to vector<16xi32>
            %parallel_loop3A_1255 = arith.xori %iota3A, %parallel_loop3A_1254 : vector<16xi32>
            %parallel_loop3A_1256 = vector.shape_cast %parallel_loop3A_1255 : vector<16xi32> to vector<16x1xi32>
            %parallel_loop3A_1257 = vector.shape_cast %parallel_loop3A_1256 : vector<16x1xi32> to vector<16xi32>
            %parallel_loop3A_1258 = tpu.dynamic_gather %parallel_loop3A_1252[%parallel_loop3A_1257] in [0] : vector<16xf32>, vector<16xi32> -> vector<16xf32>
            %parallel_loop3A_1259 = arith.addf %parallel_loop3A_1252, %parallel_loop3A_1258 : vector<16xf32>
            %parallel_loop3A_1260 = arith.constant 2 : i32
            %parallel_loop3A_1261 = vector.broadcast %parallel_loop3A_1260 : i32 to vector<16xi32>
            %parallel_loop3A_1262 = arith.xori %iota3A, %parallel_loop3A_1261 : vector<16xi32>
            %parallel_loop3A_1263 = vector.shape_cast %parallel_loop3A_1262 : vector<16xi32> to vector<16x1xi32>
            %parallel_loop3A_1264 = vector.shape_cast %parallel_loop3A_1263 : vector<16x1xi32> to vector<16xi32>
            %parallel_loop3A_1265 = tpu.dynamic_gather %parallel_loop3A_1259[%parallel_loop3A_1264] in [0] : vector<16xf32>, vector<16xi32> -> vector<16xf32>
            %parallel_loop3A_1266 = arith.addf %parallel_loop3A_1259, %parallel_loop3A_1265 : vector<16xf32>
            %parallel_loop3A_1267 = arith.constant 1 : i32
            %parallel_loop3A_1268 = vector.broadcast %parallel_loop3A_1267 : i32 to vector<16xi32>
            %parallel_loop3A_1269 = arith.xori %iota3A, %parallel_loop3A_1268 : vector<16xi32>
            %parallel_loop3A_1270 = vector.shape_cast %parallel_loop3A_1269 : vector<16xi32> to vector<16x1xi32>
            %parallel_loop3A_1271 = vector.shape_cast %parallel_loop3A_1270 : vector<16x1xi32> to vector<16xi32>
            %parallel_loop3A_1272 = tpu.dynamic_gather %parallel_loop3A_1266[%parallel_loop3A_1271] in [0] : vector<16xf32>, vector<16xi32> -> vector<16xf32>
            %parallel_loop3A_1273 = arith.addf %parallel_loop3A_1266, %parallel_loop3A_1272 : vector<16xf32>
            %parallel_loop3A_1274 = arith.addf %parallel_loop3A_1273, %get3A_28 : vector<16xf32>
            %parallel_loop3A_1275 = arith.addf %parallel_loop3A_1274, %parallel_loop3A_1274 : vector<16xf32>
            %parallel_loop3A_1276 = math.exp %parallel_loop3A_1275 : vector<16xf32>
            %parallel_loop3A_1277 = arith.constant 1.000000e+00 : f32
            %parallel_loop3A_1278 = vector.broadcast %parallel_loop3A_1277 : f32 to vector<16xf32>
            %parallel_loop3A_1279 = arith.subf %parallel_loop3A_1276, %parallel_loop3A_1278 : vector<16xf32>
            %parallel_loop3A_1280 = arith.constant 1.000000e+00 : f32
            %parallel_loop3A_1281 = vector.broadcast %parallel_loop3A_1280 : f32 to vector<16xf32>
            %parallel_loop3A_1282 = arith.addf %parallel_loop3A_1276, %parallel_loop3A_1281 : vector<16xf32>
            %parallel_loop3A_1283 = arith.divf %parallel_loop3A_1279, %parallel_loop3A_1282 : vector<16xf32>
            %parallel_loop3A_1284 = arith.mulf %parallel_loop3A_1195, %parallel_loop3A_1283 : vector<16xf32>
            %parallel_loop3A_1285 = arith.addf %parallel_loop3A_1172, %parallel_loop3A_1284 : vector<16xf32>
            %parallel_loop3A_1286 = arith.mulf %parallel_loop3A_1200, %parallel_loop3A_1283 : vector<16xf32>
            %parallel_loop3A_1287 = arith.addf %parallel_loop3A_1173, %parallel_loop3A_1286 : vector<16xf32>
            %parallel_loop3A_1288 = arith.mulf %parallel_loop3A_1205, %parallel_loop3A_1283 : vector<16xf32>
            %parallel_loop3A_1289 = arith.addf %parallel_loop3A_1174, %parallel_loop3A_1288 : vector<16xf32>
            %parallel_loop3A_1290 = arith.mulf %parallel_loop3A_1210, %parallel_loop3A_1283 : vector<16xf32>
            %parallel_loop3A_1291 = arith.addf %parallel_loop3A_1175, %parallel_loop3A_1290 : vector<16xf32>
            %parallel_loop3A_1292 = arith.mulf %parallel_loop3A_1215, %parallel_loop3A_1283 : vector<16xf32>
            %parallel_loop3A_1293 = arith.addf %parallel_loop3A_1176, %parallel_loop3A_1292 : vector<16xf32>
            %parallel_loop3A_1294 = arith.mulf %parallel_loop3A_1220, %parallel_loop3A_1283 : vector<16xf32>
            %parallel_loop3A_1295 = arith.addf %parallel_loop3A_1177, %parallel_loop3A_1294 : vector<16xf32>
            %parallel_loop3A_1296 = arith.mulf %parallel_loop3A_1225, %parallel_loop3A_1283 : vector<16xf32>
            %parallel_loop3A_1297 = arith.addf %parallel_loop3A_1178, %parallel_loop3A_1296 : vector<16xf32>
            %parallel_loop3A_1298 = arith.mulf %parallel_loop3A_1230, %parallel_loop3A_1283 : vector<16xf32>
            %parallel_loop3A_1299 = arith.addf %parallel_loop3A_1179, %parallel_loop3A_1298 : vector<16xf32>
            %parallel_loop3A_1300 = arith.maximumf %parallel_loop3A_1180, %parallel_loop3A_1195 : vector<16xf32>
            %parallel_loop3A_1301 = arith.maximumf %parallel_loop3A_1181, %parallel_loop3A_1200 : vector<16xf32>
            %parallel_loop3A_1302 = arith.maximumf %parallel_loop3A_1182, %parallel_loop3A_1205 : vector<16xf32>
            %parallel_loop3A_1303 = arith.maximumf %parallel_loop3A_1183, %parallel_loop3A_1210 : vector<16xf32>
            %parallel_loop3A_1304 = arith.maximumf %parallel_loop3A_1184, %parallel_loop3A_1215 : vector<16xf32>
            %parallel_loop3A_1305 = arith.maximumf %parallel_loop3A_1185, %parallel_loop3A_1220 : vector<16xf32>
            %parallel_loop3A_1306 = arith.maximumf %parallel_loop3A_1186, %parallel_loop3A_1225 : vector<16xf32>
            %parallel_loop3A_1307 = arith.maximumf %parallel_loop3A_1187, %parallel_loop3A_1230 : vector<16xf32>
            scf.yield %parallel_loop3A_1285, %parallel_loop3A_1287, %parallel_loop3A_1289, %parallel_loop3A_1291, %parallel_loop3A_1293, %parallel_loop3A_1295, %parallel_loop3A_1297, %parallel_loop3A_1299, %parallel_loop3A_1300, %parallel_loop3A_1301, %parallel_loop3A_1302, %parallel_loop3A_1303, %parallel_loop3A_1304, %parallel_loop3A_1305, %parallel_loop3A_1306, %parallel_loop3A_1307 : vector<16xf32>, vector<16xf32>, vector<16xf32>, vector<16xf32>, vector<16xf32>, vector<16xf32>, vector<16xf32>, vector<16xf32>, vector<16xf32>, vector<16xf32>, vector<16xf32>, vector<16xf32>, vector<16xf32>, vector<16xf32>, vector<16xf32>, vector<16xf32>
          } {sc.loop_unroll_factor = 4 : i64, sc.parallel_access}
          %swap3A_1091 = arith.index_cast %scan3A_997 : i32 to index
          %swap3A_1092 = arith.constant 0 : index
          %swap3A_1093 = tpu.vector_load %arg12[%swap3A_1091, %swap3A_1092] {strides = array<i32>} : memref<8x256xf32, #tpu.memory_space<vmem>>, vector<1x16xf32>,
          %swap3A_1094 = vector.shape_cast %swap3A_1093 : vector<1x16xf32> to vector<16xf32>
          %swap3A_1095 = vector.shape_cast %parallel_loop3A_1090#0 : vector<16xf32> to vector<1x16xf32>
          tpu.vector_store %arg12[%swap3A_1091, %swap3A_1092], %swap3A_1095 {strides = array<i32>} : memref<8x256xf32, #tpu.memory_space<vmem>>, vector<1x16xf32>,
          %swap3A_1096 = arith.index_cast %scan3A_997 : i32 to index
          %swap3A_1097 = arith.constant 128 : index
          %swap3A_1098 = tpu.vector_load %arg12[%swap3A_1096, %swap3A_1097] {strides = array<i32>} : memref<8x256xf32, #tpu.memory_space<vmem>>, vector<1x16xf32>,
          %swap3A_1099 = vector.shape_cast %swap3A_1098 : vector<1x16xf32> to vector<16xf32>
          %swap3A_1100 = vector.shape_cast %parallel_loop3A_1090#8 : vector<16xf32> to vector<1x16xf32>
          tpu.vector_store %arg12[%swap3A_1096, %swap3A_1097], %swap3A_1100 {strides = array<i32>} : memref<8x256xf32, #tpu.memory_space<vmem>>, vector<1x16xf32>,
          %swap3A_1101 = arith.index_cast %scan3A_997 : i32 to index
          %swap3A_1102 = arith.constant 16 : index
          %swap3A_1103 = tpu.vector_load %arg12[%swap3A_1101, %swap3A_1102] {strides = array<i32>} : memref<8x256xf32, #tpu.memory_space<vmem>>, vector<1x16xf32>,
          %swap3A_1104 = vector.shape_cast %swap3A_1103 : vector<1x16xf32> to vector<16xf32>
          %swap3A_1105 = vector.shape_cast %parallel_loop3A_1090#1 : vector<16xf32> to vector<1x16xf32>
          tpu.vector_store %arg12[%swap3A_1101, %swap3A_1102], %swap3A_1105 {strides = array<i32>} : memref<8x256xf32, #tpu.memory_space<vmem>>, vector<1x16xf32>,
          %swap3A_1106 = arith.index_cast %scan3A_997 : i32 to index
          %swap3A_1107 = arith.constant 144 : index
          %swap3A_1108 = tpu.vector_load %arg12[%swap3A_1106, %swap3A_1107] {strides = array<i32>} : memref<8x256xf32, #tpu.memory_space<vmem>>, vector<1x16xf32>,
          %swap3A_1109 = vector.shape_cast %swap3A_1108 : vector<1x16xf32> to vector<16xf32>
          %swap3A_1110 = vector.shape_cast %parallel_loop3A_1090#9 : vector<16xf32> to vector<1x16xf32>
          tpu.vector_store %arg12[%swap3A_1106, %swap3A_1107], %swap3A_1110 {strides = array<i32>} : memref<8x256xf32, #tpu.memory_space<vmem>>, vector<1x16xf32>,
          %swap3A_1111 = arith.index_cast %scan3A_997 : i32 to index
          %swap3A_1112 = arith.constant 32 : index
          %swap3A_1113 = tpu.vector_load %arg12[%swap3A_1111, %swap3A_1112] {strides = array<i32>} : memref<8x256xf32, #tpu.memory_space<vmem>>, vector<1x16xf32>,
          %swap3A_1114 = vector.shape_cast %swap3A_1113 : vector<1x16xf32> to vector<16xf32>
          %swap3A_1115 = vector.shape_cast %parallel_loop3A_1090#2 : vector<16xf32> to vector<1x16xf32>
          tpu.vector_store %arg12[%swap3A_1111, %swap3A_1112], %swap3A_1115 {strides = array<i32>} : memref<8x256xf32, #tpu.memory_space<vmem>>, vector<1x16xf32>,
          %swap3A_1116 = arith.index_cast %scan3A_997 : i32 to index
          %swap3A_1117 = arith.constant 160 : index
          %swap3A_1118 = tpu.vector_load %arg12[%swap3A_1116, %swap3A_1117] {strides = array<i32>} : memref<8x256xf32, #tpu.memory_space<vmem>>, vector<1x16xf32>,
          %swap3A_1119 = vector.shape_cast %swap3A_1118 : vector<1x16xf32> to vector<16xf32>
          %swap3A_1120 = vector.shape_cast %parallel_loop3A_1090#10 : vector<16xf32> to vector<1x16xf32>
          tpu.vector_store %arg12[%swap3A_1116, %swap3A_1117], %swap3A_1120 {strides = array<i32>} : memref<8x256xf32, #tpu.memory_space<vmem>>, vector<1x16xf32>,
          %swap3A_1121 = arith.index_cast %scan3A_997 : i32 to index
          %swap3A_1122 = arith.constant 48 : index
          %swap3A_1123 = tpu.vector_load %arg12[%swap3A_1121, %swap3A_1122] {strides = array<i32>} : memref<8x256xf32, #tpu.memory_space<vmem>>, vector<1x16xf32>,
          %swap3A_1124 = vector.shape_cast %swap3A_1123 : vector<1x16xf32> to vector<16xf32>
          %swap3A_1125 = vector.shape_cast %parallel_loop3A_1090#3 : vector<16xf32> to vector<1x16xf32>
          tpu.vector_store %arg12[%swap3A_1121, %swap3A_1122], %swap3A_1125 {strides = array<i32>} : memref<8x256xf32, #tpu.memory_space<vmem>>, vector<1x16xf32>,
          %swap3A_1126 = arith.index_cast %scan3A_997 : i32 to index
          %swap3A_1127 = arith.constant 176 : index
          %swap3A_1128 = tpu.vector_load %arg12[%swap3A_1126, %swap3A_1127] {strides = array<i32>} : memref<8x256xf32, #tpu.memory_space<vmem>>, vector<1x16xf32>,
          %swap3A_1129 = vector.shape_cast %swap3A_1128 : vector<1x16xf32> to vector<16xf32>
          %swap3A_1130 = vector.shape_cast %parallel_loop3A_1090#11 : vector<16xf32> to vector<1x16xf32>
          tpu.vector_store %arg12[%swap3A_1126, %swap3A_1127], %swap3A_1130 {strides = array<i32>} : memref<8x256xf32, #tpu.memory_space<vmem>>, vector<1x16xf32>,
          %swap3A_1131 = arith.index_cast %scan3A_997 : i32 to index
          %swap3A_1132 = arith.constant 64 : index
          %swap3A_1133 = tpu.vector_load %arg12[%swap3A_1131, %swap3A_1132] {strides = array<i32>} : memref<8x256xf32, #tpu.memory_space<vmem>>, vector<1x16xf32>,
          %swap3A_1134 = vector.shape_cast %swap3A_1133 : vector<1x16xf32> to vector<16xf32>
          %swap3A_1135 = vector.shape_cast %parallel_loop3A_1090#4 : vector<16xf32> to vector<1x16xf32>
          tpu.vector_store %arg12[%swap3A_1131, %swap3A_1132], %swap3A_1135 {strides = array<i32>} : memref<8x256xf32, #tpu.memory_space<vmem>>, vector<1x16xf32>,
          %swap3A_1136 = arith.index_cast %scan3A_997 : i32 to index
          %swap3A_1137 = arith.constant 192 : index
          %swap3A_1138 = tpu.vector_load %arg12[%swap3A_1136, %swap3A_1137] {strides = array<i32>} : memref<8x256xf32, #tpu.memory_space<vmem>>, vector<1x16xf32>,
          %swap3A_1139 = vector.shape_cast %swap3A_1138 : vector<1x16xf32> to vector<16xf32>
          %swap3A_1140 = vector.shape_cast %parallel_loop3A_1090#12 : vector<16xf32> to vector<1x16xf32>
          tpu.vector_store %arg12[%swap3A_1136, %swap3A_1137], %swap3A_1140 {strides = array<i32>} : memref<8x256xf32, #tpu.memory_space<vmem>>, vector<1x16xf32>,
          %swap3A_1141 = arith.index_cast %scan3A_997 : i32 to index
          %swap3A_1142 = arith.constant 80 : index
          %swap3A_1143 = tpu.vector_load %arg12[%swap3A_1141, %swap3A_1142] {strides = array<i32>} : memref<8x256xf32, #tpu.memory_space<vmem>>, vector<1x16xf32>,
          %swap3A_1144 = vector.shape_cast %swap3A_1143 : vector<1x16xf32> to vector<16xf32>
          %swap3A_1145 = vector.shape_cast %parallel_loop3A_1090#5 : vector<16xf32> to vector<1x16xf32>
          tpu.vector_store %arg12[%swap3A_1141, %swap3A_1142], %swap3A_1145 {strides = array<i32>} : memref<8x256xf32, #tpu.memory_space<vmem>>, vector<1x16xf32>,
          %swap3A_1146 = arith.index_cast %scan3A_997 : i32 to index
          %swap3A_1147 = arith.constant 208 : index
          %swap3A_1148 = tpu.vector_load %arg12[%swap3A_1146, %swap3A_1147] {strides = array<i32>} : memref<8x256xf32, #tpu.memory_space<vmem>>, vector<1x16xf32>,
          %swap3A_1149 = vector.shape_cast %swap3A_1148 : vector<1x16xf32> to vector<16xf32>
          %swap3A_1150 = vector.shape_cast %parallel_loop3A_1090#13 : vector<16xf32> to vector<1x16xf32>
          tpu.vector_store %arg12[%swap3A_1146, %swap3A_1147], %swap3A_1150 {strides = array<i32>} : memref<8x256xf32, #tpu.memory_space<vmem>>, vector<1x16xf32>,
          %swap3A_1151 = arith.index_cast %scan3A_997 : i32 to index
          %swap3A_1152 = arith.constant 96 : index
          %swap3A_1153 = tpu.vector_load %arg12[%swap3A_1151, %swap3A_1152] {strides = array<i32>} : memref<8x256xf32, #tpu.memory_space<vmem>>, vector<1x16xf32>,
          %swap3A_1154 = vector.shape_cast %swap3A_1153 : vector<1x16xf32> to vector<16xf32>
          %swap3A_1155 = vector.shape_cast %parallel_loop3A_1090#6 : vector<16xf32> to vector<1x16xf32>
          tpu.vector_store %arg12[%swap3A_1151, %swap3A_1152], %swap3A_1155 {strides = array<i32>} : memref<8x256xf32, #tpu.memory_space<vmem>>, vector<1x16xf32>,
          %swap3A_1156 = arith.index_cast %scan3A_997 : i32 to index
          %swap3A_1157 = arith.constant 224 : index
          %swap3A_1158 = tpu.vector_load %arg12[%swap3A_1156, %swap3A_1157] {strides = array<i32>} : memref<8x256xf32, #tpu.memory_space<vmem>>, vector<1x16xf32>,
          %swap3A_1159 = vector.shape_cast %swap3A_1158 : vector<1x16xf32> to vector<16xf32>
          %swap3A_1160 = vector.shape_cast %parallel_loop3A_1090#14 : vector<16xf32> to vector<1x16xf32>
          tpu.vector_store %arg12[%swap3A_1156, %swap3A_1157], %swap3A_1160 {strides = array<i32>} : memref<8x256xf32, #tpu.memory_space<vmem>>, vector<1x16xf32>,
          %swap3A_1161 = arith.index_cast %scan3A_997 : i32 to index
          %swap3A_1162 = arith.constant 112 : index
          %swap3A_1163 = tpu.vector_load %arg12[%swap3A_1161, %swap3A_1162] {strides = array<i32>} : memref<8x256xf32, #tpu.memory_space<vmem>>, vector<1x16xf32>,
          %swap3A_1164 = vector.shape_cast %swap3A_1163 : vector<1x16xf32> to vector<16xf32>
          %swap3A_1165 = vector.shape_cast %parallel_loop3A_1090#7 : vector<16xf32> to vector<1x16xf32>
          tpu.vector_store %arg12[%swap3A_1161, %swap3A_1162], %swap3A_1165 {strides = array<i32>} : memref<8x256xf32, #tpu.memory_space<vmem>>, vector<1x16xf32>,
          %swap3A_1166 = arith.index_cast %scan3A_997 : i32 to index
          %swap3A_1167 = arith.constant 240 : index
          %swap3A_1168 = tpu.vector_load %arg12[%swap3A_1166, %swap3A_1167] {strides = array<i32>} : memref<8x256xf32, #tpu.memory_space<vmem>>, vector<1x16xf32>,
          %swap3A_1169 = vector.shape_cast %swap3A_1168 : vector<1x16xf32> to vector<16xf32>
          %swap3A_1170 = vector.shape_cast %parallel_loop3A_1090#15 : vector<16xf32> to vector<1x16xf32>
          tpu.vector_store %arg12[%swap3A_1166, %swap3A_1167], %swap3A_1170 {strides = array<i32>} : memref<8x256xf32, #tpu.memory_space<vmem>>, vector<1x16xf32>,
        } else {
        }
      }
      %scan3A_970 = arith.constant 8 : i32
      %add3A_971 = arith.constant 3 : i32
      %add3A_972 = arith.addi %mul3A_894, %add3A_971 : i32
      %add3A_973 = arith.constant 3 : i32
      %add3A_974 = arith.addi %add3A_972, %add3A_973 : i32
      %lt3A_975 = arith.cmpi slt, %add3A_974, %select_n3A : i32
      %convert_element_type3A_976 = arith.extui %lt3A_975 : i1 to i32
      %cond3A_977 = arith.constant 0 : i32
      %cond3A_978 = arith.cmpi ne, %convert_element_type3A_976, %cond3A_977 : i32
      scf.if %cond3A_978 {
        %mul3A_997 = arith.constant 128 : i32
        %mul3A_998 = arith.muli %add3A_974, %mul3A_997 : i32
        %add3A_999 = arith.addi %squeeze3A, %mul3A_998 : i32
        %min3A_1000 = arith.constant 319872 : i32
        %min3A_1001 = arith.minsi %add3A_999, %min3A_1000 : i32
        %mul3A_1002 = arith.constant 128 : i32
        %mul3A_1003 = arith.muli %min3A_1001, %mul3A_1002 : i32
        %dma_start3A = arith.constant 32768 : i32
        %dma_start3A_1004 = tpu.memref_slice %arg7[%dma_start3A] : memref<65536xf32, #tpu.memory_space<vmem>> -> memref<16384xf32, #tpu.memory_space<vmem>>
        %dma_start3A_1005 = tpu.memref_slice %arg2[%mul3A_1003] : memref<40960000xf32, #tpu.memory_space<hbm>> -> memref<16384xf32, #tpu.memory_space<hbm>>
        %dma_start3A_1006 = arith.constant 32768 : i32
        %dma_start3A_1007 = tpu.memref_slice %arg7[%dma_start3A_1006] : memref<65536xf32, #tpu.memory_space<vmem>> -> memref<16384xf32, #tpu.memory_space<vmem>>
        %dma_start3A_1008 = tpu.memref_slice %arg2[%mul3A_1003] : memref<40960000xf32, #tpu.memory_space<hbm>> -> memref<16384xf32, #tpu.memory_space<hbm>>
        tpu.enqueue_dma source(%dma_start3A_1008 : memref<16384xf32, #tpu.memory_space<hbm>>) target(%dma_start3A_1007 : memref<16384xf32, #tpu.memory_space<vmem>>) target_semaphore(%arg16 : memref<!tpu.dma_semaphore, #tpu.memory_space<semaphore_mem>>)
      } else {
      }
      %add3A_979 = arith.constant 3 : i32
      %add3A_980 = arith.addi %mul3A_894, %add3A_979 : i32
      %mul3A_981 = arith.constant 128 : i32
      %mul3A_982 = arith.muli %add3A_980, %mul3A_981 : i32
      %add3A_983 = arith.addi %squeeze3A, %mul3A_982 : i32
      %min3A_984 = arith.constant 319872 : i32
      %min3A_985 = arith.minsi %add3A_983, %min3A_984 : i32
      %sub3A_986 = arith.subi %add3A_983, %min3A_985 : i32
      %lt3A_987 = arith.cmpi slt, %add3A_980, %select_n3A : i32
      %convert_element_type3A_988 = arith.extui %lt3A_987 : i1 to i32
      %cond3A_989 = arith.constant 0 : i32
      %cond3A_990 = arith.cmpi ne, %convert_element_type3A_988, %cond3A_989 : i32
      scf.if %cond3A_990 {
        %dma_wait3A = arith.constant 49152 : i32
        %dma_wait3A_997 = tpu.memref_slice %arg7[%dma_wait3A] : memref<65536xf32, #tpu.memory_space<vmem>> -> memref<16384xf32, #tpu.memory_space<vmem>>
        %dma_wait3A_998 = arith.constant 0 : i32
        %dma_wait3A_999 = tpu.memref_slice %arg2[%dma_wait3A_998] : memref<40960000xf32, #tpu.memory_space<hbm>> -> memref<16384xf32, #tpu.memory_space<hbm>>
        %dma_wait3A_1000 = arith.constant 49152 : i32
        %dma_wait3A_1001 = tpu.memref_slice %arg7[%dma_wait3A_1000] : memref<65536xf32, #tpu.memory_space<vmem>> -> memref<16384xf32, #tpu.memory_space<vmem>>
        %dma_wait3A_1002 = arith.constant 0 : i32
        %dma_wait3A_1003 = tpu.memref_slice %arg2[%dma_wait3A_1002] : memref<40960000xf32, #tpu.memory_space<hbm>> -> memref<16384xf32, #tpu.memory_space<hbm>>
        tpu.wait_dma2 semaphore(%arg17 : memref<!tpu.dma_semaphore, #tpu.memory_space<semaphore_mem>>) src(%dma_wait3A_1003 : memref<16384xf32, #tpu.memory_space<hbm>>) dst(%dma_wait3A_1001 : memref<16384xf32, #tpu.memory_space<vmem>>)
      } else {
      }
      %scan3A_991 = arith.constant 0 : i32
      %scan3A_992 = arith.constant 0 : i32
      %scan3A_993 = arith.constant 8 : i32
      %scan3A_994 = arith.addi %scan3A_992, %scan3A_993 : i32
      %scan3A_995 = arith.constant 1 : i32
      scf.for %scan3A_997 = %scan3A_992 to %scan3A_994 step %scan3A_995  : i32 {
        %get3A_998 = arith.index_cast %scan3A_997 : i32 to index
        %get3A_999 = tpu.vector_load %arg10[%get3A_998] {strides = array<i32>} : memref<32xi32, #tpu.memory_space<vmem>>, vector<16xi32>,
        %get3A_1000 = vector.shape_cast %get3A_999 : vector<16xi32> to vector<16xi32>
        %slice3A_1001 = vector.extract_strided_slice %get3A_1000 {offsets = [0], sizes = [1], strides = [1]} : vector<16xi32> to vector<1xi32>
        %squeeze3A_1002 = vector.extract %slice3A_1001[0] : i32 from vector<1xi32>
        %add3A_1003 = arith.constant 1 : i32
        %add3A_1004 = arith.addi %scan3A_997, %add3A_1003 : i32
        %get3A_1005 = arith.index_cast %add3A_1004 : i32 to index
        %get3A_1006 = tpu.vector_load %arg10[%get3A_1005] {strides = array<i32>} : memref<32xi32, #tpu.memory_space<vmem>>, vector<16xi32>,
        %get3A_1007 = vector.shape_cast %get3A_1006 : vector<16xi32> to vector<16xi32>
        %slice3A_1008 = vector.extract_strided_slice %get3A_1007 {offsets = [0], sizes = [1], strides = [1]} : vector<16xi32> to vector<1xi32>
        %squeeze3A_1009 = vector.extract %slice3A_1008[0] : i32 from vector<1xi32>
        %max3A = arith.maxsi %squeeze3A_1002, %add3A_983 : i32
        %add3A_1010 = arith.constant 128 : i32
        %add3A_1011 = arith.addi %add3A_983, %add3A_1010 : i32
        %min3A_1012 = arith.minsi %squeeze3A_1009, %add3A_1011 : i32
        %sub3A_1013 = arith.subi %min3A_1012, %max3A : i32
        %sub3A_1014 = arith.subi %max3A, %add3A_983 : i32
        %add3A_1015 = arith.addi %sub3A_986, %sub3A_1014 : i32
        %mul3A_1016 = arith.constant 128 : i32
        %mul3A_1017 = arith.muli %add3A_1015, %mul3A_1016 : i32
        %add3A_1018 = arith.constant 49152 : i32
        %add3A_1019 = arith.addi %add3A_1018, %mul3A_1017 : i32
        %gt3A_1020 = arith.constant 0 : i32
        %gt3A_1021 = arith.cmpi sgt, %sub3A_1013, %gt3A_1020 : i32
        %convert_element_type3A_1022 = arith.extui %gt3A_1021 : i1 to i32
        %cond3A_1023 = arith.constant 0 : i32
        %cond3A_1024 = arith.cmpi ne, %convert_element_type3A_1022, %cond3A_1023 : i32
        scf.if %cond3A_1024 {
          %get3A_1025 = arith.index_cast %scan3A_997 : i32 to index
          %get3A_1026 = arith.constant 0 : index
          %get3A_1027 = tpu.vector_load %arg12[%get3A_1025, %get3A_1026] {strides = array<i32>} : memref<8x256xf32, #tpu.memory_space<vmem>>, vector<1x16xf32>,
          %get3A_1028 = vector.shape_cast %get3A_1027 : vector<1x16xf32> to vector<16xf32>
          %get3A_1029 = arith.index_cast %scan3A_997 : i32 to index
          %get3A_1030 = arith.constant 16 : index
          %get3A_1031 = tpu.vector_load %arg12[%get3A_1029, %get3A_1030] {strides = array<i32>} : memref<8x256xf32, #tpu.memory_space<vmem>>, vector<1x16xf32>,
          %get3A_1032 = vector.shape_cast %get3A_1031 : vector<1x16xf32> to vector<16xf32>
          %get3A_1033 = arith.index_cast %scan3A_997 : i32 to index
          %get3A_1034 = arith.constant 32 : index
          %get3A_1035 = tpu.vector_load %arg12[%get3A_1033, %get3A_1034] {strides = array<i32>} : memref<8x256xf32, #tpu.memory_space<vmem>>, vector<1x16xf32>,
          %get3A_1036 = vector.shape_cast %get3A_1035 : vector<1x16xf32> to vector<16xf32>
          %get3A_1037 = arith.index_cast %scan3A_997 : i32 to index
          %get3A_1038 = arith.constant 48 : index
          %get3A_1039 = tpu.vector_load %arg12[%get3A_1037, %get3A_1038] {strides = array<i32>} : memref<8x256xf32, #tpu.memory_space<vmem>>, vector<1x16xf32>,
          %get3A_1040 = vector.shape_cast %get3A_1039 : vector<1x16xf32> to vector<16xf32>
          %get3A_1041 = arith.index_cast %scan3A_997 : i32 to index
          %get3A_1042 = arith.constant 64 : index
          %get3A_1043 = tpu.vector_load %arg12[%get3A_1041, %get3A_1042] {strides = array<i32>} : memref<8x256xf32, #tpu.memory_space<vmem>>, vector<1x16xf32>,
          %get3A_1044 = vector.shape_cast %get3A_1043 : vector<1x16xf32> to vector<16xf32>
          %get3A_1045 = arith.index_cast %scan3A_997 : i32 to index
          %get3A_1046 = arith.constant 80 : index
          %get3A_1047 = tpu.vector_load %arg12[%get3A_1045, %get3A_1046] {strides = array<i32>} : memref<8x256xf32, #tpu.memory_space<vmem>>, vector<1x16xf32>,
          %get3A_1048 = vector.shape_cast %get3A_1047 : vector<1x16xf32> to vector<16xf32>
          %get3A_1049 = arith.index_cast %scan3A_997 : i32 to index
          %get3A_1050 = arith.constant 96 : index
          %get3A_1051 = tpu.vector_load %arg12[%get3A_1049, %get3A_1050] {strides = array<i32>} : memref<8x256xf32, #tpu.memory_space<vmem>>, vector<1x16xf32>,
          %get3A_1052 = vector.shape_cast %get3A_1051 : vector<1x16xf32> to vector<16xf32>
          %get3A_1053 = arith.index_cast %scan3A_997 : i32 to index
          %get3A_1054 = arith.constant 112 : index
          %get3A_1055 = tpu.vector_load %arg12[%get3A_1053, %get3A_1054] {strides = array<i32>} : memref<8x256xf32, #tpu.memory_space<vmem>>, vector<1x16xf32>,
          %get3A_1056 = vector.shape_cast %get3A_1055 : vector<1x16xf32> to vector<16xf32>
          %get3A_1057 = arith.index_cast %scan3A_997 : i32 to index
          %get3A_1058 = arith.constant 128 : index
          %get3A_1059 = tpu.vector_load %arg12[%get3A_1057, %get3A_1058] {strides = array<i32>} : memref<8x256xf32, #tpu.memory_space<vmem>>, vector<1x16xf32>,
          %get3A_1060 = vector.shape_cast %get3A_1059 : vector<1x16xf32> to vector<16xf32>
          %get3A_1061 = arith.index_cast %scan3A_997 : i32 to index
          %get3A_1062 = arith.constant 144 : index
          %get3A_1063 = tpu.vector_load %arg12[%get3A_1061, %get3A_1062] {strides = array<i32>} : memref<8x256xf32, #tpu.memory_space<vmem>>, vector<1x16xf32>,
          %get3A_1064 = vector.shape_cast %get3A_1063 : vector<1x16xf32> to vector<16xf32>
          %get3A_1065 = arith.index_cast %scan3A_997 : i32 to index
          %get3A_1066 = arith.constant 160 : index
          %get3A_1067 = tpu.vector_load %arg12[%get3A_1065, %get3A_1066] {strides = array<i32>} : memref<8x256xf32, #tpu.memory_space<vmem>>, vector<1x16xf32>,
          %get3A_1068 = vector.shape_cast %get3A_1067 : vector<1x16xf32> to vector<16xf32>
          %get3A_1069 = arith.index_cast %scan3A_997 : i32 to index
          %get3A_1070 = arith.constant 176 : index
          %get3A_1071 = tpu.vector_load %arg12[%get3A_1069, %get3A_1070] {strides = array<i32>} : memref<8x256xf32, #tpu.memory_space<vmem>>, vector<1x16xf32>,
          %get3A_1072 = vector.shape_cast %get3A_1071 : vector<1x16xf32> to vector<16xf32>
          %get3A_1073 = arith.index_cast %scan3A_997 : i32 to index
          %get3A_1074 = arith.constant 192 : index
          %get3A_1075 = tpu.vector_load %arg12[%get3A_1073, %get3A_1074] {strides = array<i32>} : memref<8x256xf32, #tpu.memory_space<vmem>>, vector<1x16xf32>,
          %get3A_1076 = vector.shape_cast %get3A_1075 : vector<1x16xf32> to vector<16xf32>
          %get3A_1077 = arith.index_cast %scan3A_997 : i32 to index
          %get3A_1078 = arith.constant 208 : index
          %get3A_1079 = tpu.vector_load %arg12[%get3A_1077, %get3A_1078] {strides = array<i32>} : memref<8x256xf32, #tpu.memory_space<vmem>>, vector<1x16xf32>,
          %get3A_1080 = vector.shape_cast %get3A_1079 : vector<1x16xf32> to vector<16xf32>
          %get3A_1081 = arith.index_cast %scan3A_997 : i32 to index
          %get3A_1082 = arith.constant 224 : index
          %get3A_1083 = tpu.vector_load %arg12[%get3A_1081, %get3A_1082] {strides = array<i32>} : memref<8x256xf32, #tpu.memory_space<vmem>>, vector<1x16xf32>,
          %get3A_1084 = vector.shape_cast %get3A_1083 : vector<1x16xf32> to vector<16xf32>
          %get3A_1085 = arith.index_cast %scan3A_997 : i32 to index
          %get3A_1086 = arith.constant 240 : index
          %get3A_1087 = tpu.vector_load %arg12[%get3A_1085, %get3A_1086] {strides = array<i32>} : memref<8x256xf32, #tpu.memory_space<vmem>>, vector<1x16xf32>,
          %get3A_1088 = vector.shape_cast %get3A_1087 : vector<1x16xf32> to vector<16xf32>
          %parallel_loop3A = arith.constant 0 : i32
          %parallel_loop3A_1089 = arith.constant 1 : i32
          %parallel_loop3A_1090:16 = scf.for %parallel_loop3A_1171 = %parallel_loop3A to %sub3A_1013 step %parallel_loop3A_1089 iter_args(%parallel_loop3A_1172 = %get3A_1028, %parallel_loop3A_1173 = %get3A_1032, %parallel_loop3A_1174 = %get3A_1036, %parallel_loop3A_1175 = %get3A_1040, %parallel_loop3A_1176 = %get3A_1044, %parallel_loop3A_1177 = %get3A_1048, %parallel_loop3A_1178 = %get3A_1052, %parallel_loop3A_1179 = %get3A_1056, %parallel_loop3A_1180 = %get3A_1060, %parallel_loop3A_1181 = %get3A_1064, %parallel_loop3A_1182 = %get3A_1068, %parallel_loop3A_1183 = %get3A_1072, %parallel_loop3A_1184 = %get3A_1076, %parallel_loop3A_1185 = %get3A_1080, %parallel_loop3A_1186 = %get3A_1084, %parallel_loop3A_1187 = %get3A_1088) -> (vector<16xf32>, vector<16xf32>, vector<16xf32>, vector<16xf32>, vector<16xf32>, vector<16xf32>, vector<16xf32>, vector<16xf32>, vector<16xf32>, vector<16xf32>, vector<16xf32>, vector<16xf32>, vector<16xf32>, vector<16xf32>, vector<16xf32>, vector<16xf32>)  : i32 {
            %parallel_loop3A_1188 = arith.constant 128 : i32
            %parallel_loop3A_1189 = arith.muli %parallel_loop3A_1171, %parallel_loop3A_1188 : i32
            %parallel_loop3A_1190 = arith.addi %add3A_1019, %parallel_loop3A_1189 : i32
            %parallel_loop3A_1191 = arith.constant 0 : i32
            %parallel_loop3A_1192 = arith.addi %parallel_loop3A_1190, %parallel_loop3A_1191 : i32
            %parallel_loop3A_1193 = arith.index_cast %parallel_loop3A_1192 : i32 to index
            %parallel_loop3A_1194 = tpu.vector_load %arg7[%parallel_loop3A_1193] {strides = array<i32>} : memref<65536xf32, #tpu.memory_space<vmem>>, vector<16xf32>,
            %parallel_loop3A_1195 = vector.shape_cast %parallel_loop3A_1194 : vector<16xf32> to vector<16xf32>
            %parallel_loop3A_1196 = arith.constant 16 : i32
            %parallel_loop3A_1197 = arith.addi %parallel_loop3A_1190, %parallel_loop3A_1196 : i32
            %parallel_loop3A_1198 = arith.index_cast %parallel_loop3A_1197 : i32 to index
            %parallel_loop3A_1199 = tpu.vector_load %arg7[%parallel_loop3A_1198] {strides = array<i32>} : memref<65536xf32, #tpu.memory_space<vmem>>, vector<16xf32>,
            %parallel_loop3A_1200 = vector.shape_cast %parallel_loop3A_1199 : vector<16xf32> to vector<16xf32>
            %parallel_loop3A_1201 = arith.constant 32 : i32
            %parallel_loop3A_1202 = arith.addi %parallel_loop3A_1190, %parallel_loop3A_1201 : i32
            %parallel_loop3A_1203 = arith.index_cast %parallel_loop3A_1202 : i32 to index
            %parallel_loop3A_1204 = tpu.vector_load %arg7[%parallel_loop3A_1203] {strides = array<i32>} : memref<65536xf32, #tpu.memory_space<vmem>>, vector<16xf32>,
            %parallel_loop3A_1205 = vector.shape_cast %parallel_loop3A_1204 : vector<16xf32> to vector<16xf32>
            %parallel_loop3A_1206 = arith.constant 48 : i32
            %parallel_loop3A_1207 = arith.addi %parallel_loop3A_1190, %parallel_loop3A_1206 : i32
            %parallel_loop3A_1208 = arith.index_cast %parallel_loop3A_1207 : i32 to index
            %parallel_loop3A_1209 = tpu.vector_load %arg7[%parallel_loop3A_1208] {strides = array<i32>} : memref<65536xf32, #tpu.memory_space<vmem>>, vector<16xf32>,
            %parallel_loop3A_1210 = vector.shape_cast %parallel_loop3A_1209 : vector<16xf32> to vector<16xf32>
            %parallel_loop3A_1211 = arith.constant 64 : i32
            %parallel_loop3A_1212 = arith.addi %parallel_loop3A_1190, %parallel_loop3A_1211 : i32
            %parallel_loop3A_1213 = arith.index_cast %parallel_loop3A_1212 : i32 to index
            %parallel_loop3A_1214 = tpu.vector_load %arg7[%parallel_loop3A_1213] {strides = array<i32>} : memref<65536xf32, #tpu.memory_space<vmem>>, vector<16xf32>,
            %parallel_loop3A_1215 = vector.shape_cast %parallel_loop3A_1214 : vector<16xf32> to vector<16xf32>
            %parallel_loop3A_1216 = arith.constant 80 : i32
            %parallel_loop3A_1217 = arith.addi %parallel_loop3A_1190, %parallel_loop3A_1216 : i32
            %parallel_loop3A_1218 = arith.index_cast %parallel_loop3A_1217 : i32 to index
            %parallel_loop3A_1219 = tpu.vector_load %arg7[%parallel_loop3A_1218] {strides = array<i32>} : memref<65536xf32, #tpu.memory_space<vmem>>, vector<16xf32>,
            %parallel_loop3A_1220 = vector.shape_cast %parallel_loop3A_1219 : vector<16xf32> to vector<16xf32>
            %parallel_loop3A_1221 = arith.constant 96 : i32
            %parallel_loop3A_1222 = arith.addi %parallel_loop3A_1190, %parallel_loop3A_1221 : i32
            %parallel_loop3A_1223 = arith.index_cast %parallel_loop3A_1222 : i32 to index
            %parallel_loop3A_1224 = tpu.vector_load %arg7[%parallel_loop3A_1223] {strides = array<i32>} : memref<65536xf32, #tpu.memory_space<vmem>>, vector<16xf32>,
            %parallel_loop3A_1225 = vector.shape_cast %parallel_loop3A_1224 : vector<16xf32> to vector<16xf32>
            %parallel_loop3A_1226 = arith.constant 112 : i32
            %parallel_loop3A_1227 = arith.addi %parallel_loop3A_1190, %parallel_loop3A_1226 : i32
            %parallel_loop3A_1228 = arith.index_cast %parallel_loop3A_1227 : i32 to index
            %parallel_loop3A_1229 = tpu.vector_load %arg7[%parallel_loop3A_1228] {strides = array<i32>} : memref<65536xf32, #tpu.memory_space<vmem>>, vector<16xf32>,
            %parallel_loop3A_1230 = vector.shape_cast %parallel_loop3A_1229 : vector<16xf32> to vector<16xf32>
            %parallel_loop3A_1231 = arith.mulf %parallel_loop3A_1195, %get3A_4 : vector<16xf32>
            %parallel_loop3A_1232 = arith.mulf %parallel_loop3A_1200, %get3A_7 : vector<16xf32>
            %parallel_loop3A_1233 = arith.addf %parallel_loop3A_1231, %parallel_loop3A_1232 : vector<16xf32>
            %parallel_loop3A_1234 = arith.mulf %parallel_loop3A_1205, %get3A_10 : vector<16xf32>
            %parallel_loop3A_1235 = arith.addf %parallel_loop3A_1233, %parallel_loop3A_1234 : vector<16xf32>
            %parallel_loop3A_1236 = arith.mulf %parallel_loop3A_1210, %get3A_13 : vector<16xf32>
            %parallel_loop3A_1237 = arith.addf %parallel_loop3A_1235, %parallel_loop3A_1236 : vector<16xf32>
            %parallel_loop3A_1238 = arith.mulf %parallel_loop3A_1215, %get3A_16 : vector<16xf32>
            %parallel_loop3A_1239 = arith.addf %parallel_loop3A_1237, %parallel_loop3A_1238 : vector<16xf32>
            %parallel_loop3A_1240 = arith.mulf %parallel_loop3A_1220, %get3A_19 : vector<16xf32>
            %parallel_loop3A_1241 = arith.addf %parallel_loop3A_1239, %parallel_loop3A_1240 : vector<16xf32>
            %parallel_loop3A_1242 = arith.mulf %parallel_loop3A_1225, %get3A_22 : vector<16xf32>
            %parallel_loop3A_1243 = arith.addf %parallel_loop3A_1241, %parallel_loop3A_1242 : vector<16xf32>
            %parallel_loop3A_1244 = arith.mulf %parallel_loop3A_1230, %get3A_25 : vector<16xf32>
            %parallel_loop3A_1245 = arith.addf %parallel_loop3A_1243, %parallel_loop3A_1244 : vector<16xf32>
            %parallel_loop3A_1246 = arith.constant 8 : i32
            %parallel_loop3A_1247 = vector.broadcast %parallel_loop3A_1246 : i32 to vector<16xi32>
            %parallel_loop3A_1248 = arith.xori %iota3A, %parallel_loop3A_1247 : vector<16xi32>
            %parallel_loop3A_1249 = vector.shape_cast %parallel_loop3A_1248 : vector<16xi32> to vector<16x1xi32>
            %parallel_loop3A_1250 = vector.shape_cast %parallel_loop3A_1249 : vector<16x1xi32> to vector<16xi32>
            %parallel_loop3A_1251 = tpu.dynamic_gather %parallel_loop3A_1245[%parallel_loop3A_1250] in [0] : vector<16xf32>, vector<16xi32> -> vector<16xf32>
            %parallel_loop3A_1252 = arith.addf %parallel_loop3A_1245, %parallel_loop3A_1251 : vector<16xf32>
            %parallel_loop3A_1253 = arith.constant 4 : i32
            %parallel_loop3A_1254 = vector.broadcast %parallel_loop3A_1253 : i32 to vector<16xi32>
            %parallel_loop3A_1255 = arith.xori %iota3A, %parallel_loop3A_1254 : vector<16xi32>
            %parallel_loop3A_1256 = vector.shape_cast %parallel_loop3A_1255 : vector<16xi32> to vector<16x1xi32>
            %parallel_loop3A_1257 = vector.shape_cast %parallel_loop3A_1256 : vector<16x1xi32> to vector<16xi32>
            %parallel_loop3A_1258 = tpu.dynamic_gather %parallel_loop3A_1252[%parallel_loop3A_1257] in [0] : vector<16xf32>, vector<16xi32> -> vector<16xf32>
            %parallel_loop3A_1259 = arith.addf %parallel_loop3A_1252, %parallel_loop3A_1258 : vector<16xf32>
            %parallel_loop3A_1260 = arith.constant 2 : i32
            %parallel_loop3A_1261 = vector.broadcast %parallel_loop3A_1260 : i32 to vector<16xi32>
            %parallel_loop3A_1262 = arith.xori %iota3A, %parallel_loop3A_1261 : vector<16xi32>
            %parallel_loop3A_1263 = vector.shape_cast %parallel_loop3A_1262 : vector<16xi32> to vector<16x1xi32>
            %parallel_loop3A_1264 = vector.shape_cast %parallel_loop3A_1263 : vector<16x1xi32> to vector<16xi32>
            %parallel_loop3A_1265 = tpu.dynamic_gather %parallel_loop3A_1259[%parallel_loop3A_1264] in [0] : vector<16xf32>, vector<16xi32> -> vector<16xf32>
            %parallel_loop3A_1266 = arith.addf %parallel_loop3A_1259, %parallel_loop3A_1265 : vector<16xf32>
            %parallel_loop3A_1267 = arith.constant 1 : i32
            %parallel_loop3A_1268 = vector.broadcast %parallel_loop3A_1267 : i32 to vector<16xi32>
            %parallel_loop3A_1269 = arith.xori %iota3A, %parallel_loop3A_1268 : vector<16xi32>
            %parallel_loop3A_1270 = vector.shape_cast %parallel_loop3A_1269 : vector<16xi32> to vector<16x1xi32>
            %parallel_loop3A_1271 = vector.shape_cast %parallel_loop3A_1270 : vector<16x1xi32> to vector<16xi32>
            %parallel_loop3A_1272 = tpu.dynamic_gather %parallel_loop3A_1266[%parallel_loop3A_1271] in [0] : vector<16xf32>, vector<16xi32> -> vector<16xf32>
            %parallel_loop3A_1273 = arith.addf %parallel_loop3A_1266, %parallel_loop3A_1272 : vector<16xf32>
            %parallel_loop3A_1274 = arith.addf %parallel_loop3A_1273, %get3A_28 : vector<16xf32>
            %parallel_loop3A_1275 = arith.addf %parallel_loop3A_1274, %parallel_loop3A_1274 : vector<16xf32>
            %parallel_loop3A_1276 = math.exp %parallel_loop3A_1275 : vector<16xf32>
            %parallel_loop3A_1277 = arith.constant 1.000000e+00 : f32
            %parallel_loop3A_1278 = vector.broadcast %parallel_loop3A_1277 : f32 to vector<16xf32>
            %parallel_loop3A_1279 = arith.subf %parallel_loop3A_1276, %parallel_loop3A_1278 : vector<16xf32>
            %parallel_loop3A_1280 = arith.constant 1.000000e+00 : f32
            %parallel_loop3A_1281 = vector.broadcast %parallel_loop3A_1280 : f32 to vector<16xf32>
            %parallel_loop3A_1282 = arith.addf %parallel_loop3A_1276, %parallel_loop3A_1281 : vector<16xf32>
            %parallel_loop3A_1283 = arith.divf %parallel_loop3A_1279, %parallel_loop3A_1282 : vector<16xf32>
            %parallel_loop3A_1284 = arith.mulf %parallel_loop3A_1195, %parallel_loop3A_1283 : vector<16xf32>
            %parallel_loop3A_1285 = arith.addf %parallel_loop3A_1172, %parallel_loop3A_1284 : vector<16xf32>
            %parallel_loop3A_1286 = arith.mulf %parallel_loop3A_1200, %parallel_loop3A_1283 : vector<16xf32>
            %parallel_loop3A_1287 = arith.addf %parallel_loop3A_1173, %parallel_loop3A_1286 : vector<16xf32>
            %parallel_loop3A_1288 = arith.mulf %parallel_loop3A_1205, %parallel_loop3A_1283 : vector<16xf32>
            %parallel_loop3A_1289 = arith.addf %parallel_loop3A_1174, %parallel_loop3A_1288 : vector<16xf32>
            %parallel_loop3A_1290 = arith.mulf %parallel_loop3A_1210, %parallel_loop3A_1283 : vector<16xf32>
            %parallel_loop3A_1291 = arith.addf %parallel_loop3A_1175, %parallel_loop3A_1290 : vector<16xf32>
            %parallel_loop3A_1292 = arith.mulf %parallel_loop3A_1215, %parallel_loop3A_1283 : vector<16xf32>
            %parallel_loop3A_1293 = arith.addf %parallel_loop3A_1176, %parallel_loop3A_1292 : vector<16xf32>
            %parallel_loop3A_1294 = arith.mulf %parallel_loop3A_1220, %parallel_loop3A_1283 : vector<16xf32>
            %parallel_loop3A_1295 = arith.addf %parallel_loop3A_1177, %parallel_loop3A_1294 : vector<16xf32>
            %parallel_loop3A_1296 = arith.mulf %parallel_loop3A_1225, %parallel_loop3A_1283 : vector<16xf32>
            %parallel_loop3A_1297 = arith.addf %parallel_loop3A_1178, %parallel_loop3A_1296 : vector<16xf32>
            %parallel_loop3A_1298 = arith.mulf %parallel_loop3A_1230, %parallel_loop3A_1283 : vector<16xf32>
            %parallel_loop3A_1299 = arith.addf %parallel_loop3A_1179, %parallel_loop3A_1298 : vector<16xf32>
            %parallel_loop3A_1300 = arith.maximumf %parallel_loop3A_1180, %parallel_loop3A_1195 : vector<16xf32>
            %parallel_loop3A_1301 = arith.maximumf %parallel_loop3A_1181, %parallel_loop3A_1200 : vector<16xf32>
            %parallel_loop3A_1302 = arith.maximumf %parallel_loop3A_1182, %parallel_loop3A_1205 : vector<16xf32>
            %parallel_loop3A_1303 = arith.maximumf %parallel_loop3A_1183, %parallel_loop3A_1210 : vector<16xf32>
            %parallel_loop3A_1304 = arith.maximumf %parallel_loop3A_1184, %parallel_loop3A_1215 : vector<16xf32>
            %parallel_loop3A_1305 = arith.maximumf %parallel_loop3A_1185, %parallel_loop3A_1220 : vector<16xf32>
            %parallel_loop3A_1306 = arith.maximumf %parallel_loop3A_1186, %parallel_loop3A_1225 : vector<16xf32>
            %parallel_loop3A_1307 = arith.maximumf %parallel_loop3A_1187, %parallel_loop3A_1230 : vector<16xf32>
            scf.yield %parallel_loop3A_1285, %parallel_loop3A_1287, %parallel_loop3A_1289, %parallel_loop3A_1291, %parallel_loop3A_1293, %parallel_loop3A_1295, %parallel_loop3A_1297, %parallel_loop3A_1299, %parallel_loop3A_1300, %parallel_loop3A_1301, %parallel_loop3A_1302, %parallel_loop3A_1303, %parallel_loop3A_1304, %parallel_loop3A_1305, %parallel_loop3A_1306, %parallel_loop3A_1307 : vector<16xf32>, vector<16xf32>, vector<16xf32>, vector<16xf32>, vector<16xf32>, vector<16xf32>, vector<16xf32>, vector<16xf32>, vector<16xf32>, vector<16xf32>, vector<16xf32>, vector<16xf32>, vector<16xf32>, vector<16xf32>, vector<16xf32>, vector<16xf32>
          } {sc.loop_unroll_factor = 4 : i64, sc.parallel_access}
          %swap3A_1091 = arith.index_cast %scan3A_997 : i32 to index
          %swap3A_1092 = arith.constant 0 : index
          %swap3A_1093 = tpu.vector_load %arg12[%swap3A_1091, %swap3A_1092] {strides = array<i32>} : memref<8x256xf32, #tpu.memory_space<vmem>>, vector<1x16xf32>,
          %swap3A_1094 = vector.shape_cast %swap3A_1093 : vector<1x16xf32> to vector<16xf32>
          %swap3A_1095 = vector.shape_cast %parallel_loop3A_1090#0 : vector<16xf32> to vector<1x16xf32>
          tpu.vector_store %arg12[%swap3A_1091, %swap3A_1092], %swap3A_1095 {strides = array<i32>} : memref<8x256xf32, #tpu.memory_space<vmem>>, vector<1x16xf32>,
          %swap3A_1096 = arith.index_cast %scan3A_997 : i32 to index
          %swap3A_1097 = arith.constant 128 : index
          %swap3A_1098 = tpu.vector_load %arg12[%swap3A_1096, %swap3A_1097] {strides = array<i32>} : memref<8x256xf32, #tpu.memory_space<vmem>>, vector<1x16xf32>,
          %swap3A_1099 = vector.shape_cast %swap3A_1098 : vector<1x16xf32> to vector<16xf32>
          %swap3A_1100 = vector.shape_cast %parallel_loop3A_1090#8 : vector<16xf32> to vector<1x16xf32>
          tpu.vector_store %arg12[%swap3A_1096, %swap3A_1097], %swap3A_1100 {strides = array<i32>} : memref<8x256xf32, #tpu.memory_space<vmem>>, vector<1x16xf32>,
          %swap3A_1101 = arith.index_cast %scan3A_997 : i32 to index
          %swap3A_1102 = arith.constant 16 : index
          %swap3A_1103 = tpu.vector_load %arg12[%swap3A_1101, %swap3A_1102] {strides = array<i32>} : memref<8x256xf32, #tpu.memory_space<vmem>>, vector<1x16xf32>,
          %swap3A_1104 = vector.shape_cast %swap3A_1103 : vector<1x16xf32> to vector<16xf32>
          %swap3A_1105 = vector.shape_cast %parallel_loop3A_1090#1 : vector<16xf32> to vector<1x16xf32>
          tpu.vector_store %arg12[%swap3A_1101, %swap3A_1102], %swap3A_1105 {strides = array<i32>} : memref<8x256xf32, #tpu.memory_space<vmem>>, vector<1x16xf32>,
          %swap3A_1106 = arith.index_cast %scan3A_997 : i32 to index
          %swap3A_1107 = arith.constant 144 : index
          %swap3A_1108 = tpu.vector_load %arg12[%swap3A_1106, %swap3A_1107] {strides = array<i32>} : memref<8x256xf32, #tpu.memory_space<vmem>>, vector<1x16xf32>,
          %swap3A_1109 = vector.shape_cast %swap3A_1108 : vector<1x16xf32> to vector<16xf32>
          %swap3A_1110 = vector.shape_cast %parallel_loop3A_1090#9 : vector<16xf32> to vector<1x16xf32>
          tpu.vector_store %arg12[%swap3A_1106, %swap3A_1107], %swap3A_1110 {strides = array<i32>} : memref<8x256xf32, #tpu.memory_space<vmem>>, vector<1x16xf32>,
          %swap3A_1111 = arith.index_cast %scan3A_997 : i32 to index
          %swap3A_1112 = arith.constant 32 : index
          %swap3A_1113 = tpu.vector_load %arg12[%swap3A_1111, %swap3A_1112] {strides = array<i32>} : memref<8x256xf32, #tpu.memory_space<vmem>>, vector<1x16xf32>,
          %swap3A_1114 = vector.shape_cast %swap3A_1113 : vector<1x16xf32> to vector<16xf32>
          %swap3A_1115 = vector.shape_cast %parallel_loop3A_1090#2 : vector<16xf32> to vector<1x16xf32>
          tpu.vector_store %arg12[%swap3A_1111, %swap3A_1112], %swap3A_1115 {strides = array<i32>} : memref<8x256xf32, #tpu.memory_space<vmem>>, vector<1x16xf32>,
          %swap3A_1116 = arith.index_cast %scan3A_997 : i32 to index
          %swap3A_1117 = arith.constant 160 : index
          %swap3A_1118 = tpu.vector_load %arg12[%swap3A_1116, %swap3A_1117] {strides = array<i32>} : memref<8x256xf32, #tpu.memory_space<vmem>>, vector<1x16xf32>,
          %swap3A_1119 = vector.shape_cast %swap3A_1118 : vector<1x16xf32> to vector<16xf32>
          %swap3A_1120 = vector.shape_cast %parallel_loop3A_1090#10 : vector<16xf32> to vector<1x16xf32>
          tpu.vector_store %arg12[%swap3A_1116, %swap3A_1117], %swap3A_1120 {strides = array<i32>} : memref<8x256xf32, #tpu.memory_space<vmem>>, vector<1x16xf32>,
          %swap3A_1121 = arith.index_cast %scan3A_997 : i32 to index
          %swap3A_1122 = arith.constant 48 : index
          %swap3A_1123 = tpu.vector_load %arg12[%swap3A_1121, %swap3A_1122] {strides = array<i32>} : memref<8x256xf32, #tpu.memory_space<vmem>>, vector<1x16xf32>,
          %swap3A_1124 = vector.shape_cast %swap3A_1123 : vector<1x16xf32> to vector<16xf32>
          %swap3A_1125 = vector.shape_cast %parallel_loop3A_1090#3 : vector<16xf32> to vector<1x16xf32>
          tpu.vector_store %arg12[%swap3A_1121, %swap3A_1122], %swap3A_1125 {strides = array<i32>} : memref<8x256xf32, #tpu.memory_space<vmem>>, vector<1x16xf32>,
          %swap3A_1126 = arith.index_cast %scan3A_997 : i32 to index
          %swap3A_1127 = arith.constant 176 : index
          %swap3A_1128 = tpu.vector_load %arg12[%swap3A_1126, %swap3A_1127] {strides = array<i32>} : memref<8x256xf32, #tpu.memory_space<vmem>>, vector<1x16xf32>,
          %swap3A_1129 = vector.shape_cast %swap3A_1128 : vector<1x16xf32> to vector<16xf32>
          %swap3A_1130 = vector.shape_cast %parallel_loop3A_1090#11 : vector<16xf32> to vector<1x16xf32>
          tpu.vector_store %arg12[%swap3A_1126, %swap3A_1127], %swap3A_1130 {strides = array<i32>} : memref<8x256xf32, #tpu.memory_space<vmem>>, vector<1x16xf32>,
          %swap3A_1131 = arith.index_cast %scan3A_997 : i32 to index
          %swap3A_1132 = arith.constant 64 : index
          %swap3A_1133 = tpu.vector_load %arg12[%swap3A_1131, %swap3A_1132] {strides = array<i32>} : memref<8x256xf32, #tpu.memory_space<vmem>>, vector<1x16xf32>,
          %swap3A_1134 = vector.shape_cast %swap3A_1133 : vector<1x16xf32> to vector<16xf32>
          %swap3A_1135 = vector.shape_cast %parallel_loop3A_1090#4 : vector<16xf32> to vector<1x16xf32>
          tpu.vector_store %arg12[%swap3A_1131, %swap3A_1132], %swap3A_1135 {strides = array<i32>} : memref<8x256xf32, #tpu.memory_space<vmem>>, vector<1x16xf32>,
          %swap3A_1136 = arith.index_cast %scan3A_997 : i32 to index
          %swap3A_1137 = arith.constant 192 : index
          %swap3A_1138 = tpu.vector_load %arg12[%swap3A_1136, %swap3A_1137] {strides = array<i32>} : memref<8x256xf32, #tpu.memory_space<vmem>>, vector<1x16xf32>,
          %swap3A_1139 = vector.shape_cast %swap3A_1138 : vector<1x16xf32> to vector<16xf32>
          %swap3A_1140 = vector.shape_cast %parallel_loop3A_1090#12 : vector<16xf32> to vector<1x16xf32>
          tpu.vector_store %arg12[%swap3A_1136, %swap3A_1137], %swap3A_1140 {strides = array<i32>} : memref<8x256xf32, #tpu.memory_space<vmem>>, vector<1x16xf32>,
          %swap3A_1141 = arith.index_cast %scan3A_997 : i32 to index
          %swap3A_1142 = arith.constant 80 : index
          %swap3A_1143 = tpu.vector_load %arg12[%swap3A_1141, %swap3A_1142] {strides = array<i32>} : memref<8x256xf32, #tpu.memory_space<vmem>>, vector<1x16xf32>,
          %swap3A_1144 = vector.shape_cast %swap3A_1143 : vector<1x16xf32> to vector<16xf32>
          %swap3A_1145 = vector.shape_cast %parallel_loop3A_1090#5 : vector<16xf32> to vector<1x16xf32>
          tpu.vector_store %arg12[%swap3A_1141, %swap3A_1142], %swap3A_1145 {strides = array<i32>} : memref<8x256xf32, #tpu.memory_space<vmem>>, vector<1x16xf32>,
          %swap3A_1146 = arith.index_cast %scan3A_997 : i32 to index
          %swap3A_1147 = arith.constant 208 : index
          %swap3A_1148 = tpu.vector_load %arg12[%swap3A_1146, %swap3A_1147] {strides = array<i32>} : memref<8x256xf32, #tpu.memory_space<vmem>>, vector<1x16xf32>,
          %swap3A_1149 = vector.shape_cast %swap3A_1148 : vector<1x16xf32> to vector<16xf32>
          %swap3A_1150 = vector.shape_cast %parallel_loop3A_1090#13 : vector<16xf32> to vector<1x16xf32>
          tpu.vector_store %arg12[%swap3A_1146, %swap3A_1147], %swap3A_1150 {strides = array<i32>} : memref<8x256xf32, #tpu.memory_space<vmem>>, vector<1x16xf32>,
          %swap3A_1151 = arith.index_cast %scan3A_997 : i32 to index
          %swap3A_1152 = arith.constant 96 : index
          %swap3A_1153 = tpu.vector_load %arg12[%swap3A_1151, %swap3A_1152] {strides = array<i32>} : memref<8x256xf32, #tpu.memory_space<vmem>>, vector<1x16xf32>,
          %swap3A_1154 = vector.shape_cast %swap3A_1153 : vector<1x16xf32> to vector<16xf32>
          %swap3A_1155 = vector.shape_cast %parallel_loop3A_1090#6 : vector<16xf32> to vector<1x16xf32>
          tpu.vector_store %arg12[%swap3A_1151, %swap3A_1152], %swap3A_1155 {strides = array<i32>} : memref<8x256xf32, #tpu.memory_space<vmem>>, vector<1x16xf32>,
          %swap3A_1156 = arith.index_cast %scan3A_997 : i32 to index
          %swap3A_1157 = arith.constant 224 : index
          %swap3A_1158 = tpu.vector_load %arg12[%swap3A_1156, %swap3A_1157] {strides = array<i32>} : memref<8x256xf32, #tpu.memory_space<vmem>>, vector<1x16xf32>,
          %swap3A_1159 = vector.shape_cast %swap3A_1158 : vector<1x16xf32> to vector<16xf32>
          %swap3A_1160 = vector.shape_cast %parallel_loop3A_1090#14 : vector<16xf32> to vector<1x16xf32>
          tpu.vector_store %arg12[%swap3A_1156, %swap3A_1157], %swap3A_1160 {strides = array<i32>} : memref<8x256xf32, #tpu.memory_space<vmem>>, vector<1x16xf32>,
          %swap3A_1161 = arith.index_cast %scan3A_997 : i32 to index
          %swap3A_1162 = arith.constant 112 : index
          %swap3A_1163 = tpu.vector_load %arg12[%swap3A_1161, %swap3A_1162] {strides = array<i32>} : memref<8x256xf32, #tpu.memory_space<vmem>>, vector<1x16xf32>,
          %swap3A_1164 = vector.shape_cast %swap3A_1163 : vector<1x16xf32> to vector<16xf32>
          %swap3A_1165 = vector.shape_cast %parallel_loop3A_1090#7 : vector<16xf32> to vector<1x16xf32>
          tpu.vector_store %arg12[%swap3A_1161, %swap3A_1162], %swap3A_1165 {strides = array<i32>} : memref<8x256xf32, #tpu.memory_space<vmem>>, vector<1x16xf32>,
          %swap3A_1166 = arith.index_cast %scan3A_997 : i32 to index
          %swap3A_1167 = arith.constant 240 : index
          %swap3A_1168 = tpu.vector_load %arg12[%swap3A_1166, %swap3A_1167] {strides = array<i32>} : memref<8x256xf32, #tpu.memory_space<vmem>>, vector<1x16xf32>,
          %swap3A_1169 = vector.shape_cast %swap3A_1168 : vector<1x16xf32> to vector<16xf32>
          %swap3A_1170 = vector.shape_cast %parallel_loop3A_1090#15 : vector<16xf32> to vector<1x16xf32>
          tpu.vector_store %arg12[%swap3A_1166, %swap3A_1167], %swap3A_1170 {strides = array<i32>} : memref<8x256xf32, #tpu.memory_space<vmem>>, vector<1x16xf32>,
        } else {
        }
      }
      %scan3A_996 = arith.constant 8 : i32
    }
    %while3A_891 = arith.constant 1 : i32
    scf.for %while3A_892 = %while3A_889 to %while3A_885 step %while3A_891  : i32 {
      %mul3A_893 = arith.constant 4 : i32
      %mul3A_894 = arith.muli %mul3A_893, %while3A_892 : i32
      %add3A_895 = arith.constant 0 : i32
      %add3A_896 = arith.addi %mul3A_894, %add3A_895 : i32
      %add3A_897 = arith.constant 3 : i32
      %add3A_898 = arith.addi %add3A_896, %add3A_897 : i32
      %lt3A = arith.cmpi slt, %add3A_898, %select_n3A : i32
      %convert_element_type3A_899 = arith.extui %lt3A : i1 to i32
      %cond3A_900 = arith.constant 0 : i32
      %cond3A_901 = arith.cmpi ne, %convert_element_type3A_899, %cond3A_900 : i32
      scf.if %cond3A_901 {
        %mul3A_997 = arith.constant 128 : i32
        %mul3A_998 = arith.muli %add3A_898, %mul3A_997 : i32
        %add3A_999 = arith.addi %squeeze3A, %mul3A_998 : i32
        %min3A_1000 = arith.constant 319872 : i32
        %min3A_1001 = arith.minsi %add3A_999, %min3A_1000 : i32
        %mul3A_1002 = arith.constant 128 : i32
        %mul3A_1003 = arith.muli %min3A_1001, %mul3A_1002 : i32
        %dma_start3A = arith.constant 49152 : i32
        %dma_start3A_1004 = tpu.memref_slice %arg7[%dma_start3A] : memref<65536xf32, #tpu.memory_space<vmem>> -> memref<16384xf32, #tpu.memory_space<vmem>>
        %dma_start3A_1005 = tpu.memref_slice %arg2[%mul3A_1003] : memref<40960000xf32, #tpu.memory_space<hbm>> -> memref<16384xf32, #tpu.memory_space<hbm>>
        %dma_start3A_1006 = arith.constant 49152 : i32
        %dma_start3A_1007 = tpu.memref_slice %arg7[%dma_start3A_1006] : memref<65536xf32, #tpu.memory_space<vmem>> -> memref<16384xf32, #tpu.memory_space<vmem>>
        %dma_start3A_1008 = tpu.memref_slice %arg2[%mul3A_1003] : memref<40960000xf32, #tpu.memory_space<hbm>> -> memref<16384xf32, #tpu.memory_space<hbm>>
        tpu.enqueue_dma source(%dma_start3A_1008 : memref<16384xf32, #tpu.memory_space<hbm>>) target(%dma_start3A_1007 : memref<16384xf32, #tpu.memory_space<vmem>>) target_semaphore(%arg17 : memref<!tpu.dma_semaphore, #tpu.memory_space<semaphore_mem>>)
      } else {
      }
      %add3A_902 = arith.constant 0 : i32
      %add3A_903 = arith.addi %mul3A_894, %add3A_902 : i32
      %mul3A_904 = arith.constant 128 : i32
      %mul3A_905 = arith.muli %add3A_903, %mul3A_904 : i32
      %add3A_906 = arith.addi %squeeze3A, %mul3A_905 : i32
      %min3A = arith.constant 319872 : i32
      %min3A_907 = arith.minsi %add3A_906, %min3A : i32
      %sub3A_908 = arith.subi %add3A_906, %min3A_907 : i32
      %lt3A_909 = arith.cmpi slt, %add3A_903, %select_n3A : i32
      %convert_element_type3A_910 = arith.extui %lt3A_909 : i1 to i32
      %cond3A_911 = arith.constant 0 : i32
      %cond3A_912 = arith.cmpi ne, %convert_element_type3A_910, %cond3A_911 : i32
      scf.if %cond3A_912 {
        %dma_wait3A = arith.constant 0 : i32
        %dma_wait3A_997 = tpu.memref_slice %arg7[%dma_wait3A] : memref<65536xf32, #tpu.memory_space<vmem>> -> memref<16384xf32, #tpu.memory_space<vmem>>
        %dma_wait3A_998 = arith.constant 0 : i32
        %dma_wait3A_999 = tpu.memref_slice %arg2[%dma_wait3A_998] : memref<40960000xf32, #tpu.memory_space<hbm>> -> memref<16384xf32, #tpu.memory_space<hbm>>
        %dma_wait3A_1000 = arith.constant 0 : i32
        %dma_wait3A_1001 = tpu.memref_slice %arg7[%dma_wait3A_1000] : memref<65536xf32, #tpu.memory_space<vmem>> -> memref<16384xf32, #tpu.memory_space<vmem>>
        %dma_wait3A_1002 = arith.constant 0 : i32
        %dma_wait3A_1003 = tpu.memref_slice %arg2[%dma_wait3A_1002] : memref<40960000xf32, #tpu.memory_space<hbm>> -> memref<16384xf32, #tpu.memory_space<hbm>>
        tpu.wait_dma2 semaphore(%arg14 : memref<!tpu.dma_semaphore, #tpu.memory_space<semaphore_mem>>) src(%dma_wait3A_1003 : memref<16384xf32, #tpu.memory_space<hbm>>) dst(%dma_wait3A_1001 : memref<16384xf32, #tpu.memory_space<vmem>>)
      } else {
      }
      %scan3A_913 = arith.constant 0 : i32
      %scan3A_914 = arith.constant 0 : i32
      %scan3A_915 = arith.constant 8 : i32
      %scan3A_916 = arith.addi %scan3A_914, %scan3A_915 : i32
      %scan3A_917 = arith.constant 1 : i32
      scf.for %scan3A_997 = %scan3A_914 to %scan3A_916 step %scan3A_917  : i32 {
        %get3A_998 = arith.index_cast %scan3A_997 : i32 to index
        %get3A_999 = tpu.vector_load %arg10[%get3A_998] {strides = array<i32>} : memref<32xi32, #tpu.memory_space<vmem>>, vector<16xi32>,
        %get3A_1000 = vector.shape_cast %get3A_999 : vector<16xi32> to vector<16xi32>
        %slice3A_1001 = vector.extract_strided_slice %get3A_1000 {offsets = [0], sizes = [1], strides = [1]} : vector<16xi32> to vector<1xi32>
        %squeeze3A_1002 = vector.extract %slice3A_1001[0] : i32 from vector<1xi32>
        %add3A_1003 = arith.constant 1 : i32
        %add3A_1004 = arith.addi %scan3A_997, %add3A_1003 : i32
        %get3A_1005 = arith.index_cast %add3A_1004 : i32 to index
        %get3A_1006 = tpu.vector_load %arg10[%get3A_1005] {strides = array<i32>} : memref<32xi32, #tpu.memory_space<vmem>>, vector<16xi32>,
        %get3A_1007 = vector.shape_cast %get3A_1006 : vector<16xi32> to vector<16xi32>
        %slice3A_1008 = vector.extract_strided_slice %get3A_1007 {offsets = [0], sizes = [1], strides = [1]} : vector<16xi32> to vector<1xi32>
        %squeeze3A_1009 = vector.extract %slice3A_1008[0] : i32 from vector<1xi32>
        %max3A = arith.maxsi %squeeze3A_1002, %add3A_906 : i32
        %add3A_1010 = arith.constant 128 : i32
        %add3A_1011 = arith.addi %add3A_906, %add3A_1010 : i32
        %min3A_1012 = arith.minsi %squeeze3A_1009, %add3A_1011 : i32
        %sub3A_1013 = arith.subi %min3A_1012, %max3A : i32
        %sub3A_1014 = arith.subi %max3A, %add3A_906 : i32
        %add3A_1015 = arith.addi %sub3A_908, %sub3A_1014 : i32
        %mul3A_1016 = arith.constant 128 : i32
        %mul3A_1017 = arith.muli %add3A_1015, %mul3A_1016 : i32
        %add3A_1018 = arith.constant 0 : i32
        %add3A_1019 = arith.addi %add3A_1018, %mul3A_1017 : i32
        %gt3A_1020 = arith.constant 0 : i32
        %gt3A_1021 = arith.cmpi sgt, %sub3A_1013, %gt3A_1020 : i32
        %convert_element_type3A_1022 = arith.extui %gt3A_1021 : i1 to i32
        %cond3A_1023 = arith.constant 0 : i32
        %cond3A_1024 = arith.cmpi ne, %convert_element_type3A_1022, %cond3A_1023 : i32
        scf.if %cond3A_1024 {
          %get3A_1025 = arith.index_cast %scan3A_997 : i32 to index
          %get3A_1026 = arith.constant 0 : index
          %get3A_1027 = tpu.vector_load %arg12[%get3A_1025, %get3A_1026] {strides = array<i32>} : memref<8x256xf32, #tpu.memory_space<vmem>>, vector<1x16xf32>,
          %get3A_1028 = vector.shape_cast %get3A_1027 : vector<1x16xf32> to vector<16xf32>
          %get3A_1029 = arith.index_cast %scan3A_997 : i32 to index
          %get3A_1030 = arith.constant 16 : index
          %get3A_1031 = tpu.vector_load %arg12[%get3A_1029, %get3A_1030] {strides = array<i32>} : memref<8x256xf32, #tpu.memory_space<vmem>>, vector<1x16xf32>,
          %get3A_1032 = vector.shape_cast %get3A_1031 : vector<1x16xf32> to vector<16xf32>
          %get3A_1033 = arith.index_cast %scan3A_997 : i32 to index
          %get3A_1034 = arith.constant 32 : index
          %get3A_1035 = tpu.vector_load %arg12[%get3A_1033, %get3A_1034] {strides = array<i32>} : memref<8x256xf32, #tpu.memory_space<vmem>>, vector<1x16xf32>,
          %get3A_1036 = vector.shape_cast %get3A_1035 : vector<1x16xf32> to vector<16xf32>
          %get3A_1037 = arith.index_cast %scan3A_997 : i32 to index
          %get3A_1038 = arith.constant 48 : index
          %get3A_1039 = tpu.vector_load %arg12[%get3A_1037, %get3A_1038] {strides = array<i32>} : memref<8x256xf32, #tpu.memory_space<vmem>>, vector<1x16xf32>,
          %get3A_1040 = vector.shape_cast %get3A_1039 : vector<1x16xf32> to vector<16xf32>
          %get3A_1041 = arith.index_cast %scan3A_997 : i32 to index
          %get3A_1042 = arith.constant 64 : index
          %get3A_1043 = tpu.vector_load %arg12[%get3A_1041, %get3A_1042] {strides = array<i32>} : memref<8x256xf32, #tpu.memory_space<vmem>>, vector<1x16xf32>,
          %get3A_1044 = vector.shape_cast %get3A_1043 : vector<1x16xf32> to vector<16xf32>
          %get3A_1045 = arith.index_cast %scan3A_997 : i32 to index
          %get3A_1046 = arith.constant 80 : index
          %get3A_1047 = tpu.vector_load %arg12[%get3A_1045, %get3A_1046] {strides = array<i32>} : memref<8x256xf32, #tpu.memory_space<vmem>>, vector<1x16xf32>,
          %get3A_1048 = vector.shape_cast %get3A_1047 : vector<1x16xf32> to vector<16xf32>
          %get3A_1049 = arith.index_cast %scan3A_997 : i32 to index
          %get3A_1050 = arith.constant 96 : index
          %get3A_1051 = tpu.vector_load %arg12[%get3A_1049, %get3A_1050] {strides = array<i32>} : memref<8x256xf32, #tpu.memory_space<vmem>>, vector<1x16xf32>,
          %get3A_1052 = vector.shape_cast %get3A_1051 : vector<1x16xf32> to vector<16xf32>
          %get3A_1053 = arith.index_cast %scan3A_997 : i32 to index
          %get3A_1054 = arith.constant 112 : index
          %get3A_1055 = tpu.vector_load %arg12[%get3A_1053, %get3A_1054] {strides = array<i32>} : memref<8x256xf32, #tpu.memory_space<vmem>>, vector<1x16xf32>,
          %get3A_1056 = vector.shape_cast %get3A_1055 : vector<1x16xf32> to vector<16xf32>
          %get3A_1057 = arith.index_cast %scan3A_997 : i32 to index
          %get3A_1058 = arith.constant 128 : index
          %get3A_1059 = tpu.vector_load %arg12[%get3A_1057, %get3A_1058] {strides = array<i32>} : memref<8x256xf32, #tpu.memory_space<vmem>>, vector<1x16xf32>,
          %get3A_1060 = vector.shape_cast %get3A_1059 : vector<1x16xf32> to vector<16xf32>
          %get3A_1061 = arith.index_cast %scan3A_997 : i32 to index
          %get3A_1062 = arith.constant 144 : index
          %get3A_1063 = tpu.vector_load %arg12[%get3A_1061, %get3A_1062] {strides = array<i32>} : memref<8x256xf32, #tpu.memory_space<vmem>>, vector<1x16xf32>,
          %get3A_1064 = vector.shape_cast %get3A_1063 : vector<1x16xf32> to vector<16xf32>
          %get3A_1065 = arith.index_cast %scan3A_997 : i32 to index
          %get3A_1066 = arith.constant 160 : index
          %get3A_1067 = tpu.vector_load %arg12[%get3A_1065, %get3A_1066] {strides = array<i32>} : memref<8x256xf32, #tpu.memory_space<vmem>>, vector<1x16xf32>,
          %get3A_1068 = vector.shape_cast %get3A_1067 : vector<1x16xf32> to vector<16xf32>
          %get3A_1069 = arith.index_cast %scan3A_997 : i32 to index
          %get3A_1070 = arith.constant 176 : index
          %get3A_1071 = tpu.vector_load %arg12[%get3A_1069, %get3A_1070] {strides = array<i32>} : memref<8x256xf32, #tpu.memory_space<vmem>>, vector<1x16xf32>,
          %get3A_1072 = vector.shape_cast %get3A_1071 : vector<1x16xf32> to vector<16xf32>
          %get3A_1073 = arith.index_cast %scan3A_997 : i32 to index
          %get3A_1074 = arith.constant 192 : index
          %get3A_1075 = tpu.vector_load %arg12[%get3A_1073, %get3A_1074] {strides = array<i32>} : memref<8x256xf32, #tpu.memory_space<vmem>>, vector<1x16xf32>,
          %get3A_1076 = vector.shape_cast %get3A_1075 : vector<1x16xf32> to vector<16xf32>
          %get3A_1077 = arith.index_cast %scan3A_997 : i32 to index
          %get3A_1078 = arith.constant 208 : index
          %get3A_1079 = tpu.vector_load %arg12[%get3A_1077, %get3A_1078] {strides = array<i32>} : memref<8x256xf32, #tpu.memory_space<vmem>>, vector<1x16xf32>,
          %get3A_1080 = vector.shape_cast %get3A_1079 : vector<1x16xf32> to vector<16xf32>
          %get3A_1081 = arith.index_cast %scan3A_997 : i32 to index
          %get3A_1082 = arith.constant 224 : index
          %get3A_1083 = tpu.vector_load %arg12[%get3A_1081, %get3A_1082] {strides = array<i32>} : memref<8x256xf32, #tpu.memory_space<vmem>>, vector<1x16xf32>,
          %get3A_1084 = vector.shape_cast %get3A_1083 : vector<1x16xf32> to vector<16xf32>
          %get3A_1085 = arith.index_cast %scan3A_997 : i32 to index
          %get3A_1086 = arith.constant 240 : index
          %get3A_1087 = tpu.vector_load %arg12[%get3A_1085, %get3A_1086] {strides = array<i32>} : memref<8x256xf32, #tpu.memory_space<vmem>>, vector<1x16xf32>,
          %get3A_1088 = vector.shape_cast %get3A_1087 : vector<1x16xf32> to vector<16xf32>
          %parallel_loop3A = arith.constant 0 : i32
          %parallel_loop3A_1089 = arith.constant 1 : i32
          %parallel_loop3A_1090:16 = scf.for %parallel_loop3A_1171 = %parallel_loop3A to %sub3A_1013 step %parallel_loop3A_1089 iter_args(%parallel_loop3A_1172 = %get3A_1028, %parallel_loop3A_1173 = %get3A_1032, %parallel_loop3A_1174 = %get3A_1036, %parallel_loop3A_1175 = %get3A_1040, %parallel_loop3A_1176 = %get3A_1044, %parallel_loop3A_1177 = %get3A_1048, %parallel_loop3A_1178 = %get3A_1052, %parallel_loop3A_1179 = %get3A_1056, %parallel_loop3A_1180 = %get3A_1060, %parallel_loop3A_1181 = %get3A_1064, %parallel_loop3A_1182 = %get3A_1068, %parallel_loop3A_1183 = %get3A_1072, %parallel_loop3A_1184 = %get3A_1076, %parallel_loop3A_1185 = %get3A_1080, %parallel_loop3A_1186 = %get3A_1084, %parallel_loop3A_1187 = %get3A_1088) -> (vector<16xf32>, vector<16xf32>, vector<16xf32>, vector<16xf32>, vector<16xf32>, vector<16xf32>, vector<16xf32>, vector<16xf32>, vector<16xf32>, vector<16xf32>, vector<16xf32>, vector<16xf32>, vector<16xf32>, vector<16xf32>, vector<16xf32>, vector<16xf32>)  : i32 {
            %parallel_loop3A_1188 = arith.constant 128 : i32
            %parallel_loop3A_1189 = arith.muli %parallel_loop3A_1171, %parallel_loop3A_1188 : i32
            %parallel_loop3A_1190 = arith.addi %add3A_1019, %parallel_loop3A_1189 : i32
            %parallel_loop3A_1191 = arith.constant 0 : i32
            %parallel_loop3A_1192 = arith.addi %parallel_loop3A_1190, %parallel_loop3A_1191 : i32
            %parallel_loop3A_1193 = arith.index_cast %parallel_loop3A_1192 : i32 to index
            %parallel_loop3A_1194 = tpu.vector_load %arg7[%parallel_loop3A_1193] {strides = array<i32>} : memref<65536xf32, #tpu.memory_space<vmem>>, vector<16xf32>,
            %parallel_loop3A_1195 = vector.shape_cast %parallel_loop3A_1194 : vector<16xf32> to vector<16xf32>
            %parallel_loop3A_1196 = arith.constant 16 : i32
            %parallel_loop3A_1197 = arith.addi %parallel_loop3A_1190, %parallel_loop3A_1196 : i32
            %parallel_loop3A_1198 = arith.index_cast %parallel_loop3A_1197 : i32 to index
            %parallel_loop3A_1199 = tpu.vector_load %arg7[%parallel_loop3A_1198] {strides = array<i32>} : memref<65536xf32, #tpu.memory_space<vmem>>, vector<16xf32>,
            %parallel_loop3A_1200 = vector.shape_cast %parallel_loop3A_1199 : vector<16xf32> to vector<16xf32>
            %parallel_loop3A_1201 = arith.constant 32 : i32
            %parallel_loop3A_1202 = arith.addi %parallel_loop3A_1190, %parallel_loop3A_1201 : i32
            %parallel_loop3A_1203 = arith.index_cast %parallel_loop3A_1202 : i32 to index
            %parallel_loop3A_1204 = tpu.vector_load %arg7[%parallel_loop3A_1203] {strides = array<i32>} : memref<65536xf32, #tpu.memory_space<vmem>>, vector<16xf32>,
            %parallel_loop3A_1205 = vector.shape_cast %parallel_loop3A_1204 : vector<16xf32> to vector<16xf32>
            %parallel_loop3A_1206 = arith.constant 48 : i32
            %parallel_loop3A_1207 = arith.addi %parallel_loop3A_1190, %parallel_loop3A_1206 : i32
            %parallel_loop3A_1208 = arith.index_cast %parallel_loop3A_1207 : i32 to index
            %parallel_loop3A_1209 = tpu.vector_load %arg7[%parallel_loop3A_1208] {strides = array<i32>} : memref<65536xf32, #tpu.memory_space<vmem>>, vector<16xf32>,
            %parallel_loop3A_1210 = vector.shape_cast %parallel_loop3A_1209 : vector<16xf32> to vector<16xf32>
            %parallel_loop3A_1211 = arith.constant 64 : i32
            %parallel_loop3A_1212 = arith.addi %parallel_loop3A_1190, %parallel_loop3A_1211 : i32
            %parallel_loop3A_1213 = arith.index_cast %parallel_loop3A_1212 : i32 to index
            %parallel_loop3A_1214 = tpu.vector_load %arg7[%parallel_loop3A_1213] {strides = array<i32>} : memref<65536xf32, #tpu.memory_space<vmem>>, vector<16xf32>,
            %parallel_loop3A_1215 = vector.shape_cast %parallel_loop3A_1214 : vector<16xf32> to vector<16xf32>
            %parallel_loop3A_1216 = arith.constant 80 : i32
            %parallel_loop3A_1217 = arith.addi %parallel_loop3A_1190, %parallel_loop3A_1216 : i32
            %parallel_loop3A_1218 = arith.index_cast %parallel_loop3A_1217 : i32 to index
            %parallel_loop3A_1219 = tpu.vector_load %arg7[%parallel_loop3A_1218] {strides = array<i32>} : memref<65536xf32, #tpu.memory_space<vmem>>, vector<16xf32>,
            %parallel_loop3A_1220 = vector.shape_cast %parallel_loop3A_1219 : vector<16xf32> to vector<16xf32>
            %parallel_loop3A_1221 = arith.constant 96 : i32
            %parallel_loop3A_1222 = arith.addi %parallel_loop3A_1190, %parallel_loop3A_1221 : i32
            %parallel_loop3A_1223 = arith.index_cast %parallel_loop3A_1222 : i32 to index
            %parallel_loop3A_1224 = tpu.vector_load %arg7[%parallel_loop3A_1223] {strides = array<i32>} : memref<65536xf32, #tpu.memory_space<vmem>>, vector<16xf32>,
            %parallel_loop3A_1225 = vector.shape_cast %parallel_loop3A_1224 : vector<16xf32> to vector<16xf32>
            %parallel_loop3A_1226 = arith.constant 112 : i32
            %parallel_loop3A_1227 = arith.addi %parallel_loop3A_1190, %parallel_loop3A_1226 : i32
            %parallel_loop3A_1228 = arith.index_cast %parallel_loop3A_1227 : i32 to index
            %parallel_loop3A_1229 = tpu.vector_load %arg7[%parallel_loop3A_1228] {strides = array<i32>} : memref<65536xf32, #tpu.memory_space<vmem>>, vector<16xf32>,
            %parallel_loop3A_1230 = vector.shape_cast %parallel_loop3A_1229 : vector<16xf32> to vector<16xf32>
            %parallel_loop3A_1231 = arith.mulf %parallel_loop3A_1195, %get3A_4 : vector<16xf32>
            %parallel_loop3A_1232 = arith.mulf %parallel_loop3A_1200, %get3A_7 : vector<16xf32>
            %parallel_loop3A_1233 = arith.addf %parallel_loop3A_1231, %parallel_loop3A_1232 : vector<16xf32>
            %parallel_loop3A_1234 = arith.mulf %parallel_loop3A_1205, %get3A_10 : vector<16xf32>
            %parallel_loop3A_1235 = arith.addf %parallel_loop3A_1233, %parallel_loop3A_1234 : vector<16xf32>
            %parallel_loop3A_1236 = arith.mulf %parallel_loop3A_1210, %get3A_13 : vector<16xf32>
            %parallel_loop3A_1237 = arith.addf %parallel_loop3A_1235, %parallel_loop3A_1236 : vector<16xf32>
            %parallel_loop3A_1238 = arith.mulf %parallel_loop3A_1215, %get3A_16 : vector<16xf32>
            %parallel_loop3A_1239 = arith.addf %parallel_loop3A_1237, %parallel_loop3A_1238 : vector<16xf32>
            %parallel_loop3A_1240 = arith.mulf %parallel_loop3A_1220, %get3A_19 : vector<16xf32>
            %parallel_loop3A_1241 = arith.addf %parallel_loop3A_1239, %parallel_loop3A_1240 : vector<16xf32>
            %parallel_loop3A_1242 = arith.mulf %parallel_loop3A_1225, %get3A_22 : vector<16xf32>
            %parallel_loop3A_1243 = arith.addf %parallel_loop3A_1241, %parallel_loop3A_1242 : vector<16xf32>
            %parallel_loop3A_1244 = arith.mulf %parallel_loop3A_1230, %get3A_25 : vector<16xf32>
            %parallel_loop3A_1245 = arith.addf %parallel_loop3A_1243, %parallel_loop3A_1244 : vector<16xf32>
            %parallel_loop3A_1246 = arith.constant 8 : i32
            %parallel_loop3A_1247 = vector.broadcast %parallel_loop3A_1246 : i32 to vector<16xi32>
            %parallel_loop3A_1248 = arith.xori %iota3A, %parallel_loop3A_1247 : vector<16xi32>
            %parallel_loop3A_1249 = vector.shape_cast %parallel_loop3A_1248 : vector<16xi32> to vector<16x1xi32>
            %parallel_loop3A_1250 = vector.shape_cast %parallel_loop3A_1249 : vector<16x1xi32> to vector<16xi32>
            %parallel_loop3A_1251 = tpu.dynamic_gather %parallel_loop3A_1245[%parallel_loop3A_1250] in [0] : vector<16xf32>, vector<16xi32> -> vector<16xf32>
            %parallel_loop3A_1252 = arith.addf %parallel_loop3A_1245, %parallel_loop3A_1251 : vector<16xf32>
            %parallel_loop3A_1253 = arith.constant 4 : i32
            %parallel_loop3A_1254 = vector.broadcast %parallel_loop3A_1253 : i32 to vector<16xi32>
            %parallel_loop3A_1255 = arith.xori %iota3A, %parallel_loop3A_1254 : vector<16xi32>
            %parallel_loop3A_1256 = vector.shape_cast %parallel_loop3A_1255 : vector<16xi32> to vector<16x1xi32>
            %parallel_loop3A_1257 = vector.shape_cast %parallel_loop3A_1256 : vector<16x1xi32> to vector<16xi32>
            %parallel_loop3A_1258 = tpu.dynamic_gather %parallel_loop3A_1252[%parallel_loop3A_1257] in [0] : vector<16xf32>, vector<16xi32> -> vector<16xf32>
            %parallel_loop3A_1259 = arith.addf %parallel_loop3A_1252, %parallel_loop3A_1258 : vector<16xf32>
            %parallel_loop3A_1260 = arith.constant 2 : i32
            %parallel_loop3A_1261 = vector.broadcast %parallel_loop3A_1260 : i32 to vector<16xi32>
            %parallel_loop3A_1262 = arith.xori %iota3A, %parallel_loop3A_1261 : vector<16xi32>
            %parallel_loop3A_1263 = vector.shape_cast %parallel_loop3A_1262 : vector<16xi32> to vector<16x1xi32>
            %parallel_loop3A_1264 = vector.shape_cast %parallel_loop3A_1263 : vector<16x1xi32> to vector<16xi32>
            %parallel_loop3A_1265 = tpu.dynamic_gather %parallel_loop3A_1259[%parallel_loop3A_1264] in [0] : vector<16xf32>, vector<16xi32> -> vector<16xf32>
            %parallel_loop3A_1266 = arith.addf %parallel_loop3A_1259, %parallel_loop3A_1265 : vector<16xf32>
            %parallel_loop3A_1267 = arith.constant 1 : i32
            %parallel_loop3A_1268 = vector.broadcast %parallel_loop3A_1267 : i32 to vector<16xi32>
            %parallel_loop3A_1269 = arith.xori %iota3A, %parallel_loop3A_1268 : vector<16xi32>
            %parallel_loop3A_1270 = vector.shape_cast %parallel_loop3A_1269 : vector<16xi32> to vector<16x1xi32>
            %parallel_loop3A_1271 = vector.shape_cast %parallel_loop3A_1270 : vector<16x1xi32> to vector<16xi32>
            %parallel_loop3A_1272 = tpu.dynamic_gather %parallel_loop3A_1266[%parallel_loop3A_1271] in [0] : vector<16xf32>, vector<16xi32> -> vector<16xf32>
            %parallel_loop3A_1273 = arith.addf %parallel_loop3A_1266, %parallel_loop3A_1272 : vector<16xf32>
            %parallel_loop3A_1274 = arith.addf %parallel_loop3A_1273, %get3A_28 : vector<16xf32>
            %parallel_loop3A_1275 = arith.addf %parallel_loop3A_1274, %parallel_loop3A_1274 : vector<16xf32>
            %parallel_loop3A_1276 = math.exp %parallel_loop3A_1275 : vector<16xf32>
            %parallel_loop3A_1277 = arith.constant 1.000000e+00 : f32
            %parallel_loop3A_1278 = vector.broadcast %parallel_loop3A_1277 : f32 to vector<16xf32>
            %parallel_loop3A_1279 = arith.subf %parallel_loop3A_1276, %parallel_loop3A_1278 : vector<16xf32>
            %parallel_loop3A_1280 = arith.constant 1.000000e+00 : f32
            %parallel_loop3A_1281 = vector.broadcast %parallel_loop3A_1280 : f32 to vector<16xf32>
            %parallel_loop3A_1282 = arith.addf %parallel_loop3A_1276, %parallel_loop3A_1281 : vector<16xf32>
            %parallel_loop3A_1283 = arith.divf %parallel_loop3A_1279, %parallel_loop3A_1282 : vector<16xf32>
            %parallel_loop3A_1284 = arith.mulf %parallel_loop3A_1195, %parallel_loop3A_1283 : vector<16xf32>
            %parallel_loop3A_1285 = arith.addf %parallel_loop3A_1172, %parallel_loop3A_1284 : vector<16xf32>
            %parallel_loop3A_1286 = arith.mulf %parallel_loop3A_1200, %parallel_loop3A_1283 : vector<16xf32>
            %parallel_loop3A_1287 = arith.addf %parallel_loop3A_1173, %parallel_loop3A_1286 : vector<16xf32>
            %parallel_loop3A_1288 = arith.mulf %parallel_loop3A_1205, %parallel_loop3A_1283 : vector<16xf32>
            %parallel_loop3A_1289 = arith.addf %parallel_loop3A_1174, %parallel_loop3A_1288 : vector<16xf32>
            %parallel_loop3A_1290 = arith.mulf %parallel_loop3A_1210, %parallel_loop3A_1283 : vector<16xf32>
            %parallel_loop3A_1291 = arith.addf %parallel_loop3A_1175, %parallel_loop3A_1290 : vector<16xf32>
            %parallel_loop3A_1292 = arith.mulf %parallel_loop3A_1215, %parallel_loop3A_1283 : vector<16xf32>
            %parallel_loop3A_1293 = arith.addf %parallel_loop3A_1176, %parallel_loop3A_1292 : vector<16xf32>
            %parallel_loop3A_1294 = arith.mulf %parallel_loop3A_1220, %parallel_loop3A_1283 : vector<16xf32>
            %parallel_loop3A_1295 = arith.addf %parallel_loop3A_1177, %parallel_loop3A_1294 : vector<16xf32>
            %parallel_loop3A_1296 = arith.mulf %parallel_loop3A_1225, %parallel_loop3A_1283 : vector<16xf32>
            %parallel_loop3A_1297 = arith.addf %parallel_loop3A_1178, %parallel_loop3A_1296 : vector<16xf32>
            %parallel_loop3A_1298 = arith.mulf %parallel_loop3A_1230, %parallel_loop3A_1283 : vector<16xf32>
            %parallel_loop3A_1299 = arith.addf %parallel_loop3A_1179, %parallel_loop3A_1298 : vector<16xf32>
            %parallel_loop3A_1300 = arith.maximumf %parallel_loop3A_1180, %parallel_loop3A_1195 : vector<16xf32>
            %parallel_loop3A_1301 = arith.maximumf %parallel_loop3A_1181, %parallel_loop3A_1200 : vector<16xf32>
            %parallel_loop3A_1302 = arith.maximumf %parallel_loop3A_1182, %parallel_loop3A_1205 : vector<16xf32>
            %parallel_loop3A_1303 = arith.maximumf %parallel_loop3A_1183, %parallel_loop3A_1210 : vector<16xf32>
            %parallel_loop3A_1304 = arith.maximumf %parallel_loop3A_1184, %parallel_loop3A_1215 : vector<16xf32>
            %parallel_loop3A_1305 = arith.maximumf %parallel_loop3A_1185, %parallel_loop3A_1220 : vector<16xf32>
            %parallel_loop3A_1306 = arith.maximumf %parallel_loop3A_1186, %parallel_loop3A_1225 : vector<16xf32>
            %parallel_loop3A_1307 = arith.maximumf %parallel_loop3A_1187, %parallel_loop3A_1230 : vector<16xf32>
            scf.yield %parallel_loop3A_1285, %parallel_loop3A_1287, %parallel_loop3A_1289, %parallel_loop3A_1291, %parallel_loop3A_1293, %parallel_loop3A_1295, %parallel_loop3A_1297, %parallel_loop3A_1299, %parallel_loop3A_1300, %parallel_loop3A_1301, %parallel_loop3A_1302, %parallel_loop3A_1303, %parallel_loop3A_1304, %parallel_loop3A_1305, %parallel_loop3A_1306, %parallel_loop3A_1307 : vector<16xf32>, vector<16xf32>, vector<16xf32>, vector<16xf32>, vector<16xf32>, vector<16xf32>, vector<16xf32>, vector<16xf32>, vector<16xf32>, vector<16xf32>, vector<16xf32>, vector<16xf32>, vector<16xf32>, vector<16xf32>, vector<16xf32>, vector<16xf32>
          } {sc.loop_unroll_factor = 4 : i64, sc.parallel_access}
          %swap3A_1091 = arith.index_cast %scan3A_997 : i32 to index
          %swap3A_1092 = arith.constant 0 : index
          %swap3A_1093 = tpu.vector_load %arg12[%swap3A_1091, %swap3A_1092] {strides = array<i32>} : memref<8x256xf32, #tpu.memory_space<vmem>>, vector<1x16xf32>,
          %swap3A_1094 = vector.shape_cast %swap3A_1093 : vector<1x16xf32> to vector<16xf32>
          %swap3A_1095 = vector.shape_cast %parallel_loop3A_1090#0 : vector<16xf32> to vector<1x16xf32>
          tpu.vector_store %arg12[%swap3A_1091, %swap3A_1092], %swap3A_1095 {strides = array<i32>} : memref<8x256xf32, #tpu.memory_space<vmem>>, vector<1x16xf32>,
          %swap3A_1096 = arith.index_cast %scan3A_997 : i32 to index
          %swap3A_1097 = arith.constant 128 : index
          %swap3A_1098 = tpu.vector_load %arg12[%swap3A_1096, %swap3A_1097] {strides = array<i32>} : memref<8x256xf32, #tpu.memory_space<vmem>>, vector<1x16xf32>,
          %swap3A_1099 = vector.shape_cast %swap3A_1098 : vector<1x16xf32> to vector<16xf32>
          %swap3A_1100 = vector.shape_cast %parallel_loop3A_1090#8 : vector<16xf32> to vector<1x16xf32>
          tpu.vector_store %arg12[%swap3A_1096, %swap3A_1097], %swap3A_1100 {strides = array<i32>} : memref<8x256xf32, #tpu.memory_space<vmem>>, vector<1x16xf32>,
          %swap3A_1101 = arith.index_cast %scan3A_997 : i32 to index
          %swap3A_1102 = arith.constant 16 : index
          %swap3A_1103 = tpu.vector_load %arg12[%swap3A_1101, %swap3A_1102] {strides = array<i32>} : memref<8x256xf32, #tpu.memory_space<vmem>>, vector<1x16xf32>,
          %swap3A_1104 = vector.shape_cast %swap3A_1103 : vector<1x16xf32> to vector<16xf32>
          %swap3A_1105 = vector.shape_cast %parallel_loop3A_1090#1 : vector<16xf32> to vector<1x16xf32>
          tpu.vector_store %arg12[%swap3A_1101, %swap3A_1102], %swap3A_1105 {strides = array<i32>} : memref<8x256xf32, #tpu.memory_space<vmem>>, vector<1x16xf32>,
          %swap3A_1106 = arith.index_cast %scan3A_997 : i32 to index
          %swap3A_1107 = arith.constant 144 : index
          %swap3A_1108 = tpu.vector_load %arg12[%swap3A_1106, %swap3A_1107] {strides = array<i32>} : memref<8x256xf32, #tpu.memory_space<vmem>>, vector<1x16xf32>,
          %swap3A_1109 = vector.shape_cast %swap3A_1108 : vector<1x16xf32> to vector<16xf32>
          %swap3A_1110 = vector.shape_cast %parallel_loop3A_1090#9 : vector<16xf32> to vector<1x16xf32>
          tpu.vector_store %arg12[%swap3A_1106, %swap3A_1107], %swap3A_1110 {strides = array<i32>} : memref<8x256xf32, #tpu.memory_space<vmem>>, vector<1x16xf32>,
          %swap3A_1111 = arith.index_cast %scan3A_997 : i32 to index
          %swap3A_1112 = arith.constant 32 : index
          %swap3A_1113 = tpu.vector_load %arg12[%swap3A_1111, %swap3A_1112] {strides = array<i32>} : memref<8x256xf32, #tpu.memory_space<vmem>>, vector<1x16xf32>,
          %swap3A_1114 = vector.shape_cast %swap3A_1113 : vector<1x16xf32> to vector<16xf32>
          %swap3A_1115 = vector.shape_cast %parallel_loop3A_1090#2 : vector<16xf32> to vector<1x16xf32>
          tpu.vector_store %arg12[%swap3A_1111, %swap3A_1112], %swap3A_1115 {strides = array<i32>} : memref<8x256xf32, #tpu.memory_space<vmem>>, vector<1x16xf32>,
          %swap3A_1116 = arith.index_cast %scan3A_997 : i32 to index
          %swap3A_1117 = arith.constant 160 : index
          %swap3A_1118 = tpu.vector_load %arg12[%swap3A_1116, %swap3A_1117] {strides = array<i32>} : memref<8x256xf32, #tpu.memory_space<vmem>>, vector<1x16xf32>,
          %swap3A_1119 = vector.shape_cast %swap3A_1118 : vector<1x16xf32> to vector<16xf32>
          %swap3A_1120 = vector.shape_cast %parallel_loop3A_1090#10 : vector<16xf32> to vector<1x16xf32>
          tpu.vector_store %arg12[%swap3A_1116, %swap3A_1117], %swap3A_1120 {strides = array<i32>} : memref<8x256xf32, #tpu.memory_space<vmem>>, vector<1x16xf32>,
          %swap3A_1121 = arith.index_cast %scan3A_997 : i32 to index
          %swap3A_1122 = arith.constant 48 : index
          %swap3A_1123 = tpu.vector_load %arg12[%swap3A_1121, %swap3A_1122] {strides = array<i32>} : memref<8x256xf32, #tpu.memory_space<vmem>>, vector<1x16xf32>,
          %swap3A_1124 = vector.shape_cast %swap3A_1123 : vector<1x16xf32> to vector<16xf32>
          %swap3A_1125 = vector.shape_cast %parallel_loop3A_1090#3 : vector<16xf32> to vector<1x16xf32>
          tpu.vector_store %arg12[%swap3A_1121, %swap3A_1122], %swap3A_1125 {strides = array<i32>} : memref<8x256xf32, #tpu.memory_space<vmem>>, vector<1x16xf32>,
          %swap3A_1126 = arith.index_cast %scan3A_997 : i32 to index
          %swap3A_1127 = arith.constant 176 : index
          %swap3A_1128 = tpu.vector_load %arg12[%swap3A_1126, %swap3A_1127] {strides = array<i32>} : memref<8x256xf32, #tpu.memory_space<vmem>>, vector<1x16xf32>,
          %swap3A_1129 = vector.shape_cast %swap3A_1128 : vector<1x16xf32> to vector<16xf32>
          %swap3A_1130 = vector.shape_cast %parallel_loop3A_1090#11 : vector<16xf32> to vector<1x16xf32>
          tpu.vector_store %arg12[%swap3A_1126, %swap3A_1127], %swap3A_1130 {strides = array<i32>} : memref<8x256xf32, #tpu.memory_space<vmem>>, vector<1x16xf32>,
          %swap3A_1131 = arith.index_cast %scan3A_997 : i32 to index
          %swap3A_1132 = arith.constant 64 : index
          %swap3A_1133 = tpu.vector_load %arg12[%swap3A_1131, %swap3A_1132] {strides = array<i32>} : memref<8x256xf32, #tpu.memory_space<vmem>>, vector<1x16xf32>,
          %swap3A_1134 = vector.shape_cast %swap3A_1133 : vector<1x16xf32> to vector<16xf32>
          %swap3A_1135 = vector.shape_cast %parallel_loop3A_1090#4 : vector<16xf32> to vector<1x16xf32>
          tpu.vector_store %arg12[%swap3A_1131, %swap3A_1132], %swap3A_1135 {strides = array<i32>} : memref<8x256xf32, #tpu.memory_space<vmem>>, vector<1x16xf32>,
          %swap3A_1136 = arith.index_cast %scan3A_997 : i32 to index
          %swap3A_1137 = arith.constant 192 : index
          %swap3A_1138 = tpu.vector_load %arg12[%swap3A_1136, %swap3A_1137] {strides = array<i32>} : memref<8x256xf32, #tpu.memory_space<vmem>>, vector<1x16xf32>,
          %swap3A_1139 = vector.shape_cast %swap3A_1138 : vector<1x16xf32> to vector<16xf32>
          %swap3A_1140 = vector.shape_cast %parallel_loop3A_1090#12 : vector<16xf32> to vector<1x16xf32>
          tpu.vector_store %arg12[%swap3A_1136, %swap3A_1137], %swap3A_1140 {strides = array<i32>} : memref<8x256xf32, #tpu.memory_space<vmem>>, vector<1x16xf32>,
          %swap3A_1141 = arith.index_cast %scan3A_997 : i32 to index
          %swap3A_1142 = arith.constant 80 : index
          %swap3A_1143 = tpu.vector_load %arg12[%swap3A_1141, %swap3A_1142] {strides = array<i32>} : memref<8x256xf32, #tpu.memory_space<vmem>>, vector<1x16xf32>,
          %swap3A_1144 = vector.shape_cast %swap3A_1143 : vector<1x16xf32> to vector<16xf32>
          %swap3A_1145 = vector.shape_cast %parallel_loop3A_1090#5 : vector<16xf32> to vector<1x16xf32>
          tpu.vector_store %arg12[%swap3A_1141, %swap3A_1142], %swap3A_1145 {strides = array<i32>} : memref<8x256xf32, #tpu.memory_space<vmem>>, vector<1x16xf32>,
          %swap3A_1146 = arith.index_cast %scan3A_997 : i32 to index
          %swap3A_1147 = arith.constant 208 : index
          %swap3A_1148 = tpu.vector_load %arg12[%swap3A_1146, %swap3A_1147] {strides = array<i32>} : memref<8x256xf32, #tpu.memory_space<vmem>>, vector<1x16xf32>,
          %swap3A_1149 = vector.shape_cast %swap3A_1148 : vector<1x16xf32> to vector<16xf32>
          %swap3A_1150 = vector.shape_cast %parallel_loop3A_1090#13 : vector<16xf32> to vector<1x16xf32>
          tpu.vector_store %arg12[%swap3A_1146, %swap3A_1147], %swap3A_1150 {strides = array<i32>} : memref<8x256xf32, #tpu.memory_space<vmem>>, vector<1x16xf32>,
          %swap3A_1151 = arith.index_cast %scan3A_997 : i32 to index
          %swap3A_1152 = arith.constant 96 : index
          %swap3A_1153 = tpu.vector_load %arg12[%swap3A_1151, %swap3A_1152] {strides = array<i32>} : memref<8x256xf32, #tpu.memory_space<vmem>>, vector<1x16xf32>,
          %swap3A_1154 = vector.shape_cast %swap3A_1153 : vector<1x16xf32> to vector<16xf32>
          %swap3A_1155 = vector.shape_cast %parallel_loop3A_1090#6 : vector<16xf32> to vector<1x16xf32>
          tpu.vector_store %arg12[%swap3A_1151, %swap3A_1152], %swap3A_1155 {strides = array<i32>} : memref<8x256xf32, #tpu.memory_space<vmem>>, vector<1x16xf32>,
          %swap3A_1156 = arith.index_cast %scan3A_997 : i32 to index
          %swap3A_1157 = arith.constant 224 : index
          %swap3A_1158 = tpu.vector_load %arg12[%swap3A_1156, %swap3A_1157] {strides = array<i32>} : memref<8x256xf32, #tpu.memory_space<vmem>>, vector<1x16xf32>,
          %swap3A_1159 = vector.shape_cast %swap3A_1158 : vector<1x16xf32> to vector<16xf32>
          %swap3A_1160 = vector.shape_cast %parallel_loop3A_1090#14 : vector<16xf32> to vector<1x16xf32>
          tpu.vector_store %arg12[%swap3A_1156, %swap3A_1157], %swap3A_1160 {strides = array<i32>} : memref<8x256xf32, #tpu.memory_space<vmem>>, vector<1x16xf32>,
          %swap3A_1161 = arith.index_cast %scan3A_997 : i32 to index
          %swap3A_1162 = arith.constant 112 : index
          %swap3A_1163 = tpu.vector_load %arg12[%swap3A_1161, %swap3A_1162] {strides = array<i32>} : memref<8x256xf32, #tpu.memory_space<vmem>>, vector<1x16xf32>,
          %swap3A_1164 = vector.shape_cast %swap3A_1163 : vector<1x16xf32> to vector<16xf32>
          %swap3A_1165 = vector.shape_cast %parallel_loop3A_1090#7 : vector<16xf32> to vector<1x16xf32>
          tpu.vector_store %arg12[%swap3A_1161, %swap3A_1162], %swap3A_1165 {strides = array<i32>} : memref<8x256xf32, #tpu.memory_space<vmem>>, vector<1x16xf32>,
          %swap3A_1166 = arith.index_cast %scan3A_997 : i32 to index
          %swap3A_1167 = arith.constant 240 : index
          %swap3A_1168 = tpu.vector_load %arg12[%swap3A_1166, %swap3A_1167] {strides = array<i32>} : memref<8x256xf32, #tpu.memory_space<vmem>>, vector<1x16xf32>,
          %swap3A_1169 = vector.shape_cast %swap3A_1168 : vector<1x16xf32> to vector<16xf32>
          %swap3A_1170 = vector.shape_cast %parallel_loop3A_1090#15 : vector<16xf32> to vector<1x16xf32>
          tpu.vector_store %arg12[%swap3A_1166, %swap3A_1167], %swap3A_1170 {strides = array<i32>} : memref<8x256xf32, #tpu.memory_space<vmem>>, vector<1x16xf32>,
        } else {
        }
      }
      %scan3A_918 = arith.constant 8 : i32
      %add3A_919 = arith.constant 1 : i32
      %add3A_920 = arith.addi %mul3A_894, %add3A_919 : i32
      %add3A_921 = arith.constant 3 : i32
      %add3A_922 = arith.addi %add3A_920, %add3A_921 : i32
      %lt3A_923 = arith.cmpi slt, %add3A_922, %select_n3A : i32
      %convert_element_type3A_924 = arith.extui %lt3A_923 : i1 to i32
      %cond3A_925 = arith.constant 0 : i32
      %cond3A_926 = arith.cmpi ne, %convert_element_type3A_924, %cond3A_925 : i32
      scf.if %cond3A_926 {
        %mul3A_997 = arith.constant 128 : i32
        %mul3A_998 = arith.muli %add3A_922, %mul3A_997 : i32
        %add3A_999 = arith.addi %squeeze3A, %mul3A_998 : i32
        %min3A_1000 = arith.constant 319872 : i32
        %min3A_1001 = arith.minsi %add3A_999, %min3A_1000 : i32
        %mul3A_1002 = arith.constant 128 : i32
        %mul3A_1003 = arith.muli %min3A_1001, %mul3A_1002 : i32
        %dma_start3A = arith.constant 0 : i32
        %dma_start3A_1004 = tpu.memref_slice %arg7[%dma_start3A] : memref<65536xf32, #tpu.memory_space<vmem>> -> memref<16384xf32, #tpu.memory_space<vmem>>
        %dma_start3A_1005 = tpu.memref_slice %arg2[%mul3A_1003] : memref<40960000xf32, #tpu.memory_space<hbm>> -> memref<16384xf32, #tpu.memory_space<hbm>>
        %dma_start3A_1006 = arith.constant 0 : i32
        %dma_start3A_1007 = tpu.memref_slice %arg7[%dma_start3A_1006] : memref<65536xf32, #tpu.memory_space<vmem>> -> memref<16384xf32, #tpu.memory_space<vmem>>
        %dma_start3A_1008 = tpu.memref_slice %arg2[%mul3A_1003] : memref<40960000xf32, #tpu.memory_space<hbm>> -> memref<16384xf32, #tpu.memory_space<hbm>>
        tpu.enqueue_dma source(%dma_start3A_1008 : memref<16384xf32, #tpu.memory_space<hbm>>) target(%dma_start3A_1007 : memref<16384xf32, #tpu.memory_space<vmem>>) target_semaphore(%arg14 : memref<!tpu.dma_semaphore, #tpu.memory_space<semaphore_mem>>)
      } else {
      }
      %add3A_927 = arith.constant 1 : i32
      %add3A_928 = arith.addi %mul3A_894, %add3A_927 : i32
      %mul3A_929 = arith.constant 128 : i32
      %mul3A_930 = arith.muli %add3A_928, %mul3A_929 : i32
      %add3A_931 = arith.addi %squeeze3A, %mul3A_930 : i32
      %min3A_932 = arith.constant 319872 : i32
      %min3A_933 = arith.minsi %add3A_931, %min3A_932 : i32
      %sub3A_934 = arith.subi %add3A_931, %min3A_933 : i32
      %lt3A_935 = arith.cmpi slt, %add3A_928, %select_n3A : i32
      %convert_element_type3A_936 = arith.extui %lt3A_935 : i1 to i32
      %cond3A_937 = arith.constant 0 : i32
      %cond3A_938 = arith.cmpi ne, %convert_element_type3A_936, %cond3A_937 : i32
      scf.if %cond3A_938 {
        %dma_wait3A = arith.constant 16384 : i32
        %dma_wait3A_997 = tpu.memref_slice %arg7[%dma_wait3A] : memref<65536xf32, #tpu.memory_space<vmem>> -> memref<16384xf32, #tpu.memory_space<vmem>>
        %dma_wait3A_998 = arith.constant 0 : i32
        %dma_wait3A_999 = tpu.memref_slice %arg2[%dma_wait3A_998] : memref<40960000xf32, #tpu.memory_space<hbm>> -> memref<16384xf32, #tpu.memory_space<hbm>>
        %dma_wait3A_1000 = arith.constant 16384 : i32
        %dma_wait3A_1001 = tpu.memref_slice %arg7[%dma_wait3A_1000] : memref<65536xf32, #tpu.memory_space<vmem>> -> memref<16384xf32, #tpu.memory_space<vmem>>
        %dma_wait3A_1002 = arith.constant 0 : i32
        %dma_wait3A_1003 = tpu.memref_slice %arg2[%dma_wait3A_1002] : memref<40960000xf32, #tpu.memory_space<hbm>> -> memref<16384xf32, #tpu.memory_space<hbm>>
        tpu.wait_dma2 semaphore(%arg15 : memref<!tpu.dma_semaphore, #tpu.memory_space<semaphore_mem>>) src(%dma_wait3A_1003 : memref<16384xf32, #tpu.memory_space<hbm>>) dst(%dma_wait3A_1001 : memref<16384xf32, #tpu.memory_space<vmem>>)
      } else {
      }
      %scan3A_939 = arith.constant 0 : i32
      %scan3A_940 = arith.constant 0 : i32
      %scan3A_941 = arith.constant 8 : i32
      %scan3A_942 = arith.addi %scan3A_940, %scan3A_941 : i32
      %scan3A_943 = arith.constant 1 : i32
      scf.for %scan3A_997 = %scan3A_940 to %scan3A_942 step %scan3A_943  : i32 {
        %get3A_998 = arith.index_cast %scan3A_997 : i32 to index
        %get3A_999 = tpu.vector_load %arg10[%get3A_998] {strides = array<i32>} : memref<32xi32, #tpu.memory_space<vmem>>, vector<16xi32>,
        %get3A_1000 = vector.shape_cast %get3A_999 : vector<16xi32> to vector<16xi32>
        %slice3A_1001 = vector.extract_strided_slice %get3A_1000 {offsets = [0], sizes = [1], strides = [1]} : vector<16xi32> to vector<1xi32>
        %squeeze3A_1002 = vector.extract %slice3A_1001[0] : i32 from vector<1xi32>
        %add3A_1003 = arith.constant 1 : i32
        %add3A_1004 = arith.addi %scan3A_997, %add3A_1003 : i32
        %get3A_1005 = arith.index_cast %add3A_1004 : i32 to index
        %get3A_1006 = tpu.vector_load %arg10[%get3A_1005] {strides = array<i32>} : memref<32xi32, #tpu.memory_space<vmem>>, vector<16xi32>,
        %get3A_1007 = vector.shape_cast %get3A_1006 : vector<16xi32> to vector<16xi32>
        %slice3A_1008 = vector.extract_strided_slice %get3A_1007 {offsets = [0], sizes = [1], strides = [1]} : vector<16xi32> to vector<1xi32>
        %squeeze3A_1009 = vector.extract %slice3A_1008[0] : i32 from vector<1xi32>
        %max3A = arith.maxsi %squeeze3A_1002, %add3A_931 : i32
        %add3A_1010 = arith.constant 128 : i32
        %add3A_1011 = arith.addi %add3A_931, %add3A_1010 : i32
        %min3A_1012 = arith.minsi %squeeze3A_1009, %add3A_1011 : i32
        %sub3A_1013 = arith.subi %min3A_1012, %max3A : i32
        %sub3A_1014 = arith.subi %max3A, %add3A_931 : i32
        %add3A_1015 = arith.addi %sub3A_934, %sub3A_1014 : i32
        %mul3A_1016 = arith.constant 128 : i32
        %mul3A_1017 = arith.muli %add3A_1015, %mul3A_1016 : i32
        %add3A_1018 = arith.constant 16384 : i32
        %add3A_1019 = arith.addi %add3A_1018, %mul3A_1017 : i32
        %gt3A_1020 = arith.constant 0 : i32
        %gt3A_1021 = arith.cmpi sgt, %sub3A_1013, %gt3A_1020 : i32
        %convert_element_type3A_1022 = arith.extui %gt3A_1021 : i1 to i32
        %cond3A_1023 = arith.constant 0 : i32
        %cond3A_1024 = arith.cmpi ne, %convert_element_type3A_1022, %cond3A_1023 : i32
        scf.if %cond3A_1024 {
          %get3A_1025 = arith.index_cast %scan3A_997 : i32 to index
          %get3A_1026 = arith.constant 0 : index
          %get3A_1027 = tpu.vector_load %arg12[%get3A_1025, %get3A_1026] {strides = array<i32>} : memref<8x256xf32, #tpu.memory_space<vmem>>, vector<1x16xf32>,
          %get3A_1028 = vector.shape_cast %get3A_1027 : vector<1x16xf32> to vector<16xf32>
          %get3A_1029 = arith.index_cast %scan3A_997 : i32 to index
          %get3A_1030 = arith.constant 16 : index
          %get3A_1031 = tpu.vector_load %arg12[%get3A_1029, %get3A_1030] {strides = array<i32>} : memref<8x256xf32, #tpu.memory_space<vmem>>, vector<1x16xf32>,
          %get3A_1032 = vector.shape_cast %get3A_1031 : vector<1x16xf32> to vector<16xf32>
          %get3A_1033 = arith.index_cast %scan3A_997 : i32 to index
          %get3A_1034 = arith.constant 32 : index
          %get3A_1035 = tpu.vector_load %arg12[%get3A_1033, %get3A_1034] {strides = array<i32>} : memref<8x256xf32, #tpu.memory_space<vmem>>, vector<1x16xf32>,
          %get3A_1036 = vector.shape_cast %get3A_1035 : vector<1x16xf32> to vector<16xf32>
          %get3A_1037 = arith.index_cast %scan3A_997 : i32 to index
          %get3A_1038 = arith.constant 48 : index
          %get3A_1039 = tpu.vector_load %arg12[%get3A_1037, %get3A_1038] {strides = array<i32>} : memref<8x256xf32, #tpu.memory_space<vmem>>, vector<1x16xf32>,
          %get3A_1040 = vector.shape_cast %get3A_1039 : vector<1x16xf32> to vector<16xf32>
          %get3A_1041 = arith.index_cast %scan3A_997 : i32 to index
          %get3A_1042 = arith.constant 64 : index
          %get3A_1043 = tpu.vector_load %arg12[%get3A_1041, %get3A_1042] {strides = array<i32>} : memref<8x256xf32, #tpu.memory_space<vmem>>, vector<1x16xf32>,
          %get3A_1044 = vector.shape_cast %get3A_1043 : vector<1x16xf32> to vector<16xf32>
          %get3A_1045 = arith.index_cast %scan3A_997 : i32 to index
          %get3A_1046 = arith.constant 80 : index
          %get3A_1047 = tpu.vector_load %arg12[%get3A_1045, %get3A_1046] {strides = array<i32>} : memref<8x256xf32, #tpu.memory_space<vmem>>, vector<1x16xf32>,
          %get3A_1048 = vector.shape_cast %get3A_1047 : vector<1x16xf32> to vector<16xf32>
          %get3A_1049 = arith.index_cast %scan3A_997 : i32 to index
          %get3A_1050 = arith.constant 96 : index
          %get3A_1051 = tpu.vector_load %arg12[%get3A_1049, %get3A_1050] {strides = array<i32>} : memref<8x256xf32, #tpu.memory_space<vmem>>, vector<1x16xf32>,
          %get3A_1052 = vector.shape_cast %get3A_1051 : vector<1x16xf32> to vector<16xf32>
          %get3A_1053 = arith.index_cast %scan3A_997 : i32 to index
          %get3A_1054 = arith.constant 112 : index
          %get3A_1055 = tpu.vector_load %arg12[%get3A_1053, %get3A_1054] {strides = array<i32>} : memref<8x256xf32, #tpu.memory_space<vmem>>, vector<1x16xf32>,
          %get3A_1056 = vector.shape_cast %get3A_1055 : vector<1x16xf32> to vector<16xf32>
          %get3A_1057 = arith.index_cast %scan3A_997 : i32 to index
          %get3A_1058 = arith.constant 128 : index
          %get3A_1059 = tpu.vector_load %arg12[%get3A_1057, %get3A_1058] {strides = array<i32>} : memref<8x256xf32, #tpu.memory_space<vmem>>, vector<1x16xf32>,
          %get3A_1060 = vector.shape_cast %get3A_1059 : vector<1x16xf32> to vector<16xf32>
          %get3A_1061 = arith.index_cast %scan3A_997 : i32 to index
          %get3A_1062 = arith.constant 144 : index
          %get3A_1063 = tpu.vector_load %arg12[%get3A_1061, %get3A_1062] {strides = array<i32>} : memref<8x256xf32, #tpu.memory_space<vmem>>, vector<1x16xf32>,
          %get3A_1064 = vector.shape_cast %get3A_1063 : vector<1x16xf32> to vector<16xf32>
          %get3A_1065 = arith.index_cast %scan3A_997 : i32 to index
          %get3A_1066 = arith.constant 160 : index
          %get3A_1067 = tpu.vector_load %arg12[%get3A_1065, %get3A_1066] {strides = array<i32>} : memref<8x256xf32, #tpu.memory_space<vmem>>, vector<1x16xf32>,
          %get3A_1068 = vector.shape_cast %get3A_1067 : vector<1x16xf32> to vector<16xf32>
          %get3A_1069 = arith.index_cast %scan3A_997 : i32 to index
          %get3A_1070 = arith.constant 176 : index
          %get3A_1071 = tpu.vector_load %arg12[%get3A_1069, %get3A_1070] {strides = array<i32>} : memref<8x256xf32, #tpu.memory_space<vmem>>, vector<1x16xf32>,
          %get3A_1072 = vector.shape_cast %get3A_1071 : vector<1x16xf32> to vector<16xf32>
          %get3A_1073 = arith.index_cast %scan3A_997 : i32 to index
          %get3A_1074 = arith.constant 192 : index
          %get3A_1075 = tpu.vector_load %arg12[%get3A_1073, %get3A_1074] {strides = array<i32>} : memref<8x256xf32, #tpu.memory_space<vmem>>, vector<1x16xf32>,
          %get3A_1076 = vector.shape_cast %get3A_1075 : vector<1x16xf32> to vector<16xf32>
          %get3A_1077 = arith.index_cast %scan3A_997 : i32 to index
          %get3A_1078 = arith.constant 208 : index
          %get3A_1079 = tpu.vector_load %arg12[%get3A_1077, %get3A_1078] {strides = array<i32>} : memref<8x256xf32, #tpu.memory_space<vmem>>, vector<1x16xf32>,
          %get3A_1080 = vector.shape_cast %get3A_1079 : vector<1x16xf32> to vector<16xf32>
          %get3A_1081 = arith.index_cast %scan3A_997 : i32 to index
          %get3A_1082 = arith.constant 224 : index
          %get3A_1083 = tpu.vector_load %arg12[%get3A_1081, %get3A_1082] {strides = array<i32>} : memref<8x256xf32, #tpu.memory_space<vmem>>, vector<1x16xf32>,
          %get3A_1084 = vector.shape_cast %get3A_1083 : vector<1x16xf32> to vector<16xf32>
          %get3A_1085 = arith.index_cast %scan3A_997 : i32 to index
          %get3A_1086 = arith.constant 240 : index
          %get3A_1087 = tpu.vector_load %arg12[%get3A_1085, %get3A_1086] {strides = array<i32>} : memref<8x256xf32, #tpu.memory_space<vmem>>, vector<1x16xf32>,
          %get3A_1088 = vector.shape_cast %get3A_1087 : vector<1x16xf32> to vector<16xf32>
          %parallel_loop3A = arith.constant 0 : i32
          %parallel_loop3A_1089 = arith.constant 1 : i32
          %parallel_loop3A_1090:16 = scf.for %parallel_loop3A_1171 = %parallel_loop3A to %sub3A_1013 step %parallel_loop3A_1089 iter_args(%parallel_loop3A_1172 = %get3A_1028, %parallel_loop3A_1173 = %get3A_1032, %parallel_loop3A_1174 = %get3A_1036, %parallel_loop3A_1175 = %get3A_1040, %parallel_loop3A_1176 = %get3A_1044, %parallel_loop3A_1177 = %get3A_1048, %parallel_loop3A_1178 = %get3A_1052, %parallel_loop3A_1179 = %get3A_1056, %parallel_loop3A_1180 = %get3A_1060, %parallel_loop3A_1181 = %get3A_1064, %parallel_loop3A_1182 = %get3A_1068, %parallel_loop3A_1183 = %get3A_1072, %parallel_loop3A_1184 = %get3A_1076, %parallel_loop3A_1185 = %get3A_1080, %parallel_loop3A_1186 = %get3A_1084, %parallel_loop3A_1187 = %get3A_1088) -> (vector<16xf32>, vector<16xf32>, vector<16xf32>, vector<16xf32>, vector<16xf32>, vector<16xf32>, vector<16xf32>, vector<16xf32>, vector<16xf32>, vector<16xf32>, vector<16xf32>, vector<16xf32>, vector<16xf32>, vector<16xf32>, vector<16xf32>, vector<16xf32>)  : i32 {
            %parallel_loop3A_1188 = arith.constant 128 : i32
            %parallel_loop3A_1189 = arith.muli %parallel_loop3A_1171, %parallel_loop3A_1188 : i32
            %parallel_loop3A_1190 = arith.addi %add3A_1019, %parallel_loop3A_1189 : i32
            %parallel_loop3A_1191 = arith.constant 0 : i32
            %parallel_loop3A_1192 = arith.addi %parallel_loop3A_1190, %parallel_loop3A_1191 : i32
            %parallel_loop3A_1193 = arith.index_cast %parallel_loop3A_1192 : i32 to index
            %parallel_loop3A_1194 = tpu.vector_load %arg7[%parallel_loop3A_1193] {strides = array<i32>} : memref<65536xf32, #tpu.memory_space<vmem>>, vector<16xf32>,
            %parallel_loop3A_1195 = vector.shape_cast %parallel_loop3A_1194 : vector<16xf32> to vector<16xf32>
            %parallel_loop3A_1196 = arith.constant 16 : i32
            %parallel_loop3A_1197 = arith.addi %parallel_loop3A_1190, %parallel_loop3A_1196 : i32
            %parallel_loop3A_1198 = arith.index_cast %parallel_loop3A_1197 : i32 to index
            %parallel_loop3A_1199 = tpu.vector_load %arg7[%parallel_loop3A_1198] {strides = array<i32>} : memref<65536xf32, #tpu.memory_space<vmem>>, vector<16xf32>,
            %parallel_loop3A_1200 = vector.shape_cast %parallel_loop3A_1199 : vector<16xf32> to vector<16xf32>
            %parallel_loop3A_1201 = arith.constant 32 : i32
            %parallel_loop3A_1202 = arith.addi %parallel_loop3A_1190, %parallel_loop3A_1201 : i32
            %parallel_loop3A_1203 = arith.index_cast %parallel_loop3A_1202 : i32 to index
            %parallel_loop3A_1204 = tpu.vector_load %arg7[%parallel_loop3A_1203] {strides = array<i32>} : memref<65536xf32, #tpu.memory_space<vmem>>, vector<16xf32>,
            %parallel_loop3A_1205 = vector.shape_cast %parallel_loop3A_1204 : vector<16xf32> to vector<16xf32>
            %parallel_loop3A_1206 = arith.constant 48 : i32
            %parallel_loop3A_1207 = arith.addi %parallel_loop3A_1190, %parallel_loop3A_1206 : i32
            %parallel_loop3A_1208 = arith.index_cast %parallel_loop3A_1207 : i32 to index
            %parallel_loop3A_1209 = tpu.vector_load %arg7[%parallel_loop3A_1208] {strides = array<i32>} : memref<65536xf32, #tpu.memory_space<vmem>>, vector<16xf32>,
            %parallel_loop3A_1210 = vector.shape_cast %parallel_loop3A_1209 : vector<16xf32> to vector<16xf32>
            %parallel_loop3A_1211 = arith.constant 64 : i32
            %parallel_loop3A_1212 = arith.addi %parallel_loop3A_1190, %parallel_loop3A_1211 : i32
            %parallel_loop3A_1213 = arith.index_cast %parallel_loop3A_1212 : i32 to index
            %parallel_loop3A_1214 = tpu.vector_load %arg7[%parallel_loop3A_1213] {strides = array<i32>} : memref<65536xf32, #tpu.memory_space<vmem>>, vector<16xf32>,
            %parallel_loop3A_1215 = vector.shape_cast %parallel_loop3A_1214 : vector<16xf32> to vector<16xf32>
            %parallel_loop3A_1216 = arith.constant 80 : i32
            %parallel_loop3A_1217 = arith.addi %parallel_loop3A_1190, %parallel_loop3A_1216 : i32
            %parallel_loop3A_1218 = arith.index_cast %parallel_loop3A_1217 : i32 to index
            %parallel_loop3A_1219 = tpu.vector_load %arg7[%parallel_loop3A_1218] {strides = array<i32>} : memref<65536xf32, #tpu.memory_space<vmem>>, vector<16xf32>,
            %parallel_loop3A_1220 = vector.shape_cast %parallel_loop3A_1219 : vector<16xf32> to vector<16xf32>
            %parallel_loop3A_1221 = arith.constant 96 : i32
            %parallel_loop3A_1222 = arith.addi %parallel_loop3A_1190, %parallel_loop3A_1221 : i32
            %parallel_loop3A_1223 = arith.index_cast %parallel_loop3A_1222 : i32 to index
            %parallel_loop3A_1224 = tpu.vector_load %arg7[%parallel_loop3A_1223] {strides = array<i32>} : memref<65536xf32, #tpu.memory_space<vmem>>, vector<16xf32>,
            %parallel_loop3A_1225 = vector.shape_cast %parallel_loop3A_1224 : vector<16xf32> to vector<16xf32>
            %parallel_loop3A_1226 = arith.constant 112 : i32
            %parallel_loop3A_1227 = arith.addi %parallel_loop3A_1190, %parallel_loop3A_1226 : i32
            %parallel_loop3A_1228 = arith.index_cast %parallel_loop3A_1227 : i32 to index
            %parallel_loop3A_1229 = tpu.vector_load %arg7[%parallel_loop3A_1228] {strides = array<i32>} : memref<65536xf32, #tpu.memory_space<vmem>>, vector<16xf32>,
            %parallel_loop3A_1230 = vector.shape_cast %parallel_loop3A_1229 : vector<16xf32> to vector<16xf32>
            %parallel_loop3A_1231 = arith.mulf %parallel_loop3A_1195, %get3A_4 : vector<16xf32>
            %parallel_loop3A_1232 = arith.mulf %parallel_loop3A_1200, %get3A_7 : vector<16xf32>
            %parallel_loop3A_1233 = arith.addf %parallel_loop3A_1231, %parallel_loop3A_1232 : vector<16xf32>
            %parallel_loop3A_1234 = arith.mulf %parallel_loop3A_1205, %get3A_10 : vector<16xf32>
            %parallel_loop3A_1235 = arith.addf %parallel_loop3A_1233, %parallel_loop3A_1234 : vector<16xf32>
            %parallel_loop3A_1236 = arith.mulf %parallel_loop3A_1210, %get3A_13 : vector<16xf32>
            %parallel_loop3A_1237 = arith.addf %parallel_loop3A_1235, %parallel_loop3A_1236 : vector<16xf32>
            %parallel_loop3A_1238 = arith.mulf %parallel_loop3A_1215, %get3A_16 : vector<16xf32>
            %parallel_loop3A_1239 = arith.addf %parallel_loop3A_1237, %parallel_loop3A_1238 : vector<16xf32>
            %parallel_loop3A_1240 = arith.mulf %parallel_loop3A_1220, %get3A_19 : vector<16xf32>
            %parallel_loop3A_1241 = arith.addf %parallel_loop3A_1239, %parallel_loop3A_1240 : vector<16xf32>
            %parallel_loop3A_1242 = arith.mulf %parallel_loop3A_1225, %get3A_22 : vector<16xf32>
            %parallel_loop3A_1243 = arith.addf %parallel_loop3A_1241, %parallel_loop3A_1242 : vector<16xf32>
            %parallel_loop3A_1244 = arith.mulf %parallel_loop3A_1230, %get3A_25 : vector<16xf32>
            %parallel_loop3A_1245 = arith.addf %parallel_loop3A_1243, %parallel_loop3A_1244 : vector<16xf32>
            %parallel_loop3A_1246 = arith.constant 8 : i32
            %parallel_loop3A_1247 = vector.broadcast %parallel_loop3A_1246 : i32 to vector<16xi32>
            %parallel_loop3A_1248 = arith.xori %iota3A, %parallel_loop3A_1247 : vector<16xi32>
            %parallel_loop3A_1249 = vector.shape_cast %parallel_loop3A_1248 : vector<16xi32> to vector<16x1xi32>
            %parallel_loop3A_1250 = vector.shape_cast %parallel_loop3A_1249 : vector<16x1xi32> to vector<16xi32>
            %parallel_loop3A_1251 = tpu.dynamic_gather %parallel_loop3A_1245[%parallel_loop3A_1250] in [0] : vector<16xf32>, vector<16xi32> -> vector<16xf32>
            %parallel_loop3A_1252 = arith.addf %parallel_loop3A_1245, %parallel_loop3A_1251 : vector<16xf32>
            %parallel_loop3A_1253 = arith.constant 4 : i32
            %parallel_loop3A_1254 = vector.broadcast %parallel_loop3A_1253 : i32 to vector<16xi32>
            %parallel_loop3A_1255 = arith.xori %iota3A, %parallel_loop3A_1254 : vector<16xi32>
            %parallel_loop3A_1256 = vector.shape_cast %parallel_loop3A_1255 : vector<16xi32> to vector<16x1xi32>
            %parallel_loop3A_1257 = vector.shape_cast %parallel_loop3A_1256 : vector<16x1xi32> to vector<16xi32>
            %parallel_loop3A_1258 = tpu.dynamic_gather %parallel_loop3A_1252[%parallel_loop3A_1257] in [0] : vector<16xf32>, vector<16xi32> -> vector<16xf32>
            %parallel_loop3A_1259 = arith.addf %parallel_loop3A_1252, %parallel_loop3A_1258 : vector<16xf32>
            %parallel_loop3A_1260 = arith.constant 2 : i32
            %parallel_loop3A_1261 = vector.broadcast %parallel_loop3A_1260 : i32 to vector<16xi32>
            %parallel_loop3A_1262 = arith.xori %iota3A, %parallel_loop3A_1261 : vector<16xi32>
            %parallel_loop3A_1263 = vector.shape_cast %parallel_loop3A_1262 : vector<16xi32> to vector<16x1xi32>
            %parallel_loop3A_1264 = vector.shape_cast %parallel_loop3A_1263 : vector<16x1xi32> to vector<16xi32>
            %parallel_loop3A_1265 = tpu.dynamic_gather %parallel_loop3A_1259[%parallel_loop3A_1264] in [0] : vector<16xf32>, vector<16xi32> -> vector<16xf32>
            %parallel_loop3A_1266 = arith.addf %parallel_loop3A_1259, %parallel_loop3A_1265 : vector<16xf32>
            %parallel_loop3A_1267 = arith.constant 1 : i32
            %parallel_loop3A_1268 = vector.broadcast %parallel_loop3A_1267 : i32 to vector<16xi32>
            %parallel_loop3A_1269 = arith.xori %iota3A, %parallel_loop3A_1268 : vector<16xi32>
            %parallel_loop3A_1270 = vector.shape_cast %parallel_loop3A_1269 : vector<16xi32> to vector<16x1xi32>
            %parallel_loop3A_1271 = vector.shape_cast %parallel_loop3A_1270 : vector<16x1xi32> to vector<16xi32>
            %parallel_loop3A_1272 = tpu.dynamic_gather %parallel_loop3A_1266[%parallel_loop3A_1271] in [0] : vector<16xf32>, vector<16xi32> -> vector<16xf32>
            %parallel_loop3A_1273 = arith.addf %parallel_loop3A_1266, %parallel_loop3A_1272 : vector<16xf32>
            %parallel_loop3A_1274 = arith.addf %parallel_loop3A_1273, %get3A_28 : vector<16xf32>
            %parallel_loop3A_1275 = arith.addf %parallel_loop3A_1274, %parallel_loop3A_1274 : vector<16xf32>
            %parallel_loop3A_1276 = math.exp %parallel_loop3A_1275 : vector<16xf32>
            %parallel_loop3A_1277 = arith.constant 1.000000e+00 : f32
            %parallel_loop3A_1278 = vector.broadcast %parallel_loop3A_1277 : f32 to vector<16xf32>
            %parallel_loop3A_1279 = arith.subf %parallel_loop3A_1276, %parallel_loop3A_1278 : vector<16xf32>
            %parallel_loop3A_1280 = arith.constant 1.000000e+00 : f32
            %parallel_loop3A_1281 = vector.broadcast %parallel_loop3A_1280 : f32 to vector<16xf32>
            %parallel_loop3A_1282 = arith.addf %parallel_loop3A_1276, %parallel_loop3A_1281 : vector<16xf32>
            %parallel_loop3A_1283 = arith.divf %parallel_loop3A_1279, %parallel_loop3A_1282 : vector<16xf32>
            %parallel_loop3A_1284 = arith.mulf %parallel_loop3A_1195, %parallel_loop3A_1283 : vector<16xf32>
            %parallel_loop3A_1285 = arith.addf %parallel_loop3A_1172, %parallel_loop3A_1284 : vector<16xf32>
            %parallel_loop3A_1286 = arith.mulf %parallel_loop3A_1200, %parallel_loop3A_1283 : vector<16xf32>
            %parallel_loop3A_1287 = arith.addf %parallel_loop3A_1173, %parallel_loop3A_1286 : vector<16xf32>
            %parallel_loop3A_1288 = arith.mulf %parallel_loop3A_1205, %parallel_loop3A_1283 : vector<16xf32>
            %parallel_loop3A_1289 = arith.addf %parallel_loop3A_1174, %parallel_loop3A_1288 : vector<16xf32>
            %parallel_loop3A_1290 = arith.mulf %parallel_loop3A_1210, %parallel_loop3A_1283 : vector<16xf32>
            %parallel_loop3A_1291 = arith.addf %parallel_loop3A_1175, %parallel_loop3A_1290 : vector<16xf32>
            %parallel_loop3A_1292 = arith.mulf %parallel_loop3A_1215, %parallel_loop3A_1283 : vector<16xf32>
            %parallel_loop3A_1293 = arith.addf %parallel_loop3A_1176, %parallel_loop3A_1292 : vector<16xf32>
            %parallel_loop3A_1294 = arith.mulf %parallel_loop3A_1220, %parallel_loop3A_1283 : vector<16xf32>
            %parallel_loop3A_1295 = arith.addf %parallel_loop3A_1177, %parallel_loop3A_1294 : vector<16xf32>
            %parallel_loop3A_1296 = arith.mulf %parallel_loop3A_1225, %parallel_loop3A_1283 : vector<16xf32>
            %parallel_loop3A_1297 = arith.addf %parallel_loop3A_1178, %parallel_loop3A_1296 : vector<16xf32>
            %parallel_loop3A_1298 = arith.mulf %parallel_loop3A_1230, %parallel_loop3A_1283 : vector<16xf32>
            %parallel_loop3A_1299 = arith.addf %parallel_loop3A_1179, %parallel_loop3A_1298 : vector<16xf32>
            %parallel_loop3A_1300 = arith.maximumf %parallel_loop3A_1180, %parallel_loop3A_1195 : vector<16xf32>
            %parallel_loop3A_1301 = arith.maximumf %parallel_loop3A_1181, %parallel_loop3A_1200 : vector<16xf32>
            %parallel_loop3A_1302 = arith.maximumf %parallel_loop3A_1182, %parallel_loop3A_1205 : vector<16xf32>
            %parallel_loop3A_1303 = arith.maximumf %parallel_loop3A_1183, %parallel_loop3A_1210 : vector<16xf32>
            %parallel_loop3A_1304 = arith.maximumf %parallel_loop3A_1184, %parallel_loop3A_1215 : vector<16xf32>
            %parallel_loop3A_1305 = arith.maximumf %parallel_loop3A_1185, %parallel_loop3A_1220 : vector<16xf32>
            %parallel_loop3A_1306 = arith.maximumf %parallel_loop3A_1186, %parallel_loop3A_1225 : vector<16xf32>
            %parallel_loop3A_1307 = arith.maximumf %parallel_loop3A_1187, %parallel_loop3A_1230 : vector<16xf32>
            scf.yield %parallel_loop3A_1285, %parallel_loop3A_1287, %parallel_loop3A_1289, %parallel_loop3A_1291, %parallel_loop3A_1293, %parallel_loop3A_1295, %parallel_loop3A_1297, %parallel_loop3A_1299, %parallel_loop3A_1300, %parallel_loop3A_1301, %parallel_loop3A_1302, %parallel_loop3A_1303, %parallel_loop3A_1304, %parallel_loop3A_1305, %parallel_loop3A_1306, %parallel_loop3A_1307 : vector<16xf32>, vector<16xf32>, vector<16xf32>, vector<16xf32>, vector<16xf32>, vector<16xf32>, vector<16xf32>, vector<16xf32>, vector<16xf32>, vector<16xf32>, vector<16xf32>, vector<16xf32>, vector<16xf32>, vector<16xf32>, vector<16xf32>, vector<16xf32>
          } {sc.loop_unroll_factor = 4 : i64, sc.parallel_access}
          %swap3A_1091 = arith.index_cast %scan3A_997 : i32 to index
          %swap3A_1092 = arith.constant 0 : index
          %swap3A_1093 = tpu.vector_load %arg12[%swap3A_1091, %swap3A_1092] {strides = array<i32>} : memref<8x256xf32, #tpu.memory_space<vmem>>, vector<1x16xf32>,
          %swap3A_1094 = vector.shape_cast %swap3A_1093 : vector<1x16xf32> to vector<16xf32>
          %swap3A_1095 = vector.shape_cast %parallel_loop3A_1090#0 : vector<16xf32> to vector<1x16xf32>
          tpu.vector_store %arg12[%swap3A_1091, %swap3A_1092], %swap3A_1095 {strides = array<i32>} : memref<8x256xf32, #tpu.memory_space<vmem>>, vector<1x16xf32>,
          %swap3A_1096 = arith.index_cast %scan3A_997 : i32 to index
          %swap3A_1097 = arith.constant 128 : index
          %swap3A_1098 = tpu.vector_load %arg12[%swap3A_1096, %swap3A_1097] {strides = array<i32>} : memref<8x256xf32, #tpu.memory_space<vmem>>, vector<1x16xf32>,
          %swap3A_1099 = vector.shape_cast %swap3A_1098 : vector<1x16xf32> to vector<16xf32>
          %swap3A_1100 = vector.shape_cast %parallel_loop3A_1090#8 : vector<16xf32> to vector<1x16xf32>
          tpu.vector_store %arg12[%swap3A_1096, %swap3A_1097], %swap3A_1100 {strides = array<i32>} : memref<8x256xf32, #tpu.memory_space<vmem>>, vector<1x16xf32>,
          %swap3A_1101 = arith.index_cast %scan3A_997 : i32 to index
          %swap3A_1102 = arith.constant 16 : index
          %swap3A_1103 = tpu.vector_load %arg12[%swap3A_1101, %swap3A_1102] {strides = array<i32>} : memref<8x256xf32, #tpu.memory_space<vmem>>, vector<1x16xf32>,
          %swap3A_1104 = vector.shape_cast %swap3A_1103 : vector<1x16xf32> to vector<16xf32>
          %swap3A_1105 = vector.shape_cast %parallel_loop3A_1090#1 : vector<16xf32> to vector<1x16xf32>
          tpu.vector_store %arg12[%swap3A_1101, %swap3A_1102], %swap3A_1105 {strides = array<i32>} : memref<8x256xf32, #tpu.memory_space<vmem>>, vector<1x16xf32>,
          %swap3A_1106 = arith.index_cast %scan3A_997 : i32 to index
          %swap3A_1107 = arith.constant 144 : index
          %swap3A_1108 = tpu.vector_load %arg12[%swap3A_1106, %swap3A_1107] {strides = array<i32>} : memref<8x256xf32, #tpu.memory_space<vmem>>, vector<1x16xf32>,
          %swap3A_1109 = vector.shape_cast %swap3A_1108 : vector<1x16xf32> to vector<16xf32>
          %swap3A_1110 = vector.shape_cast %parallel_loop3A_1090#9 : vector<16xf32> to vector<1x16xf32>
          tpu.vector_store %arg12[%swap3A_1106, %swap3A_1107], %swap3A_1110 {strides = array<i32>} : memref<8x256xf32, #tpu.memory_space<vmem>>, vector<1x16xf32>,
          %swap3A_1111 = arith.index_cast %scan3A_997 : i32 to index
          %swap3A_1112 = arith.constant 32 : index
          %swap3A_1113 = tpu.vector_load %arg12[%swap3A_1111, %swap3A_1112] {strides = array<i32>} : memref<8x256xf32, #tpu.memory_space<vmem>>, vector<1x16xf32>,
          %swap3A_1114 = vector.shape_cast %swap3A_1113 : vector<1x16xf32> to vector<16xf32>
          %swap3A_1115 = vector.shape_cast %parallel_loop3A_1090#2 : vector<16xf32> to vector<1x16xf32>
          tpu.vector_store %arg12[%swap3A_1111, %swap3A_1112], %swap3A_1115 {strides = array<i32>} : memref<8x256xf32, #tpu.memory_space<vmem>>, vector<1x16xf32>,
          %swap3A_1116 = arith.index_cast %scan3A_997 : i32 to index
          %swap3A_1117 = arith.constant 160 : index
          %swap3A_1118 = tpu.vector_load %arg12[%swap3A_1116, %swap3A_1117] {strides = array<i32>} : memref<8x256xf32, #tpu.memory_space<vmem>>, vector<1x16xf32>,
          %swap3A_1119 = vector.shape_cast %swap3A_1118 : vector<1x16xf32> to vector<16xf32>
          %swap3A_1120 = vector.shape_cast %parallel_loop3A_1090#10 : vector<16xf32> to vector<1x16xf32>
          tpu.vector_store %arg12[%swap3A_1116, %swap3A_1117], %swap3A_1120 {strides = array<i32>} : memref<8x256xf32, #tpu.memory_space<vmem>>, vector<1x16xf32>,
          %swap3A_1121 = arith.index_cast %scan3A_997 : i32 to index
          %swap3A_1122 = arith.constant 48 : index
          %swap3A_1123 = tpu.vector_load %arg12[%swap3A_1121, %swap3A_1122] {strides = array<i32>} : memref<8x256xf32, #tpu.memory_space<vmem>>, vector<1x16xf32>,
          %swap3A_1124 = vector.shape_cast %swap3A_1123 : vector<1x16xf32> to vector<16xf32>
          %swap3A_1125 = vector.shape_cast %parallel_loop3A_1090#3 : vector<16xf32> to vector<1x16xf32>
          tpu.vector_store %arg12[%swap3A_1121, %swap3A_1122], %swap3A_1125 {strides = array<i32>} : memref<8x256xf32, #tpu.memory_space<vmem>>, vector<1x16xf32>,
          %swap3A_1126 = arith.index_cast %scan3A_997 : i32 to index
          %swap3A_1127 = arith.constant 176 : index
          %swap3A_1128 = tpu.vector_load %arg12[%swap3A_1126, %swap3A_1127] {strides = array<i32>} : memref<8x256xf32, #tpu.memory_space<vmem>>, vector<1x16xf32>,
          %swap3A_1129 = vector.shape_cast %swap3A_1128 : vector<1x16xf32> to vector<16xf32>
          %swap3A_1130 = vector.shape_cast %parallel_loop3A_1090#11 : vector<16xf32> to vector<1x16xf32>
          tpu.vector_store %arg12[%swap3A_1126, %swap3A_1127], %swap3A_1130 {strides = array<i32>} : memref<8x256xf32, #tpu.memory_space<vmem>>, vector<1x16xf32>,
          %swap3A_1131 = arith.index_cast %scan3A_997 : i32 to index
          %swap3A_1132 = arith.constant 64 : index
          %swap3A_1133 = tpu.vector_load %arg12[%swap3A_1131, %swap3A_1132] {strides = array<i32>} : memref<8x256xf32, #tpu.memory_space<vmem>>, vector<1x16xf32>,
          %swap3A_1134 = vector.shape_cast %swap3A_1133 : vector<1x16xf32> to vector<16xf32>
          %swap3A_1135 = vector.shape_cast %parallel_loop3A_1090#4 : vector<16xf32> to vector<1x16xf32>
          tpu.vector_store %arg12[%swap3A_1131, %swap3A_1132], %swap3A_1135 {strides = array<i32>} : memref<8x256xf32, #tpu.memory_space<vmem>>, vector<1x16xf32>,
          %swap3A_1136 = arith.index_cast %scan3A_997 : i32 to index
          %swap3A_1137 = arith.constant 192 : index
          %swap3A_1138 = tpu.vector_load %arg12[%swap3A_1136, %swap3A_1137] {strides = array<i32>} : memref<8x256xf32, #tpu.memory_space<vmem>>, vector<1x16xf32>,
          %swap3A_1139 = vector.shape_cast %swap3A_1138 : vector<1x16xf32> to vector<16xf32>
          %swap3A_1140 = vector.shape_cast %parallel_loop3A_1090#12 : vector<16xf32> to vector<1x16xf32>
          tpu.vector_store %arg12[%swap3A_1136, %swap3A_1137], %swap3A_1140 {strides = array<i32>} : memref<8x256xf32, #tpu.memory_space<vmem>>, vector<1x16xf32>,
          %swap3A_1141 = arith.index_cast %scan3A_997 : i32 to index
          %swap3A_1142 = arith.constant 80 : index
          %swap3A_1143 = tpu.vector_load %arg12[%swap3A_1141, %swap3A_1142] {strides = array<i32>} : memref<8x256xf32, #tpu.memory_space<vmem>>, vector<1x16xf32>,
          %swap3A_1144 = vector.shape_cast %swap3A_1143 : vector<1x16xf32> to vector<16xf32>
          %swap3A_1145 = vector.shape_cast %parallel_loop3A_1090#5 : vector<16xf32> to vector<1x16xf32>
          tpu.vector_store %arg12[%swap3A_1141, %swap3A_1142], %swap3A_1145 {strides = array<i32>} : memref<8x256xf32, #tpu.memory_space<vmem>>, vector<1x16xf32>,
          %swap3A_1146 = arith.index_cast %scan3A_997 : i32 to index
          %swap3A_1147 = arith.constant 208 : index
          %swap3A_1148 = tpu.vector_load %arg12[%swap3A_1146, %swap3A_1147] {strides = array<i32>} : memref<8x256xf32, #tpu.memory_space<vmem>>, vector<1x16xf32>,
          %swap3A_1149 = vector.shape_cast %swap3A_1148 : vector<1x16xf32> to vector<16xf32>
          %swap3A_1150 = vector.shape_cast %parallel_loop3A_1090#13 : vector<16xf32> to vector<1x16xf32>
          tpu.vector_store %arg12[%swap3A_1146, %swap3A_1147], %swap3A_1150 {strides = array<i32>} : memref<8x256xf32, #tpu.memory_space<vmem>>, vector<1x16xf32>,
          %swap3A_1151 = arith.index_cast %scan3A_997 : i32 to index
          %swap3A_1152 = arith.constant 96 : index
          %swap3A_1153 = tpu.vector_load %arg12[%swap3A_1151, %swap3A_1152] {strides = array<i32>} : memref<8x256xf32, #tpu.memory_space<vmem>>, vector<1x16xf32>,
          %swap3A_1154 = vector.shape_cast %swap3A_1153 : vector<1x16xf32> to vector<16xf32>
          %swap3A_1155 = vector.shape_cast %parallel_loop3A_1090#6 : vector<16xf32> to vector<1x16xf32>
          tpu.vector_store %arg12[%swap3A_1151, %swap3A_1152], %swap3A_1155 {strides = array<i32>} : memref<8x256xf32, #tpu.memory_space<vmem>>, vector<1x16xf32>,
          %swap3A_1156 = arith.index_cast %scan3A_997 : i32 to index
          %swap3A_1157 = arith.constant 224 : index
          %swap3A_1158 = tpu.vector_load %arg12[%swap3A_1156, %swap3A_1157] {strides = array<i32>} : memref<8x256xf32, #tpu.memory_space<vmem>>, vector<1x16xf32>,
          %swap3A_1159 = vector.shape_cast %swap3A_1158 : vector<1x16xf32> to vector<16xf32>
          %swap3A_1160 = vector.shape_cast %parallel_loop3A_1090#14 : vector<16xf32> to vector<1x16xf32>
          tpu.vector_store %arg12[%swap3A_1156, %swap3A_1157], %swap3A_1160 {strides = array<i32>} : memref<8x256xf32, #tpu.memory_space<vmem>>, vector<1x16xf32>,
          %swap3A_1161 = arith.index_cast %scan3A_997 : i32 to index
          %swap3A_1162 = arith.constant 112 : index
          %swap3A_1163 = tpu.vector_load %arg12[%swap3A_1161, %swap3A_1162] {strides = array<i32>} : memref<8x256xf32, #tpu.memory_space<vmem>>, vector<1x16xf32>,
          %swap3A_1164 = vector.shape_cast %swap3A_1163 : vector<1x16xf32> to vector<16xf32>
          %swap3A_1165 = vector.shape_cast %parallel_loop3A_1090#7 : vector<16xf32> to vector<1x16xf32>
          tpu.vector_store %arg12[%swap3A_1161, %swap3A_1162], %swap3A_1165 {strides = array<i32>} : memref<8x256xf32, #tpu.memory_space<vmem>>, vector<1x16xf32>,
          %swap3A_1166 = arith.index_cast %scan3A_997 : i32 to index
          %swap3A_1167 = arith.constant 240 : index
          %swap3A_1168 = tpu.vector_load %arg12[%swap3A_1166, %swap3A_1167] {strides = array<i32>} : memref<8x256xf32, #tpu.memory_space<vmem>>, vector<1x16xf32>,
          %swap3A_1169 = vector.shape_cast %swap3A_1168 : vector<1x16xf32> to vector<16xf32>
          %swap3A_1170 = vector.shape_cast %parallel_loop3A_1090#15 : vector<16xf32> to vector<1x16xf32>
          tpu.vector_store %arg12[%swap3A_1166, %swap3A_1167], %swap3A_1170 {strides = array<i32>} : memref<8x256xf32, #tpu.memory_space<vmem>>, vector<1x16xf32>,
        } else {
        }
      }
      %scan3A_944 = arith.constant 8 : i32
      %add3A_945 = arith.constant 2 : i32
      %add3A_946 = arith.addi %mul3A_894, %add3A_945 : i32
      %add3A_947 = arith.constant 3 : i32
      %add3A_948 = arith.addi %add3A_946, %add3A_947 : i32
      %lt3A_949 = arith.cmpi slt, %add3A_948, %select_n3A : i32
      %convert_element_type3A_950 = arith.extui %lt3A_949 : i1 to i32
      %cond3A_951 = arith.constant 0 : i32
      %cond3A_952 = arith.cmpi ne, %convert_element_type3A_950, %cond3A_951 : i32
      scf.if %cond3A_952 {
        %mul3A_997 = arith.constant 128 : i32
        %mul3A_998 = arith.muli %add3A_948, %mul3A_997 : i32
        %add3A_999 = arith.addi %squeeze3A, %mul3A_998 : i32
        %min3A_1000 = arith.constant 319872 : i32
        %min3A_1001 = arith.minsi %add3A_999, %min3A_1000 : i32
        %mul3A_1002 = arith.constant 128 : i32
        %mul3A_1003 = arith.muli %min3A_1001, %mul3A_1002 : i32
        %dma_start3A = arith.constant 16384 : i32
        %dma_start3A_1004 = tpu.memref_slice %arg7[%dma_start3A] : memref<65536xf32, #tpu.memory_space<vmem>> -> memref<16384xf32, #tpu.memory_space<vmem>>
        %dma_start3A_1005 = tpu.memref_slice %arg2[%mul3A_1003] : memref<40960000xf32, #tpu.memory_space<hbm>> -> memref<16384xf32, #tpu.memory_space<hbm>>
        %dma_start3A_1006 = arith.constant 16384 : i32
        %dma_start3A_1007 = tpu.memref_slice %arg7[%dma_start3A_1006] : memref<65536xf32, #tpu.memory_space<vmem>> -> memref<16384xf32, #tpu.memory_space<vmem>>
        %dma_start3A_1008 = tpu.memref_slice %arg2[%mul3A_1003] : memref<40960000xf32, #tpu.memory_space<hbm>> -> memref<16384xf32, #tpu.memory_space<hbm>>
        tpu.enqueue_dma source(%dma_start3A_1008 : memref<16384xf32, #tpu.memory_space<hbm>>) target(%dma_start3A_1007 : memref<16384xf32, #tpu.memory_space<vmem>>) target_semaphore(%arg15 : memref<!tpu.dma_semaphore, #tpu.memory_space<semaphore_mem>>)
      } else {
      }
      %add3A_953 = arith.constant 2 : i32
      %add3A_954 = arith.addi %mul3A_894, %add3A_953 : i32
      %mul3A_955 = arith.constant 128 : i32
      %mul3A_956 = arith.muli %add3A_954, %mul3A_955 : i32
      %add3A_957 = arith.addi %squeeze3A, %mul3A_956 : i32
      %min3A_958 = arith.constant 319872 : i32
      %min3A_959 = arith.minsi %add3A_957, %min3A_958 : i32
      %sub3A_960 = arith.subi %add3A_957, %min3A_959 : i32
      %lt3A_961 = arith.cmpi slt, %add3A_954, %select_n3A : i32
      %convert_element_type3A_962 = arith.extui %lt3A_961 : i1 to i32
      %cond3A_963 = arith.constant 0 : i32
      %cond3A_964 = arith.cmpi ne, %convert_element_type3A_962, %cond3A_963 : i32
      scf.if %cond3A_964 {
        %dma_wait3A = arith.constant 32768 : i32
        %dma_wait3A_997 = tpu.memref_slice %arg7[%dma_wait3A] : memref<65536xf32, #tpu.memory_space<vmem>> -> memref<16384xf32, #tpu.memory_space<vmem>>
        %dma_wait3A_998 = arith.constant 0 : i32
        %dma_wait3A_999 = tpu.memref_slice %arg2[%dma_wait3A_998] : memref<40960000xf32, #tpu.memory_space<hbm>> -> memref<16384xf32, #tpu.memory_space<hbm>>
        %dma_wait3A_1000 = arith.constant 32768 : i32
        %dma_wait3A_1001 = tpu.memref_slice %arg7[%dma_wait3A_1000] : memref<65536xf32, #tpu.memory_space<vmem>> -> memref<16384xf32, #tpu.memory_space<vmem>>
        %dma_wait3A_1002 = arith.constant 0 : i32
        %dma_wait3A_1003 = tpu.memref_slice %arg2[%dma_wait3A_1002] : memref<40960000xf32, #tpu.memory_space<hbm>> -> memref<16384xf32, #tpu.memory_space<hbm>>
        tpu.wait_dma2 semaphore(%arg16 : memref<!tpu.dma_semaphore, #tpu.memory_space<semaphore_mem>>) src(%dma_wait3A_1003 : memref<16384xf32, #tpu.memory_space<hbm>>) dst(%dma_wait3A_1001 : memref<16384xf32, #tpu.memory_space<vmem>>)
      } else {
      }
      %scan3A_965 = arith.constant 0 : i32
      %scan3A_966 = arith.constant 0 : i32
      %scan3A_967 = arith.constant 8 : i32
      %scan3A_968 = arith.addi %scan3A_966, %scan3A_967 : i32
      %scan3A_969 = arith.constant 1 : i32
      scf.for %scan3A_997 = %scan3A_966 to %scan3A_968 step %scan3A_969  : i32 {
        %get3A_998 = arith.index_cast %scan3A_997 : i32 to index
        %get3A_999 = tpu.vector_load %arg10[%get3A_998] {strides = array<i32>} : memref<32xi32, #tpu.memory_space<vmem>>, vector<16xi32>,
        %get3A_1000 = vector.shape_cast %get3A_999 : vector<16xi32> to vector<16xi32>
        %slice3A_1001 = vector.extract_strided_slice %get3A_1000 {offsets = [0], sizes = [1], strides = [1]} : vector<16xi32> to vector<1xi32>
        %squeeze3A_1002 = vector.extract %slice3A_1001[0] : i32 from vector<1xi32>
        %add3A_1003 = arith.constant 1 : i32
        %add3A_1004 = arith.addi %scan3A_997, %add3A_1003 : i32
        %get3A_1005 = arith.index_cast %add3A_1004 : i32 to index
        %get3A_1006 = tpu.vector_load %arg10[%get3A_1005] {strides = array<i32>} : memref<32xi32, #tpu.memory_space<vmem>>, vector<16xi32>,
        %get3A_1007 = vector.shape_cast %get3A_1006 : vector<16xi32> to vector<16xi32>
        %slice3A_1008 = vector.extract_strided_slice %get3A_1007 {offsets = [0], sizes = [1], strides = [1]} : vector<16xi32> to vector<1xi32>
        %squeeze3A_1009 = vector.extract %slice3A_1008[0] : i32 from vector<1xi32>
        %max3A = arith.maxsi %squeeze3A_1002, %add3A_957 : i32
        %add3A_1010 = arith.constant 128 : i32
        %add3A_1011 = arith.addi %add3A_957, %add3A_1010 : i32
        %min3A_1012 = arith.minsi %squeeze3A_1009, %add3A_1011 : i32
        %sub3A_1013 = arith.subi %min3A_1012, %max3A : i32
        %sub3A_1014 = arith.subi %max3A, %add3A_957 : i32
        %add3A_1015 = arith.addi %sub3A_960, %sub3A_1014 : i32
        %mul3A_1016 = arith.constant 128 : i32
        %mul3A_1017 = arith.muli %add3A_1015, %mul3A_1016 : i32
        %add3A_1018 = arith.constant 32768 : i32
        %add3A_1019 = arith.addi %add3A_1018, %mul3A_1017 : i32
        %gt3A_1020 = arith.constant 0 : i32
        %gt3A_1021 = arith.cmpi sgt, %sub3A_1013, %gt3A_1020 : i32
        %convert_element_type3A_1022 = arith.extui %gt3A_1021 : i1 to i32
        %cond3A_1023 = arith.constant 0 : i32
        %cond3A_1024 = arith.cmpi ne, %convert_element_type3A_1022, %cond3A_1023 : i32
        scf.if %cond3A_1024 {
          %get3A_1025 = arith.index_cast %scan3A_997 : i32 to index
          %get3A_1026 = arith.constant 0 : index
          %get3A_1027 = tpu.vector_load %arg12[%get3A_1025, %get3A_1026] {strides = array<i32>} : memref<8x256xf32, #tpu.memory_space<vmem>>, vector<1x16xf32>,
          %get3A_1028 = vector.shape_cast %get3A_1027 : vector<1x16xf32> to vector<16xf32>
          %get3A_1029 = arith.index_cast %scan3A_997 : i32 to index
          %get3A_1030 = arith.constant 16 : index
          %get3A_1031 = tpu.vector_load %arg12[%get3A_1029, %get3A_1030] {strides = array<i32>} : memref<8x256xf32, #tpu.memory_space<vmem>>, vector<1x16xf32>,
          %get3A_1032 = vector.shape_cast %get3A_1031 : vector<1x16xf32> to vector<16xf32>
          %get3A_1033 = arith.index_cast %scan3A_997 : i32 to index
          %get3A_1034 = arith.constant 32 : index
          %get3A_1035 = tpu.vector_load %arg12[%get3A_1033, %get3A_1034] {strides = array<i32>} : memref<8x256xf32, #tpu.memory_space<vmem>>, vector<1x16xf32>,
          %get3A_1036 = vector.shape_cast %get3A_1035 : vector<1x16xf32> to vector<16xf32>
          %get3A_1037 = arith.index_cast %scan3A_997 : i32 to index
          %get3A_1038 = arith.constant 48 : index
          %get3A_1039 = tpu.vector_load %arg12[%get3A_1037, %get3A_1038] {strides = array<i32>} : memref<8x256xf32, #tpu.memory_space<vmem>>, vector<1x16xf32>,
          %get3A_1040 = vector.shape_cast %get3A_1039 : vector<1x16xf32> to vector<16xf32>
          %get3A_1041 = arith.index_cast %scan3A_997 : i32 to index
          %get3A_1042 = arith.constant 64 : index
          %get3A_1043 = tpu.vector_load %arg12[%get3A_1041, %get3A_1042] {strides = array<i32>} : memref<8x256xf32, #tpu.memory_space<vmem>>, vector<1x16xf32>,
          %get3A_1044 = vector.shape_cast %get3A_1043 : vector<1x16xf32> to vector<16xf32>
          %get3A_1045 = arith.index_cast %scan3A_997 : i32 to index
          %get3A_1046 = arith.constant 80 : index
          %get3A_1047 = tpu.vector_load %arg12[%get3A_1045, %get3A_1046] {strides = array<i32>} : memref<8x256xf32, #tpu.memory_space<vmem>>, vector<1x16xf32>,
          %get3A_1048 = vector.shape_cast %get3A_1047 : vector<1x16xf32> to vector<16xf32>
          %get3A_1049 = arith.index_cast %scan3A_997 : i32 to index
          %get3A_1050 = arith.constant 96 : index
          %get3A_1051 = tpu.vector_load %arg12[%get3A_1049, %get3A_1050] {strides = array<i32>} : memref<8x256xf32, #tpu.memory_space<vmem>>, vector<1x16xf32>,
          %get3A_1052 = vector.shape_cast %get3A_1051 : vector<1x16xf32> to vector<16xf32>
          %get3A_1053 = arith.index_cast %scan3A_997 : i32 to index
          %get3A_1054 = arith.constant 112 : index
          %get3A_1055 = tpu.vector_load %arg12[%get3A_1053, %get3A_1054] {strides = array<i32>} : memref<8x256xf32, #tpu.memory_space<vmem>>, vector<1x16xf32>,
          %get3A_1056 = vector.shape_cast %get3A_1055 : vector<1x16xf32> to vector<16xf32>
          %get3A_1057 = arith.index_cast %scan3A_997 : i32 to index
          %get3A_1058 = arith.constant 128 : index
          %get3A_1059 = tpu.vector_load %arg12[%get3A_1057, %get3A_1058] {strides = array<i32>} : memref<8x256xf32, #tpu.memory_space<vmem>>, vector<1x16xf32>,
          %get3A_1060 = vector.shape_cast %get3A_1059 : vector<1x16xf32> to vector<16xf32>
          %get3A_1061 = arith.index_cast %scan3A_997 : i32 to index
          %get3A_1062 = arith.constant 144 : index
          %get3A_1063 = tpu.vector_load %arg12[%get3A_1061, %get3A_1062] {strides = array<i32>} : memref<8x256xf32, #tpu.memory_space<vmem>>, vector<1x16xf32>,
          %get3A_1064 = vector.shape_cast %get3A_1063 : vector<1x16xf32> to vector<16xf32>
          %get3A_1065 = arith.index_cast %scan3A_997 : i32 to index
          %get3A_1066 = arith.constant 160 : index
          %get3A_1067 = tpu.vector_load %arg12[%get3A_1065, %get3A_1066] {strides = array<i32>} : memref<8x256xf32, #tpu.memory_space<vmem>>, vector<1x16xf32>,
          %get3A_1068 = vector.shape_cast %get3A_1067 : vector<1x16xf32> to vector<16xf32>
          %get3A_1069 = arith.index_cast %scan3A_997 : i32 to index
          %get3A_1070 = arith.constant 176 : index
          %get3A_1071 = tpu.vector_load %arg12[%get3A_1069, %get3A_1070] {strides = array<i32>} : memref<8x256xf32, #tpu.memory_space<vmem>>, vector<1x16xf32>,
          %get3A_1072 = vector.shape_cast %get3A_1071 : vector<1x16xf32> to vector<16xf32>
          %get3A_1073 = arith.index_cast %scan3A_997 : i32 to index
          %get3A_1074 = arith.constant 192 : index
          %get3A_1075 = tpu.vector_load %arg12[%get3A_1073, %get3A_1074] {strides = array<i32>} : memref<8x256xf32, #tpu.memory_space<vmem>>, vector<1x16xf32>,
          %get3A_1076 = vector.shape_cast %get3A_1075 : vector<1x16xf32> to vector<16xf32>
          %get3A_1077 = arith.index_cast %scan3A_997 : i32 to index
          %get3A_1078 = arith.constant 208 : index
          %get3A_1079 = tpu.vector_load %arg12[%get3A_1077, %get3A_1078] {strides = array<i32>} : memref<8x256xf32, #tpu.memory_space<vmem>>, vector<1x16xf32>,
          %get3A_1080 = vector.shape_cast %get3A_1079 : vector<1x16xf32> to vector<16xf32>
          %get3A_1081 = arith.index_cast %scan3A_997 : i32 to index
          %get3A_1082 = arith.constant 224 : index
          %get3A_1083 = tpu.vector_load %arg12[%get3A_1081, %get3A_1082] {strides = array<i32>} : memref<8x256xf32, #tpu.memory_space<vmem>>, vector<1x16xf32>,
          %get3A_1084 = vector.shape_cast %get3A_1083 : vector<1x16xf32> to vector<16xf32>
          %get3A_1085 = arith.index_cast %scan3A_997 : i32 to index
          %get3A_1086 = arith.constant 240 : index
          %get3A_1087 = tpu.vector_load %arg12[%get3A_1085, %get3A_1086] {strides = array<i32>} : memref<8x256xf32, #tpu.memory_space<vmem>>, vector<1x16xf32>,
          %get3A_1088 = vector.shape_cast %get3A_1087 : vector<1x16xf32> to vector<16xf32>
          %parallel_loop3A = arith.constant 0 : i32
          %parallel_loop3A_1089 = arith.constant 1 : i32
          %parallel_loop3A_1090:16 = scf.for %parallel_loop3A_1171 = %parallel_loop3A to %sub3A_1013 step %parallel_loop3A_1089 iter_args(%parallel_loop3A_1172 = %get3A_1028, %parallel_loop3A_1173 = %get3A_1032, %parallel_loop3A_1174 = %get3A_1036, %parallel_loop3A_1175 = %get3A_1040, %parallel_loop3A_1176 = %get3A_1044, %parallel_loop3A_1177 = %get3A_1048, %parallel_loop3A_1178 = %get3A_1052, %parallel_loop3A_1179 = %get3A_1056, %parallel_loop3A_1180 = %get3A_1060, %parallel_loop3A_1181 = %get3A_1064, %parallel_loop3A_1182 = %get3A_1068, %parallel_loop3A_1183 = %get3A_1072, %parallel_loop3A_1184 = %get3A_1076, %parallel_loop3A_1185 = %get3A_1080, %parallel_loop3A_1186 = %get3A_1084, %parallel_loop3A_1187 = %get3A_1088) -> (vector<16xf32>, vector<16xf32>, vector<16xf32>, vector<16xf32>, vector<16xf32>, vector<16xf32>, vector<16xf32>, vector<16xf32>, vector<16xf32>, vector<16xf32>, vector<16xf32>, vector<16xf32>, vector<16xf32>, vector<16xf32>, vector<16xf32>, vector<16xf32>)  : i32 {
            %parallel_loop3A_1188 = arith.constant 128 : i32
            %parallel_loop3A_1189 = arith.muli %parallel_loop3A_1171, %parallel_loop3A_1188 : i32
            %parallel_loop3A_1190 = arith.addi %add3A_1019, %parallel_loop3A_1189 : i32
            %parallel_loop3A_1191 = arith.constant 0 : i32
            %parallel_loop3A_1192 = arith.addi %parallel_loop3A_1190, %parallel_loop3A_1191 : i32
            %parallel_loop3A_1193 = arith.index_cast %parallel_loop3A_1192 : i32 to index
            %parallel_loop3A_1194 = tpu.vector_load %arg7[%parallel_loop3A_1193] {strides = array<i32>} : memref<65536xf32, #tpu.memory_space<vmem>>, vector<16xf32>,
            %parallel_loop3A_1195 = vector.shape_cast %parallel_loop3A_1194 : vector<16xf32> to vector<16xf32>
            %parallel_loop3A_1196 = arith.constant 16 : i32
            %parallel_loop3A_1197 = arith.addi %parallel_loop3A_1190, %parallel_loop3A_1196 : i32
            %parallel_loop3A_1198 = arith.index_cast %parallel_loop3A_1197 : i32 to index
            %parallel_loop3A_1199 = tpu.vector_load %arg7[%parallel_loop3A_1198] {strides = array<i32>} : memref<65536xf32, #tpu.memory_space<vmem>>, vector<16xf32>,
            %parallel_loop3A_1200 = vector.shape_cast %parallel_loop3A_1199 : vector<16xf32> to vector<16xf32>
            %parallel_loop3A_1201 = arith.constant 32 : i32
            %parallel_loop3A_1202 = arith.addi %parallel_loop3A_1190, %parallel_loop3A_1201 : i32
            %parallel_loop3A_1203 = arith.index_cast %parallel_loop3A_1202 : i32 to index
            %parallel_loop3A_1204 = tpu.vector_load %arg7[%parallel_loop3A_1203] {strides = array<i32>} : memref<65536xf32, #tpu.memory_space<vmem>>, vector<16xf32>,
            %parallel_loop3A_1205 = vector.shape_cast %parallel_loop3A_1204 : vector<16xf32> to vector<16xf32>
            %parallel_loop3A_1206 = arith.constant 48 : i32
            %parallel_loop3A_1207 = arith.addi %parallel_loop3A_1190, %parallel_loop3A_1206 : i32
            %parallel_loop3A_1208 = arith.index_cast %parallel_loop3A_1207 : i32 to index
            %parallel_loop3A_1209 = tpu.vector_load %arg7[%parallel_loop3A_1208] {strides = array<i32>} : memref<65536xf32, #tpu.memory_space<vmem>>, vector<16xf32>,
            %parallel_loop3A_1210 = vector.shape_cast %parallel_loop3A_1209 : vector<16xf32> to vector<16xf32>
            %parallel_loop3A_1211 = arith.constant 64 : i32
            %parallel_loop3A_1212 = arith.addi %parallel_loop3A_1190, %parallel_loop3A_1211 : i32
            %parallel_loop3A_1213 = arith.index_cast %parallel_loop3A_1212 : i32 to index
            %parallel_loop3A_1214 = tpu.vector_load %arg7[%parallel_loop3A_1213] {strides = array<i32>} : memref<65536xf32, #tpu.memory_space<vmem>>, vector<16xf32>,
            %parallel_loop3A_1215 = vector.shape_cast %parallel_loop3A_1214 : vector<16xf32> to vector<16xf32>
            %parallel_loop3A_1216 = arith.constant 80 : i32
            %parallel_loop3A_1217 = arith.addi %parallel_loop3A_1190, %parallel_loop3A_1216 : i32
            %parallel_loop3A_1218 = arith.index_cast %parallel_loop3A_1217 : i32 to index
            %parallel_loop3A_1219 = tpu.vector_load %arg7[%parallel_loop3A_1218] {strides = array<i32>} : memref<65536xf32, #tpu.memory_space<vmem>>, vector<16xf32>,
            %parallel_loop3A_1220 = vector.shape_cast %parallel_loop3A_1219 : vector<16xf32> to vector<16xf32>
            %parallel_loop3A_1221 = arith.constant 96 : i32
            %parallel_loop3A_1222 = arith.addi %parallel_loop3A_1190, %parallel_loop3A_1221 : i32
            %parallel_loop3A_1223 = arith.index_cast %parallel_loop3A_1222 : i32 to index
            %parallel_loop3A_1224 = tpu.vector_load %arg7[%parallel_loop3A_1223] {strides = array<i32>} : memref<65536xf32, #tpu.memory_space<vmem>>, vector<16xf32>,
            %parallel_loop3A_1225 = vector.shape_cast %parallel_loop3A_1224 : vector<16xf32> to vector<16xf32>
            %parallel_loop3A_1226 = arith.constant 112 : i32
            %parallel_loop3A_1227 = arith.addi %parallel_loop3A_1190, %parallel_loop3A_1226 : i32
            %parallel_loop3A_1228 = arith.index_cast %parallel_loop3A_1227 : i32 to index
            %parallel_loop3A_1229 = tpu.vector_load %arg7[%parallel_loop3A_1228] {strides = array<i32>} : memref<65536xf32, #tpu.memory_space<vmem>>, vector<16xf32>,
            %parallel_loop3A_1230 = vector.shape_cast %parallel_loop3A_1229 : vector<16xf32> to vector<16xf32>
            %parallel_loop3A_1231 = arith.mulf %parallel_loop3A_1195, %get3A_4 : vector<16xf32>
            %parallel_loop3A_1232 = arith.mulf %parallel_loop3A_1200, %get3A_7 : vector<16xf32>
            %parallel_loop3A_1233 = arith.addf %parallel_loop3A_1231, %parallel_loop3A_1232 : vector<16xf32>
            %parallel_loop3A_1234 = arith.mulf %parallel_loop3A_1205, %get3A_10 : vector<16xf32>
            %parallel_loop3A_1235 = arith.addf %parallel_loop3A_1233, %parallel_loop3A_1234 : vector<16xf32>
            %parallel_loop3A_1236 = arith.mulf %parallel_loop3A_1210, %get3A_13 : vector<16xf32>
            %parallel_loop3A_1237 = arith.addf %parallel_loop3A_1235, %parallel_loop3A_1236 : vector<16xf32>
            %parallel_loop3A_1238 = arith.mulf %parallel_loop3A_1215, %get3A_16 : vector<16xf32>
            %parallel_loop3A_1239 = arith.addf %parallel_loop3A_1237, %parallel_loop3A_1238 : vector<16xf32>
            %parallel_loop3A_1240 = arith.mulf %parallel_loop3A_1220, %get3A_19 : vector<16xf32>
            %parallel_loop3A_1241 = arith.addf %parallel_loop3A_1239, %parallel_loop3A_1240 : vector<16xf32>
            %parallel_loop3A_1242 = arith.mulf %parallel_loop3A_1225, %get3A_22 : vector<16xf32>
            %parallel_loop3A_1243 = arith.addf %parallel_loop3A_1241, %parallel_loop3A_1242 : vector<16xf32>
            %parallel_loop3A_1244 = arith.mulf %parallel_loop3A_1230, %get3A_25 : vector<16xf32>
            %parallel_loop3A_1245 = arith.addf %parallel_loop3A_1243, %parallel_loop3A_1244 : vector<16xf32>
            %parallel_loop3A_1246 = arith.constant 8 : i32
            %parallel_loop3A_1247 = vector.broadcast %parallel_loop3A_1246 : i32 to vector<16xi32>
            %parallel_loop3A_1248 = arith.xori %iota3A, %parallel_loop3A_1247 : vector<16xi32>
            %parallel_loop3A_1249 = vector.shape_cast %parallel_loop3A_1248 : vector<16xi32> to vector<16x1xi32>
            %parallel_loop3A_1250 = vector.shape_cast %parallel_loop3A_1249 : vector<16x1xi32> to vector<16xi32>
            %parallel_loop3A_1251 = tpu.dynamic_gather %parallel_loop3A_1245[%parallel_loop3A_1250] in [0] : vector<16xf32>, vector<16xi32> -> vector<16xf32>
            %parallel_loop3A_1252 = arith.addf %parallel_loop3A_1245, %parallel_loop3A_1251 : vector<16xf32>
            %parallel_loop3A_1253 = arith.constant 4 : i32
            %parallel_loop3A_1254 = vector.broadcast %parallel_loop3A_1253 : i32 to vector<16xi32>
            %parallel_loop3A_1255 = arith.xori %iota3A, %parallel_loop3A_1254 : vector<16xi32>
            %parallel_loop3A_1256 = vector.shape_cast %parallel_loop3A_1255 : vector<16xi32> to vector<16x1xi32>
            %parallel_loop3A_1257 = vector.shape_cast %parallel_loop3A_1256 : vector<16x1xi32> to vector<16xi32>
            %parallel_loop3A_1258 = tpu.dynamic_gather %parallel_loop3A_1252[%parallel_loop3A_1257] in [0] : vector<16xf32>, vector<16xi32> -> vector<16xf32>
            %parallel_loop3A_1259 = arith.addf %parallel_loop3A_1252, %parallel_loop3A_1258 : vector<16xf32>
            %parallel_loop3A_1260 = arith.constant 2 : i32
            %parallel_loop3A_1261 = vector.broadcast %parallel_loop3A_1260 : i32 to vector<16xi32>
            %parallel_loop3A_1262 = arith.xori %iota3A, %parallel_loop3A_1261 : vector<16xi32>
            %parallel_loop3A_1263 = vector.shape_cast %parallel_loop3A_1262 : vector<16xi32> to vector<16x1xi32>
            %parallel_loop3A_1264 = vector.shape_cast %parallel_loop3A_1263 : vector<16x1xi32> to vector<16xi32>
            %parallel_loop3A_1265 = tpu.dynamic_gather %parallel_loop3A_1259[%parallel_loop3A_1264] in [0] : vector<16xf32>, vector<16xi32> -> vector<16xf32>
            %parallel_loop3A_1266 = arith.addf %parallel_loop3A_1259, %parallel_loop3A_1265 : vector<16xf32>
            %parallel_loop3A_1267 = arith.constant 1 : i32
            %parallel_loop3A_1268 = vector.broadcast %parallel_loop3A_1267 : i32 to vector<16xi32>
            %parallel_loop3A_1269 = arith.xori %iota3A, %parallel_loop3A_1268 : vector<16xi32>
            %parallel_loop3A_1270 = vector.shape_cast %parallel_loop3A_1269 : vector<16xi32> to vector<16x1xi32>
            %parallel_loop3A_1271 = vector.shape_cast %parallel_loop3A_1270 : vector<16x1xi32> to vector<16xi32>
            %parallel_loop3A_1272 = tpu.dynamic_gather %parallel_loop3A_1266[%parallel_loop3A_1271] in [0] : vector<16xf32>, vector<16xi32> -> vector<16xf32>
            %parallel_loop3A_1273 = arith.addf %parallel_loop3A_1266, %parallel_loop3A_1272 : vector<16xf32>
            %parallel_loop3A_1274 = arith.addf %parallel_loop3A_1273, %get3A_28 : vector<16xf32>
            %parallel_loop3A_1275 = arith.addf %parallel_loop3A_1274, %parallel_loop3A_1274 : vector<16xf32>
            %parallel_loop3A_1276 = math.exp %parallel_loop3A_1275 : vector<16xf32>
            %parallel_loop3A_1277 = arith.constant 1.000000e+00 : f32
            %parallel_loop3A_1278 = vector.broadcast %parallel_loop3A_1277 : f32 to vector<16xf32>
            %parallel_loop3A_1279 = arith.subf %parallel_loop3A_1276, %parallel_loop3A_1278 : vector<16xf32>
            %parallel_loop3A_1280 = arith.constant 1.000000e+00 : f32
            %parallel_loop3A_1281 = vector.broadcast %parallel_loop3A_1280 : f32 to vector<16xf32>
            %parallel_loop3A_1282 = arith.addf %parallel_loop3A_1276, %parallel_loop3A_1281 : vector<16xf32>
            %parallel_loop3A_1283 = arith.divf %parallel_loop3A_1279, %parallel_loop3A_1282 : vector<16xf32>
            %parallel_loop3A_1284 = arith.mulf %parallel_loop3A_1195, %parallel_loop3A_1283 : vector<16xf32>
            %parallel_loop3A_1285 = arith.addf %parallel_loop3A_1172, %parallel_loop3A_1284 : vector<16xf32>
            %parallel_loop3A_1286 = arith.mulf %parallel_loop3A_1200, %parallel_loop3A_1283 : vector<16xf32>
            %parallel_loop3A_1287 = arith.addf %parallel_loop3A_1173, %parallel_loop3A_1286 : vector<16xf32>
            %parallel_loop3A_1288 = arith.mulf %parallel_loop3A_1205, %parallel_loop3A_1283 : vector<16xf32>
            %parallel_loop3A_1289 = arith.addf %parallel_loop3A_1174, %parallel_loop3A_1288 : vector<16xf32>
            %parallel_loop3A_1290 = arith.mulf %parallel_loop3A_1210, %parallel_loop3A_1283 : vector<16xf32>
            %parallel_loop3A_1291 = arith.addf %parallel_loop3A_1175, %parallel_loop3A_1290 : vector<16xf32>
            %parallel_loop3A_1292 = arith.mulf %parallel_loop3A_1215, %parallel_loop3A_1283 : vector<16xf32>
            %parallel_loop3A_1293 = arith.addf %parallel_loop3A_1176, %parallel_loop3A_1292 : vector<16xf32>
            %parallel_loop3A_1294 = arith.mulf %parallel_loop3A_1220, %parallel_loop3A_1283 : vector<16xf32>
            %parallel_loop3A_1295 = arith.addf %parallel_loop3A_1177, %parallel_loop3A_1294 : vector<16xf32>
            %parallel_loop3A_1296 = arith.mulf %parallel_loop3A_1225, %parallel_loop3A_1283 : vector<16xf32>
            %parallel_loop3A_1297 = arith.addf %parallel_loop3A_1178, %parallel_loop3A_1296 : vector<16xf32>
            %parallel_loop3A_1298 = arith.mulf %parallel_loop3A_1230, %parallel_loop3A_1283 : vector<16xf32>
            %parallel_loop3A_1299 = arith.addf %parallel_loop3A_1179, %parallel_loop3A_1298 : vector<16xf32>
            %parallel_loop3A_1300 = arith.maximumf %parallel_loop3A_1180, %parallel_loop3A_1195 : vector<16xf32>
            %parallel_loop3A_1301 = arith.maximumf %parallel_loop3A_1181, %parallel_loop3A_1200 : vector<16xf32>
            %parallel_loop3A_1302 = arith.maximumf %parallel_loop3A_1182, %parallel_loop3A_1205 : vector<16xf32>
            %parallel_loop3A_1303 = arith.maximumf %parallel_loop3A_1183, %parallel_loop3A_1210 : vector<16xf32>
            %parallel_loop3A_1304 = arith.maximumf %parallel_loop3A_1184, %parallel_loop3A_1215 : vector<16xf32>
            %parallel_loop3A_1305 = arith.maximumf %parallel_loop3A_1185, %parallel_loop3A_1220 : vector<16xf32>
            %parallel_loop3A_1306 = arith.maximumf %parallel_loop3A_1186, %parallel_loop3A_1225 : vector<16xf32>
            %parallel_loop3A_1307 = arith.maximumf %parallel_loop3A_1187, %parallel_loop3A_1230 : vector<16xf32>
            scf.yield %parallel_loop3A_1285, %parallel_loop3A_1287, %parallel_loop3A_1289, %parallel_loop3A_1291, %parallel_loop3A_1293, %parallel_loop3A_1295, %parallel_loop3A_1297, %parallel_loop3A_1299, %parallel_loop3A_1300, %parallel_loop3A_1301, %parallel_loop3A_1302, %parallel_loop3A_1303, %parallel_loop3A_1304, %parallel_loop3A_1305, %parallel_loop3A_1306, %parallel_loop3A_1307 : vector<16xf32>, vector<16xf32>, vector<16xf32>, vector<16xf32>, vector<16xf32>, vector<16xf32>, vector<16xf32>, vector<16xf32>, vector<16xf32>, vector<16xf32>, vector<16xf32>, vector<16xf32>, vector<16xf32>, vector<16xf32>, vector<16xf32>, vector<16xf32>
          } {sc.loop_unroll_factor = 4 : i64, sc.parallel_access}
          %swap3A_1091 = arith.index_cast %scan3A_997 : i32 to index
          %swap3A_1092 = arith.constant 0 : index
          %swap3A_1093 = tpu.vector_load %arg12[%swap3A_1091, %swap3A_1092] {strides = array<i32>} : memref<8x256xf32, #tpu.memory_space<vmem>>, vector<1x16xf32>,
          %swap3A_1094 = vector.shape_cast %swap3A_1093 : vector<1x16xf32> to vector<16xf32>
          %swap3A_1095 = vector.shape_cast %parallel_loop3A_1090#0 : vector<16xf32> to vector<1x16xf32>
          tpu.vector_store %arg12[%swap3A_1091, %swap3A_1092], %swap3A_1095 {strides = array<i32>} : memref<8x256xf32, #tpu.memory_space<vmem>>, vector<1x16xf32>,
          %swap3A_1096 = arith.index_cast %scan3A_997 : i32 to index
          %swap3A_1097 = arith.constant 128 : index
          %swap3A_1098 = tpu.vector_load %arg12[%swap3A_1096, %swap3A_1097] {strides = array<i32>} : memref<8x256xf32, #tpu.memory_space<vmem>>, vector<1x16xf32>,
          %swap3A_1099 = vector.shape_cast %swap3A_1098 : vector<1x16xf32> to vector<16xf32>
          %swap3A_1100 = vector.shape_cast %parallel_loop3A_1090#8 : vector<16xf32> to vector<1x16xf32>
          tpu.vector_store %arg12[%swap3A_1096, %swap3A_1097], %swap3A_1100 {strides = array<i32>} : memref<8x256xf32, #tpu.memory_space<vmem>>, vector<1x16xf32>,
          %swap3A_1101 = arith.index_cast %scan3A_997 : i32 to index
          %swap3A_1102 = arith.constant 16 : index
          %swap3A_1103 = tpu.vector_load %arg12[%swap3A_1101, %swap3A_1102] {strides = array<i32>} : memref<8x256xf32, #tpu.memory_space<vmem>>, vector<1x16xf32>,
          %swap3A_1104 = vector.shape_cast %swap3A_1103 : vector<1x16xf32> to vector<16xf32>
          %swap3A_1105 = vector.shape_cast %parallel_loop3A_1090#1 : vector<16xf32> to vector<1x16xf32>
          tpu.vector_store %arg12[%swap3A_1101, %swap3A_1102], %swap3A_1105 {strides = array<i32>} : memref<8x256xf32, #tpu.memory_space<vmem>>, vector<1x16xf32>,
          %swap3A_1106 = arith.index_cast %scan3A_997 : i32 to index
          %swap3A_1107 = arith.constant 144 : index
          %swap3A_1108 = tpu.vector_load %arg12[%swap3A_1106, %swap3A_1107] {strides = array<i32>} : memref<8x256xf32, #tpu.memory_space<vmem>>, vector<1x16xf32>,
          %swap3A_1109 = vector.shape_cast %swap3A_1108 : vector<1x16xf32> to vector<16xf32>
          %swap3A_1110 = vector.shape_cast %parallel_loop3A_1090#9 : vector<16xf32> to vector<1x16xf32>
          tpu.vector_store %arg12[%swap3A_1106, %swap3A_1107], %swap3A_1110 {strides = array<i32>} : memref<8x256xf32, #tpu.memory_space<vmem>>, vector<1x16xf32>,
          %swap3A_1111 = arith.index_cast %scan3A_997 : i32 to index
          %swap3A_1112 = arith.constant 32 : index
          %swap3A_1113 = tpu.vector_load %arg12[%swap3A_1111, %swap3A_1112] {strides = array<i32>} : memref<8x256xf32, #tpu.memory_space<vmem>>, vector<1x16xf32>,
          %swap3A_1114 = vector.shape_cast %swap3A_1113 : vector<1x16xf32> to vector<16xf32>
          %swap3A_1115 = vector.shape_cast %parallel_loop3A_1090#2 : vector<16xf32> to vector<1x16xf32>
          tpu.vector_store %arg12[%swap3A_1111, %swap3A_1112], %swap3A_1115 {strides = array<i32>} : memref<8x256xf32, #tpu.memory_space<vmem>>, vector<1x16xf32>,
          %swap3A_1116 = arith.index_cast %scan3A_997 : i32 to index
          %swap3A_1117 = arith.constant 160 : index
          %swap3A_1118 = tpu.vector_load %arg12[%swap3A_1116, %swap3A_1117] {strides = array<i32>} : memref<8x256xf32, #tpu.memory_space<vmem>>, vector<1x16xf32>,
          %swap3A_1119 = vector.shape_cast %swap3A_1118 : vector<1x16xf32> to vector<16xf32>
          %swap3A_1120 = vector.shape_cast %parallel_loop3A_1090#10 : vector<16xf32> to vector<1x16xf32>
          tpu.vector_store %arg12[%swap3A_1116, %swap3A_1117], %swap3A_1120 {strides = array<i32>} : memref<8x256xf32, #tpu.memory_space<vmem>>, vector<1x16xf32>,
          %swap3A_1121 = arith.index_cast %scan3A_997 : i32 to index
          %swap3A_1122 = arith.constant 48 : index
          %swap3A_1123 = tpu.vector_load %arg12[%swap3A_1121, %swap3A_1122] {strides = array<i32>} : memref<8x256xf32, #tpu.memory_space<vmem>>, vector<1x16xf32>,
          %swap3A_1124 = vector.shape_cast %swap3A_1123 : vector<1x16xf32> to vector<16xf32>
          %swap3A_1125 = vector.shape_cast %parallel_loop3A_1090#3 : vector<16xf32> to vector<1x16xf32>
          tpu.vector_store %arg12[%swap3A_1121, %swap3A_1122], %swap3A_1125 {strides = array<i32>} : memref<8x256xf32, #tpu.memory_space<vmem>>, vector<1x16xf32>,
          %swap3A_1126 = arith.index_cast %scan3A_997 : i32 to index
          %swap3A_1127 = arith.constant 176 : index
          %swap3A_1128 = tpu.vector_load %arg12[%swap3A_1126, %swap3A_1127] {strides = array<i32>} : memref<8x256xf32, #tpu.memory_space<vmem>>, vector<1x16xf32>,
          %swap3A_1129 = vector.shape_cast %swap3A_1128 : vector<1x16xf32> to vector<16xf32>
          %swap3A_1130 = vector.shape_cast %parallel_loop3A_1090#11 : vector<16xf32> to vector<1x16xf32>
          tpu.vector_store %arg12[%swap3A_1126, %swap3A_1127], %swap3A_1130 {strides = array<i32>} : memref<8x256xf32, #tpu.memory_space<vmem>>, vector<1x16xf32>,
          %swap3A_1131 = arith.index_cast %scan3A_997 : i32 to index
          %swap3A_1132 = arith.constant 64 : index
          %swap3A_1133 = tpu.vector_load %arg12[%swap3A_1131, %swap3A_1132] {strides = array<i32>} : memref<8x256xf32, #tpu.memory_space<vmem>>, vector<1x16xf32>,
          %swap3A_1134 = vector.shape_cast %swap3A_1133 : vector<1x16xf32> to vector<16xf32>
          %swap3A_1135 = vector.shape_cast %parallel_loop3A_1090#4 : vector<16xf32> to vector<1x16xf32>
          tpu.vector_store %arg12[%swap3A_1131, %swap3A_1132], %swap3A_1135 {strides = array<i32>} : memref<8x256xf32, #tpu.memory_space<vmem>>, vector<1x16xf32>,
          %swap3A_1136 = arith.index_cast %scan3A_997 : i32 to index
          %swap3A_1137 = arith.constant 192 : index
          %swap3A_1138 = tpu.vector_load %arg12[%swap3A_1136, %swap3A_1137] {strides = array<i32>} : memref<8x256xf32, #tpu.memory_space<vmem>>, vector<1x16xf32>,
          %swap3A_1139 = vector.shape_cast %swap3A_1138 : vector<1x16xf32> to vector<16xf32>
          %swap3A_1140 = vector.shape_cast %parallel_loop3A_1090#12 : vector<16xf32> to vector<1x16xf32>
          tpu.vector_store %arg12[%swap3A_1136, %swap3A_1137], %swap3A_1140 {strides = array<i32>} : memref<8x256xf32, #tpu.memory_space<vmem>>, vector<1x16xf32>,
          %swap3A_1141 = arith.index_cast %scan3A_997 : i32 to index
          %swap3A_1142 = arith.constant 80 : index
          %swap3A_1143 = tpu.vector_load %arg12[%swap3A_1141, %swap3A_1142] {strides = array<i32>} : memref<8x256xf32, #tpu.memory_space<vmem>>, vector<1x16xf32>,
          %swap3A_1144 = vector.shape_cast %swap3A_1143 : vector<1x16xf32> to vector<16xf32>
          %swap3A_1145 = vector.shape_cast %parallel_loop3A_1090#5 : vector<16xf32> to vector<1x16xf32>
          tpu.vector_store %arg12[%swap3A_1141, %swap3A_1142], %swap3A_1145 {strides = array<i32>} : memref<8x256xf32, #tpu.memory_space<vmem>>, vector<1x16xf32>,
          %swap3A_1146 = arith.index_cast %scan3A_997 : i32 to index
          %swap3A_1147 = arith.constant 208 : index
          %swap3A_1148 = tpu.vector_load %arg12[%swap3A_1146, %swap3A_1147] {strides = array<i32>} : memref<8x256xf32, #tpu.memory_space<vmem>>, vector<1x16xf32>,
          %swap3A_1149 = vector.shape_cast %swap3A_1148 : vector<1x16xf32> to vector<16xf32>
          %swap3A_1150 = vector.shape_cast %parallel_loop3A_1090#13 : vector<16xf32> to vector<1x16xf32>
          tpu.vector_store %arg12[%swap3A_1146, %swap3A_1147], %swap3A_1150 {strides = array<i32>} : memref<8x256xf32, #tpu.memory_space<vmem>>, vector<1x16xf32>,
          %swap3A_1151 = arith.index_cast %scan3A_997 : i32 to index
          %swap3A_1152 = arith.constant 96 : index
          %swap3A_1153 = tpu.vector_load %arg12[%swap3A_1151, %swap3A_1152] {strides = array<i32>} : memref<8x256xf32, #tpu.memory_space<vmem>>, vector<1x16xf32>,
          %swap3A_1154 = vector.shape_cast %swap3A_1153 : vector<1x16xf32> to vector<16xf32>
          %swap3A_1155 = vector.shape_cast %parallel_loop3A_1090#6 : vector<16xf32> to vector<1x16xf32>
          tpu.vector_store %arg12[%swap3A_1151, %swap3A_1152], %swap3A_1155 {strides = array<i32>} : memref<8x256xf32, #tpu.memory_space<vmem>>, vector<1x16xf32>,
          %swap3A_1156 = arith.index_cast %scan3A_997 : i32 to index
          %swap3A_1157 = arith.constant 224 : index
          %swap3A_1158 = tpu.vector_load %arg12[%swap3A_1156, %swap3A_1157] {strides = array<i32>} : memref<8x256xf32, #tpu.memory_space<vmem>>, vector<1x16xf32>,
          %swap3A_1159 = vector.shape_cast %swap3A_1158 : vector<1x16xf32> to vector<16xf32>
          %swap3A_1160 = vector.shape_cast %parallel_loop3A_1090#14 : vector<16xf32> to vector<1x16xf32>
          tpu.vector_store %arg12[%swap3A_1156, %swap3A_1157], %swap3A_1160 {strides = array<i32>} : memref<8x256xf32, #tpu.memory_space<vmem>>, vector<1x16xf32>,
          %swap3A_1161 = arith.index_cast %scan3A_997 : i32 to index
          %swap3A_1162 = arith.constant 112 : index
          %swap3A_1163 = tpu.vector_load %arg12[%swap3A_1161, %swap3A_1162] {strides = array<i32>} : memref<8x256xf32, #tpu.memory_space<vmem>>, vector<1x16xf32>,
          %swap3A_1164 = vector.shape_cast %swap3A_1163 : vector<1x16xf32> to vector<16xf32>
          %swap3A_1165 = vector.shape_cast %parallel_loop3A_1090#7 : vector<16xf32> to vector<1x16xf32>
          tpu.vector_store %arg12[%swap3A_1161, %swap3A_1162], %swap3A_1165 {strides = array<i32>} : memref<8x256xf32, #tpu.memory_space<vmem>>, vector<1x16xf32>,
          %swap3A_1166 = arith.index_cast %scan3A_997 : i32 to index
          %swap3A_1167 = arith.constant 240 : index
          %swap3A_1168 = tpu.vector_load %arg12[%swap3A_1166, %swap3A_1167] {strides = array<i32>} : memref<8x256xf32, #tpu.memory_space<vmem>>, vector<1x16xf32>,
          %swap3A_1169 = vector.shape_cast %swap3A_1168 : vector<1x16xf32> to vector<16xf32>
          %swap3A_1170 = vector.shape_cast %parallel_loop3A_1090#15 : vector<16xf32> to vector<1x16xf32>
          tpu.vector_store %arg12[%swap3A_1166, %swap3A_1167], %swap3A_1170 {strides = array<i32>} : memref<8x256xf32, #tpu.memory_space<vmem>>, vector<1x16xf32>,
        } else {
        }
      }
      %scan3A_970 = arith.constant 8 : i32
      %add3A_971 = arith.constant 3 : i32
      %add3A_972 = arith.addi %mul3A_894, %add3A_971 : i32
      %add3A_973 = arith.constant 3 : i32
      %add3A_974 = arith.addi %add3A_972, %add3A_973 : i32
      %lt3A_975 = arith.cmpi slt, %add3A_974, %select_n3A : i32
      %convert_element_type3A_976 = arith.extui %lt3A_975 : i1 to i32
      %cond3A_977 = arith.constant 0 : i32
      %cond3A_978 = arith.cmpi ne, %convert_element_type3A_976, %cond3A_977 : i32
      scf.if %cond3A_978 {
        %mul3A_997 = arith.constant 128 : i32
        %mul3A_998 = arith.muli %add3A_974, %mul3A_997 : i32
        %add3A_999 = arith.addi %squeeze3A, %mul3A_998 : i32
        %min3A_1000 = arith.constant 319872 : i32
        %min3A_1001 = arith.minsi %add3A_999, %min3A_1000 : i32
        %mul3A_1002 = arith.constant 128 : i32
        %mul3A_1003 = arith.muli %min3A_1001, %mul3A_1002 : i32
        %dma_start3A = arith.constant 32768 : i32
        %dma_start3A_1004 = tpu.memref_slice %arg7[%dma_start3A] : memref<65536xf32, #tpu.memory_space<vmem>> -> memref<16384xf32, #tpu.memory_space<vmem>>
        %dma_start3A_1005 = tpu.memref_slice %arg2[%mul3A_1003] : memref<40960000xf32, #tpu.memory_space<hbm>> -> memref<16384xf32, #tpu.memory_space<hbm>>
        %dma_start3A_1006 = arith.constant 32768 : i32
        %dma_start3A_1007 = tpu.memref_slice %arg7[%dma_start3A_1006] : memref<65536xf32, #tpu.memory_space<vmem>> -> memref<16384xf32, #tpu.memory_space<vmem>>
        %dma_start3A_1008 = tpu.memref_slice %arg2[%mul3A_1003] : memref<40960000xf32, #tpu.memory_space<hbm>> -> memref<16384xf32, #tpu.memory_space<hbm>>
        tpu.enqueue_dma source(%dma_start3A_1008 : memref<16384xf32, #tpu.memory_space<hbm>>) target(%dma_start3A_1007 : memref<16384xf32, #tpu.memory_space<vmem>>) target_semaphore(%arg16 : memref<!tpu.dma_semaphore, #tpu.memory_space<semaphore_mem>>)
      } else {
      }
      %add3A_979 = arith.constant 3 : i32
      %add3A_980 = arith.addi %mul3A_894, %add3A_979 : i32
      %mul3A_981 = arith.constant 128 : i32
      %mul3A_982 = arith.muli %add3A_980, %mul3A_981 : i32
      %add3A_983 = arith.addi %squeeze3A, %mul3A_982 : i32
      %min3A_984 = arith.constant 319872 : i32
      %min3A_985 = arith.minsi %add3A_983, %min3A_984 : i32
      %sub3A_986 = arith.subi %add3A_983, %min3A_985 : i32
      %lt3A_987 = arith.cmpi slt, %add3A_980, %select_n3A : i32
      %convert_element_type3A_988 = arith.extui %lt3A_987 : i1 to i32
      %cond3A_989 = arith.constant 0 : i32
      %cond3A_990 = arith.cmpi ne, %convert_element_type3A_988, %cond3A_989 : i32
      scf.if %cond3A_990 {
        %dma_wait3A = arith.constant 49152 : i32
        %dma_wait3A_997 = tpu.memref_slice %arg7[%dma_wait3A] : memref<65536xf32, #tpu.memory_space<vmem>> -> memref<16384xf32, #tpu.memory_space<vmem>>
        %dma_wait3A_998 = arith.constant 0 : i32
        %dma_wait3A_999 = tpu.memref_slice %arg2[%dma_wait3A_998] : memref<40960000xf32, #tpu.memory_space<hbm>> -> memref<16384xf32, #tpu.memory_space<hbm>>
        %dma_wait3A_1000 = arith.constant 49152 : i32
        %dma_wait3A_1001 = tpu.memref_slice %arg7[%dma_wait3A_1000] : memref<65536xf32, #tpu.memory_space<vmem>> -> memref<16384xf32, #tpu.memory_space<vmem>>
        %dma_wait3A_1002 = arith.constant 0 : i32
        %dma_wait3A_1003 = tpu.memref_slice %arg2[%dma_wait3A_1002] : memref<40960000xf32, #tpu.memory_space<hbm>> -> memref<16384xf32, #tpu.memory_space<hbm>>
        tpu.wait_dma2 semaphore(%arg17 : memref<!tpu.dma_semaphore, #tpu.memory_space<semaphore_mem>>) src(%dma_wait3A_1003 : memref<16384xf32, #tpu.memory_space<hbm>>) dst(%dma_wait3A_1001 : memref<16384xf32, #tpu.memory_space<vmem>>)
      } else {
      }
      %scan3A_991 = arith.constant 0 : i32
      %scan3A_992 = arith.constant 0 : i32
      %scan3A_993 = arith.constant 8 : i32
      %scan3A_994 = arith.addi %scan3A_992, %scan3A_993 : i32
      %scan3A_995 = arith.constant 1 : i32
      scf.for %scan3A_997 = %scan3A_992 to %scan3A_994 step %scan3A_995  : i32 {
        %get3A_998 = arith.index_cast %scan3A_997 : i32 to index
        %get3A_999 = tpu.vector_load %arg10[%get3A_998] {strides = array<i32>} : memref<32xi32, #tpu.memory_space<vmem>>, vector<16xi32>,
        %get3A_1000 = vector.shape_cast %get3A_999 : vector<16xi32> to vector<16xi32>
        %slice3A_1001 = vector.extract_strided_slice %get3A_1000 {offsets = [0], sizes = [1], strides = [1]} : vector<16xi32> to vector<1xi32>
        %squeeze3A_1002 = vector.extract %slice3A_1001[0] : i32 from vector<1xi32>
        %add3A_1003 = arith.constant 1 : i32
        %add3A_1004 = arith.addi %scan3A_997, %add3A_1003 : i32
        %get3A_1005 = arith.index_cast %add3A_1004 : i32 to index
        %get3A_1006 = tpu.vector_load %arg10[%get3A_1005] {strides = array<i32>} : memref<32xi32, #tpu.memory_space<vmem>>, vector<16xi32>,
        %get3A_1007 = vector.shape_cast %get3A_1006 : vector<16xi32> to vector<16xi32>
        %slice3A_1008 = vector.extract_strided_slice %get3A_1007 {offsets = [0], sizes = [1], strides = [1]} : vector<16xi32> to vector<1xi32>
        %squeeze3A_1009 = vector.extract %slice3A_1008[0] : i32 from vector<1xi32>
        %max3A = arith.maxsi %squeeze3A_1002, %add3A_983 : i32
        %add3A_1010 = arith.constant 128 : i32
        %add3A_1011 = arith.addi %add3A_983, %add3A_1010 : i32
        %min3A_1012 = arith.minsi %squeeze3A_1009, %add3A_1011 : i32
        %sub3A_1013 = arith.subi %min3A_1012, %max3A : i32
        %sub3A_1014 = arith.subi %max3A, %add3A_983 : i32
        %add3A_1015 = arith.addi %sub3A_986, %sub3A_1014 : i32
        %mul3A_1016 = arith.constant 128 : i32
        %mul3A_1017 = arith.muli %add3A_1015, %mul3A_1016 : i32
        %add3A_1018 = arith.constant 49152 : i32
        %add3A_1019 = arith.addi %add3A_1018, %mul3A_1017 : i32
        %gt3A_1020 = arith.constant 0 : i32
        %gt3A_1021 = arith.cmpi sgt, %sub3A_1013, %gt3A_1020 : i32
        %convert_element_type3A_1022 = arith.extui %gt3A_1021 : i1 to i32
        %cond3A_1023 = arith.constant 0 : i32
        %cond3A_1024 = arith.cmpi ne, %convert_element_type3A_1022, %cond3A_1023 : i32
        scf.if %cond3A_1024 {
          %get3A_1025 = arith.index_cast %scan3A_997 : i32 to index
          %get3A_1026 = arith.constant 0 : index
          %get3A_1027 = tpu.vector_load %arg12[%get3A_1025, %get3A_1026] {strides = array<i32>} : memref<8x256xf32, #tpu.memory_space<vmem>>, vector<1x16xf32>,
          %get3A_1028 = vector.shape_cast %get3A_1027 : vector<1x16xf32> to vector<16xf32>
          %get3A_1029 = arith.index_cast %scan3A_997 : i32 to index
          %get3A_1030 = arith.constant 16 : index
          %get3A_1031 = tpu.vector_load %arg12[%get3A_1029, %get3A_1030] {strides = array<i32>} : memref<8x256xf32, #tpu.memory_space<vmem>>, vector<1x16xf32>,
          %get3A_1032 = vector.shape_cast %get3A_1031 : vector<1x16xf32> to vector<16xf32>
          %get3A_1033 = arith.index_cast %scan3A_997 : i32 to index
          %get3A_1034 = arith.constant 32 : index
          %get3A_1035 = tpu.vector_load %arg12[%get3A_1033, %get3A_1034] {strides = array<i32>} : memref<8x256xf32, #tpu.memory_space<vmem>>, vector<1x16xf32>,
          %get3A_1036 = vector.shape_cast %get3A_1035 : vector<1x16xf32> to vector<16xf32>
          %get3A_1037 = arith.index_cast %scan3A_997 : i32 to index
          %get3A_1038 = arith.constant 48 : index
          %get3A_1039 = tpu.vector_load %arg12[%get3A_1037, %get3A_1038] {strides = array<i32>} : memref<8x256xf32, #tpu.memory_space<vmem>>, vector<1x16xf32>,
          %get3A_1040 = vector.shape_cast %get3A_1039 : vector<1x16xf32> to vector<16xf32>
          %get3A_1041 = arith.index_cast %scan3A_997 : i32 to index
          %get3A_1042 = arith.constant 64 : index
          %get3A_1043 = tpu.vector_load %arg12[%get3A_1041, %get3A_1042] {strides = array<i32>} : memref<8x256xf32, #tpu.memory_space<vmem>>, vector<1x16xf32>,
          %get3A_1044 = vector.shape_cast %get3A_1043 : vector<1x16xf32> to vector<16xf32>
          %get3A_1045 = arith.index_cast %scan3A_997 : i32 to index
          %get3A_1046 = arith.constant 80 : index
          %get3A_1047 = tpu.vector_load %arg12[%get3A_1045, %get3A_1046] {strides = array<i32>} : memref<8x256xf32, #tpu.memory_space<vmem>>, vector<1x16xf32>,
          %get3A_1048 = vector.shape_cast %get3A_1047 : vector<1x16xf32> to vector<16xf32>
          %get3A_1049 = arith.index_cast %scan3A_997 : i32 to index
          %get3A_1050 = arith.constant 96 : index
          %get3A_1051 = tpu.vector_load %arg12[%get3A_1049, %get3A_1050] {strides = array<i32>} : memref<8x256xf32, #tpu.memory_space<vmem>>, vector<1x16xf32>,
          %get3A_1052 = vector.shape_cast %get3A_1051 : vector<1x16xf32> to vector<16xf32>
          %get3A_1053 = arith.index_cast %scan3A_997 : i32 to index
          %get3A_1054 = arith.constant 112 : index
          %get3A_1055 = tpu.vector_load %arg12[%get3A_1053, %get3A_1054] {strides = array<i32>} : memref<8x256xf32, #tpu.memory_space<vmem>>, vector<1x16xf32>,
          %get3A_1056 = vector.shape_cast %get3A_1055 : vector<1x16xf32> to vector<16xf32>
          %get3A_1057 = arith.index_cast %scan3A_997 : i32 to index
          %get3A_1058 = arith.constant 128 : index
          %get3A_1059 = tpu.vector_load %arg12[%get3A_1057, %get3A_1058] {strides = array<i32>} : memref<8x256xf32, #tpu.memory_space<vmem>>, vector<1x16xf32>,
          %get3A_1060 = vector.shape_cast %get3A_1059 : vector<1x16xf32> to vector<16xf32>
          %get3A_1061 = arith.index_cast %scan3A_997 : i32 to index
          %get3A_1062 = arith.constant 144 : index
          %get3A_1063 = tpu.vector_load %arg12[%get3A_1061, %get3A_1062] {strides = array<i32>} : memref<8x256xf32, #tpu.memory_space<vmem>>, vector<1x16xf32>,
          %get3A_1064 = vector.shape_cast %get3A_1063 : vector<1x16xf32> to vector<16xf32>
          %get3A_1065 = arith.index_cast %scan3A_997 : i32 to index
          %get3A_1066 = arith.constant 160 : index
          %get3A_1067 = tpu.vector_load %arg12[%get3A_1065, %get3A_1066] {strides = array<i32>} : memref<8x256xf32, #tpu.memory_space<vmem>>, vector<1x16xf32>,
          %get3A_1068 = vector.shape_cast %get3A_1067 : vector<1x16xf32> to vector<16xf32>
          %get3A_1069 = arith.index_cast %scan3A_997 : i32 to index
          %get3A_1070 = arith.constant 176 : index
          %get3A_1071 = tpu.vector_load %arg12[%get3A_1069, %get3A_1070] {strides = array<i32>} : memref<8x256xf32, #tpu.memory_space<vmem>>, vector<1x16xf32>,
          %get3A_1072 = vector.shape_cast %get3A_1071 : vector<1x16xf32> to vector<16xf32>
          %get3A_1073 = arith.index_cast %scan3A_997 : i32 to index
          %get3A_1074 = arith.constant 192 : index
          %get3A_1075 = tpu.vector_load %arg12[%get3A_1073, %get3A_1074] {strides = array<i32>} : memref<8x256xf32, #tpu.memory_space<vmem>>, vector<1x16xf32>,
          %get3A_1076 = vector.shape_cast %get3A_1075 : vector<1x16xf32> to vector<16xf32>
          %get3A_1077 = arith.index_cast %scan3A_997 : i32 to index
          %get3A_1078 = arith.constant 208 : index
          %get3A_1079 = tpu.vector_load %arg12[%get3A_1077, %get3A_1078] {strides = array<i32>} : memref<8x256xf32, #tpu.memory_space<vmem>>, vector<1x16xf32>,
          %get3A_1080 = vector.shape_cast %get3A_1079 : vector<1x16xf32> to vector<16xf32>
          %get3A_1081 = arith.index_cast %scan3A_997 : i32 to index
          %get3A_1082 = arith.constant 224 : index
          %get3A_1083 = tpu.vector_load %arg12[%get3A_1081, %get3A_1082] {strides = array<i32>} : memref<8x256xf32, #tpu.memory_space<vmem>>, vector<1x16xf32>,
          %get3A_1084 = vector.shape_cast %get3A_1083 : vector<1x16xf32> to vector<16xf32>
          %get3A_1085 = arith.index_cast %scan3A_997 : i32 to index
          %get3A_1086 = arith.constant 240 : index
          %get3A_1087 = tpu.vector_load %arg12[%get3A_1085, %get3A_1086] {strides = array<i32>} : memref<8x256xf32, #tpu.memory_space<vmem>>, vector<1x16xf32>,
          %get3A_1088 = vector.shape_cast %get3A_1087 : vector<1x16xf32> to vector<16xf32>
          %parallel_loop3A = arith.constant 0 : i32
          %parallel_loop3A_1089 = arith.constant 1 : i32
          %parallel_loop3A_1090:16 = scf.for %parallel_loop3A_1171 = %parallel_loop3A to %sub3A_1013 step %parallel_loop3A_1089 iter_args(%parallel_loop3A_1172 = %get3A_1028, %parallel_loop3A_1173 = %get3A_1032, %parallel_loop3A_1174 = %get3A_1036, %parallel_loop3A_1175 = %get3A_1040, %parallel_loop3A_1176 = %get3A_1044, %parallel_loop3A_1177 = %get3A_1048, %parallel_loop3A_1178 = %get3A_1052, %parallel_loop3A_1179 = %get3A_1056, %parallel_loop3A_1180 = %get3A_1060, %parallel_loop3A_1181 = %get3A_1064, %parallel_loop3A_1182 = %get3A_1068, %parallel_loop3A_1183 = %get3A_1072, %parallel_loop3A_1184 = %get3A_1076, %parallel_loop3A_1185 = %get3A_1080, %parallel_loop3A_1186 = %get3A_1084, %parallel_loop3A_1187 = %get3A_1088) -> (vector<16xf32>, vector<16xf32>, vector<16xf32>, vector<16xf32>, vector<16xf32>, vector<16xf32>, vector<16xf32>, vector<16xf32>, vector<16xf32>, vector<16xf32>, vector<16xf32>, vector<16xf32>, vector<16xf32>, vector<16xf32>, vector<16xf32>, vector<16xf32>)  : i32 {
            %parallel_loop3A_1188 = arith.constant 128 : i32
            %parallel_loop3A_1189 = arith.muli %parallel_loop3A_1171, %parallel_loop3A_1188 : i32
            %parallel_loop3A_1190 = arith.addi %add3A_1019, %parallel_loop3A_1189 : i32
            %parallel_loop3A_1191 = arith.constant 0 : i32
            %parallel_loop3A_1192 = arith.addi %parallel_loop3A_1190, %parallel_loop3A_1191 : i32
            %parallel_loop3A_1193 = arith.index_cast %parallel_loop3A_1192 : i32 to index
            %parallel_loop3A_1194 = tpu.vector_load %arg7[%parallel_loop3A_1193] {strides = array<i32>} : memref<65536xf32, #tpu.memory_space<vmem>>, vector<16xf32>,
            %parallel_loop3A_1195 = vector.shape_cast %parallel_loop3A_1194 : vector<16xf32> to vector<16xf32>
            %parallel_loop3A_1196 = arith.constant 16 : i32
            %parallel_loop3A_1197 = arith.addi %parallel_loop3A_1190, %parallel_loop3A_1196 : i32
            %parallel_loop3A_1198 = arith.index_cast %parallel_loop3A_1197 : i32 to index
            %parallel_loop3A_1199 = tpu.vector_load %arg7[%parallel_loop3A_1198] {strides = array<i32>} : memref<65536xf32, #tpu.memory_space<vmem>>, vector<16xf32>,
            %parallel_loop3A_1200 = vector.shape_cast %parallel_loop3A_1199 : vector<16xf32> to vector<16xf32>
            %parallel_loop3A_1201 = arith.constant 32 : i32
            %parallel_loop3A_1202 = arith.addi %parallel_loop3A_1190, %parallel_loop3A_1201 : i32
            %parallel_loop3A_1203 = arith.index_cast %parallel_loop3A_1202 : i32 to index
            %parallel_loop3A_1204 = tpu.vector_load %arg7[%parallel_loop3A_1203] {strides = array<i32>} : memref<65536xf32, #tpu.memory_space<vmem>>, vector<16xf32>,
            %parallel_loop3A_1205 = vector.shape_cast %parallel_loop3A_1204 : vector<16xf32> to vector<16xf32>
            %parallel_loop3A_1206 = arith.constant 48 : i32
            %parallel_loop3A_1207 = arith.addi %parallel_loop3A_1190, %parallel_loop3A_1206 : i32
            %parallel_loop3A_1208 = arith.index_cast %parallel_loop3A_1207 : i32 to index
            %parallel_loop3A_1209 = tpu.vector_load %arg7[%parallel_loop3A_1208] {strides = array<i32>} : memref<65536xf32, #tpu.memory_space<vmem>>, vector<16xf32>,
            %parallel_loop3A_1210 = vector.shape_cast %parallel_loop3A_1209 : vector<16xf32> to vector<16xf32>
            %parallel_loop3A_1211 = arith.constant 64 : i32
            %parallel_loop3A_1212 = arith.addi %parallel_loop3A_1190, %parallel_loop3A_1211 : i32
            %parallel_loop3A_1213 = arith.index_cast %parallel_loop3A_1212 : i32 to index
            %parallel_loop3A_1214 = tpu.vector_load %arg7[%parallel_loop3A_1213] {strides = array<i32>} : memref<65536xf32, #tpu.memory_space<vmem>>, vector<16xf32>,
            %parallel_loop3A_1215 = vector.shape_cast %parallel_loop3A_1214 : vector<16xf32> to vector<16xf32>
            %parallel_loop3A_1216 = arith.constant 80 : i32
            %parallel_loop3A_1217 = arith.addi %parallel_loop3A_1190, %parallel_loop3A_1216 : i32
            %parallel_loop3A_1218 = arith.index_cast %parallel_loop3A_1217 : i32 to index
            %parallel_loop3A_1219 = tpu.vector_load %arg7[%parallel_loop3A_1218] {strides = array<i32>} : memref<65536xf32, #tpu.memory_space<vmem>>, vector<16xf32>,
            %parallel_loop3A_1220 = vector.shape_cast %parallel_loop3A_1219 : vector<16xf32> to vector<16xf32>
            %parallel_loop3A_1221 = arith.constant 96 : i32
            %parallel_loop3A_1222 = arith.addi %parallel_loop3A_1190, %parallel_loop3A_1221 : i32
            %parallel_loop3A_1223 = arith.index_cast %parallel_loop3A_1222 : i32 to index
            %parallel_loop3A_1224 = tpu.vector_load %arg7[%parallel_loop3A_1223] {strides = array<i32>} : memref<65536xf32, #tpu.memory_space<vmem>>, vector<16xf32>,
            %parallel_loop3A_1225 = vector.shape_cast %parallel_loop3A_1224 : vector<16xf32> to vector<16xf32>
            %parallel_loop3A_1226 = arith.constant 112 : i32
            %parallel_loop3A_1227 = arith.addi %parallel_loop3A_1190, %parallel_loop3A_1226 : i32
            %parallel_loop3A_1228 = arith.index_cast %parallel_loop3A_1227 : i32 to index
            %parallel_loop3A_1229 = tpu.vector_load %arg7[%parallel_loop3A_1228] {strides = array<i32>} : memref<65536xf32, #tpu.memory_space<vmem>>, vector<16xf32>,
            %parallel_loop3A_1230 = vector.shape_cast %parallel_loop3A_1229 : vector<16xf32> to vector<16xf32>
            %parallel_loop3A_1231 = arith.mulf %parallel_loop3A_1195, %get3A_4 : vector<16xf32>
            %parallel_loop3A_1232 = arith.mulf %parallel_loop3A_1200, %get3A_7 : vector<16xf32>
            %parallel_loop3A_1233 = arith.addf %parallel_loop3A_1231, %parallel_loop3A_1232 : vector<16xf32>
            %parallel_loop3A_1234 = arith.mulf %parallel_loop3A_1205, %get3A_10 : vector<16xf32>
            %parallel_loop3A_1235 = arith.addf %parallel_loop3A_1233, %parallel_loop3A_1234 : vector<16xf32>
            %parallel_loop3A_1236 = arith.mulf %parallel_loop3A_1210, %get3A_13 : vector<16xf32>
            %parallel_loop3A_1237 = arith.addf %parallel_loop3A_1235, %parallel_loop3A_1236 : vector<16xf32>
            %parallel_loop3A_1238 = arith.mulf %parallel_loop3A_1215, %get3A_16 : vector<16xf32>
            %parallel_loop3A_1239 = arith.addf %parallel_loop3A_1237, %parallel_loop3A_1238 : vector<16xf32>
            %parallel_loop3A_1240 = arith.mulf %parallel_loop3A_1220, %get3A_19 : vector<16xf32>
            %parallel_loop3A_1241 = arith.addf %parallel_loop3A_1239, %parallel_loop3A_1240 : vector<16xf32>
            %parallel_loop3A_1242 = arith.mulf %parallel_loop3A_1225, %get3A_22 : vector<16xf32>
            %parallel_loop3A_1243 = arith.addf %parallel_loop3A_1241, %parallel_loop3A_1242 : vector<16xf32>
            %parallel_loop3A_1244 = arith.mulf %parallel_loop3A_1230, %get3A_25 : vector<16xf32>
            %parallel_loop3A_1245 = arith.addf %parallel_loop3A_1243, %parallel_loop3A_1244 : vector<16xf32>
            %parallel_loop3A_1246 = arith.constant 8 : i32
            %parallel_loop3A_1247 = vector.broadcast %parallel_loop3A_1246 : i32 to vector<16xi32>
            %parallel_loop3A_1248 = arith.xori %iota3A, %parallel_loop3A_1247 : vector<16xi32>
            %parallel_loop3A_1249 = vector.shape_cast %parallel_loop3A_1248 : vector<16xi32> to vector<16x1xi32>
            %parallel_loop3A_1250 = vector.shape_cast %parallel_loop3A_1249 : vector<16x1xi32> to vector<16xi32>
            %parallel_loop3A_1251 = tpu.dynamic_gather %parallel_loop3A_1245[%parallel_loop3A_1250] in [0] : vector<16xf32>, vector<16xi32> -> vector<16xf32>
            %parallel_loop3A_1252 = arith.addf %parallel_loop3A_1245, %parallel_loop3A_1251 : vector<16xf32>
            %parallel_loop3A_1253 = arith.constant 4 : i32
            %parallel_loop3A_1254 = vector.broadcast %parallel_loop3A_1253 : i32 to vector<16xi32>
            %parallel_loop3A_1255 = arith.xori %iota3A, %parallel_loop3A_1254 : vector<16xi32>
            %parallel_loop3A_1256 = vector.shape_cast %parallel_loop3A_1255 : vector<16xi32> to vector<16x1xi32>
            %parallel_loop3A_1257 = vector.shape_cast %parallel_loop3A_1256 : vector<16x1xi32> to vector<16xi32>
            %parallel_loop3A_1258 = tpu.dynamic_gather %parallel_loop3A_1252[%parallel_loop3A_1257] in [0] : vector<16xf32>, vector<16xi32> -> vector<16xf32>
            %parallel_loop3A_1259 = arith.addf %parallel_loop3A_1252, %parallel_loop3A_1258 : vector<16xf32>
            %parallel_loop3A_1260 = arith.constant 2 : i32
            %parallel_loop3A_1261 = vector.broadcast %parallel_loop3A_1260 : i32 to vector<16xi32>
            %parallel_loop3A_1262 = arith.xori %iota3A, %parallel_loop3A_1261 : vector<16xi32>
            %parallel_loop3A_1263 = vector.shape_cast %parallel_loop3A_1262 : vector<16xi32> to vector<16x1xi32>
            %parallel_loop3A_1264 = vector.shape_cast %parallel_loop3A_1263 : vector<16x1xi32> to vector<16xi32>
            %parallel_loop3A_1265 = tpu.dynamic_gather %parallel_loop3A_1259[%parallel_loop3A_1264] in [0] : vector<16xf32>, vector<16xi32> -> vector<16xf32>
            %parallel_loop3A_1266 = arith.addf %parallel_loop3A_1259, %parallel_loop3A_1265 : vector<16xf32>
            %parallel_loop3A_1267 = arith.constant 1 : i32
            %parallel_loop3A_1268 = vector.broadcast %parallel_loop3A_1267 : i32 to vector<16xi32>
            %parallel_loop3A_1269 = arith.xori %iota3A, %parallel_loop3A_1268 : vector<16xi32>
            %parallel_loop3A_1270 = vector.shape_cast %parallel_loop3A_1269 : vector<16xi32> to vector<16x1xi32>
            %parallel_loop3A_1271 = vector.shape_cast %parallel_loop3A_1270 : vector<16x1xi32> to vector<16xi32>
            %parallel_loop3A_1272 = tpu.dynamic_gather %parallel_loop3A_1266[%parallel_loop3A_1271] in [0] : vector<16xf32>, vector<16xi32> -> vector<16xf32>
            %parallel_loop3A_1273 = arith.addf %parallel_loop3A_1266, %parallel_loop3A_1272 : vector<16xf32>
            %parallel_loop3A_1274 = arith.addf %parallel_loop3A_1273, %get3A_28 : vector<16xf32>
            %parallel_loop3A_1275 = arith.addf %parallel_loop3A_1274, %parallel_loop3A_1274 : vector<16xf32>
            %parallel_loop3A_1276 = math.exp %parallel_loop3A_1275 : vector<16xf32>
            %parallel_loop3A_1277 = arith.constant 1.000000e+00 : f32
            %parallel_loop3A_1278 = vector.broadcast %parallel_loop3A_1277 : f32 to vector<16xf32>
            %parallel_loop3A_1279 = arith.subf %parallel_loop3A_1276, %parallel_loop3A_1278 : vector<16xf32>
            %parallel_loop3A_1280 = arith.constant 1.000000e+00 : f32
            %parallel_loop3A_1281 = vector.broadcast %parallel_loop3A_1280 : f32 to vector<16xf32>
            %parallel_loop3A_1282 = arith.addf %parallel_loop3A_1276, %parallel_loop3A_1281 : vector<16xf32>
            %parallel_loop3A_1283 = arith.divf %parallel_loop3A_1279, %parallel_loop3A_1282 : vector<16xf32>
            %parallel_loop3A_1284 = arith.mulf %parallel_loop3A_1195, %parallel_loop3A_1283 : vector<16xf32>
            %parallel_loop3A_1285 = arith.addf %parallel_loop3A_1172, %parallel_loop3A_1284 : vector<16xf32>
            %parallel_loop3A_1286 = arith.mulf %parallel_loop3A_1200, %parallel_loop3A_1283 : vector<16xf32>
            %parallel_loop3A_1287 = arith.addf %parallel_loop3A_1173, %parallel_loop3A_1286 : vector<16xf32>
            %parallel_loop3A_1288 = arith.mulf %parallel_loop3A_1205, %parallel_loop3A_1283 : vector<16xf32>
            %parallel_loop3A_1289 = arith.addf %parallel_loop3A_1174, %parallel_loop3A_1288 : vector<16xf32>
            %parallel_loop3A_1290 = arith.mulf %parallel_loop3A_1210, %parallel_loop3A_1283 : vector<16xf32>
            %parallel_loop3A_1291 = arith.addf %parallel_loop3A_1175, %parallel_loop3A_1290 : vector<16xf32>
            %parallel_loop3A_1292 = arith.mulf %parallel_loop3A_1215, %parallel_loop3A_1283 : vector<16xf32>
            %parallel_loop3A_1293 = arith.addf %parallel_loop3A_1176, %parallel_loop3A_1292 : vector<16xf32>
            %parallel_loop3A_1294 = arith.mulf %parallel_loop3A_1220, %parallel_loop3A_1283 : vector<16xf32>
            %parallel_loop3A_1295 = arith.addf %parallel_loop3A_1177, %parallel_loop3A_1294 : vector<16xf32>
            %parallel_loop3A_1296 = arith.mulf %parallel_loop3A_1225, %parallel_loop3A_1283 : vector<16xf32>
            %parallel_loop3A_1297 = arith.addf %parallel_loop3A_1178, %parallel_loop3A_1296 : vector<16xf32>
            %parallel_loop3A_1298 = arith.mulf %parallel_loop3A_1230, %parallel_loop3A_1283 : vector<16xf32>
            %parallel_loop3A_1299 = arith.addf %parallel_loop3A_1179, %parallel_loop3A_1298 : vector<16xf32>
            %parallel_loop3A_1300 = arith.maximumf %parallel_loop3A_1180, %parallel_loop3A_1195 : vector<16xf32>
            %parallel_loop3A_1301 = arith.maximumf %parallel_loop3A_1181, %parallel_loop3A_1200 : vector<16xf32>
            %parallel_loop3A_1302 = arith.maximumf %parallel_loop3A_1182, %parallel_loop3A_1205 : vector<16xf32>
            %parallel_loop3A_1303 = arith.maximumf %parallel_loop3A_1183, %parallel_loop3A_1210 : vector<16xf32>
            %parallel_loop3A_1304 = arith.maximumf %parallel_loop3A_1184, %parallel_loop3A_1215 : vector<16xf32>
            %parallel_loop3A_1305 = arith.maximumf %parallel_loop3A_1185, %parallel_loop3A_1220 : vector<16xf32>
            %parallel_loop3A_1306 = arith.maximumf %parallel_loop3A_1186, %parallel_loop3A_1225 : vector<16xf32>
            %parallel_loop3A_1307 = arith.maximumf %parallel_loop3A_1187, %parallel_loop3A_1230 : vector<16xf32>
            scf.yield %parallel_loop3A_1285, %parallel_loop3A_1287, %parallel_loop3A_1289, %parallel_loop3A_1291, %parallel_loop3A_1293, %parallel_loop3A_1295, %parallel_loop3A_1297, %parallel_loop3A_1299, %parallel_loop3A_1300, %parallel_loop3A_1301, %parallel_loop3A_1302, %parallel_loop3A_1303, %parallel_loop3A_1304, %parallel_loop3A_1305, %parallel_loop3A_1306, %parallel_loop3A_1307 : vector<16xf32>, vector<16xf32>, vector<16xf32>, vector<16xf32>, vector<16xf32>, vector<16xf32>, vector<16xf32>, vector<16xf32>, vector<16xf32>, vector<16xf32>, vector<16xf32>, vector<16xf32>, vector<16xf32>, vector<16xf32>, vector<16xf32>, vector<16xf32>
          } {sc.loop_unroll_factor = 4 : i64, sc.parallel_access}
          %swap3A_1091 = arith.index_cast %scan3A_997 : i32 to index
          %swap3A_1092 = arith.constant 0 : index
          %swap3A_1093 = tpu.vector_load %arg12[%swap3A_1091, %swap3A_1092] {strides = array<i32>} : memref<8x256xf32, #tpu.memory_space<vmem>>, vector<1x16xf32>,
          %swap3A_1094 = vector.shape_cast %swap3A_1093 : vector<1x16xf32> to vector<16xf32>
          %swap3A_1095 = vector.shape_cast %parallel_loop3A_1090#0 : vector<16xf32> to vector<1x16xf32>
          tpu.vector_store %arg12[%swap3A_1091, %swap3A_1092], %swap3A_1095 {strides = array<i32>} : memref<8x256xf32, #tpu.memory_space<vmem>>, vector<1x16xf32>,
          %swap3A_1096 = arith.index_cast %scan3A_997 : i32 to index
          %swap3A_1097 = arith.constant 128 : index
          %swap3A_1098 = tpu.vector_load %arg12[%swap3A_1096, %swap3A_1097] {strides = array<i32>} : memref<8x256xf32, #tpu.memory_space<vmem>>, vector<1x16xf32>,
          %swap3A_1099 = vector.shape_cast %swap3A_1098 : vector<1x16xf32> to vector<16xf32>
          %swap3A_1100 = vector.shape_cast %parallel_loop3A_1090#8 : vector<16xf32> to vector<1x16xf32>
          tpu.vector_store %arg12[%swap3A_1096, %swap3A_1097], %swap3A_1100 {strides = array<i32>} : memref<8x256xf32, #tpu.memory_space<vmem>>, vector<1x16xf32>,
          %swap3A_1101 = arith.index_cast %scan3A_997 : i32 to index
          %swap3A_1102 = arith.constant 16 : index
          %swap3A_1103 = tpu.vector_load %arg12[%swap3A_1101, %swap3A_1102] {strides = array<i32>} : memref<8x256xf32, #tpu.memory_space<vmem>>, vector<1x16xf32>,
          %swap3A_1104 = vector.shape_cast %swap3A_1103 : vector<1x16xf32> to vector<16xf32>
          %swap3A_1105 = vector.shape_cast %parallel_loop3A_1090#1 : vector<16xf32> to vector<1x16xf32>
          tpu.vector_store %arg12[%swap3A_1101, %swap3A_1102], %swap3A_1105 {strides = array<i32>} : memref<8x256xf32, #tpu.memory_space<vmem>>, vector<1x16xf32>,
          %swap3A_1106 = arith.index_cast %scan3A_997 : i32 to index
          %swap3A_1107 = arith.constant 144 : index
          %swap3A_1108 = tpu.vector_load %arg12[%swap3A_1106, %swap3A_1107] {strides = array<i32>} : memref<8x256xf32, #tpu.memory_space<vmem>>, vector<1x16xf32>,
          %swap3A_1109 = vector.shape_cast %swap3A_1108 : vector<1x16xf32> to vector<16xf32>
          %swap3A_1110 = vector.shape_cast %parallel_loop3A_1090#9 : vector<16xf32> to vector<1x16xf32>
          tpu.vector_store %arg12[%swap3A_1106, %swap3A_1107], %swap3A_1110 {strides = array<i32>} : memref<8x256xf32, #tpu.memory_space<vmem>>, vector<1x16xf32>,
          %swap3A_1111 = arith.index_cast %scan3A_997 : i32 to index
          %swap3A_1112 = arith.constant 32 : index
          %swap3A_1113 = tpu.vector_load %arg12[%swap3A_1111, %swap3A_1112] {strides = array<i32>} : memref<8x256xf32, #tpu.memory_space<vmem>>, vector<1x16xf32>,
          %swap3A_1114 = vector.shape_cast %swap3A_1113 : vector<1x16xf32> to vector<16xf32>
          %swap3A_1115 = vector.shape_cast %parallel_loop3A_1090#2 : vector<16xf32> to vector<1x16xf32>
          tpu.vector_store %arg12[%swap3A_1111, %swap3A_1112], %swap3A_1115 {strides = array<i32>} : memref<8x256xf32, #tpu.memory_space<vmem>>, vector<1x16xf32>,
          %swap3A_1116 = arith.index_cast %scan3A_997 : i32 to index
          %swap3A_1117 = arith.constant 160 : index
          %swap3A_1118 = tpu.vector_load %arg12[%swap3A_1116, %swap3A_1117] {strides = array<i32>} : memref<8x256xf32, #tpu.memory_space<vmem>>, vector<1x16xf32>,
          %swap3A_1119 = vector.shape_cast %swap3A_1118 : vector<1x16xf32> to vector<16xf32>
          %swap3A_1120 = vector.shape_cast %parallel_loop3A_1090#10 : vector<16xf32> to vector<1x16xf32>
          tpu.vector_store %arg12[%swap3A_1116, %swap3A_1117], %swap3A_1120 {strides = array<i32>} : memref<8x256xf32, #tpu.memory_space<vmem>>, vector<1x16xf32>,
          %swap3A_1121 = arith.index_cast %scan3A_997 : i32 to index
          %swap3A_1122 = arith.constant 48 : index
          %swap3A_1123 = tpu.vector_load %arg12[%swap3A_1121, %swap3A_1122] {strides = array<i32>} : memref<8x256xf32, #tpu.memory_space<vmem>>, vector<1x16xf32>,
          %swap3A_1124 = vector.shape_cast %swap3A_1123 : vector<1x16xf32> to vector<16xf32>
          %swap3A_1125 = vector.shape_cast %parallel_loop3A_1090#3 : vector<16xf32> to vector<1x16xf32>
          tpu.vector_store %arg12[%swap3A_1121, %swap3A_1122], %swap3A_1125 {strides = array<i32>} : memref<8x256xf32, #tpu.memory_space<vmem>>, vector<1x16xf32>,
          %swap3A_1126 = arith.index_cast %scan3A_997 : i32 to index
          %swap3A_1127 = arith.constant 176 : index
          %swap3A_1128 = tpu.vector_load %arg12[%swap3A_1126, %swap3A_1127] {strides = array<i32>} : memref<8x256xf32, #tpu.memory_space<vmem>>, vector<1x16xf32>,
          %swap3A_1129 = vector.shape_cast %swap3A_1128 : vector<1x16xf32> to vector<16xf32>
          %swap3A_1130 = vector.shape_cast %parallel_loop3A_1090#11 : vector<16xf32> to vector<1x16xf32>
          tpu.vector_store %arg12[%swap3A_1126, %swap3A_1127], %swap3A_1130 {strides = array<i32>} : memref<8x256xf32, #tpu.memory_space<vmem>>, vector<1x16xf32>,
          %swap3A_1131 = arith.index_cast %scan3A_997 : i32 to index
          %swap3A_1132 = arith.constant 64 : index
          %swap3A_1133 = tpu.vector_load %arg12[%swap3A_1131, %swap3A_1132] {strides = array<i32>} : memref<8x256xf32, #tpu.memory_space<vmem>>, vector<1x16xf32>,
          %swap3A_1134 = vector.shape_cast %swap3A_1133 : vector<1x16xf32> to vector<16xf32>
          %swap3A_1135 = vector.shape_cast %parallel_loop3A_1090#4 : vector<16xf32> to vector<1x16xf32>
          tpu.vector_store %arg12[%swap3A_1131, %swap3A_1132], %swap3A_1135 {strides = array<i32>} : memref<8x256xf32, #tpu.memory_space<vmem>>, vector<1x16xf32>,
          %swap3A_1136 = arith.index_cast %scan3A_997 : i32 to index
          %swap3A_1137 = arith.constant 192 : index
          %swap3A_1138 = tpu.vector_load %arg12[%swap3A_1136, %swap3A_1137] {strides = array<i32>} : memref<8x256xf32, #tpu.memory_space<vmem>>, vector<1x16xf32>,
          %swap3A_1139 = vector.shape_cast %swap3A_1138 : vector<1x16xf32> to vector<16xf32>
          %swap3A_1140 = vector.shape_cast %parallel_loop3A_1090#12 : vector<16xf32> to vector<1x16xf32>
          tpu.vector_store %arg12[%swap3A_1136, %swap3A_1137], %swap3A_1140 {strides = array<i32>} : memref<8x256xf32, #tpu.memory_space<vmem>>, vector<1x16xf32>,
          %swap3A_1141 = arith.index_cast %scan3A_997 : i32 to index
          %swap3A_1142 = arith.constant 80 : index
          %swap3A_1143 = tpu.vector_load %arg12[%swap3A_1141, %swap3A_1142] {strides = array<i32>} : memref<8x256xf32, #tpu.memory_space<vmem>>, vector<1x16xf32>,
          %swap3A_1144 = vector.shape_cast %swap3A_1143 : vector<1x16xf32> to vector<16xf32>
          %swap3A_1145 = vector.shape_cast %parallel_loop3A_1090#5 : vector<16xf32> to vector<1x16xf32>
          tpu.vector_store %arg12[%swap3A_1141, %swap3A_1142], %swap3A_1145 {strides = array<i32>} : memref<8x256xf32, #tpu.memory_space<vmem>>, vector<1x16xf32>,
          %swap3A_1146 = arith.index_cast %scan3A_997 : i32 to index
          %swap3A_1147 = arith.constant 208 : index
          %swap3A_1148 = tpu.vector_load %arg12[%swap3A_1146, %swap3A_1147] {strides = array<i32>} : memref<8x256xf32, #tpu.memory_space<vmem>>, vector<1x16xf32>,
          %swap3A_1149 = vector.shape_cast %swap3A_1148 : vector<1x16xf32> to vector<16xf32>
          %swap3A_1150 = vector.shape_cast %parallel_loop3A_1090#13 : vector<16xf32> to vector<1x16xf32>
          tpu.vector_store %arg12[%swap3A_1146, %swap3A_1147], %swap3A_1150 {strides = array<i32>} : memref<8x256xf32, #tpu.memory_space<vmem>>, vector<1x16xf32>,
          %swap3A_1151 = arith.index_cast %scan3A_997 : i32 to index
          %swap3A_1152 = arith.constant 96 : index
          %swap3A_1153 = tpu.vector_load %arg12[%swap3A_1151, %swap3A_1152] {strides = array<i32>} : memref<8x256xf32, #tpu.memory_space<vmem>>, vector<1x16xf32>,
          %swap3A_1154 = vector.shape_cast %swap3A_1153 : vector<1x16xf32> to vector<16xf32>
          %swap3A_1155 = vector.shape_cast %parallel_loop3A_1090#6 : vector<16xf32> to vector<1x16xf32>
          tpu.vector_store %arg12[%swap3A_1151, %swap3A_1152], %swap3A_1155 {strides = array<i32>} : memref<8x256xf32, #tpu.memory_space<vmem>>, vector<1x16xf32>,
          %swap3A_1156 = arith.index_cast %scan3A_997 : i32 to index
          %swap3A_1157 = arith.constant 224 : index
          %swap3A_1158 = tpu.vector_load %arg12[%swap3A_1156, %swap3A_1157] {strides = array<i32>} : memref<8x256xf32, #tpu.memory_space<vmem>>, vector<1x16xf32>,
          %swap3A_1159 = vector.shape_cast %swap3A_1158 : vector<1x16xf32> to vector<16xf32>
          %swap3A_1160 = vector.shape_cast %parallel_loop3A_1090#14 : vector<16xf32> to vector<1x16xf32>
          tpu.vector_store %arg12[%swap3A_1156, %swap3A_1157], %swap3A_1160 {strides = array<i32>} : memref<8x256xf32, #tpu.memory_space<vmem>>, vector<1x16xf32>,
          %swap3A_1161 = arith.index_cast %scan3A_997 : i32 to index
          %swap3A_1162 = arith.constant 112 : index
          %swap3A_1163 = tpu.vector_load %arg12[%swap3A_1161, %swap3A_1162] {strides = array<i32>} : memref<8x256xf32, #tpu.memory_space<vmem>>, vector<1x16xf32>,
          %swap3A_1164 = vector.shape_cast %swap3A_1163 : vector<1x16xf32> to vector<16xf32>
          %swap3A_1165 = vector.shape_cast %parallel_loop3A_1090#7 : vector<16xf32> to vector<1x16xf32>
          tpu.vector_store %arg12[%swap3A_1161, %swap3A_1162], %swap3A_1165 {strides = array<i32>} : memref<8x256xf32, #tpu.memory_space<vmem>>, vector<1x16xf32>,
          %swap3A_1166 = arith.index_cast %scan3A_997 : i32 to index
          %swap3A_1167 = arith.constant 240 : index
          %swap3A_1168 = tpu.vector_load %arg12[%swap3A_1166, %swap3A_1167] {strides = array<i32>} : memref<8x256xf32, #tpu.memory_space<vmem>>, vector<1x16xf32>,
          %swap3A_1169 = vector.shape_cast %swap3A_1168 : vector<1x16xf32> to vector<16xf32>
          %swap3A_1170 = vector.shape_cast %parallel_loop3A_1090#15 : vector<16xf32> to vector<1x16xf32>
          tpu.vector_store %arg12[%swap3A_1166, %swap3A_1167], %swap3A_1170 {strides = array<i32>} : memref<8x256xf32, #tpu.memory_space<vmem>>, vector<1x16xf32>,
        } else {
        }
      }
      %scan3A_996 = arith.constant 8 : i32
    }
    "tpu.region"() ({
      %run_scoped3A = tpu.sem_alloc : memref<!tpu.dma_semaphore, #tpu.memory_space<semaphore_mem>>
      %dma_start3A = arith.constant 0 : i32
      %dma_start3A_892 = tpu.memref_slice %arg6[%mul3A_2, %dma_start3A] : memref<256x256xf32, #tpu.memory_space<hbm>> -> memref<8x256xf32, #tpu.memory_space<hbm>>
      %dma_start3A_893 = arith.constant 0 : i32
      %dma_start3A_894 = tpu.memref_slice %arg6[%mul3A_2, %dma_start3A_893] : memref<256x256xf32, #tpu.memory_space<hbm>> -> memref<8x256xf32, #tpu.memory_space<hbm>>
      tpu.enqueue_dma source(%arg12 : memref<8x256xf32, #tpu.memory_space<vmem>>) target(%dma_start3A_894 : memref<8x256xf32, #tpu.memory_space<hbm>>) target_semaphore(%run_scoped3A : memref<!tpu.dma_semaphore, #tpu.memory_space<semaphore_mem>>)
      %dma_wait3A = arith.constant 0 : i32
      %dma_wait3A_895 = tpu.memref_slice %arg6[%mul3A_2, %dma_wait3A] : memref<256x256xf32, #tpu.memory_space<hbm>> -> memref<8x256xf32, #tpu.memory_space<hbm>>
      %dma_wait3A_896 = arith.constant 0 : i32
      %dma_wait3A_897 = tpu.memref_slice %arg6[%mul3A_2, %dma_wait3A_896] : memref<256x256xf32, #tpu.memory_space<hbm>> -> memref<8x256xf32, #tpu.memory_space<hbm>>
      tpu.wait_dma2 semaphore(%run_scoped3A : memref<!tpu.dma_semaphore, #tpu.memory_space<semaphore_mem>>) src(%arg12 : memref<8x256xf32, #tpu.memory_space<vmem>>) dst(%dma_wait3A_897 : memref<8x256xf32, #tpu.memory_space<hbm>>)
      tpu.yield
    }) : () -> ()
    return
  }
}

</mosaic_0001>

<sc_bundles>
// kernel: kernel.3.cloned.1.call-start
scs
__scs_entry_jumppad:
0x0: {  	(pc) =	sbr.rel $0x88, $3  }
0x1: {  	(tag) =	ssettag $0x0;
	lr =	simm.s32 $0x1  }
0x2: {  	[smem:$0x3F9D] =	sst lr;
	_ =	strace $0xD0000000  }
0x3: {  	_ = 	snop  }
0x4: {  	_ = 	snop  }
0x5: {  	_ = 	snop  }
0x6: {  	_ = 	snop  }
0x7: {  	_ = 	snop  }
__scs_overlays_trampoline_lowered:
0x8: {  	[smem:$0x3FAC] =	sst s0  }
0x9: {  	[smem:$0x3FAD] =	sst s1  }
0xa: {  	[smem:$0x3FAE] =	sst s2  }
0xb: {  	[smem:$0x3FAF] =	sst s3  }
0xc: {  	[smem:$0x3FB0] =	sst s4  }
0xd: {  	[smem:$0x3FB1] =	sst s5  }
0xe: {  	[smem:$0x3FB2] =	sst s6  }
0xf: {  	[smem:$0x3FB3] =	sst s7  }
0x10: {  	[smem:$0x3FB4] =	sst s8  }
0x11: {  	[smem:$0x3FB5] =	sst s9;
	s0 =	simm.s32 @!p0 $0x0  }
0x12: {  	s1 =	sld [smem:$0x3F9B];
	s0 =	simm.s32 @p0 $0x1  }
0x13: {  	[smem:$0x3FB6] =	sst s0;
	s0 =	simm.s32 @!p1 $0x0  }
0x14: {  	s2 =	sld [smem:$0x3F9A];
	s0 =	simm.s32 @p1 $0x1  }
0x15: {  	[smem:$0x3FB7] =	sst s0;
	s0 =	simm.s32 @!p2 $0x0  }
0x16: {  	s3 =	sld [smem:$0x3FDB];
	s0 =	simm.s32 @p2 $0x1  }
0x17: {  	s4 =	simm.s32 $0x1BF5;
	[smem:$0x3FB9] =	sst s0  }
0x18: {  	s0 =	sld [smem:$0x3F9C];
	_ =	swait.ge [sflag:s4], $0x0  }
0x19: {  	s7 =	sld [smem:$0x3F9D]  }
0x1a: {  	s8 =	sadd.s32 $0xFFFFE003, lr  }
0x1b: {  	s9 =	sadd.s32 $0xFFFFFEF7, lr;
	s5 =	simm.s32 $0xFFFFFFFF;
	p2 =	slt.u32 s8, $0xFFFFF086  }
0x1c: {  	p1 =	slt.u32 s9, $0xF7A;
	s5 =	simm.s32 @!p2 $0x0  }
0x1d: {  	s5 =	simm.s32 @p1 $0x1;
	p0 =	seq.s32 s7, s2  }
0x1e: {  	s7 =	smul.u32 @!p0 $0xF7A, s2;
	p2 =	seq.s32 @!p0 s5, $0x0  }
0x1f: {  	s9 =	smul.u32 $0xF7A, s1;
	s8 =	simm.s32 @!p0 $0x1BF5;
	p2 =	por !p2, p0  }
0x20: {  	[sflag:s8] =	ssyncset.s32 @!p0 $0xFFFFF086;
	s6 =	sadd.s32 @!p0 s3, s7;
	s7 =	simm.s32 @!p0 $0x108  }
0x21: {  	s3 =	sadd.s32 s3, s9;
	s6 =	sadd.s32 @!p0 $0x88, s6;
	s7 =	simm.s32 @p2 $0x1082  }
0x22: {  	[simem:s7], [sflag:s8] =	dma.local @!p0 [hbm:s6], $0xF7A  }
0x23: {  	s9 =	sor.u32 $0xD0000000, s2;
	s6 =	simm.s32 $0x108;
	_ =	swait.ge @!p0 [sflag:s8], $0x0  }
0x24: {  	s3 =	sadd.s32 $0x88, s3;
	s6 =	simm.s32 @!p1 $0x1082;
	[sflag:s4] =	ssyncset.s32 $0xFFFFF086  }
0x25: {  	[simem:s6], [sflag:s4] =	dma.local [hbm:s3], $0xF7A  }
0x26: {  	[smem:$0x3F9D] =	sst s1;
	(tag) =	ssettag s2;
	_ =	strace s9  }
0x27: {  	s1 =	sld [smem:$0x3FAD]  }
0x28: {  	s2 =	sld [smem:$0x3FAE]  }
0x29: {  	s4 =	sld [smem:$0x3FB0]  }
0x2a: {  	p0 =	seq.s32 s5, $0x0;
	s5 =	sld [smem:$0x3FB1]  }
0x2b: {  	s6 =	sld [smem:$0x3FB2]  }
0x2c: {  	s7 =	sld [smem:$0x3FB3]  }
0x2d: {  	s3 =	simm.s32 $0x108;
	s8 =	sld [smem:$0x3FB4]  }
0x2e: {  	s3 =	simm.s32 @!p0 $0x1082;
	s9 =	sld [smem:$0x3FB5]  }
0x2f: {  	lr =	sadd.s32 s0, s3;
	s0 =	sld [smem:$0x3FAC]  }
0x30: {  	s3 =	sld [smem:$0x3FAF]  }
0x31: {  	[smem:$0x3FB8] =	sst s10  }
0x32: {  	s10 =	sld [smem:$0x3FB6];
	_ =	sdelay $0x3  }
0x33: {  	p0 =	seq.s32 s10, $0x1;
	s10 =	sld [smem:$0x3FB8];
	_ =	sdelay $0x3  }
0x34: {  	[smem:$0x3FB8] =	sst s10  }
0x35: {  	s10 =	sld [smem:$0x3FB7];
	_ =	sdelay $0x3  }
0x36: {  	p1 =	seq.s32 s10, $0x1;
	s10 =	sld [smem:$0x3FB8];
	_ =	sdelay $0x3  }
0x37: {  	[smem:$0x3FB8] =	sst s10  }
0x38: {  	s10 =	sld [smem:$0x3FB9]  }
0x39: {  	_ = 	snop;
	(pc) =	sbr.ind lr, $3  }
0x3a: {  	_ = 	snop  }
0x3b: {  	_ = 	snop  }
0x3c: {  	p2 =	seq.s32 s10, $0x1;
	s10 =	sld [smem:$0x3FB8]  }
0x3d: {  	_ =	shalt  }
0x3e: {  	_ =	shalt  }
0x3f: {  	_ =	shalt  }
0x40: {  	_ =	shalt  }
0x41: {  	_ =	shalt  }
0x42: {  	_ =	shalt  }
0x43: {  	_ =	shalt  }
0x44: {  	_ =	shalt  }
0x45: {  	_ =	shalt  }
0x46: {  	_ =	shalt  }
0x47: {  	_ =	shalt  }
0x48: {  	_ =	shalt  }
0x49: {  	_ =	shalt  }
0x4a: {  	_ =	shalt  }
0x4b: {  	_ =	shalt  }
0x4c: {  	_ =	shalt  }
0x4d: {  	_ =	shalt  }
0x4e: {  	_ =	shalt  }
0x4f: {  	_ =	shalt  }
0x50: {  	_ =	shalt  }
0x51: {  	_ =	shalt  }
0x52: {  	_ =	shalt  }
0x53: {  	_ =	shalt  }
0x54: {  	_ =	shalt  }
0x55: {  	_ =	shalt  }
0x56: {  	_ =	shalt  }
0x57: {  	_ =	shalt  }
0x58: {  	_ =	shalt  }
0x59: {  	_ =	shalt  }
0x5a: {  	_ =	shalt  }
0x5b: {  	_ =	shalt  }
0x5c: {  	_ =	shalt  }
0x5d: {  	_ =	shalt  }
0x5e: {  	_ =	shalt  }
0x5f: {  	_ =	shalt  }
0x60: {  	_ =	shalt  }
0x61: {  	_ =	shalt  }
0x62: {  	_ =	shalt  }
0x63: {  	_ =	shalt  }
0x64: {  	_ =	shalt  }
0x65: {  	_ =	shalt  }
0x66: {  	_ =	shalt  }
0x67: {  	_ =	shalt  }
0x68: {  	_ =	shalt  }
0x69: {  	_ =	shalt  }
0x6a: {  	_ =	shalt  }
0x6b: {  	_ =	shalt  }
0x6c: {  	_ =	shalt  }
0x6d: {  	_ =	shalt  }
0x6e: {  	_ =	shalt  }
0x6f: {  	_ =	shalt  }
0x70: {  	_ =	shalt  }
0x71: {  	_ =	shalt  }
0x72: {  	_ =	shalt  }
0x73: {  	_ =	shalt  }
0x74: {  	_ =	shalt  }
0x75: {  	_ =	shalt  }
0x76: {  	_ =	shalt  }
0x77: {  	_ =	shalt  }
0x78: {  	_ =	shalt  }
0x79: {  	_ =	shalt  }
0x7a: {  	_ =	shalt  }
0x7b: {  	_ =	shalt  }
0x7c: {  	_ =	shalt  }
0x7d: {  	_ =	shalt  }
0x7e: {  	_ =	shalt  }
0x7f: {  	_ =	shalt  }
0x80: {  	_ =	shalt  }
0x81: {  	_ =	shalt  }
0x82: {  	_ =	shalt  }
0x83: {  	_ =	shalt  }
0x84: {  	_ =	shalt  }
0x85: {  	_ =	shalt  }
0x86: {  	_ =	shalt  }
0x87: {  	_ =	shalt  }
.Lfunc_end0:
.L_simem_size_0:
called_computation_lowered:
.L_overlay_start_0:
0x88: {  	s2 =	sld [smem:$0x3FD9]  }
0x89: {  	s3 =	sld [smem:$0x3FFE];
	_ =	sdelay $0x1  }
0x8a: {  	s1 =	srdreg.scid  }
0x8b: {  	s0 =	sand.u32 $0x1, s1  }
0x8c: {  	s17 =	sshll.u32 s0, $0xA;
	s2 =	sadd.s32 s3, s2  }
0x8d: {  	s2 =	sadd.s32 s2, s17  }
0x8e: {  	[smem:$0x3FC4] =	sst s2  }
0x8f: {  	_ = 	snop  }
0x90: {  	s2 =	sld [smem:$0x3FC9]  }
0x91: {  	s18 =	sld [smem:$0x3FC8]  }
0x92: {  	s4 =	sld [smem:$0x3FC7]  }
0x93: {  	s5 =	sld [smem:$0x3FD0];
	(tm) =	ssettm $0x1  }
0x94: {  	s6 =	sld [smem:$0x3FFB];
	_ =	sdelay $0x3  }
0x95: {  	_ =	strace s6  }
0x96: {  	s6 =	sld [smem:$0x3FFC];
	_ =	sdelay $0x3  }
0x97: {  	_ =	strace s6  }
0x98: {  	s6 =	sld [smem:$0x3FFD];
	_ =	sdelay $0x3  }
0x99: {  	_ =	strace s6  }
0x9a: {  	_ =	strace $0x8FFFFFFF  }
0x9b: {  	s19 =	sld [smem:$0x3FDB];
	_ =	sdelay $0x1  }
0x9c: {  	s7 =	simm.s32 $_scs_section_size  }
0x9d: {  	s8 =	simm.s32 $_size__tile_overlayer_lowered;
	s9 =	simm.s32 $_tile_overlayer_lowered  }
0x9e: {  	s22 =	simm.s32 $0x1BFF;
	s21 =	sshll.u32 s9, $0x1;
	s6 =	sadd.s32 s7, s19  }
0x9f: {  	s10 =	simm.s32 $0x0;
	s20 =	sshll.u32 s8, $0x1;
	s8 =	sadd.s32 s21, s6  }
0xa0: {  	[timem:s10], [sflag:s22] =	dma.local [hbm:s8], s20  }
0xa1: {  	_ =	swait.ge [sflag:s22], s20  }
0xa2: {  	s7 =	ssub.s32 $0x0, s20;
	[sflag:s22] =	ssyncset.done $0x0  }
0xa3: {  	[sflag:s22] =	ssyncadd.s32 s7;
	_ =	sdelay $0x1  }
0xa4: {  	s23 =	simm.s32 $0x1B8B  }
0xa5: {  	_ =	swait.ge [sflag:s23], $0x1  }
0xa6: {  	[sflag:s23] =	ssyncset.done $0x0  }
0xa7: {  	s25 =	simm.s32 $0x1B8E;
	s24 =	sld [smem:$0x3FFE];
	[sflag:s23] =	ssyncadd.s32 $0xFFFFFFFF  }
0xa8: {  	s26 =	simm.s32 $execute0_lowered;
	[smem:$0x3FD2] =	sst s25  }
0xa9: {  	s8 =	sshll.u32 s26, $0x1;
	_ =	strace $0x80000046;
	[dreg:$0x1] =	wrdreg $0xFFFFFFFF  }
0xaa: {  	s28 =	simm.s32 $_size_execute0_lowered;
	s6 =	sadd.s32 s6, s8;
	[dreg:$0x0] =	wrdreg $0x0  }
0xab: {  	s8 =	sshll.u32 s28, $0x1;
	[dreg:$0x2] =	wrdreg s6  }
0xac: {  	[dreg:$0x3] =	wrdreg s8  }
0xad: {  	[dreg:$0x4] =	wrdreg $0xC0  }
0xae: {  	_ =	task [dreg:s10], $0x5FFFF  }
0xaf: {  	[dreg:$0x1] =	wrdreg $0xFFFFFFFF  }
0xb0: {  	[dreg:$0x0] =	wrdreg $0x60  }
0xb1: {  	[dreg:$0x2] =	wrdreg s2  }
0xb2: {  	[dreg:$0x3] =	wrdreg s18  }
0xb3: {  	[dreg:$0x4] =	wrdreg s4  }
0xb4: {  	[dreg:$0x5] =	wrdreg s24  }
0xb5: {  	[dreg:$0x6] =	wrdreg s5  }
0xb6: {  	[dreg:$0x7] =	wrdreg $0x9  }
0xb7: {  	_ =	task.clear_ibuf [dreg:s10], $0x8FFFF;
	_ =	strace $0x90000046  }
0xb8: {  	s29 =	simm.s32 $0x9;
	_ =	strace $0x80000048  }
0xb9: {  	_ =	swait.ge [sflag:s29], $0x1  }
0xba: {  	[sflag:s29] =	ssyncadd.s32 $0xFFFFFFFF  }
0xbb: {  	_ =	strace $0x90000048  }
0xbc: {  	_ =	sfence  }
0xbd: {  	s30 =	sld [smem:$0x0];
	_ =	sdelay $0x2  }
0xbe: {  	s31 =	sshll.u32 s1, $0xD;
	s1 =	sshrl.u32 s1, $0x2  }
0xbf: {  	s3 =	sand.u32 $0x4000, s31;
	s1 =	sadd.s32 s1, s30  }
0xc0: {  	s0 =	sor.u32 s3, s0;
	s1 =	sshll.u32 s1, $0x11  }
0xc1: {  	s0 =	sor.u32 s1, s0  }
0xc2: {  	s0 =	sadd.s32 $0x8F2B, s0  }
0xc3: {  	[sflag:s0] =	ssyncadd.remote.s32 $0x1  }
0xc4: {  	_ =	sfence.sel $0xFFFF  }
0xc5: {  	[dreg:$0x0] =	wrdreg $0xFFFFFFFF;
	(pc) =	sbr.abs _section_cstart, $3  }
0xc6: {  	[dreg:$0x1] =	wrdreg $0xFFFFFFFF  }
0xc7: {  	_ =	task.clear_ibuf [dreg:s10], $0x2FFFF;
	_ =	strace $0x9FFFFFFF  }
0xc8: {  	(tm) =	ssettm $0x7FFFFFFF  }
0xc9: {  	_ =	shalt  }
tec
execute0_lowered:
.L_overlay_start_1:
0x0: {  	(tag) =	ssettag $0x1  }
0x1: {  	v0 =	vimm.s32 $0xFEDCBA98;
	v1 =	vimm.s32 $0x76543210;
	v3 =	vimm.s32 $0xDCFE98BA  }
0x2: {  	v4 =	vimm.s32 $0x54761032;
	v5 =	vimm.s32 $0xEFCDAB89;
	v1 =	vunpack.c.l.s4.s8 v1  }
0x3: {  	s0 =	srdreg.scid;
	v6 =	vimm.s32 $0x67452301;
	v0 =	vunpack.c.l.s4.s8 v0;
	v3 =	vunpack.c.l.s4.s8 v3  }
0x4: {  	s3 =	stileid.u32;
	s0 =	sand.u32 $0x1, s0;
	v4 =	vunpack.c.l.s4.s8 v4;
	v5 =	vunpack.c.l.s4.s8 v5;
	v1 =	vunpack.c.0.s8.s32 v1  }
0x5: {  	v2 =	vlaneseq.u32;
	s3 =	sshll.u32 s3, $0x4;
	v6 =	vunpack.c.l.s4.s8 v6;
	s4 =	sshll.u32 s0, $0x3;
	v0 =	vunpack.c.0.s8.s32 v0  }
0x6: {  	s3 =	sor.u32 s4, s3;
	v3 =	vunpack.c.0.s8.s32 v3;
	v4 =	vunpack.c.0.s8.s32 v4;
	v5 =	vunpack.c.0.s8.s32 v5  }
0x7: {  	s1 =	rddreg [dreg:$0x0];
	v6 =	vunpack.c.0.s8.s32 v6;
	v2 =	vadd.s32 s3, v2;
	v0 =	vand.u32 $0xF, v0  }
0x8: {  	s2 =	rddreg [dreg:$0x1];
	v8 =	vcombine.low v0, v1;
	v0 =	vimm.s32 $0xBA98FEDC;
	v1 =	vmovc v2;
	v2 =	vimm.s32 $0x32107654  }
0x9: {  	s5 =	rddreg [dreg:$0x3];
	s4 =	simm.s32 $0x0;
	v6 =	vcombine.low v6, v5;
	v0 =	vunpack.c.l.s4.s8 v0;
	v2 =	vunpack.c.l.s4.s8 v2  }
0xa: {  	[smem:$0x7FF] =	sst s4;
	v11 =	vcombine.low v4, v3  }
.Ltmp0:
0xb: {  	s7 =	rddreg [dreg:$0x4];
	_ =	strace $0x80000047;
	[tilespmem:$0x1FFE0] =	vst v6;
	v0 =	vunpack.c.0.s8.s32 v0;
	v2 =	vunpack.c.0.s8.s32 v2;
	(pc) =	sbr.rel .LBB2_1-.Ltmp0, $4  }
0xc: {  	s10 =	simm.s32 $0x6;
	s0 =	ssub.s32 $0x2, s0;
	[tilespmem:$0x1FFF0] =	vst v11  }
0xd: {  	s12 =	simm.s32 $0x10180;
	s13 =	simm.s32 $0x1;
	s8 =	sshrl.u32 s0, $0x1;
	[tilespmem:$0x1FFC0] =	vst v1;
	v0 =	vcombine.low v2, v0  }
0xe: {  	s15 =	simm.s32 $0x0;
	s0 =	ssub.s32 s0, s8;
	s3 =	sshll.u32 s3, $0x5;
	[tilespmem:$0x1FFD0] =	vst v8  }
0xf: {  	vm0 =	vmmov $0xffff;
	s6 =	sadd.s32 $0x400, s5;
	s7 =	sadd.s32 s7, s3;
	s8 =	smax.u32 s0, $0x1;
	[tilespmem:$0x1FFB0] =	vst v0  }
.LBB2_62:
0x10: {  	s15 =	sadd.s32 $0x1, s15  }
0x11: {  	p0 =	sne.s32 s15, s8  }
.Ltmp1:
0x12: {  	s0 =	simm.s32 $0x10200;
	(pc) =	sbr.rel @!p0 .LBB2_63-.Ltmp1, $4  }
0x13: {  	[hbm4b:s7+s4] =	stream.linear.scatter [tilespmem:s0], [sflag:$0x6], $0x800, $0x38;
	[tilespmem:$0x10A00] =	vst v63  }
0x14: {  	_ =	swait.ge [sflag:s10], $0x800  }
0x15: {  	[sflag:s10] =	ssyncset.done $0x0  }
0x16: {  	[sflag:s10] =	ssyncadd.s32 $0xFFFFF800  }
.LBB2_1:
0x17: {  	s0 =	rddreg [dreg:$0x2];
	s3 =	simm.s32 $0x10000  }
0x18: {  	[tilespmem:s3], [sflag:$0x6] =	stream.linear.gather [hbm4b:s0+s4], $0x80, $0x38;
	[tilespmem:$0x10A00] =	vst v63  }
0x19: {  	_ =	swait.ge [sflag:s10], $0x80  }
0x1a: {  	[sflag:s10] =	ssyncset.done $0x0  }
0x1b: {  	s31 =	simm.s32 $0x10080;
	[sflag:s10] =	ssyncadd.s32 $0xFFFFFF80  }
0x1c: {  	[tilespmem:s31], [sflag:$0x6] =	stream.linear.gather [hbm4b:s6+s4], $0x80, $0x38;
	[tilespmem:$0x10A00] =	vst v63  }
0x1d: {  	_ =	swait.ge [sflag:s10], $0x80  }
0x1e: {  	[sflag:s10] =	ssyncset.done $0x0  }
0x1f: {  	v3 =	vimm.s32 $0x0;
	v0 =	vimm.s32 $0x4E200;
	[sflag:s10] =	ssyncadd.s32 $0xFFFFFF80  }
0x20: {  	v5 =	vadd.s32 v3, v0;
	v62 =	vld [tilespmem:$0x10000]  }
0x21: {  	v5 =	vshra.s32 v5, $0x1;
	v13 =	vld [tilespmem:$0x10010]  }
0x22: {  	vm1 =	vlt.s32 v5, $0x4E1FF;
	v61 =	vld [tilespmem:$0x10020]  }
0x23: {  	v5 =	vnsel vm1, $0x4E1FF, v5;
	v44 =	vld [tilespmem:$0x10030]  }
0x24: {  	v7 =	vld [tilespmem:$0x10040]  }
0x25: {  	v14 =	vld [tilespmem:$0x10050]  }
0x26: {  	v48 =	vld [tilespmem:$0x10060]  }
0x27: {  	v15 =	vld [tilespmem:$0x10070]  }
0x28: {  	v50 =	vld [tilespmem:$0x10080];
	[tilespmem:s12], [sflag:$0x1] =	stream.indirect_vreg.gather [hbm4b:s2+s4], $0x1, v5, vm0, $0xb8  }
0x29: {  	_ =	swait.ge [sflag:s13], $0x10  }
0x2a: {  	[sflag:s13] =	ssyncset.done $0x0  }
0x2b: {  	[sflag:s13] =	ssyncadd.s32 $0xFFFFFFF0  }
0x2c: {  	v16 =	vld [tilespmem:$0x10180];
	_ =	sdelay $0x4  }
0x2d: {  	vm3 =	vlt.s32 v3, v0;
	vm2 =	vlt.s32 v16, v1;
	vm1 =	vge.s32 v16, v1  }
0x2e: {  	s0 =	simm.s32 $0x12;
	v16 =	vadd.s32 $0x1, v5;
	vm1 =	vmand vm3, vm1;
	vm2 =	vmand vm3, vm2  }
.LBB2_2:
0x2f: {  	p0 =	sne.s32 s0, $0x1;
	s0 =	sadd.s32 $0xFFFFFFFF, s0;
	v0 =	vsel vm1, v5, v0;
	v3 =	vsel vm2, v16, v3  }
0x30: {  	v5 =	vadd.s32 v3, v0  }
0x31: {  	v5 =	vshra.s32 v5, $0x1  }
0x32: {  	vm1 =	vlt.s32 v5, $0x4E1FF  }
0x33: {  	v5 =	vnsel vm1, $0x4E1FF, v5;
	_ =	sdelay $0x4  }
0x34: {  	[tilespmem:s12], [sflag:$0x1] =	stream.indirect_vreg.gather [hbm4b:s2+s4], $0x1, v5, vm0, $0xb8;
	[tilespmem:$0x10A00] =	vst v63  }
0x35: {  	_ =	swait.ge [sflag:s13], $0x10  }
0x36: {  	[sflag:s13] =	ssyncset.done $0x0  }
0x37: {  	[sflag:s13] =	ssyncadd.s32 $0xFFFFFFF0  }
0x38: {  	v16 =	vld [tilespmem:$0x10180];
	_ =	sdelay $0x1  }
.Ltmp2:
0x39: {  	(pc) =	sbr.rel @p0 .LBB2_2-.Ltmp2, $3  }
0x3a: {  	_ =	sdelay $0x1  }
0x3b: {  	vm3 =	vlt.s32 v3, v0;
	vm2 =	vlt.s32 v16, v1;
	vm1 =	vge.s32 v16, v1  }
0x3c: {  	v16 =	vadd.s32 $0x1, v5;
	vm1 =	vmand vm3, vm1;
	vm2 =	vmand vm3, vm2  }
0x3d: {  	v0 =	vsel vm1, v5, v0  }
0x3e: {  	[tilespmem:$0x10100] =	vst v0  }
0x3f: {  	v2 =	vimm.f32 $0.0e+00;
	[tilespmem:$0x10110] =	vst v0  }
0x40: {  	v4 =	vimm.f32 $-Inf;
	[tilespmem:$0x10200] =	vst v2  }
0x41: {  	[tilespmem:$0x10600] =	vst v4  }
0x42: {  	[tilespmem:$0x10210] =	vst v2  }
0x43: {  	[tilespmem:$0x10610] =	vst v4  }
0x44: {  	[tilespmem:$0x10220] =	vst v2  }
0x45: {  	[tilespmem:$0x10620] =	vst v4  }
0x46: {  	[tilespmem:$0x10230] =	vst v2  }
0x47: {  	[tilespmem:$0x10630] =	vst v4  }
0x48: {  	[tilespmem:$0x10240] =	vst v2  }
0x49: {  	[tilespmem:$0x10640] =	vst v4  }
0x4a: {  	[tilespmem:$0x10250] =	vst v2  }
0x4b: {  	[tilespmem:$0x10650] =	vst v4  }
0x4c: {  	[tilespmem:$0x10260] =	vst v2  }
0x4d: {  	[tilespmem:$0x10660] =	vst v4  }
0x4e: {  	[tilespmem:$0x10270] =	vst v2  }
0x4f: {  	[tilespmem:$0x10670] =	vst v4  }
0x50: {  	[tilespmem:$0x10280] =	vst v2  }
0x51: {  	[tilespmem:$0x10680] =	vst v4  }
0x52: {  	[tilespmem:$0x10290] =	vst v2  }
0x53: {  	[tilespmem:$0x10690] =	vst v4  }
0x54: {  	[tilespmem:$0x102A0] =	vst v2  }
0x55: {  	[tilespmem:$0x106A0] =	vst v4  }
0x56: {  	[tilespmem:$0x102B0] =	vst v2  }
0x57: {  	[tilespmem:$0x106B0] =	vst v4  }
0x58: {  	[tilespmem:$0x102C0] =	vst v2  }
0x59: {  	[tilespmem:$0x106C0] =	vst v4  }
0x5a: {  	[tilespmem:$0x102D0] =	vst v2  }
0x5b: {  	[tilespmem:$0x106D0] =	vst v4  }
0x5c: {  	[tilespmem:$0x102E0] =	vst v2  }
0x5d: {  	[tilespmem:$0x106E0] =	vst v4  }
0x5e: {  	[tilespmem:$0x102F0] =	vst v2  }
0x5f: {  	[tilespmem:$0x106F0] =	vst v4  }
0x60: {  	[tilespmem:$0x10300] =	vst v2  }
0x61: {  	[tilespmem:$0x10700] =	vst v4  }
0x62: {  	[tilespmem:$0x10310] =	vst v2  }
0x63: {  	[tilespmem:$0x10710] =	vst v4  }
0x64: {  	[tilespmem:$0x10320] =	vst v2  }
0x65: {  	[tilespmem:$0x10720] =	vst v4  }
0x66: {  	[tilespmem:$0x10330] =	vst v2  }
0x67: {  	[tilespmem:$0x10730] =	vst v4  }
0x68: {  	[tilespmem:$0x10340] =	vst v2  }
0x69: {  	[tilespmem:$0x10740] =	vst v4  }
0x6a: {  	[tilespmem:$0x10350] =	vst v2  }
0x6b: {  	[tilespmem:$0x10750] =	vst v4  }
0x6c: {  	[tilespmem:$0x10360] =	vst v2  }
0x6d: {  	[tilespmem:$0x10760] =	vst v4  }
0x6e: {  	[tilespmem:$0x10370] =	vst v2  }
0x6f: {  	[tilespmem:$0x10770] =	vst v4  }
0x70: {  	[tilespmem:$0x10380] =	vst v2  }
0x71: {  	[tilespmem:$0x10780] =	vst v4  }
0x72: {  	[tilespmem:$0x10390] =	vst v2  }
0x73: {  	[tilespmem:$0x10790] =	vst v4  }
0x74: {  	[tilespmem:$0x103A0] =	vst v2  }
0x75: {  	[tilespmem:$0x107A0] =	vst v4  }
0x76: {  	[tilespmem:$0x103B0] =	vst v2  }
0x77: {  	[tilespmem:$0x107B0] =	vst v4  }
0x78: {  	[tilespmem:$0x103C0] =	vst v2  }
0x79: {  	[tilespmem:$0x107C0] =	vst v4  }
0x7a: {  	[tilespmem:$0x103D0] =	vst v2  }
0x7b: {  	[tilespmem:$0x107D0] =	vst v4  }
0x7c: {  	[tilespmem:$0x103E0] =	vst v2  }
0x7d: {  	[tilespmem:$0x107E0] =	vst v4  }
0x7e: {  	[tilespmem:$0x103F0] =	vst v2  }
0x7f: {  	[tilespmem:$0x107F0] =	vst v4  }
0x80: {  	[tilespmem:$0x10400] =	vst v2  }
0x81: {  	[tilespmem:$0x10800] =	vst v4  }
0x82: {  	[tilespmem:$0x10410] =	vst v2  }
0x83: {  	[tilespmem:$0x10810] =	vst v4  }
0x84: {  	[tilespmem:$0x10420] =	vst v2  }
0x85: {  	[tilespmem:$0x10820] =	vst v4  }
0x86: {  	[tilespmem:$0x10430] =	vst v2  }
0x87: {  	[tilespmem:$0x10830] =	vst v4  }
0x88: {  	[tilespmem:$0x10440] =	vst v2  }
0x89: {  	[tilespmem:$0x10840] =	vst v4  }
0x8a: {  	[tilespmem:$0x10450] =	vst v2  }
0x8b: {  	[tilespmem:$0x10850] =	vst v4  }
0x8c: {  	[tilespmem:$0x10460] =	vst v2  }
0x8d: {  	[tilespmem:$0x10860] =	vst v4  }
0x8e: {  	[tilespmem:$0x10470] =	vst v2  }
0x8f: {  	[tilespmem:$0x10870] =	vst v4  }
0x90: {  	[tilespmem:$0x10480] =	vst v2  }
0x91: {  	[tilespmem:$0x10880] =	vst v4  }
0x92: {  	[tilespmem:$0x10490] =	vst v2  }
0x93: {  	[tilespmem:$0x10890] =	vst v4  }
0x94: {  	[tilespmem:$0x104A0] =	vst v2  }
0x95: {  	[tilespmem:$0x108A0] =	vst v4  }
0x96: {  	[tilespmem:$0x104B0] =	vst v2  }
0x97: {  	[tilespmem:$0x108B0] =	vst v4  }
0x98: {  	[tilespmem:$0x104C0] =	vst v2  }
0x99: {  	[tilespmem:$0x108C0] =	vst v4  }
0x9a: {  	[tilespmem:$0x104D0] =	vst v2  }
0x9b: {  	[tilespmem:$0x108D0] =	vst v4  }
0x9c: {  	[tilespmem:$0x104E0] =	vst v2;
	v3 =	vld [tilespmem:$0x10108]  }
0x9d: {  	[tilespmem:$0x108E0] =	vst v4  }
0x9e: {  	[tilespmem:$0x104F0] =	vst v2  }
0x9f: {  	[tilespmem:$0x108F0] =	vst v4  }
0xa0: {  	(v2sf) =	vpush v0, $0x0;
	[tilespmem:$0x10500] =	vst v2  }
0xa1: {  	[tilespmem:$0x10900] =	vst v4;
	(v2sf) =	vpush v3, $0x0  }
0xa2: {  	[tilespmem:$0x10510] =	vst v2  }
0xa3: {  	[tilespmem:$0x10910] =	vst v4  }
0xa4: {  	[tilespmem:$0x10520] =	vst v2  }
0xa5: {  	[tilespmem:$0x10920] =	vst v4  }
0xa6: {  	[tilespmem:$0x10530] =	vst v2  }
0xa7: {  	[tilespmem:$0x10930] =	vst v4  }
0xa8: {  	[tilespmem:$0x10540] =	vst v2  }
0xa9: {  	[tilespmem:$0x10940] =	vst v4  }
0xaa: {  	[tilespmem:$0x10550] =	vst v2  }
0xab: {  	[tilespmem:$0x10950] =	vst v4  }
0xac: {  	[tilespmem:$0x10560] =	vst v2  }
0xad: {  	[tilespmem:$0x10960] =	vst v4  }
0xae: {  	[tilespmem:$0x10570] =	vst v2  }
0xaf: {  	[tilespmem:$0x10970] =	vst v4;
	s16 =	spop (v2sf)  }
0xb0: {  	[tilespmem:$0x10580] =	vst v2;
	s0 =	spop (v2sf)  }
0xb1: {  	[tilespmem:$0x10980] =	vst v4;
	s0 =	ssub.s32 s0, s16  }
0xb2: {  	[tilespmem:$0x10590] =	vst v2;
	s0 =	sadd.s32 $0x7F, s0  }
0xb3: {  	[tilespmem:$0x10990] =	vst v4;
	s3 =	sand.u32 $0x7F, s0  }
0xb4: {  	[tilespmem:$0x105A0] =	vst v2;
	s5 =	sshra.s32 s0, $0x1F;
	p0 =	slt.s32 s0, $0x1;
	p1 =	sne.s32 s3, $0x0  }
0xb5: {  	[tilespmem:$0x109A0] =	vst v4;
	s28 =	sshrl.u32 s5, $0x19;
	p0 =	por !p0, !p1  }
0xb6: {  	[tilespmem:$0x105B0] =	vst v2;
	s3 =	simm.s32 $0x1;
	s0 =	sadd.s32 s28, s0;
	p0 =	por !p0, !p0  }
0xb7: {  	[tilespmem:$0x109B0] =	vst v4;
	s0 =	sshra.s32 s0, $0x7;
	s3 =	simm.s32 @!p0 $0x0  }
0xb8: {  	[tilespmem:$0x105C0] =	vst v2;
	s17 =	ssub.s32 s0, s3  }
0xb9: {  	[tilespmem:$0x109C0] =	vst v4;
	p0 =	slt.s32 s17, $0x1  }
0xba: {  	[tilespmem:$0x105D0] =	vst v2;
	p1 =	slt.s32 @!p0 s16, $0x4E180  }
0xbb: {  	[tilespmem:$0x109D0] =	vst v4;
	s0 =	smov.u32 s16;
	p1 =	por !p1, p0  }
0xbc: {  	[tilespmem:$0x105E0] =	vst v2;
	s0 =	simm.s32 @p1 $0x4E180  }
0xbd: {  	[tilespmem:$0x109E0] =	vst v4;
	s0 =	sshll.u32 @!p0 s0, $0x4  }
0xbe: {  	[tilespmem:$0x105F0] =	vst v2;
	p1 =	seq.s32 @!p0 s17, $0x1;
	s0 =	sand.u32 @!p0 $0x1FFFFFF0, s0  }
0xbf: {  	[tilespmem:$0x109F0] =	vst v4;
	s3 =	simm.s32 @!p0 $0x0;
	p2 =	por p1, p0;
	s0 =	sadd.s32 @!p0 s1, s0  }
0xc0: {  	[tilespmem:s3], [sflag:$0x2] =	stream.linear.gather @!p0 [hbm4b:s0+s3], $0x4000, $0x38;
	[tilespmem:$0x10A00] =	vst v63  }
0xc1: {  	s0 =	sadd.s32 @!p2 $0x80, s16  }
0xc2: {  	p3 =	slt.s32 @!p2 s0, $0x4E180  }
0xc3: {  	p3 =	por @!p0 !p3, p1  }
0xc4: {  	p3 =	por !p3, p0  }
0xc5: {  	s0 =	simm.s32 @!p3 $0x4E180  }
0xc6: {  	p3 =	slt.u32 @!p2 s17, $0x3;
	s0 =	sshll.u32 @!p2 s0, $0x4  }
0xc7: {  	s5 =	simm.s32 @!p2 $0x4000;
	p4 =	por @!p0 p3, p1;
	s0 =	sand.u32 @!p2 $0x1FFFFFF0, s0  }
0xc8: {  	s3 =	simm.s32 @!p2 $0x0;
	p4 =	por p4, p0;
	s0 =	sadd.s32 @!p2 s1, s0  }
0xc9: {  	[tilespmem:s5], [sflag:$0x3] =	stream.linear.gather @!p2 [hbm4b:s0+s3], $0x4000, $0x38;
	[tilespmem:$0x10A00] =	vst v63  }
0xca: {  	s0 =	sadd.s32 @!p4 $0x100, s16  }
0xcb: {  	p5 =	slt.s32 @!p4 s0, $0x4E180  }
0xcc: {  	p2 =	por @!p2 !p5, p3  }
0xcd: {  	p1 =	por @!p0 !p2, p1  }
0xce: {  	s29 =	sadd.s32 $0x3, s17;
	p0 =	por !p1, p0  }
0xcf: {  	s30 =	sand.u32 $0x3, s29;
	s0 =	simm.s32 @p0 $0x4E180  }
0xd0: {  	s31 =	sshrl.u32 s29, $0x1E;
	p6 =	sne.s32 s30, $0x0;
	s0 =	sshll.u32 @!p4 s0, $0x4  }
0xd1: {  	s3 =	simm.s32 @!p4 $0x0;
	p5 =	slt.s32 s17, $0xFFFFFFFE;
	s0 =	sand.u32 @!p4 $0x1FFFFFF0, s0  }
0xd2: {  	s5 =	simm.s32 @!p4 $0x8000;
	p0 =	por !p5, !p6;
	s0 =	sadd.s32 @!p4 s1, s0  }
0xd3: {  	[tilespmem:s5], [sflag:$0x4] =	stream.linear.gather @!p4 [hbm4b:s0+s3], $0x4000, $0x38;
	[tilespmem:$0x10A00] =	vst v63  }
0xd4: {  	p0 =	por !p0, !p0;
	s0 =	sadd.s32 s31, s29;
	s3 =	simm.s32 $0x1  }
0xd5: {  	s0 =	sshra.s32 s0, $0x2;
	s3 =	simm.s32 @!p0 $0x0  }
0xd6: {  	s18 =	ssub.s32 s0, s3  }
0xd7: {  	p0 =	slt.s32 s18, $0x1  }
.Ltmp3:
0xd8: {  	_ = 	snop;
	(pc) =	sbr.rel @p0 .LBB2_62-.Ltmp3, $1  }
0xd9: {  	_ =	sdelay $0x3  }
0xda: {  	[tilespmem:$0x1FF20] =	vst v7  }
0xdb: {  	[tilespmem:$0x1FF30] =	vst v44  }
0xdc: {  	[tilespmem:$0x1FF40] =	vst v48  }
0xdd: {  	[tilespmem:$0x1FF50] =	vst v13  }
.Ltmp4:
0xde: {  	[tilespmem:$0x1FF60] =	vst v50;
	(pc) =	sbr.rel .LBB2_5-.Ltmp4, $4  }
0xdf: {  	[tilespmem:$0x1FF70] =	vst v61  }
0xe0: {  	[tilespmem:$0x1FF80] =	vst v15  }
0xe1: {  	s19 =	sadd.s32 $0x80, s16;
	s20 =	sadd.s32 $0x100, s16;
	[tilespmem:$0x1FF90] =	vst v62  }
0xe2: {  	s21 =	sadd.s32 $0x180, s16;
	s22 =	simm.s32 $0x0;
	s23 =	smov.u32 s16;
	[tilespmem:$0x1FFA0] =	vst v14  }
.LBB2_61:
0xe3: {  	s22 =	sadd.s32 $0x1, s22  }
0xe4: {  	p0 =	sne.s32 s22, s18  }
.Ltmp5:
0xe5: {  	_ = 	snop;
	(pc) =	sbr.rel @!p0 .LBB2_62-.Ltmp5, $3  }
0xe6: {  	_ =	sdelay $0x1  }
0xe7: {  	s23 =	sadd.s32 $0x200, s23  }
0xe8: {  	s19 =	sadd.s32 $0x200, s19;
	s20 =	sadd.s32 $0x200, s20;
	s21 =	sadd.s32 $0x200, s21;
	v1 =	vld [tilespmem:$0x1FFC0]  }
.LBB2_5:
0xe9: {  	s24 =	sshllo.u32 s22, $0x2;
	p1 =	slt.s32 s21, $0x4E180;
	s3 =	smov.u32 s21  }
0xea: {  	p2 =	slt.s32 s20, $0x4E180;
	s5 =	smov.u32 s20;
	p0 =	sge.s32 s24, s17  }
0xeb: {  	s9 =	smov.u32 s19;
	s26 =	sshll.u32 s22, $0x2;
	s0 =	sshll.u32 @!p0 s24, $0x7  }
0xec: {  	s14 =	smov.u32 s23;
	s3 =	simm.s32 @!p1 $0x4E180;
	s0 =	sadd.s32 @!p0 s16, s0  }
0xed: {  	s5 =	simm.s32 @!p2 $0x4E180;
	s3 =	sshll.u32 s3, $0x9;
	p3 =	slt.s32 @!p0 s0, $0x4E180  }
0xee: {  	s11 =	simm.s32 @!p0 $0xC000;
	s5 =	sshll.u32 s5, $0x9;
	p1 =	por !p3, p0  }
0xef: {  	s25 =	ssub.s32 $0x0, s3;
	s3 =	simm.s32 @!p0 $0x0;
	s0 =	simm.s32 @p1 $0x4E180  }
0xf0: {  	s28 =	ssub.s32 $0x0, s5;
	p1 =	slt.s32 s19, $0x4E180;
	s0 =	sshll.u32 @!p0 s0, $0x4  }
0xf1: {  	s9 =	simm.s32 @!p1 $0x4E180;
	p1 =	slt.s32 s23, $0x4E180;
	s0 =	sand.u32 @!p0 $0x1FFFFFF0, s0  }
0xf2: {  	s14 =	simm.s32 @!p1 $0x4E180;
	s9 =	sshll.u32 s9, $0x9;
	s0 =	sadd.s32 @!p0 s1, s0  }
0xf3: {  	[tilespmem:s11], [sflag:$0x5] =	stream.linear.gather @!p0 [hbm4b:s0+s3], $0x4000, $0x38;
	[tilespmem:$0x10A00] =	vst v63  }
.Ltmp6:
0xf4: {  	p1 =	sge.s32 s26, s17;
	s29 =	ssub.s32 $0x0, s9;
	(pc) =	sbr.rel .LBB2_6-.Ltmp6, $4  }
0xf5: {  	s3 =	simm.s32 @!p1 $0x2;
	s11 =	sshll.u32 s14, $0x9;
	s14 =	sshll.u32 s22, $0x9  }
0xf6: {  	_ =	swait.ge @!p1 [sflag:s3], $0x4000;
	s0 =	ssub.s32 $0x0, s11;
	s30 =	sadd.s32 s16, s14  }
0xf7: {  	[sflag:s3] =	ssyncset.done @!p1 $0x0;
	s0 =	sshra.s32 s0, $0x2;
	s31 =	sadd.s32 $0x80, s30  }
0xf8: {  	[sflag:s3] =	ssyncadd.s32 @!p1 $0xFFFFC000;
	s5 =	sadd.s32 $0x40, s0;
	s0 =	simm.s32 $0x0  }
.LBB2_8:
0xf9: {  	_ = 	snop  }
0xfa: {  	_ = 	snop  }
0xfb: {  	_ = 	snop  }
0xfc: {  	_ = 	snop  }
0xfd: {  	_ = 	snop  }
0xfe: {  	_ = 	snop  }
0xff: {  	_ = 	snop  }
0x100: {  	v47 =	vmovc v33;
	v42 =	vmov v36;
	v40 =	vmov v2;
	v41 =	vmov v24  }
0x101: {  	v44 =	vmovc v4;
	v48 =	vmovc v12;
	v5 =	vmov v37;
	v38 =	vmov v29;
	v17 =	vmov v19;
	v19 =	vld [tilespmem:$0x1FEB0]  }
0x102: {  	v56 =	vmovc v46;
	v58 =	vmovc v60;
	v60 =	vmov v10;
	v18 =	vmov v23;
	v23 =	vmov v6;
	v3 =	vld [tilespmem:$0x1FEA0]  }
.LBB2_17:
0x103: {  	v1 =	vadd.f32 v25, v16  }
0x104: {  	v4 =	vld [tilespmem:$0x1FFB0]  }
0x105: {  	v2 =	vperm.xlane v1, v8;
	_ =	sdelay $0x1  }
0x106: {  	v1 =	vadd.f32 v1, v2  }
0x107: {  	v2 =	vadd.f32 @p1 v34, v50  }
0x108: {  	v4 =	vperm.xlane v1, v4  }
0x109: {  	v2 =	vadd.f32 @p1 v2, v2  }
0x10a: {  	v1 =	vadd.f32 v1, v4  }
0x10b: {  	v2 =	vmul.f32 @p1 $1.442695020e+00, v2  }
0x10c: {  	v4 =	vperm.xlane v1, v11  }
0x10d: {  	(erf) = vpow2.f32 @p1 v2  }
0x10e: {  	v1 =	vadd.f32 v1, v4;
	_ =	sdelay $0x1  }
0x10f: {  	v34 =	vperm.xlane v1, v9;
	_ =	sdelay $0x1  }
0x110: {  	v1 =	vadd.f32 v1, v34;
	_ =	sdelay $0x1  }
0x111: {  	v1 =	vadd.f32 v1, v50  }
0x112: {  	v2 =	vpop @p2 (erf)  }
0x113: {  	v4 =	vpop @p1 (erf);
	v1 =	vadd.f32 v1, v1  }
0x114: {  	v6 =	vadd.f32 @p1 $1.000000000e+00, v4  }
0x115: {  	v1 =	vmul.f32 $1.442695020e+00, v1  }
0x116: {  	(erf) = vrcp.f32 @p1 v6  }
0x117: {  	(erf) = vpow2.f32 v1;
	v1 =	vadd.f32 @p2 $-1.000000000e+00, v53;
	_ =	sdelay $0x1  }
0x118: {  	v1 =	vmul.f32 @p2 v2, v1;
	_ =	sdelay $0x1  }
0x119: {  	v10 =	vld [tilespmem:$0x1FE70];
	v25 =	vmul.f32 @p2 v1, v12;
	_ =	sdelay $0x3  }
0x11a: {  	v19 =	vadd.f32 @p2 v25, v19;
	v25 =	vmov @p1 v45  }
0x11b: {  	v25 =	vpsel p1, v25, v10;
	v10 =	vld [tilespmem:$0x1FE90];
	_ =	sdelay $0x4  }
0x11c: {  	v4 =	vpsel p1, v4, v10;
	v10 =	vld [tilespmem:$0x1FE80];
	_ =	sdelay $0x3  }
0x11d: {  	v7 =	vadd.f32 @p3 v33, v58;
	v33 =	vmov @p1 v52  }
0x11e: {  	v33 =	vpsel p1, v33, v10;
	v10 =	vld [tilespmem:$0x1FE00];
	_ =	sdelay $0x2  }
0x11f: {  	v0 =	vadd.f32 @p3 v0, v18;
	v12 =	vld [tilespmem:$0x1FE60]  }
0x120: {  	v17 =	vadd.f32 @p3 v24, v17;
	v24 =	vmovc @p1 v43;
	v6 =	vmul.f32 @p3 v59, v46;
	v2 =	vadd.f32 @p3 v29, v56;
	v56 =	vld [tilespmem:$0x1FF00]  }
0x121: {  	v24 =	vpsel p1, v24, v36;
	v18 =	vmul.f32 @p2 v1, v14;
	v36 =	vmul.f32 @p2 v1, v10;
	v10 =	vld [tilespmem:$0x1FE10]  }
0x122: {  	v16 =	vadd.f32 @p3 v37, v60;
	v37 =	vmov @p2 v51;
	v34 =	vmov @p2 v57  }
0x123: {  	v59 =	vld [tilespmem:$0x1FEE0];
	v6 =	vadd.f32 @p3 v6, v23;
	v23 =	vmovc @p1 v63;
	v34 =	vmul.f32 @p2 v1, v34;
	v36 =	vpsel p2, v36, v0  }
0x124: {  	v37 =	vmul.f32 @p2 v1, v37;
	v45 =	vmovc @p2 v54;
	v23 =	vpsel p1, v23, v12;
	v12 =	vld [tilespmem:$0x1FE50];
	v4 =	vadd.f32 @p1 $-1.000000000e+00, v4  }
0x125: {  	v3 =	vadd.f32 @p2 v18, v3;
	v2 =	vpsel p3, v2, v56;
	v18 =	vpop @p1 (erf);
	v45 =	vmul.f32 @p2 v1, v45  }
0x126: {  	v58 =	vld [tilespmem:$0x1FEF0];
	v4 =	vmul.f32 @p1 v18, v4;
	v2 =	vadd.f32 @p2 v36, v2;
	v43 =	vmul.f32 @p2 v1, v10;
	v36 =	vmovc @p2 v55  }
0x127: {  	v18 =	vpsel p2, v34, v0;
	v1 =	vpsel p2, v1, v0;
	v36 =	vpsel p2, v36, v0  }
0x128: {  	v29 =	vpop (erf);
	v1 =	vmul.f32 @p2 v1, v36;
	v36 =	vpsel p2, v43, v0;
	v0 =	vpsel p3, v0, v59  }
0x129: {  	v53 =	vadd.f32 $1.000000000e+00, v29;
	v32 =	vpsel p1, v32, v12;
	v12 =	vld [tilespmem:$0x1FE40];
	v34 =	vpsel p2, v37, v0  }
0x12a: {  	v63 =	vld [tilespmem:$0x1FEA0];
	v0 =	vadd.f32 @p2 v34, v0  }
0x12b: {  	v60 =	vld [tilespmem:$0x1FED0];
	v16 =	vpsel p3, v16, v58;
	(erf) = vrcp.f32 v53  }
0x12c: {  	v16 =	vadd.f32 @p2 v18, v16;
	v18 =	vmul.f32 @p1 v4, v32;
	v32 =	vpsel p2, v45, v0;
	v45 =	vld [tilespmem:$0x1FE30]  }
0x12d: {  	v57 =	vld [tilespmem:$0x1FF10]  }
0x12e: {  	v35 =	vpsel p1, v35, v12;
	v12 =	vld [tilespmem:$0x1FEC0]  }
0x12f: {  	v3 =	vpsel p2, v3, v63  }
0x130: {  	v3 =	vadd.f32 @p1 v18, v3;
	v18 =	vmov @p1 v49  }
0x131: {  	v18 =	vpsel p1, v18, v45  }
0x132: {  	v18 =	vmul.f32 @p1 v4, v18  }
0x133: {  	v17 =	vpsel p3, v17, v60;
	v7 =	vpsel p3, v7, v57;
	v6 =	vpsel p3, v6, v12  }
0x134: {  	v49 =	vadd.f32 $-1.000000000e+00, v29;
	v7 =	vadd.f32 @p2 v36, v7;
	v18 =	vpsel p1, v18, v0  }
0x135: {  	v16 =	vpsel p2, v16, v58;
	v52 =	vpop (erf);
	v29 =	vmul.f32 @p1 v4, v35;
	v3 =	vpsel p1, v3, v63  }
0x136: {  	v1 =	vadd.f32 @p2 v1, v6;
	v6 =	vmovc @p1 v23;
	v23 =	vmul.f32 v52, v49;
	v7 =	vpsel p2, v7, v57  }
0x137: {  	v2 =	vpsel p2, v2, v56;
	v6 =	vmul.f32 @p1 v4, v6;
	v7 =	vadd.f32 @p1 v18, v7;
	v18 =	vmovc @p1 v24  }
0x138: {  	v29 =	vpsel p1, v29, v0;
	v5 =	vmul.f32 v23, v5;
	v18 =	vmul.f32 @p1 v4, v18  }
0x139: {  	v2 =	vadd.f32 @p1 v29, v2;
	v6 =	vpsel p1, v6, v0;
	v0 =	vpsel p2, v0, v59  }
0x13a: {  	v3 =	vadd.f32 v5, v3;
	v7 =	vpsel p1, v7, v57;
	v5 =	vpsel p1, v18, v0  }
0x13b: {  	v6 =	vadd.f32 @p1 v6, v16;
	v0 =	vadd.f32 @p1 v5, v0;
	v5 =	vmul.f32 v23, v47  }
0x13c: {  	v54 =	vmul.f32 v23, v41;
	v17 =	vadd.f32 @p2 v32, v17;
	v16 =	vmul.f32 v23, v38  }
0x13d: {  	v2 =	vpsel p1, v2, v56;
	v6 =	vpsel p1, v6, v58;
	v5 =	vadd.f32 v5, v7;
	v7 =	vmovc @p1 v25  }
0x13e: {  	v2 =	vadd.f32 v16, v2;
	[tilespmem:s3+$0x10200] =	vst v3;
	v3 =	vadd.f32 v54, v6;
	v6 =	vmul.f32 @p1 v4, v7  }
0x13f: {  	[tilespmem:s3+$0x10600] =	vst v31  }
0x140: {  	[tilespmem:s3+$0x10220] =	vst v5;
	v5 =	vpsel p2, v17, v60;
	v6 =	vpsel p1, v6, v0  }
0x141: {  	[tilespmem:s3+$0x10610] =	vst v30;
	v53 =	vld [tilespmem:$0x1FE20];
	v5 =	vadd.f32 @p1 v6, v5  }
0x142: {  	[tilespmem:s3+$0x10210] =	vst v2;
	v2 =	vmov @p1 v33  }
0x143: {  	[tilespmem:s3+$0x10620] =	vst v27;
	v2 =	vpsel p1, v2, v0;
	v16 =	vpsel p1, v4, v0;
	v56 =	vpsel p1, v5, v60;
	v5 =	vld [tilespmem:$0x1FEB0]  }
0x144: {  	[tilespmem:s3+$0x10630] =	vst v26;
	v63 =	vmax.f32 v21, v48;
	v2 =	vmul.f32 @p1 v16, v2  }
0x145: {  	v1 =	vpsel p2, v1, v12;
	v24 =	vmovc @p1 v39;
	v57 =	vmul.f32 v23, v44;
	v17 =	vmul.f32 v23, v42  }
0x146: {  	[tilespmem:s3+$0x10670] =	vst v63;
	v24 =	vpsel p1, v24, v53;
	v0 =	vpsel p1, v0, v59;
	v1 =	vadd.f32 @p1 v2, v1  }
0x147: {  	[tilespmem:s3+$0x10230] =	vst v3;
	v7 =	vmax.f32 v28, v42;
	v4 =	vmul.f32 @p1 v4, v24;
	v0 =	vadd.f32 v17, v0  }
0x148: {  	v55 =	vmul.f32 v23, v40;
	[tilespmem:s3+$0x10640] =	vst v7;
	v1 =	vpsel p1, v1, v12;
	v3 =	vpsel p2, v19, v5  }
0x149: {  	[tilespmem:s3+$0x10240] =	vst v0;
	v0 =	vadd.f32 v57, v1;
	v60 =	vmax.f32 v20, v44;
	v3 =	vadd.f32 @p1 v4, v3  }
0x14a: {  	v58 =	vmul.f32 v23, v48;
	v2 =	vadd.f32 v55, v56;
	[tilespmem:s3+$0x10660] =	vst v60  }
0x14b: {  	v14 =	vld [tilespmem:$0x1FFA0];
	[tilespmem:s3+$0x10260] =	vst v0;
	v59 =	vpsel p1, v3, v5  }
0x14c: {  	v48 =	vld [tilespmem:$0x1FF40];
	[tilespmem:s3+$0x10250] =	vst v2;
	v4 =	vmax.f32 v22, v40;
	v1 =	vadd.f32 v58, v59  }
0x14d: {  	v7 =	vld [tilespmem:$0x1FF20];
	[tilespmem:s3+$0x10650] =	vst v4  }
0x14e: {  	v6 =	vmov v9;
	v44 =	vld [tilespmem:$0x1FF30];
	[tilespmem:s3+$0x10270] =	vst v1  }
.LBB2_18:
0x14f: {  	s0 =	sadd.s32 $0x1, s0  }
0x150: {  	p1 =	sne.s32 s0, $0x8  }
.Ltmp7:
0x151: {  	_ = 	snop;
	(pc) =	sbr.rel @!p1 .LBB2_19-.Ltmp7, $1  }
0x152: {  	_ =	sdelay $0x3  }
.LBB2_6:
0x153: {  	v0 =	vld [tilespmem:s0+$0x10100]  }
0x154: {  	v3 =	vld [tilespmem:s0+$0x10101];
	_ =	sdelay $0x3  }
0x155: {  	(v2sf) =	vpush v0, $0x0  }
0x156: {  	(v2sf) =	vpush v3, $0x0;
	_ =	sdelay $0xd  }
0x157: {  	s11 =	spop (v2sf)  }
0x158: {  	s9 =	smov.u32 s30;
	s3 =	spop (v2sf)  }
0x159: {  	s14 =	smov.u32 s31;
	p1 =	sgt.s32 s11, s30;
	p2 =	slt.s32 s3, s31  }
0x15a: {  	s9 =	smov.u32 @p1 s11;
	s14 =	smov.u32 @p2 s3  }
0x15b: {  	s9 =	ssub.s32 s14, s9  }
0x15c: {  	p1 =	slt.s32 s9, $0x1  }
.Ltmp8:
0x15d: {  	_ = 	snop;
	(pc) =	sbr.rel @p1 .LBB2_18-.Ltmp8, $1  }
0x15e: {  	_ =	sdelay $0x3  }
0x15f: {  	s3 =	sshll.u32 s0, $0x7  }
0x160: {  	s3 =	sand.u32 $0x3FFFFF80, s3  }
0x161: {  	v0 =	vld [tilespmem:s3+$0x10200]  }
0x162: {  	p1 =	sgt.s32 s11, s23;
	s14 =	smov.u32 s23;
	v46 =	vld [tilespmem:s3+$0x10210]  }
0x163: {  	s14 =	smov.u32 @p1 s11;
	v60 =	vld [tilespmem:s3+$0x10220]  }
0x164: {  	s11 =	sshll.u32 s14, $0x9;
	v10 =	vld [tilespmem:s3+$0x10230]  }
0x165: {  	v23 =	vld [tilespmem:s3+$0x10240];
	s11 =	sshra.s32 s11, $0x2  }
0x166: {  	v19 =	vld [tilespmem:s3+$0x10250];
	s11 =	sadd.s32 s11, s5  }
0x167: {  	v37 =	vld [tilespmem:s11+$0xFFFFFFC0]  }
0x168: {  	v29 =	vld [tilespmem:s11+$0xFFFFFFD0]  }
0x169: {  	v9 =	vmov v6;
	v6 =	vld [tilespmem:s3+$0x10260]  }
0x16a: {  	v33 =	vld [tilespmem:s11+$0xFFFFFFE0]  }
0x16b: {  	v16 =	vld [tilespmem:s3+$0x10610]  }
0x16c: {  	v24 =	vld [tilespmem:s11+$0xFFFFFFF0]  }
0x16d: {  	v1 =	vld [tilespmem:s3+$0x10270];
	v3 =	vmul.f32 v37, v62;
	v5 =	vmul.f32 v29, v13  }
0x16e: {  	v36 =	vld [tilespmem:s11+$0x0]  }
0x16f: {  	v17 =	vld [tilespmem:s3+$0x10620];
	v3 =	vadd.f32 v5, v3;
	v5 =	vmul.f32 v33, v61  }
0x170: {  	v2 =	vld [tilespmem:s11+$0x10]  }
0x171: {  	v18 =	vld [tilespmem:s3+$0x10630];
	v3 =	vadd.f32 v5, v3;
	v5 =	vmul.f32 v24, v44  }
0x172: {  	v4 =	vld [tilespmem:s11+$0x20];
	[tilespmem:$0x1FEA0] =	vst v0  }
0x173: {  	v12 =	vld [tilespmem:s11+$0x30];
	[tilespmem:$0x1FEB0] =	vst v1;
	v3 =	vadd.f32 v5, v3;
	v5 =	vmul.f32 v36, v7  }
0x174: {  	p4 =	sgt.s32 s9, $0x1;
	v0 =	vld [tilespmem:s3+$0x10600];
	[tilespmem:$0x1FEC0] =	vst v6  }
.Ltmp9:
0x175: {  	[tilespmem:$0x1FED0] =	vst v19;
	v3 =	vadd.f32 v5, v3;
	v5 =	vmul.f32 v2, v14;
	(pc) =	sbr.rel @!p4 .LBB2_8-.Ltmp9, $4  }
0x176: {  	v28 =	vld [tilespmem:s3+$0x10640];
	[tilespmem:$0x1FEE0] =	vst v23  }
0x177: {  	v22 =	vld [tilespmem:s3+$0x10650];
	[tilespmem:$0x1FEF0] =	vst v10;
	v3 =	vadd.f32 v5, v3;
	v5 =	vmul.f32 v4, v48  }
0x178: {  	p2 =	por $0x0, $0x0;
	v20 =	vld [tilespmem:s3+$0x10660];
	[tilespmem:$0x1FF00] =	vst v46;
	v30 =	vmax.f32 v16, v29;
	v27 =	vmax.f32 v17, v33;
	v26 =	vmax.f32 v18, v24  }
0x179: {  	p3 =	por $0x0, $0x0;
	p1 =	por $0x0, $0x0;
	v21 =	vld [tilespmem:s3+$0x10670];
	s11 =	sadd.s32 $0x80, s11;
	[tilespmem:$0x1FF10] =	vst v60;
	v25 =	vmul.f32 v12, v15;
	v31 =	vmax.f32 v0, v37;
	v16 =	vadd.f32 v5, v3  }
0x17a: {  	v5 =	vld [tilespmem:s11+$0xFFFFFFC0]  }
0x17b: {  	v38 =	vld [tilespmem:s11+$0xFFFFFFD0]  }
0x17c: {  	v49 =	vld [tilespmem:s11+$0xFFFFFFE0];
	v0 =	vadd.f32 v25, v16  }
0x17d: {  	v1 =	vld [tilespmem:$0x1FFB0]  }
0x17e: {  	v3 =	vperm.xlane v0, v8  }
0x17f: {  	v41 =	vld [tilespmem:s11+$0xFFFFFFF0]  }
0x180: {  	v16 =	vmul.f32 v5, v62;
	v0 =	vadd.f32 v0, v3;
	v3 =	vmul.f32 v38, v13  }
0x181: {  	v43 =	vld [tilespmem:s11+$0x0]  }
0x182: {  	v17 =	vperm.xlane v0, v1;
	v3 =	vadd.f32 v3, v16;
	v16 =	vmul.f32 v49, v61  }
0x183: {  	v45 =	vld [tilespmem:s11+$0x10]  }
0x184: {  	v0 =	vadd.f32 v0, v17;
	v3 =	vadd.f32 v16, v3;
	v16 =	vmul.f32 v41, v44  }
0x185: {  	v52 =	vld [tilespmem:s11+$0x20]  }
0x186: {  	v17 =	vperm.xlane v0, v11;
	v3 =	vadd.f32 v16, v3;
	v16 =	vmul.f32 v43, v7  }
0x187: {  	v39 =	vld [tilespmem:s11+$0x30];
	p4 =	sgt.s32 s9, $0x2;
	v28 =	vmax.f32 v28, v36;
	v22 =	vmax.f32 v22, v2  }
.Ltmp10:
0x188: {  	v0 =	vadd.f32 v0, v17;
	v3 =	vadd.f32 v16, v3;
	v16 =	vmul.f32 v45, v14;
	(pc) =	sbr.rel @!p4 .LBB2_10-.Ltmp10, $4  }
0x189: {  	v20 =	vmax.f32 v20, v4;
	v21 =	vmax.f32 v21, v12;
	v31 =	vmax.f32 v31, v5  }
0x18a: {  	v17 =	vperm.xlane v0, v9;
	v3 =	vadd.f32 v16, v3;
	v16 =	vmul.f32 v52, v48  }
0x18b: {  	v30 =	vmax.f32 v30, v38;
	v27 =	vmax.f32 v27, v49;
	v26 =	vmax.f32 v26, v41  }
0x18c: {  	s11 =	sadd.s32 $0x80, s11;
	p1 =	por $0x1, $0x1;
	v25 =	vmul.f32 v39, v15;
	v34 =	vadd.f32 v0, v17;
	v16 =	vadd.f32 v16, v3  }
0x18d: {  	_ = 	snop  }
0x18e: {  	v0 =	vadd.f32 v34, v50;
	_ =	sdelay $0x1  }
0x18f: {  	v0 =	vadd.f32 v0, v0  }
0x190: {  	v55 =	vld [tilespmem:s11+$0xFFFFFFC0]  }
0x191: {  	v54 =	vld [tilespmem:s11+$0xFFFFFFD0];
	v0 =	vmul.f32 $1.442695020e+00, v0  }
0x192: {  	v57 =	vld [tilespmem:s11+$0xFFFFFFE0];
	v3 =	vadd.f32 v25, v16  }
0x193: {  	(erf) = vpow2.f32 v0;
	v0 =	vld [tilespmem:$0x1FFB0]  }
0x194: {  	v16 =	vperm.xlane v3, v8  }
0x195: {  	v63 =	vld [tilespmem:s11+$0xFFFFFFF0]  }
0x196: {  	v17 =	vmul.f32 v55, v62;
	v3 =	vadd.f32 v3, v16;
	v16 =	vmul.f32 v54, v13  }
0x197: {  	v50 =	vld [tilespmem:s11+$0x0]  }
0x198: {  	v16 =	vadd.f32 v16, v17;
	v17 =	vmul.f32 v57, v61;
	v0 =	vperm.xlane v3, v0  }
0x199: {  	v51 =	vld [tilespmem:s11+$0x10]  }
0x19a: {  	v0 =	vadd.f32 v3, v0;
	v3 =	vadd.f32 v17, v16;
	v16 =	vmul.f32 v63, v44  }
0x19b: {  	v1 =	vmovc v15;
	v15 =	vmov v61;
	v28 =	vmax.f32 v28, v43;
	v10 =	vmov v62;
	[tilespmem:$0x1FE20] =	vst v12;
	v61 =	vld [tilespmem:s11+$0x20]  }
0x19c: {  	[tilespmem:$0x1FE30] =	vst v33;
	v62 =	vld [tilespmem:s11+$0x30];
	v17 =	vperm.xlane v0, v11;
	v3 =	vadd.f32 v16, v3;
	v16 =	vmul.f32 v50, v7  }
0x19d: {  	v22 =	vmax.f32 v22, v45;
	v20 =	vmax.f32 v20, v52;
	v21 =	vmax.f32 v21, v39;
	p4 =	sgt.s32 s9, $0x3;
	[tilespmem:$0x1FE40] =	vst v29  }
.Ltmp11:
0x19e: {  	[tilespmem:$0x1FE50] =	vst v37;
	v53 =	vpop (erf);
	v0 =	vadd.f32 v0, v17;
	v3 =	vadd.f32 v16, v3;
	v16 =	vmul.f32 v51, v14;
	(pc) =	sbr.rel @!p4 .LBB2_12-.Ltmp11, $4  }
0x19f: {  	[tilespmem:$0x1FE60] =	vst v24;
	v31 =	vmax.f32 v31, v55;
	v30 =	vmax.f32 v30, v54;
	v18 =	vadd.f32 $1.000000000e+00, v53  }
0x1a0: {  	[tilespmem:$0x1FE70] =	vst v2;
	v17 =	vperm.xlane v0, v9;
	v3 =	vadd.f32 v16, v3;
	v16 =	vmul.f32 v61, v48  }
0x1a1: {  	[tilespmem:$0x1FE80] =	vst v4;
	v27 =	vmax.f32 v27, v57;
	v26 =	vmax.f32 v26, v63;
	v25 =	vmul.f32 v62, v1  }
0x1a2: {  	s14 =	sadd.s32 $0x80, s11;
	p2 =	por $0x1, $0x1;
	[tilespmem:$0x1FE90] =	vst v53;
	(erf) = vrcp.f32 v18;
	v34 =	vadd.f32 v0, v17;
	v16 =	vadd.f32 v16, v3  }
0x1a3: {  	v0 =	vld [tilespmem:$0x1FF60];
	_ =	sdelay $0x4  }
0x1a4: {  	v0 =	vadd.f32 v34, v0;
	_ =	sdelay $0x1  }
0x1a5: {  	v0 =	vadd.f32 v0, v0  }
0x1a6: {  	v35 =	vld [tilespmem:s14+$0xFFFFFFC0]  }
0x1a7: {  	v58 =	vmov v36;
	v36 =	vld [tilespmem:s14+$0xFFFFFFD0];
	v0 =	vmul.f32 $1.442695020e+00, v0  }
0x1a8: {  	v47 =	vld [tilespmem:s14+$0xFFFFFFE0];
	v3 =	vadd.f32 v25, v16  }
0x1a9: {  	v18 =	vadd.f32 $-1.000000000e+00, v53;
	(erf) = vpow2.f32 v0;
	v0 =	vld [tilespmem:$0x1FFB0]  }
0x1aa: {  	v4 =	vmov v19;
	v25 =	vmov v1;
	v1 =	vld [tilespmem:$0x1FEB0];
	v16 =	vperm.xlane v3, v8;
	v19 =	vpop (erf)  }
0x1ab: {  	v32 =	vld [tilespmem:s14+$0xFFFFFFF0];
	v59 =	vmul.f32 v19, v18  }
0x1ac: {  	v17 =	vmul.f32 v35, v10;
	v3 =	vadd.f32 v3, v16;
	v16 =	vmul.f32 v36, v13  }
0x1ad: {  	v28 =	vmax.f32 v28, v50;
	v42 =	vld [tilespmem:s14+$0x0];
	v18 =	vmul.f32 v59, v12  }
0x1ae: {  	v16 =	vadd.f32 v16, v17;
	v17 =	vmul.f32 v47, v15;
	v19 =	vmovc v44;
	v0 =	vperm.xlane v3, v0  }
0x1af: {  	v22 =	vmax.f32 v22, v51;
	v40 =	vld [tilespmem:s14+$0x10];
	v12 =	vmovc v14;
	v14 =	vmov v19;
	v19 =	vadd.f32 v18, v1  }
0x1b0: {  	v1 =	vld [tilespmem:$0x1FEA0];
	v0 =	vadd.f32 v3, v0;
	v3 =	vadd.f32 v17, v16;
	v16 =	vmul.f32 v32, v44  }
0x1b1: {  	v56 =	vmovc v2;
	v20 =	vmax.f32 v20, v61;
	v21 =	vmax.f32 v21, v62;
	v31 =	vmax.f32 v31, v35;
	v44 =	vld [tilespmem:s14+$0x20]  }
0x1b2: {  	v2 =	vmovc v23;
	v17 =	vperm.xlane v0, v11;
	v3 =	vadd.f32 v16, v3;
	v16 =	vmul.f32 v42, v7  }
0x1b3: {  	v8 =	vmovc v13;
	v30 =	vmax.f32 v30, v36;
	v13 =	vmovc v11;
	v23 =	vmul.f32 v59, v37;
	v11 =	vmov v48  }
0x1b4: {  	v48 =	vld [tilespmem:s14+$0x30];
	v53 =	vpop (erf);
	v0 =	vadd.f32 v0, v17;
	v16 =	vadd.f32 v16, v3;
	v17 =	vmul.f32 v40, v12  }
0x1b5: {  	p4 =	sgt.s32 s9, $0x4;
	v29 =	vmul.f32 v59, v29;
	v3 =	vadd.f32 v23, v1;
	v23 =	vadd.f32 $1.000000000e+00, v53  }
.Ltmp12:
0x1b6: {  	v18 =	vperm.xlane v0, v9;
	v16 =	vadd.f32 v17, v16;
	v17 =	vmul.f32 v44, v11;
	(pc) =	sbr.rel @!p4 .LBB2_14-.Ltmp12, $4  }
0x1b7: {  	v27 =	vmax.f32 v27, v47;
	v33 =	vmul.f32 v59, v33;
	v37 =	vmul.f32 v59, v24  }
0x1b8: {  	v26 =	vmax.f32 v26, v32;
	v15 =	vmovc v25;
	v24 =	vmul.f32 v59, v56;
	(erf) = vrcp.f32 v23  }
0x1b9: {  	v56 =	vmovc v46;
	v46 =	vld [tilespmem:$0x1FE80];
	v25 =	vmul.f32 v48, v25;
	v34 =	vadd.f32 v0, v18;
	v0 =	vmul.f32 v59, v58  }
0x1ba: {  	s11 =	simm.s32 $0x4;
	p3 =	por $0x1, $0x1;
	[tilespmem:$0x1FDF0] =	vst v58;
	s14 =	sadd.s32 $0x80, s14;
	v16 =	vadd.f32 v17, v16;
	v58 =	vmovc v60;
	v60 =	vld [tilespmem:$0x1FEF0];
	v23 =	vmovc v6;
	v18 =	vmov v2;
	v17 =	vmov v4  }
.LBB2_15:
0x1bb: {  	v2 =	vld [tilespmem:$0x1FF60];
	_ =	sdelay $0x4  }
0x1bc: {  	v34 =	vadd.f32 v34, v2;
	_ =	sdelay $0x1  }
0x1bd: {  	v58 =	vadd.f32 v33, v58;
	v6 =	vld [tilespmem:$0x1FFD0];
	v33 =	vadd.f32 v34, v34;
	_ =	sdelay $0x1  }
0x1be: {  	v18 =	vadd.f32 v0, v18;
	v0 =	vmul.f32 $1.442695020e+00, v33  }
0x1bf: {  	v1 =	vld [tilespmem:s14+$0xFFFFFFC0];
	v16 =	vadd.f32 v25, v16  }
0x1c0: {  	(erf) = vpow2.f32 v0;
	v0 =	vld [tilespmem:$0x1FFB0]  }
0x1c1: {  	v4 =	vld [tilespmem:s14+$0xFFFFFFD0];
	v56 =	vadd.f32 v29, v56;
	v29 =	vmul.f32 v59, v46;
	v59 =	vperm.xlane v16, v6  }
0x1c2: {  	v28 =	vmax.f32 v28, v42;
	v22 =	vmax.f32 v22, v40;
	v2 =	vmov v47;
	v47 =	vld [tilespmem:s14+$0xFFFFFFE0]  }
0x1c3: {  	v20 =	vmax.f32 v20, v44;
	v6 =	vmovc v45;
	v45 =	vmovc v51;
	v51 =	vmov v40;
	v40 =	vld [tilespmem:$0x1FF70];
	v16 =	vadd.f32 v16, v59  }
0x1c4: {  	v21 =	vmax.f32 v21, v48;
	v25 =	vmovc v41;
	v60 =	vadd.f32 v37, v60;
	v41 =	vmovc v63;
	v63 =	vmov v32;
	v32 =	vld [tilespmem:s14+$0xFFFFFFF0]  }
0x1c5: {  	v17 =	vadd.f32 v24, v17;
	v24 =	vmovc v43;
	v43 =	vmovc v50;
	v50 =	vmov v42;
	v42 =	vld [tilespmem:s14+$0x0];
	v0 =	vperm.xlane v16, v0  }
0x1c6: {  	v23 =	vadd.f32 v29, v23;
	v29 =	vmul.f32 v1, v10;
	v37 =	vmul.f32 v4, v8  }
0x1c7: {  	v46 =	vmovc v52;
	v31 =	vmax.f32 v31, v1;
	v59 =	vadd.f32 $-1.000000000e+00, v53;
	v0 =	vadd.f32 v16, v0  }
0x1c8: {  	v30 =	vmax.f32 v30, v4;
	v29 =	vadd.f32 v37, v29;
	v52 =	vpop (erf);
	v33 =	vmul.f32 v47, v40;
	v40 =	vld [tilespmem:s14+$0x10]  }
0x1c9: {  	v26 =	vmax.f32 v26, v32;
	v59 =	vmul.f32 v52, v59;
	v53 =	vperm.xlane v0, v13  }
0x1ca: {  	v37 =	vmul.f32 v42, v7;
	v16 =	vadd.f32 v33, v29;
	v29 =	vmul.f32 v32, v14  }
0x1cb: {  	v52 =	vmovc v61;
	v61 =	vmov v44;
	v44 =	vld [tilespmem:s14+$0x20];
	v27 =	vmax.f32 v27, v47;
	v34 =	vmul.f32 v59, v39  }
0x1cc: {  	s11 =	sadd.s32 $0x1, s11;
	v39 =	vmovc v62;
	v62 =	vmovc v48;
	v7 =	vmul.f32 v59, v5;
	v5 =	vmov v55;
	v48 =	vld [tilespmem:s14+$0x30];
	v16 =	vadd.f32 v29, v16  }
0x1cd: {  	p4 =	slt.s32 s11, s9;
	v19 =	vadd.f32 v34, v19;
	v34 =	vmul.f32 v40, v12;
	v0 =	vadd.f32 v0, v53;
	v53 =	vpop (erf)  }
.Ltmp13:
0x1ce: {  	v55 =	vmovc v35;
	v35 =	vmovc v1;
	v33 =	vmul.f32 v59, v49;
	v16 =	vadd.f32 v37, v16;
	v49 =	vadd.f32 $1.000000000e+00, v53;
	(pc) =	sbr.rel @p4 .LBB2_15-.Ltmp13, $4  }
0x1cf: {  	v3 =	vadd.f32 v7, v3;
	v29 =	vmul.f32 v59, v38;
	v38 =	vmovc v54;
	v1 =	vperm.xlane v0, v9  }
0x1d0: {  	v54 =	vmovc v36;
	v37 =	vmul.f32 v59, v25;
	v7 =	vadd.f32 v34, v16;
	v16 =	vmul.f32 v44, v11  }
0x1d1: {  	v36 =	vmovc v4;
	v25 =	vmul.f32 v48, v15;
	v34 =	vadd.f32 v0, v1;
	v0 =	vmul.f32 v59, v24  }
0x1d2: {  	s14 =	sadd.s32 $0x80, s14;
	v24 =	vmul.f32 v59, v6;
	v16 =	vadd.f32 v16, v7;
	v7 =	vld [tilespmem:$0x1FF20];
	(erf) = vrcp.f32 v49;
	v49 =	vmovc v57;
	v57 =	vmovc v2  }
.Ltmp14:
0x1d3: {  	v1 =	vmovc v41;
	v2 =	vmov v43;
	v4 =	vmov v45;
	v6 =	vmov v52;
	(pc) =	sbr.rel .LBB2_17-.Ltmp14, $4  }
0x1d4: {  	v7 =	vmovc v39;
	v14 =	vmovc v5;
	v41 =	vmov v32;
	v43 =	vmov v50;
	v52 =	vmov v61;
	v61 =	vld [tilespmem:$0x1FF70]  }
0x1d5: {  	[tilespmem:$0x1FE00] =	vst v38;
	v45 =	vmovc v51;
	v39 =	vmovc v62;
	v32 =	vmov v55;
	v11 =	vmov v13;
	v13 =	vmov v8;
	v8 =	vld [tilespmem:$0x1FFD0]  }
0x1d6: {  	[tilespmem:$0x1FE10] =	vst v49;
	v5 =	vmovc v35;
	v35 =	vmovc v54;
	v38 =	vmov v36;
	v49 =	vmov v57;
	v62 =	vmov v10;
	v50 =	vld [tilespmem:$0x1FF60]  }
0x1d7: {  	v36 =	vld [tilespmem:$0x1FDF0];
	v51 =	vmovc v2;
	v55 =	vmovc v6;
	v54 =	vmov v4;
	v57 =	vmov v1;
	v12 =	vmov v7  }
.LBB2_10:
0x1d8: {  	_ = 	snop  }
0x1d9: {  	_ = 	snop  }
0x1da: {  	_ = 	snop  }
0x1db: {  	_ = 	snop  }
0x1dc: {  	_ = 	snop  }
.Ltmp15:
0x1dd: {  	(pc) =	sbr.rel .LBB2_17-.Ltmp15, $4  }
0x1de: {  	v47 =	vmovc v49;
	v42 =	vmov v43;
	v40 =	vmov v45;
	v44 =	vmov v52  }
0x1df: {  	v48 =	vmovc v39;
	v63 =	vmovc v24;
	v43 =	vmov v36;
	v45 =	vmov v2;
	v52 =	vmov v4  }
0x1e0: {  	v39 =	vmovc v12;
	v32 =	vmovc v37;
	v35 =	vmov v29;
	v49 =	vmov v33;
	v17 =	vmov v19;
	v19 =	vld [tilespmem:$0x1FEB0]  }
0x1e1: {  	v56 =	vmovc v46;
	v58 =	vmovc v60;
	v60 =	vmov v10;
	v18 =	vmov v23;
	v23 =	vmov v6;
	v3 =	vld [tilespmem:$0x1FEA0]  }
.LBB2_12:
0x1e2: {  	v44 =	vmov v41;
	v32 =	vmov v5  }
.Ltmp16:
0x1e3: {  	v35 =	vmovc v38;
	v56 =	vmovc v46;
	v5 =	vmov v29;
	v47 =	vmov v57;
	v42 =	vmov v50;
	(pc) =	sbr.rel .LBB2_17-.Ltmp16, $4  }
0x1e4: {  	v58 =	vmovc v60;
	v3 =	vmovc v33;
	v57 =	vmov v24;
	v40 =	vmov v51;
	v60 =	vld [tilespmem:$0x1FEF0];
	v14 =	vmov v37  }
0x1e5: {  	v18 =	vmovc v23;
	v17 =	vmovc v19;
	v41 =	vmov v63;
	v23 =	vmov v6;
	v51 =	vmov v36;
	v19 =	vld [tilespmem:$0x1FEB0]  }
0x1e6: {  	v48 =	vmovc v62;
	v38 =	vmovc v54;
	v54 =	vmov v2;
	v50 =	vld [tilespmem:$0x1FF60];
	v62 =	vmov v10;
	v63 =	vmov v44;
	[tilespmem:$0x1FE00] =	vst v5  }
0x1e7: {  	[tilespmem:$0x1FE10] =	vst v3;
	v3 =	vld [tilespmem:$0x1FEA0];
	v44 =	vmovc v61;
	v5 =	vmovc v55;
	v55 =	vmov v4;
	v61 =	vmov v15;
	v15 =	vmov v1  }
.LBB2_14:
0x1e8: {  	v56 =	vld [tilespmem:$0x1FF00]  }
0x1e9: {  	v46 =	vld [tilespmem:$0x1FE80]  }
0x1ea: {  	v58 =	vld [tilespmem:$0x1FF10]  }
0x1eb: {  	v60 =	vld [tilespmem:$0x1FEF0]  }
0x1ec: {  	v18 =	vld [tilespmem:$0x1FEE0]  }
0x1ed: {  	v17 =	vld [tilespmem:$0x1FED0]  }
.Ltmp17:
0x1ee: {  	v14 =	vmovc v41;
	v2 =	vmovc v43;
	v4 =	vmov v45;
	v6 =	vmov v52;
	v7 =	vmov v39;
	v23 =	vld [tilespmem:$0x1FEC0];
	(pc) =	sbr.rel .LBB2_17-.Ltmp17, $4  }
0x1ef: {  	v1 =	vmovc v5;
	v41 =	vmovc v32;
	v43 =	vmov v50;
	v45 =	vmov v51;
	v52 =	vmov v61;
	v61 =	vld [tilespmem:$0x1FF70]  }
0x1f0: {  	[tilespmem:$0x1FE00] =	vst v38;
	v39 =	vmovc v62;
	v32 =	vmovc v55;
	v5 =	vmov v35;
	v11 =	vmov v13;
	v13 =	vmov v8;
	v8 =	vld [tilespmem:$0x1FFD0]  }
0x1f1: {  	[tilespmem:$0x1FE10] =	vst v49;
	v35 =	vmovc v54;
	v38 =	vmovc v36;
	v49 =	vmov v57;
	v62 =	vmov v10;
	v50 =	vld [tilespmem:$0x1FF60];
	v51 =	vmov v2  }
0x1f2: {  	v36 =	vld [tilespmem:$0x1FDF0];
	v55 =	vmovc v6;
	v54 =	vmovc v4;
	v57 =	vmov v14;
	v12 =	vmov v7;
	v14 =	vmov v1  }
.LBB2_19:
0x1f3: {  	s0 =	sadd.s32 $0x4, s26  }
0x1f4: {  	p1 =	sge.s32 s0, s17  }
0x1f5: {  	s0 =	sshll.u32 @!p1 s0, $0x7  }
0x1f6: {  	s0 =	sadd.s32 @!p1 s16, s0  }
0x1f7: {  	p2 =	slt.s32 @!p1 s0, $0x4E180  }
0x1f8: {  	p2 =	por !p2, p1  }
0x1f9: {  	s0 =	simm.s32 @p2 $0x4E180  }
0x1fa: {  	s0 =	sshll.u32 @!p1 s0, $0x4  }
0x1fb: {  	s0 =	sand.u32 @!p1 $0x1FFFFFF0, s0  }
0x1fc: {  	s14 =	sor.u32 $0x1, s26;
	s3 =	simm.s32 @!p1 $0x0;
	s0 =	sadd.s32 @!p1 s1, s0  }
0x1fd: {  	[tilespmem:s3], [sflag:$0x2] =	stream.linear.gather @!p1 [hbm4b:s0+s3], $0x4000, $0x38;
	[tilespmem:$0x10A00] =	vst v63  }
.Ltmp18:
0x1fe: {  	p1 =	sge.s32 s14, s17;
	(pc) =	sbr.rel .LBB2_20-.Ltmp18, $4  }
0x1ff: {  	s3 =	simm.s32 @!p1 $0x3  }
0x200: {  	s31 =	sshra.s32 s29, $0x2;
	s0 =	sshll.u32 s14, $0x7;
	_ =	swait.ge @!p1 [sflag:s3], $0x4000  }
0x201: {  	s5 =	sadd.s32 $0x4000, s31;
	s30 =	sadd.s32 s16, s0;
	[sflag:s3] =	ssyncset.done @!p1 $0x0  }
0x202: {  	s0 =	simm.s32 $0x0;
	s29 =	sadd.s32 $0x80, s30;
	[sflag:s3] =	ssyncadd.s32 @!p1 $0xFFFFC000  }
.LBB2_22:
0x203: {  	_ = 	snop  }
0x204: {  	_ = 	snop  }
0x205: {  	_ = 	snop  }
0x206: {  	_ = 	snop  }
0x207: {  	_ = 	snop  }
0x208: {  	_ = 	snop  }
0x209: {  	_ = 	snop  }
0x20a: {  	_ = 	snop  }
0x20b: {  	v3 =	vld [tilespmem:$0x1FD80]  }
0x20c: {  	v47 =	vmovc v33;
	v42 =	vmovc v36;
	v40 =	vmov v12;
	v41 =	vmov v46;
	v44 =	vmov v9;
	v23 =	vld [tilespmem:$0x1FD90]  }
0x20d: {  	v19 =	vmovc v45;
	v38 =	vmovc v37;
	v5 =	vmov v18;
	v18 =	vld [tilespmem:$0x1FD70];
	v10 =	vmov v48;
	v48 =	vmov v29  }
.LBB2_31:
0x20e: {  	_ =	sdelay $0x1  }
0x20f: {  	v0 =	vadd.f32 v25, v16  }
0x210: {  	v2 =	vld [tilespmem:$0x1FFB0]  }
0x211: {  	v1 =	vperm.xlane v0, v8;
	_ =	sdelay $0x1  }
0x212: {  	v0 =	vadd.f32 v0, v1  }
0x213: {  	v1 =	vadd.f32 @p1 v34, v50  }
0x214: {  	v2 =	vperm.xlane v0, v2  }
0x215: {  	v1 =	vadd.f32 @p1 v1, v1  }
0x216: {  	v0 =	vadd.f32 v0, v2  }
0x217: {  	v1 =	vmul.f32 @p1 $1.442695020e+00, v1  }
0x218: {  	v2 =	vperm.xlane v0, v11  }
0x219: {  	(erf) = vpow2.f32 @p1 v1  }
0x21a: {  	v0 =	vadd.f32 v0, v2;
	_ =	sdelay $0x1  }
0x21b: {  	v34 =	vperm.xlane v0, v6;
	_ =	sdelay $0x1  }
0x21c: {  	v0 =	vadd.f32 v0, v34;
	_ =	sdelay $0x1  }
0x21d: {  	v0 =	vadd.f32 v0, v50  }
0x21e: {  	v1 =	vpop @p2 (erf)  }
0x21f: {  	v2 =	vpop @p1 (erf);
	v0 =	vadd.f32 v0, v0  }
0x220: {  	v4 =	vadd.f32 @p1 $1.000000000e+00, v2  }
0x221: {  	v0 =	vmul.f32 $1.442695020e+00, v0  }
0x222: {  	(erf) = vrcp.f32 @p1 v4  }
0x223: {  	(erf) = vpow2.f32 v0;
	v0 =	vadd.f32 @p2 $-1.000000000e+00, v53;
	_ =	sdelay $0x1  }
0x224: {  	v0 =	vmul.f32 @p2 v1, v0;
	_ =	sdelay $0x1  }
0x225: {  	v8 =	vmul.f32 @p2 v0, v12;
	v12 =	vld [tilespmem:$0x1FCC0];
	_ =	sdelay $0x4  }
0x226: {  	v16 =	vadd.f32 @p3 v24, v17;
	v17 =	vmul.f32 @p2 v0, v12;
	v12 =	vld [tilespmem:$0x1FD40];
	_ =	sdelay $0x3  }
0x227: {  	v5 =	vadd.f32 @p2 v8, v5;
	v8 =	vmov @p1 v63  }
0x228: {  	v8 =	vpsel p1, v8, v12;
	v12 =	vld [tilespmem:$0x1FD50];
	_ =	sdelay $0x3  }
0x229: {  	v24 =	vmov @p1 v51  }
0x22a: {  	v24 =	vpsel p1, v24, v12;
	v12 =	vld [tilespmem:$0x1FD60];
	_ =	sdelay $0x4  }
0x22b: {  	v2 =	vpsel p1, v2, v12;
	v12 =	vld [tilespmem:$0x1FD30];
	_ =	sdelay $0x4  }
0x22c: {  	v32 =	vpsel p1, v32, v12;
	v12 =	vld [tilespmem:$0x1FCD0];
	_ =	sdelay $0x4  }
0x22d: {  	v34 =	vmul.f32 @p2 v0, v12;
	v12 =	vld [tilespmem:$0x1FD20];
	_ =	sdelay $0x4  }
0x22e: {  	v35 =	vpsel p1, v35, v12;
	v12 =	vld [tilespmem:$0x1FCE0];
	_ =	sdelay $0x3  }
0x22f: {  	v9 =	vmov v6;
	v6 =	vadd.f32 @p3 v33, v58;
	v58 =	vld [tilespmem:$0x1FDD0]  }
0x230: {  	v7 =	vadd.f32 @p3 v37, v60;
	v4 =	vmul.f32 @p3 v59, v46;
	v37 =	vmul.f32 @p2 v0, v12;
	v12 =	vld [tilespmem:$0x1FCB0];
	_ =	sdelay $0x1  }
0x231: {  	v4 =	vadd.f32 @p3 v4, v23;
	v23 =	vmovc @p1 v43;
	v1 =	vadd.f32 @p3 v29, v56;
	v34 =	vpsel p2, v34, v0  }
0x232: {  	v33 =	vmov @p2 v13;
	v23 =	vpsel p1, v23, v36;
	v36 =	vmov @p2 v54  }
0x233: {  	v60 =	vld [tilespmem:$0x1FDC0];
	v43 =	vmovc @p2 v55;
	v33 =	vmul.f32 @p2 v0, v33;
	v1 =	vpsel p3, v1, v58;
	v36 =	vmul.f32 @p2 v0, v36  }
0x234: {  	v43 =	vmul.f32 @p2 v0, v43;
	v17 =	vadd.f32 @p2 v17, v18;
	v1 =	vadd.f32 @p2 v34, v1;
	v34 =	vmovc @p2 v12  }
0x235: {  	v18 =	vpop @p1 (erf);
	v2 =	vadd.f32 @p1 $-1.000000000e+00, v2;
	v34 =	vpsel p2, v34, v0;
	v0 =	vpsel p2, v0, v0  }
0x236: {  	v25 =	vpop (erf);
	v0 =	vmul.f32 @p2 v0, v34  }
0x237: {  	v29 =	vmov @p1 v52;
	v52 =	vld [tilespmem:$0x1FD70];
	v56 =	vadd.f32 $1.000000000e+00, v25;
	v2 =	vmul.f32 @p1 v18, v2  }
0x238: {  	v7 =	vpsel p3, v7, v60;
	v53 =	vld [tilespmem:$0x1FD10];
	v18 =	vpsel p2, v33, v0  }
0x239: {  	(erf) = vrcp.f32 v56;
	v12 =	vld [tilespmem:$0x1FD90];
	v7 =	vadd.f32 @p2 v18, v7;
	v18 =	vmul.f32 @p1 v2, v32;
	_ =	sdelay $0x1  }
0x23a: {  	v59 =	vld [tilespmem:$0x1FDE0]  }
0x23b: {  	v17 =	vpsel p2, v17, v52  }
0x23c: {  	v34 =	vpsel p2, v37, v0;
	v17 =	vadd.f32 @p1 v18, v17;
	v18 =	vmov @p1 v49  }
0x23d: {  	v63 =	vld [tilespmem:$0x1FD80];
	v33 =	vpsel p2, v36, v0;
	v4 =	vpsel p3, v4, v12;
	v18 =	vpsel p1, v18, v53  }
0x23e: {  	v32 =	vpsel p2, v43, v0;
	v0 =	vadd.f32 @p2 v0, v4;
	v18 =	vmul.f32 @p1 v2, v18  }
0x23f: {  	v3 =	vadd.f32 @p3 v45, v3;
	v6 =	vpsel p3, v6, v59  }
0x240: {  	v6 =	vadd.f32 @p2 v34, v6;
	v4 =	vmovc @p1 v8;
	v8 =	vadd.f32 $-1.000000000e+00, v25;
	v18 =	vpsel p1, v18, v0  }
0x241: {  	v54 =	vpop (erf)  }
0x242: {  	v3 =	vpsel p3, v3, v63;
	v6 =	vpsel p2, v6, v59;
	v8 =	vmul.f32 v54, v8  }
0x243: {  	v51 =	vld [tilespmem:$0x1FDA0];
	v3 =	vadd.f32 @p2 v33, v3;
	v4 =	vmul.f32 @p1 v2, v4;
	v6 =	vadd.f32 @p1 v18, v6;
	v18 =	vmovc @p1 v23  }
0x244: {  	v7 =	vpsel p2, v7, v60;
	v19 =	vmul.f32 v8, v19;
	v18 =	vmul.f32 @p1 v2, v18  }
0x245: {  	v3 =	vpsel p2, v3, v63;
	v17 =	vpsel p1, v17, v52;
	v4 =	vpsel p1, v4, v0  }
0x246: {  	v4 =	vadd.f32 @p1 v4, v7;
	v7 =	vadd.f32 v19, v17;
	v17 =	vpsel p1, v18, v0  }
0x247: {  	v25 =	vmul.f32 @p1 v2, v35;
	v3 =	vadd.f32 @p1 v17, v3;
	v17 =	vmul.f32 v8, v47  }
0x248: {  	v16 =	vpsel p3, v16, v51  }
0x249: {  	v1 =	vpsel p2, v1, v58;
	v16 =	vadd.f32 @p2 v32, v16;
	v25 =	vpsel p1, v25, v0  }
0x24a: {  	v1 =	vadd.f32 @p1 v25, v1;
	v6 =	vpsel p1, v6, v59;
	[tilespmem:s3+$0x10200] =	vst v7;
	v7 =	vmul.f32 v8, v41  }
0x24b: {  	v56 =	vmul.f32 v8, v38;
	v4 =	vpsel p1, v4, v60;
	v6 =	vadd.f32 v17, v6;
	v17 =	vmovc @p1 v24  }
0x24c: {  	v1 =	vpsel p1, v1, v58;
	v4 =	vadd.f32 v7, v4;
	v7 =	vmul.f32 @p1 v2, v17  }
0x24d: {  	v55 =	vld [tilespmem:$0x1FD00];
	v1 =	vadd.f32 v56, v1  }
0x24e: {  	[tilespmem:s3+$0x10220] =	vst v6;
	v6 =	vpsel p2, v16, v51;
	v7 =	vpsel p1, v7, v0  }
0x24f: {  	[tilespmem:s3+$0x10600] =	vst v31;
	v6 =	vadd.f32 @p1 v7, v6  }
0x250: {  	[tilespmem:s3+$0x10610] =	vst v30;
	v29 =	vpsel p1, v29, v57;
	v58 =	vmul.f32 v8, v44  }
0x251: {  	v60 =	vmax.f32 v20, v44;
	v23 =	vmovc @p1 v39;
	[tilespmem:s3+$0x10210] =	vst v1;
	v1 =	vmov @p1 v29;
	v57 =	vpsel p1, v6, v51;
	v6 =	vld [tilespmem:$0x1FDB0]  }
0x252: {  	[tilespmem:s3+$0x10620] =	vst v27;
	v23 =	vpsel p1, v23, v55;
	v1 =	vpsel p1, v1, v0;
	v18 =	vpsel p1, v2, v0  }
0x253: {  	v1 =	vmul.f32 @p1 v18, v1;
	[tilespmem:s3+$0x10230] =	vst v4;
	v4 =	vmul.f32 v8, v40;
	v3 =	vpsel p1, v3, v63  }
0x254: {  	[tilespmem:s3+$0x10630] =	vst v26;
	v63 =	vmax.f32 v21, v48;
	v16 =	vmul.f32 v8, v42;
	v0 =	vpsel p2, v0, v12  }
0x255: {  	[tilespmem:s3+$0x10660] =	vst v60;
	v17 =	vmax.f32 v28, v42;
	v2 =	vmul.f32 @p1 v2, v23;
	v0 =	vadd.f32 @p1 v1, v0  }
0x256: {  	[tilespmem:s3+$0x10670] =	vst v63;
	v3 =	vadd.f32 v16, v3;
	v1 =	vadd.f32 v4, v57;
	v4 =	vpsel p2, v5, v6  }
0x257: {  	[tilespmem:s3+$0x10640] =	vst v17;
	v0 =	vpsel p1, v0, v12;
	v2 =	vadd.f32 @p1 v2, v4  }
0x258: {  	v59 =	vmul.f32 v8, v48;
	[tilespmem:s3+$0x10240] =	vst v3;
	v0 =	vadd.f32 v58, v0  }
0x259: {  	v13 =	vld [tilespmem:$0x1FF50];
	[tilespmem:s3+$0x10250] =	vst v1;
	v2 =	vpsel p1, v2, v6  }
0x25a: {  	v44 =	vld [tilespmem:$0x1FF30];
	[tilespmem:s3+$0x10260] =	vst v0;
	v4 =	vmax.f32 v22, v40;
	v1 =	vadd.f32 v59, v2  }
0x25b: {  	v8 =	vld [tilespmem:$0x1FFD0];
	[tilespmem:s3+$0x10650] =	vst v4  }
0x25c: {  	v48 =	vmov v10;
	v7 =	vld [tilespmem:$0x1FF20];
	v6 =	vmov v9;
	[tilespmem:s3+$0x10270] =	vst v1  }
.LBB2_32:
0x25d: {  	s0 =	sadd.s32 $0x1, s0  }
0x25e: {  	p1 =	sne.s32 s0, $0x8  }
.Ltmp19:
0x25f: {  	_ = 	snop;
	(pc) =	sbr.rel @!p1 .LBB2_33-.Ltmp19, $1  }
0x260: {  	_ =	sdelay $0x3  }
.LBB2_20:
0x261: {  	v0 =	vld [tilespmem:s0+$0x10100]  }
0x262: {  	v1 =	vld [tilespmem:s0+$0x10101];
	_ =	sdelay $0x3  }
0x263: {  	(v2sf) =	vpush v0, $0x0  }
0x264: {  	(v2sf) =	vpush v1, $0x0;
	_ =	sdelay $0xd  }
0x265: {  	s11 =	spop (v2sf)  }
0x266: {  	s9 =	smov.u32 s30;
	s3 =	spop (v2sf)  }
0x267: {  	s14 =	smov.u32 s29;
	p1 =	sgt.s32 s11, s30;
	p2 =	slt.s32 s3, s29  }
0x268: {  	s9 =	smov.u32 @p1 s11;
	s14 =	smov.u32 @p2 s3  }
0x269: {  	s9 =	ssub.s32 s14, s9  }
0x26a: {  	p1 =	slt.s32 s9, $0x1  }
.Ltmp20:
0x26b: {  	_ = 	snop;
	(pc) =	sbr.rel @p1 .LBB2_32-.Ltmp20, $1  }
0x26c: {  	_ =	sdelay $0x3  }
0x26d: {  	s3 =	sshll.u32 s0, $0x7  }
0x26e: {  	s3 =	sand.u32 $0x3FFFFF80, s3  }
0x26f: {  	v0 =	vld [tilespmem:s3+$0x10200]  }
0x270: {  	p1 =	sgt.s32 s11, s19;
	s14 =	smov.u32 s19;
	v56 =	vld [tilespmem:s3+$0x10210]  }
0x271: {  	s14 =	smov.u32 @p1 s11;
	v58 =	vld [tilespmem:s3+$0x10220]  }
0x272: {  	s11 =	sshll.u32 s14, $0x9;
	v60 =	vld [tilespmem:s3+$0x10230]  }
0x273: {  	v51 =	vld [tilespmem:s3+$0x10240];
	s11 =	sshra.s32 s11, $0x2  }
0x274: {  	v17 =	vld [tilespmem:s3+$0x10250];
	s11 =	sadd.s32 s11, s5  }
0x275: {  	v45 =	vld [tilespmem:s11+$0x0]  }
0x276: {  	v37 =	vld [tilespmem:s11+$0x10]  }
0x277: {  	v52 =	vld [tilespmem:s3+$0x10260]  }
0x278: {  	v33 =	vld [tilespmem:s11+$0x20]  }
0x279: {  	v53 =	vld [tilespmem:s3+$0x10600]  }
0x27a: {  	v46 =	vld [tilespmem:s11+$0x30]  }
0x27b: {  	v3 =	vld [tilespmem:s3+$0x10610];
	v1 =	vmul.f32 v45, v62;
	v2 =	vmul.f32 v37, v13  }
0x27c: {  	v36 =	vld [tilespmem:s11+$0x40]  }
0x27d: {  	v4 =	vld [tilespmem:s3+$0x10620];
	v54 =	vmul.f32 v33, v61;
	v1 =	vadd.f32 v2, v1  }
0x27e: {  	v12 =	vld [tilespmem:s11+$0x50]  }
0x27f: {  	v18 =	vld [tilespmem:s3+$0x10270];
	v55 =	vmul.f32 v46, v44;
	v1 =	vadd.f32 v54, v1  }
0x280: {  	v9 =	vld [tilespmem:s11+$0x60];
	[tilespmem:$0x1FD70] =	vst v0  }
0x281: {  	v5 =	vld [tilespmem:s3+$0x10630];
	[tilespmem:$0x1FD80] =	vst v51;
	v57 =	vmul.f32 v36, v7;
	v1 =	vadd.f32 v55, v1  }
0x282: {  	p4 =	sgt.s32 s9, $0x1;
	v29 =	vld [tilespmem:s11+$0x70];
	[tilespmem:$0x1FD90] =	vst v52  }
.Ltmp21:
0x283: {  	[tilespmem:$0x1FDA0] =	vst v17;
	v59 =	vmul.f32 v12, v14;
	v1 =	vadd.f32 v57, v1;
	(pc) =	sbr.rel @!p4 .LBB2_22-.Ltmp21, $4  }
0x284: {  	v28 =	vld [tilespmem:s3+$0x10640];
	[tilespmem:$0x1FDB0] =	vst v18  }
0x285: {  	v22 =	vld [tilespmem:s3+$0x10650];
	[tilespmem:$0x1FDC0] =	vst v60;
	v63 =	vmul.f32 v9, v48;
	v1 =	vadd.f32 v59, v1  }
0x286: {  	p2 =	por $0x0, $0x0;
	v20 =	vld [tilespmem:s3+$0x10660];
	[tilespmem:$0x1FDD0] =	vst v56;
	v31 =	vmax.f32 v53, v45;
	v30 =	vmax.f32 v3, v37;
	v27 =	vmax.f32 v4, v33  }
0x287: {  	p3 =	por $0x0, $0x0;
	p1 =	por $0x0, $0x0;
	v21 =	vld [tilespmem:s3+$0x10670];
	s11 =	sadd.s32 $0x80, s11;
	[tilespmem:$0x1FDE0] =	vst v58;
	v26 =	vmax.f32 v5, v46;
	v25 =	vmul.f32 v29, v15;
	v16 =	vadd.f32 v63, v1  }
0x288: {  	v19 =	vld [tilespmem:s11+$0x0]  }
0x289: {  	v38 =	vld [tilespmem:s11+$0x10]  }
0x28a: {  	v49 =	vld [tilespmem:s11+$0x20];
	v0 =	vadd.f32 v25, v16  }
0x28b: {  	v3 =	vld [tilespmem:$0x1FFB0]  }
0x28c: {  	v1 =	vperm.xlane v0, v8  }
0x28d: {  	v41 =	vld [tilespmem:s11+$0x30]  }
0x28e: {  	v2 =	vmul.f32 v19, v62;
	v0 =	vadd.f32 v0, v1;
	v39 =	vmul.f32 v38, v13  }
0x28f: {  	v43 =	vld [tilespmem:s11+$0x40]  }
0x290: {  	v42 =	vmul.f32 v49, v61;
	v3 =	vperm.xlane v0, v3;
	v1 =	vadd.f32 v39, v2  }
0x291: {  	v51 =	vld [tilespmem:s11+$0x50]  }
0x292: {  	v47 =	vmul.f32 v41, v44;
	v0 =	vadd.f32 v0, v3;
	v1 =	vadd.f32 v42, v1  }
0x293: {  	v52 =	vld [tilespmem:s11+$0x60]  }
0x294: {  	v57 =	vmul.f32 v43, v7;
	v3 =	vperm.xlane v0, v11;
	v1 =	vadd.f32 v47, v1  }
0x295: {  	p4 =	sgt.s32 s9, $0x2;
	v28 =	vmax.f32 v28, v36;
	v22 =	vmax.f32 v22, v12;
	v39 =	vld [tilespmem:s11+$0x70]  }
.Ltmp22:
0x296: {  	v59 =	vmul.f32 v51, v14;
	v0 =	vadd.f32 v0, v3;
	v1 =	vadd.f32 v57, v1;
	(pc) =	sbr.rel @!p4 .LBB2_24-.Ltmp22, $4  }
0x297: {  	v20 =	vmax.f32 v20, v9;
	v21 =	vmax.f32 v21, v29;
	v31 =	vmax.f32 v31, v19  }
0x298: {  	v63 =	vmul.f32 v52, v48;
	v3 =	vperm.xlane v0, v6;
	v1 =	vadd.f32 v59, v1  }
0x299: {  	v30 =	vmax.f32 v30, v38;
	v27 =	vmax.f32 v27, v49;
	v26 =	vmax.f32 v26, v41  }
0x29a: {  	p1 =	por $0x1, $0x1;
	s11 =	sadd.s32 $0x80, s11;
	v25 =	vmul.f32 v39, v15;
	v34 =	vadd.f32 v0, v3;
	v16 =	vadd.f32 v63, v1  }
0x29b: {  	_ = 	snop  }
0x29c: {  	v0 =	vadd.f32 v34, v50;
	_ =	sdelay $0x1  }
0x29d: {  	v0 =	vadd.f32 v0, v0  }
0x29e: {  	v55 =	vld [tilespmem:s11+$0x0]  }
0x29f: {  	v54 =	vld [tilespmem:s11+$0x10];
	v0 =	vmul.f32 $1.442695020e+00, v0  }
0x2a0: {  	v57 =	vld [tilespmem:s11+$0x20];
	v1 =	vadd.f32 v25, v16  }
0x2a1: {  	(erf) = vpow2.f32 v0;
	v0 =	vld [tilespmem:$0x1FFB0]  }
0x2a2: {  	v2 =	vperm.xlane v1, v8  }
0x2a3: {  	v63 =	vld [tilespmem:s11+$0x30]  }
0x2a4: {  	v3 =	vmul.f32 v55, v62;
	v1 =	vadd.f32 v1, v2;
	v2 =	vmul.f32 v54, v13  }
0x2a5: {  	v10 =	vmov v50;
	v50 =	vld [tilespmem:s11+$0x40]  }
0x2a6: {  	v2 =	vadd.f32 v2, v3;
	v3 =	vmul.f32 v57, v61;
	v4 =	vperm.xlane v1, v0  }
0x2a7: {  	v0 =	vld [tilespmem:s11+$0x50]  }
0x2a8: {  	v2 =	vadd.f32 v3, v2;
	v3 =	vmul.f32 v63, v44;
	v1 =	vadd.f32 v1, v4  }
0x2a9: {  	[tilespmem:$0x1FCF0] =	vst v9;
	v24 =	vmov v61;
	v28 =	vmax.f32 v28, v43;
	v9 =	vmov v62;
	v61 =	vld [tilespmem:s11+$0x60]  }
0x2aa: {  	[tilespmem:$0x1FD00] =	vst v29;
	v62 =	vld [tilespmem:s11+$0x70];
	v2 =	vadd.f32 v3, v2;
	v3 =	vmul.f32 v50, v7;
	v4 =	vperm.xlane v1, v11  }
0x2ab: {  	v22 =	vmax.f32 v22, v51;
	v20 =	vmax.f32 v20, v52;
	v21 =	vmax.f32 v21, v39;
	p4 =	sgt.s32 s9, $0x3;
	[tilespmem:$0x1FD10] =	vst v33  }
.Ltmp23:
0x2ac: {  	[tilespmem:$0x1FD20] =	vst v37;
	v2 =	vadd.f32 v3, v2;
	v53 =	vpop (erf);
	v3 =	vmul.f32 v0, v14;
	v1 =	vadd.f32 v1, v4;
	(pc) =	sbr.rel @!p4 .LBB2_26-.Ltmp23, $4  }
0x2ad: {  	[tilespmem:$0x1FD30] =	vst v45;
	v31 =	vmax.f32 v31, v55;
	v30 =	vmax.f32 v30, v54;
	v5 =	vadd.f32 $1.000000000e+00, v53  }
0x2ae: {  	[tilespmem:$0x1FD40] =	vst v46;
	v2 =	vadd.f32 v3, v2;
	v3 =	vmul.f32 v61, v48;
	v4 =	vperm.xlane v1, v6  }
0x2af: {  	[tilespmem:$0x1FD50] =	vst v12;
	v27 =	vmax.f32 v27, v57;
	v26 =	vmax.f32 v26, v63;
	v25 =	vmul.f32 v62, v15  }
0x2b0: {  	s14 =	sadd.s32 $0x80, s11;
	p2 =	por $0x1, $0x1;
	[tilespmem:$0x1FD60] =	vst v53;
	(erf) = vrcp.f32 v5;
	v16 =	vadd.f32 v3, v2;
	v34 =	vadd.f32 v1, v4  }
0x2b1: {  	v23 =	vmov v15;
	v15 =	vmov v36;
	v36 =	vld [tilespmem:s14+$0x10]  }
0x2b2: {  	v1 =	vadd.f32 v34, v10;
	v2 =	vadd.f32 v25, v16;
	_ =	sdelay $0x1  }
0x2b3: {  	v35 =	vld [tilespmem:s14+$0x0];
	v1 =	vadd.f32 v1, v1;
	v3 =	vperm.xlane v2, v8  }
0x2b4: {  	v47 =	vld [tilespmem:s14+$0x20]  }
0x2b5: {  	v1 =	vmul.f32 $1.442695020e+00, v1;
	v2 =	vadd.f32 v2, v3;
	v3 =	vmul.f32 v36, v13;
	v13 =	vld [tilespmem:$0x1FFB0];
	_ =	sdelay $0x1  }
0x2b6: {  	v28 =	vmax.f32 v28, v50;
	v32 =	vld [tilespmem:s14+$0x30];
	(erf) = vpow2.f32 v1  }
0x2b7: {  	v22 =	vmax.f32 v22, v0;
	v20 =	vmax.f32 v20, v61;
	v4 =	vmul.f32 v35, v9  }
0x2b8: {  	v42 =	vld [tilespmem:s14+$0x40];
	v5 =	vadd.f32 $-1.000000000e+00, v53;
	v21 =	vmax.f32 v21, v62;
	v25 =	vmovc v12;
	v12 =	vmovc v8;
	v8 =	vmov v6  }
0x2b9: {  	v3 =	vadd.f32 v3, v4;
	v4 =	vmul.f32 v47, v24;
	v6 =	vpop (erf);
	v1 =	vperm.xlane v2, v13  }
0x2ba: {  	v40 =	vld [tilespmem:s14+$0x50];
	v31 =	vmax.f32 v31, v35;
	v30 =	vmax.f32 v30, v36;
	v59 =	vmul.f32 v6, v5  }
0x2bb: {  	v16 =	vld [tilespmem:$0x1FD70];
	v1 =	vadd.f32 v2, v1;
	v2 =	vadd.f32 v4, v3;
	v3 =	vmul.f32 v32, v44  }
0x2bc: {  	v10 =	vmovc v44;
	v27 =	vmax.f32 v27, v47;
	v26 =	vmax.f32 v26, v32;
	v5 =	vmul.f32 v59, v29;
	v44 =	vld [tilespmem:s14+$0x60]  }
0x2bd: {  	v4 =	vperm.xlane v1, v11;
	v2 =	vadd.f32 v3, v2;
	v3 =	vmul.f32 v42, v7  }
0x2be: {  	v24 =	vmovc v48;
	v6 =	vmul.f32 v59, v45;
	v29 =	vmul.f32 v59, v37;
	v5 =	vadd.f32 v5, v18  }
0x2bf: {  	p4 =	sgt.s32 s9, $0x4;
	v48 =	vld [tilespmem:s14+$0x70];
	v1 =	vadd.f32 v1, v4;
	v2 =	vadd.f32 v3, v2;
	v3 =	vmul.f32 v40, v14;
	v53 =	vpop (erf)  }
.Ltmp24:
0x2c0: {  	v37 =	vmul.f32 v59, v46;
	v18 =	vadd.f32 v6, v16;
	v6 =	vadd.f32 $1.000000000e+00, v53;
	(pc) =	sbr.rel @!p4 .LBB2_28-.Ltmp24, $4  }
0x2c1: {  	v46 =	vld [tilespmem:$0x1FCF0];
	v4 =	vperm.xlane v1, v8;
	v2 =	vadd.f32 v3, v2;
	v3 =	vmul.f32 v44, v24  }
0x2c2: {  	[tilespmem:$0x1FCA0] =	vst v15;
	v33 =	vmul.f32 v59, v33;
	v45 =	vmul.f32 v59, v15;
	v15 =	vmovc v10;
	v10 =	vmov v13;
	v13 =	vld [tilespmem:$0x1FF60]  }
0x2c3: {  	(erf) = vrcp.f32 v6;
	v34 =	vadd.f32 v1, v4;
	v1 =	vmovc v24;
	v16 =	vadd.f32 v3, v2;
	v3 =	vld [tilespmem:$0x1FD80]  }
0x2c4: {  	s11 =	simm.s32 $0x4;
	p3 =	por $0x1, $0x1;
	v9 =	vmovc v7;
	s14 =	sadd.s32 $0x80, s14;
	v8 =	vmovc v12;
	v24 =	vmul.f32 v59, v25;
	v25 =	vmul.f32 v48, v23;
	v23 =	vld [tilespmem:$0x1FD90];
	v12 =	vmov v1  }
.LBB2_29:
0x2c5: {  	_ =	sdelay $0x1  }
0x2c6: {  	v16 =	vadd.f32 v25, v16  }
0x2c7: {  	v1 =	vld [tilespmem:s14+$0x0]  }
0x2c8: {  	v56 =	vadd.f32 v29, v56;
	v29 =	vperm.xlane v16, v8;
	v8 =	vld [tilespmem:$0x1FF90];
	_ =	sdelay $0x3  }
0x2c9: {  	v7 =	vld [tilespmem:s14+$0x10]  }
0x2ca: {  	v17 =	vadd.f32 v24, v17;
	v24 =	vmul.f32 v1, v8;
	v8 =	vld [tilespmem:$0x1FF50];
	_ =	sdelay $0x2  }
0x2cb: {  	v2 =	vadd.f32 v34, v13  }
0x2cc: {  	v4 =	vmul.f32 v59, v46;
	v6 =	vmovc v47;
	v28 =	vmax.f32 v28, v42;
	v58 =	vadd.f32 v33, v58;
	v47 =	vld [tilespmem:s14+$0x20]  }
0x2cd: {  	v2 =	vadd.f32 v2, v2;
	v16 =	vadd.f32 v16, v29;
	v29 =	vmul.f32 v7, v8;
	v8 =	vld [tilespmem:$0x1FF70]  }
0x2ce: {  	v22 =	vmax.f32 v22, v40;
	v60 =	vadd.f32 v37, v60;
	v53 =	vadd.f32 $-1.000000000e+00, v53;
	v25 =	vmovc v41  }
0x2cf: {  	v41 =	vmovc v63;
	v3 =	vadd.f32 v45, v3;
	v63 =	vmovc v32;
	v32 =	vld [tilespmem:s14+$0x30];
	v23 =	vadd.f32 v4, v23;
	v46 =	vmul.f32 $1.442695020e+00, v2  }
0x2d0: {  	v4 =	vmov v43;
	v43 =	vmov v50;
	v33 =	vperm.xlane v16, v10;
	v59 =	vpop (erf)  }
0x2d1: {  	v50 =	vmovc v42;
	v42 =	vld [tilespmem:s14+$0x40];
	(erf) = vpow2.f32 v46;
	v2 =	vmovc v51;
	v51 =	vmov v0;
	v59 =	vmul.f32 v59, v53  }
0x2d2: {  	v0 =	vmovc v40;
	v40 =	vld [tilespmem:s14+$0x50];
	v16 =	vadd.f32 v16, v33;
	v24 =	vadd.f32 v29, v24;
	v29 =	vmul.f32 v47, v8  }
0x2d3: {  	v31 =	vmax.f32 v31, v1;
	v45 =	vmul.f32 v59, v19;
	v19 =	vmovc v55;
	v55 =	vmovc v35;
	v35 =	vmov v1;
	v1 =	vld [tilespmem:$0x1FFE0]  }
0x2d4: {  	v33 =	vperm.xlane v16, v11;
	v24 =	vadd.f32 v29, v24;
	v29 =	vmul.f32 v32, v15  }
0x2d5: {  	v20 =	vmax.f32 v20, v44;
	v46 =	vmovc v52;
	v52 =	vmov v61;
	v34 =	vmul.f32 v59, v39  }
0x2d6: {  	v61 =	vmovc v44;
	v44 =	vld [tilespmem:s14+$0x60];
	v37 =	vmul.f32 v42, v9;
	v16 =	vadd.f32 v16, v33;
	v24 =	vadd.f32 v29, v24  }
0x2d7: {  	v5 =	vadd.f32 v34, v5  }
0x2d8: {  	v34 =	vmul.f32 v40, v14;
	v1 =	vperm.xlane v16, v1;
	v24 =	vadd.f32 v37, v24  }
0x2d9: {  	s11 =	sadd.s32 $0x1, s11;
	v21 =	vmax.f32 v21, v48;
	v39 =	vmov v62;
	v62 =	vmov v48;
	v48 =	vld [tilespmem:s14+$0x70]  }
0x2da: {  	p4 =	slt.s32 s11, s9;
	v53 =	vpop (erf);
	v37 =	vmul.f32 v59, v25;
	v25 =	vadd.f32 v34, v24;
	v34 =	vadd.f32 v16, v1;
	v1 =	vld [tilespmem:$0x1FF80]  }
.Ltmp25:
0x2db: {  	v33 =	vmul.f32 v59, v49;
	v49 =	vmul.f32 v44, v12;
	v8 =	vadd.f32 $1.000000000e+00, v53;
	(pc) =	sbr.rel @p4 .LBB2_29-.Ltmp25, $4  }
0x2dc: {  	v30 =	vmax.f32 v30, v7;
	v27 =	vmax.f32 v27, v47;
	v26 =	vmax.f32 v26, v32  }
0x2dd: {  	v18 =	vadd.f32 v45, v18;
	v45 =	vmul.f32 v59, v4;
	(erf) = vrcp.f32 v8  }
0x2de: {  	v29 =	vmul.f32 v59, v38;
	v38 =	vmovc v54;
	v54 =	vmov v36;
	v24 =	vmul.f32 v59, v2  }
0x2df: {  	s14 =	sadd.s32 $0x80, s14;
	v8 =	vld [tilespmem:$0x1FFD0];
	v36 =	vmovc v7;
	v16 =	vadd.f32 v49, v25;
	v49 =	vmovc v57;
	v57 =	vmov v6;
	v25 =	vmul.f32 v48, v1  }
0x2e0: {  	v6 =	vmov v39;
	v39 =	vmov v62;
	v62 =	vld [tilespmem:$0x1FF90]  }
.Ltmp26:
0x2e1: {  	[tilespmem:$0x1FCB0] =	vst v52;
	v15 =	vld [tilespmem:$0x1FF80];
	(pc) =	sbr.rel .LBB2_31-.Ltmp26, $4  }
0x2e2: {  	v2 =	vmov v41;
	v1 =	vmov v43;
	[tilespmem:$0x1FCC0] =	vst v19;
	v52 =	vmov v61;
	v61 =	vld [tilespmem:$0x1FF70]  }
0x2e3: {  	v4 =	vmovc v51;
	[tilespmem:$0x1FCD0] =	vst v38;
	v41 =	vmovc v32;
	v43 =	vmov v50;
	v51 =	vmov v0;
	v38 =	vmov v36;
	v36 =	vld [tilespmem:$0x1FCA0]  }
0x2e4: {  	[tilespmem:$0x1FCE0] =	vst v49;
	v32 =	vmovc v55;
	v19 =	vmovc v35;
	v35 =	vmov v54;
	v49 =	vmov v57;
	v10 =	vmov v12;
	v57 =	vld [tilespmem:$0x1FCF0]  }
0x2e5: {  	v50 =	vmovc v13;
	v55 =	vmovc v4;
	v54 =	vmov v1;
	v12 =	vmov v6;
	v13 =	vmov v2;
	v6 =	vld [tilespmem:$0x1FFE0]  }
.LBB2_24:
0x2e6: {  	_ = 	snop  }
0x2e7: {  	_ = 	snop  }
0x2e8: {  	_ = 	snop  }
0x2e9: {  	_ = 	snop  }
0x2ea: {  	_ = 	snop  }
0x2eb: {  	_ = 	snop  }
.Ltmp27:
0x2ec: {  	(pc) =	sbr.rel .LBB2_31-.Ltmp27, $4  }
0x2ed: {  	_ = 	snop  }
0x2ee: {  	v10 =	vmovc v48;
	v47 =	vmovc v49;
	v42 =	vmov v43;
	v40 =	vmov v51;
	v44 =	vmov v52;
	v3 =	vld [tilespmem:$0x1FD80]  }
0x2ef: {  	v48 =	vmovc v39;
	v63 =	vmovc v46;
	v43 =	vmov v36;
	v51 =	vmov v12;
	v52 =	vmov v9;
	v23 =	vld [tilespmem:$0x1FD90]  }
0x2f0: {  	v39 =	vmovc v29;
	v32 =	vmovc v45;
	v35 =	vmov v37;
	v49 =	vmov v33;
	v5 =	vmov v18;
	v18 =	vld [tilespmem:$0x1FD70]  }
.LBB2_26:
0x2f1: {  	v47 =	vmov v57;
	v57 =	vld [tilespmem:$0x1FCF0]  }
.Ltmp28:
0x2f2: {  	v10 =	vmovc v48;
	v5 =	vmovc v41;
	v32 =	vmov v19;
	v35 =	vmov v38;
	v4 =	vmov v45;
	v23 =	vld [tilespmem:$0x1FD90];
	(pc) =	sbr.rel .LBB2_31-.Ltmp28, $4  }
0x2f3: {  	v1 =	vmovc v29;
	v3 =	vmovc v46;
	v42 =	vmov v50;
	v40 =	vmov v0;
	v0 =	vmov v37;
	v50 =	vld [tilespmem:$0x1FF60];
	[tilespmem:$0x1FCC0] =	vst v4  }
0x2f4: {  	v2 =	vmovc v33;
	v11 =	vmovc v24;
	v41 =	vmov v63;
	v44 =	vmov v61;
	v13 =	vmov v3;
	v3 =	vld [tilespmem:$0x1FD80];
	[tilespmem:$0x1FCD0] =	vst v0  }
0x2f5: {  	v48 =	vmovc v62;
	v19 =	vmovc v55;
	v55 =	vmov v12;
	v38 =	vmov v54;
	[tilespmem:$0x1FCE0] =	vst v2;
	v61 =	vmov v11;
	v11 =	vld [tilespmem:$0x1FFF0]  }
0x2f6: {  	v54 =	vmovc v36;
	v62 =	vmovc v9;
	v63 =	vmov v5;
	v12 =	vmov v1;
	v5 =	vmov v18;
	v18 =	vld [tilespmem:$0x1FD70];
	[tilespmem:$0x1FCB0] =	vst v57  }
.LBB2_28:
0x2f7: {  	v56 =	vld [tilespmem:$0x1FDD0]  }
0x2f8: {  	v1 =	vld [tilespmem:$0x1FCF0]  }
0x2f9: {  	v58 =	vld [tilespmem:$0x1FDE0]  }
0x2fa: {  	v60 =	vld [tilespmem:$0x1FDC0]  }
0x2fb: {  	v3 =	vld [tilespmem:$0x1FD80]  }
0x2fc: {  	v17 =	vld [tilespmem:$0x1FDA0]  }
0x2fd: {  	v23 =	vld [tilespmem:$0x1FD90]  }
.Ltmp29:
0x2fe: {  	[tilespmem:$0x1FCB0] =	vst v52;
	v7 =	vmov v39;
	v39 =	vmov v62;
	v62 =	vld [tilespmem:$0x1FF90];
	(pc) =	sbr.rel .LBB2_31-.Ltmp29, $4  }
0x2ff: {  	v2 =	vmovc v41;
	v4 =	vmovc v43;
	v6 =	vmov v51;
	[tilespmem:$0x1FCC0] =	vst v19;
	v41 =	vmov v32;
	v43 =	vmov v50;
	v15 =	vld [tilespmem:$0x1FF80]  }
0x300: {  	[tilespmem:$0x1FCD0] =	vst v38;
	v51 =	vmovc v0;
	v52 =	vmovc v61;
	v32 =	vmov v55;
	v19 =	vmov v35;
	v35 =	vmov v54;
	v61 =	vld [tilespmem:$0x1FF70]  }
0x301: {  	[tilespmem:$0x1FCE0] =	vst v49;
	v38 =	vmovc v36;
	v49 =	vmovc v57;
	v10 =	vmov v12;
	v36 =	vld [tilespmem:$0x1FCA0];
	v55 =	vmov v6;
	v54 =	vmov v4  }
0x302: {  	v12 =	vmovc v7;
	v6 =	vld [tilespmem:$0x1FFE0];
	v50 =	vmovc v13;
	v13 =	vmov v2;
	v46 =	vmov v1;
	v57 =	vmov v1  }
.LBB2_33:
0x303: {  	s0 =	sadd.s32 $0x5, s26  }
0x304: {  	p1 =	sge.s32 s0, s17  }
0x305: {  	s0 =	sshll.u32 @!p1 s0, $0x7  }
0x306: {  	s0 =	sadd.s32 @!p1 s16, s0  }
0x307: {  	p2 =	slt.s32 @!p1 s0, $0x4E180  }
0x308: {  	p2 =	por !p2, p1  }
0x309: {  	s0 =	simm.s32 @p2 $0x4E180  }
0x30a: {  	s0 =	sshll.u32 @!p1 s0, $0x4  }
0x30b: {  	s30 =	sor.u32 $0x2, s26;
	s0 =	sand.u32 @!p1 $0x1FFFFFF0, s0  }
0x30c: {  	s3 =	simm.s32 @!p1 $0x0;
	s5 =	simm.s32 @!p1 $0x4000;
	s0 =	sadd.s32 @!p1 s1, s0  }
0x30d: {  	[tilespmem:s5], [sflag:$0x3] =	stream.linear.gather @!p1 [hbm4b:s0+s3], $0x4000, $0x38;
	[tilespmem:$0x10A00] =	vst v63  }
.Ltmp30:
0x30e: {  	p1 =	sge.s32 s30, s17;
	(pc) =	sbr.rel .LBB2_34-.Ltmp30, $4  }
0x30f: {  	s3 =	simm.s32 @!p1 $0x4  }
0x310: {  	s31 =	sshra.s32 s28, $0x2;
	s0 =	sshll.u32 s30, $0x7;
	_ =	swait.ge @!p1 [sflag:s3], $0x4000  }
0x311: {  	s5 =	sadd.s32 $0x8000, s31;
	s29 =	sadd.s32 s16, s0;
	[sflag:s3] =	ssyncset.done @!p1 $0x0  }
0x312: {  	s0 =	simm.s32 $0x0;
	s28 =	sadd.s32 $0x80, s29;
	[sflag:s3] =	ssyncadd.s32 @!p1 $0xFFFFC000  }
.LBB2_36:
0x313: {  	_ = 	snop  }
0x314: {  	_ = 	snop  }
0x315: {  	_ = 	snop  }
0x316: {  	_ = 	snop  }
0x317: {  	_ = 	snop  }
0x318: {  	_ = 	snop  }
0x319: {  	_ = 	snop  }
0x31a: {  	_ = 	snop  }
0x31b: {  	_ = 	snop  }
0x31c: {  	v3 =	vld [tilespmem:$0x1FC30]  }
0x31d: {  	v47 =	vmovc v33;
	v42 =	vmovc v36;
	v40 =	vmov v9;
	v41 =	vmov v46;
	v44 =	vmov v10;
	v23 =	vld [tilespmem:$0x1FC40]  }
0x31e: {  	v19 =	vmovc v45;
	v38 =	vmovc v37;
	v5 =	vmov v18;
	v18 =	vld [tilespmem:$0x1FC20];
	v12 =	vmov v48;
	v48 =	vmov v29  }
.LBB2_45:
0x31f: {  	_ =	sdelay $0x1  }
0x320: {  	v0 =	vadd.f32 v25, v16  }
0x321: {  	v2 =	vld [tilespmem:$0x1FFB0]  }
0x322: {  	v1 =	vperm.xlane v0, v8;
	_ =	sdelay $0x1  }
0x323: {  	v0 =	vadd.f32 v0, v1  }
0x324: {  	v1 =	vadd.f32 @p1 v34, v50  }
0x325: {  	v2 =	vperm.xlane v0, v2  }
0x326: {  	v1 =	vadd.f32 @p1 v1, v1  }
0x327: {  	v0 =	vadd.f32 v0, v2  }
0x328: {  	v1 =	vmul.f32 @p1 $1.442695020e+00, v1  }
0x329: {  	v2 =	vperm.xlane v0, v11  }
0x32a: {  	(erf) = vpow2.f32 @p1 v1  }
0x32b: {  	v0 =	vadd.f32 v0, v2;
	_ =	sdelay $0x1  }
0x32c: {  	v34 =	vperm.xlane v0, v6;
	_ =	sdelay $0x1  }
0x32d: {  	v0 =	vadd.f32 v0, v34;
	_ =	sdelay $0x1  }
0x32e: {  	v0 =	vadd.f32 v0, v50  }
0x32f: {  	v1 =	vpop @p2 (erf)  }
0x330: {  	v2 =	vpop @p1 (erf);
	v0 =	vadd.f32 v0, v0  }
0x331: {  	v4 =	vadd.f32 @p1 $1.000000000e+00, v2  }
0x332: {  	v0 =	vmul.f32 $1.442695020e+00, v0  }
0x333: {  	(erf) = vrcp.f32 @p1 v4  }
0x334: {  	(erf) = vpow2.f32 v0;
	v0 =	vadd.f32 @p2 $-1.000000000e+00, v53;
	_ =	sdelay $0x1  }
0x335: {  	v0 =	vmul.f32 @p2 v1, v0;
	_ =	sdelay $0x1  }
0x336: {  	v8 =	vmul.f32 @p2 v0, v10;
	v10 =	vld [tilespmem:$0x1FB70];
	_ =	sdelay $0x4  }
0x337: {  	v16 =	vadd.f32 @p3 v24, v17;
	v17 =	vmul.f32 @p2 v0, v10;
	v10 =	vld [tilespmem:$0x1FC10];
	_ =	sdelay $0x4  }
0x338: {  	v2 =	vpsel p1, v2, v10;
	v10 =	vld [tilespmem:$0x1FB80];
	_ =	sdelay $0x4  }
0x339: {  	v34 =	vmul.f32 @p2 v0, v10;
	v10 =	vld [tilespmem:$0x1FB40];
	_ =	sdelay $0x1  }
0x33a: {  	v4 =	vmul.f32 @p3 v59, v46;
	_ =	sdelay $0x1  }
0x33b: {  	v4 =	vadd.f32 @p3 v4, v23;
	v23 =	vmov @p1 v43  }
0x33c: {  	v23 =	vpsel p1, v23, v36;
	v36 =	vmov @p2 v10;
	v10 =	vld [tilespmem:$0x1FB90];
	_ =	sdelay $0x4  }
0x33d: {  	v7 =	vadd.f32 @p3 v37, v60;
	v37 =	vmul.f32 @p2 v0, v10;
	v10 =	vld [tilespmem:$0x1FB50];
	_ =	sdelay $0x2  }
0x33e: {  	v24 =	vmov @p1 v51  }
0x33f: {  	v24 =	vpsel p1, v24, v57;
	v57 =	vld [tilespmem:$0x1FC80]  }
0x340: {  	v43 =	vmov @p2 v10;
	v10 =	vld [tilespmem:$0x1FB60];
	_ =	sdelay $0x1  }
0x341: {  	v1 =	vadd.f32 @p3 v29, v56;
	v34 =	vpsel p2, v34, v0  }
0x342: {  	v9 =	vmov v6;
	v6 =	vadd.f32 @p3 v33, v58;
	v33 =	vmov @p2 v54;
	v59 =	vld [tilespmem:$0x1FC70]  }
0x343: {  	v33 =	vmul.f32 @p2 v0, v33;
	v1 =	vpsel p3, v1, v57;
	v5 =	vadd.f32 @p2 v8, v5;
	v8 =	vmovc @p1 v55;
	v55 =	vld [tilespmem:$0x1FBF0]  }
0x344: {  	v2 =	vadd.f32 @p1 $-1.000000000e+00, v2;
	v1 =	vadd.f32 @p2 v34, v1;
	v36 =	vmul.f32 @p2 v0, v36;
	v34 =	vmovc @p2 v10  }
0x345: {  	v43 =	vmul.f32 @p2 v0, v43;
	v34 =	vpsel p2, v34, v0;
	v0 =	vpsel p2, v0, v0  }
0x346: {  	v17 =	vadd.f32 @p2 v17, v18;
	v18 =	vpop @p1 (erf);
	v0 =	vmul.f32 @p2 v0, v34  }
0x347: {  	v7 =	vpsel p3, v7, v59;
	v25 =	vpop (erf);
	v2 =	vmul.f32 @p1 v18, v2  }
0x348: {  	v53 =	vadd.f32 $1.000000000e+00, v25;
	v32 =	vpsel p1, v32, v55;
	v18 =	vpsel p2, v33, v0  }
0x349: {  	v7 =	vadd.f32 @p2 v18, v7;
	v18 =	vmul.f32 @p1 v2, v32;
	v32 =	vpsel p2, v43, v0;
	v43 =	vld [tilespmem:$0x1FC20]  }
0x34a: {  	v29 =	vmov @p1 v52;
	v52 =	vld [tilespmem:$0x1FC40]  }
0x34b: {  	(erf) = vrcp.f32 v53;
	v53 =	vld [tilespmem:$0x1FBD0]  }
0x34c: {  	v58 =	vld [tilespmem:$0x1FC90]  }
0x34d: {  	v46 =	vld [tilespmem:$0x1FC00]  }
0x34e: {  	v60 =	vld [tilespmem:$0x1FC30];
	v17 =	vpsel p2, v17, v43  }
0x34f: {  	v56 =	vld [tilespmem:$0x1FBE0];
	v17 =	vadd.f32 @p1 v18, v17;
	v18 =	vmov @p1 v49  }
0x350: {  	v4 =	vpsel p3, v4, v52;
	v34 =	vpsel p2, v37, v0;
	v18 =	vpsel p1, v18, v53  }
0x351: {  	v33 =	vpsel p2, v36, v0;
	v0 =	vadd.f32 @p2 v0, v4;
	v18 =	vmul.f32 @p1 v2, v18  }
0x352: {  	v3 =	vadd.f32 @p3 v45, v3;
	v6 =	vpsel p3, v6, v58;
	v8 =	vpsel p1, v8, v46  }
0x353: {  	v6 =	vadd.f32 @p2 v34, v6;
	v4 =	vmovc @p1 v8;
	v8 =	vadd.f32 $-1.000000000e+00, v25;
	v18 =	vpsel p1, v18, v0  }
0x354: {  	v3 =	vpsel p3, v3, v60;
	v29 =	vpsel p1, v29, v63;
	v35 =	vpsel p1, v35, v56;
	v54 =	vpop (erf)  }
0x355: {  	v3 =	vadd.f32 @p2 v33, v3;
	v8 =	vmul.f32 v54, v8;
	v6 =	vpsel p2, v6, v58  }
0x356: {  	v63 =	vld [tilespmem:$0x1FC50];
	v25 =	vmul.f32 @p1 v2, v35;
	v4 =	vmul.f32 @p1 v2, v4;
	v6 =	vadd.f32 @p1 v18, v6;
	v18 =	vmovc @p1 v23  }
0x357: {  	v7 =	vpsel p2, v7, v59;
	v19 =	vmul.f32 v8, v19;
	v18 =	vmul.f32 @p1 v2, v18  }
0x358: {  	v3 =	vpsel p2, v3, v60;
	v4 =	vpsel p1, v4, v0;
	v17 =	vpsel p1, v17, v43  }
0x359: {  	v4 =	vadd.f32 @p1 v4, v7;
	v7 =	vadd.f32 v19, v17;
	v17 =	vpsel p1, v18, v0  }
0x35a: {  	v3 =	vadd.f32 @p1 v17, v3;
	v17 =	vmul.f32 v8, v47  }
0x35b: {  	v16 =	vpsel p3, v16, v63;
	v1 =	vpsel p2, v1, v57;
	v25 =	vpsel p1, v25, v0  }
0x35c: {  	v16 =	vadd.f32 @p2 v32, v16;
	v1 =	vadd.f32 @p1 v25, v1  }
0x35d: {  	v56 =	vmul.f32 v8, v38;
	[tilespmem:s3+$0x10200] =	vst v7;
	v7 =	vmul.f32 v8, v41;
	v6 =	vpsel p1, v6, v58  }
0x35e: {  	v1 =	vpsel p1, v1, v57;
	v4 =	vpsel p1, v4, v59;
	v6 =	vadd.f32 v17, v6;
	v17 =	vmovc @p1 v24  }
0x35f: {  	v1 =	vadd.f32 v56, v1;
	v4 =	vadd.f32 v7, v4;
	v7 =	vmul.f32 @p1 v2, v17  }
0x360: {  	v55 =	vld [tilespmem:$0x1FBC0]  }
0x361: {  	[tilespmem:s3+$0x10220] =	vst v6;
	v6 =	vpsel p2, v16, v63;
	v7 =	vpsel p1, v7, v0  }
0x362: {  	[tilespmem:s3+$0x10600] =	vst v31;
	v6 =	vadd.f32 @p1 v7, v6  }
0x363: {  	[tilespmem:s3+$0x10210] =	vst v1;
	v1 =	vmov @p1 v29  }
0x364: {  	[tilespmem:s3+$0x10610] =	vst v30;
	v1 =	vpsel p1, v1, v0;
	v23 =	vmov @p1 v39;
	v57 =	vpsel p1, v6, v63;
	v6 =	vld [tilespmem:$0x1FC60]  }
0x365: {  	v23 =	vpsel p1, v23, v55;
	[tilespmem:s3+$0x10230] =	vst v4;
	v4 =	vmul.f32 v8, v40;
	v18 =	vpsel p1, v2, v0  }
0x366: {  	[tilespmem:s3+$0x10620] =	vst v27;
	v1 =	vmul.f32 @p1 v18, v1;
	v3 =	vpsel p1, v3, v60;
	v16 =	vmul.f32 v8, v42  }
0x367: {  	[tilespmem:s3+$0x10630] =	vst v26;
	v60 =	vmax.f32 v20, v44;
	v17 =	vmax.f32 v28, v42;
	v0 =	vpsel p2, v0, v52  }
0x368: {  	[tilespmem:s3+$0x10660] =	vst v60;
	v2 =	vmul.f32 @p1 v2, v23;
	v3 =	vadd.f32 v16, v3;
	v0 =	vadd.f32 @p1 v1, v0  }
0x369: {  	v58 =	vmul.f32 v8, v44;
	[tilespmem:s3+$0x10640] =	vst v17;
	v1 =	vadd.f32 v4, v57;
	v4 =	vpsel p2, v5, v6  }
0x36a: {  	[tilespmem:s3+$0x10240] =	vst v3;
	v0 =	vpsel p1, v0, v52;
	v63 =	vmax.f32 v21, v48;
	v2 =	vadd.f32 @p1 v2, v4  }
0x36b: {  	v59 =	vmul.f32 v8, v48;
	v0 =	vadd.f32 v58, v0;
	[tilespmem:s3+$0x10670] =	vst v63  }
0x36c: {  	[tilespmem:s3+$0x10250] =	vst v1;
	v2 =	vpsel p1, v2, v6  }
0x36d: {  	v44 =	vld [tilespmem:$0x1FF30];
	[tilespmem:s3+$0x10260] =	vst v0;
	v4 =	vmax.f32 v22, v40;
	v1 =	vadd.f32 v59, v2  }
0x36e: {  	v8 =	vld [tilespmem:$0x1FFD0];
	[tilespmem:s3+$0x10650] =	vst v4  }
0x36f: {  	v7 =	vld [tilespmem:$0x1FF20];
	v48 =	vmov v12;
	v6 =	vmov v9;
	[tilespmem:s3+$0x10270] =	vst v1  }
.LBB2_46:
0x370: {  	s0 =	sadd.s32 $0x1, s0  }
0x371: {  	p1 =	sne.s32 s0, $0x8  }
.Ltmp31:
0x372: {  	_ = 	snop;
	(pc) =	sbr.rel @!p1 .LBB2_47-.Ltmp31, $1  }
0x373: {  	_ =	sdelay $0x3  }
.LBB2_34:
0x374: {  	v0 =	vld [tilespmem:s0+$0x10100]  }
0x375: {  	v1 =	vld [tilespmem:s0+$0x10101];
	_ =	sdelay $0x3  }
0x376: {  	(v2sf) =	vpush v0, $0x0  }
0x377: {  	(v2sf) =	vpush v1, $0x0;
	_ =	sdelay $0xd  }
0x378: {  	s11 =	spop (v2sf)  }
0x379: {  	s9 =	smov.u32 s29;
	s3 =	spop (v2sf)  }
0x37a: {  	s14 =	smov.u32 s28;
	p1 =	sgt.s32 s11, s29;
	p2 =	slt.s32 s3, s28  }
0x37b: {  	s9 =	smov.u32 @p1 s11;
	s14 =	smov.u32 @p2 s3  }
0x37c: {  	s9 =	ssub.s32 s14, s9  }
0x37d: {  	p1 =	slt.s32 s9, $0x1  }
.Ltmp32:
0x37e: {  	_ = 	snop;
	(pc) =	sbr.rel @p1 .LBB2_46-.Ltmp32, $1  }
0x37f: {  	_ =	sdelay $0x3  }
0x380: {  	s3 =	sshll.u32 s0, $0x7  }
0x381: {  	s3 =	sand.u32 $0x3FFFFF80, s3  }
0x382: {  	v0 =	vld [tilespmem:s3+$0x10200]  }
0x383: {  	p1 =	sgt.s32 s11, s20;
	s14 =	smov.u32 s20;
	v56 =	vld [tilespmem:s3+$0x10210]  }
0x384: {  	s14 =	smov.u32 @p1 s11;
	v58 =	vld [tilespmem:s3+$0x10220]  }
0x385: {  	s11 =	sshll.u32 s14, $0x9;
	v60 =	vld [tilespmem:s3+$0x10230]  }
0x386: {  	v51 =	vld [tilespmem:s3+$0x10240];
	s11 =	sshra.s32 s11, $0x2  }
0x387: {  	v17 =	vld [tilespmem:s3+$0x10250];
	s11 =	sadd.s32 s11, s5  }
0x388: {  	v45 =	vld [tilespmem:s11+$0x0]  }
0x389: {  	v37 =	vld [tilespmem:s11+$0x10]  }
0x38a: {  	v52 =	vld [tilespmem:s3+$0x10260]  }
0x38b: {  	v33 =	vld [tilespmem:s11+$0x20]  }
0x38c: {  	v53 =	vld [tilespmem:s3+$0x10600]  }
0x38d: {  	v46 =	vld [tilespmem:s11+$0x30]  }
0x38e: {  	v3 =	vld [tilespmem:s3+$0x10610];
	v1 =	vmul.f32 v45, v62;
	v2 =	vmul.f32 v37, v13  }
0x38f: {  	v36 =	vld [tilespmem:s11+$0x40]  }
0x390: {  	v4 =	vld [tilespmem:s3+$0x10620];
	v54 =	vmul.f32 v33, v61;
	v1 =	vadd.f32 v2, v1  }
0x391: {  	v9 =	vld [tilespmem:s11+$0x50]  }
0x392: {  	v18 =	vld [tilespmem:s3+$0x10270];
	v55 =	vmul.f32 v46, v44;
	v1 =	vadd.f32 v54, v1  }
0x393: {  	v10 =	vld [tilespmem:s11+$0x60];
	[tilespmem:$0x1FC20] =	vst v0  }
0x394: {  	v5 =	vld [tilespmem:s3+$0x10630];
	[tilespmem:$0x1FC30] =	vst v51;
	v57 =	vmul.f32 v36, v7;
	v1 =	vadd.f32 v55, v1  }
0x395: {  	p4 =	sgt.s32 s9, $0x1;
	v29 =	vld [tilespmem:s11+$0x70];
	[tilespmem:$0x1FC40] =	vst v52  }
.Ltmp33:
0x396: {  	[tilespmem:$0x1FC50] =	vst v17;
	v59 =	vmul.f32 v9, v14;
	v1 =	vadd.f32 v57, v1;
	(pc) =	sbr.rel @!p4 .LBB2_36-.Ltmp33, $4  }
0x397: {  	v28 =	vld [tilespmem:s3+$0x10640];
	[tilespmem:$0x1FC60] =	vst v18  }
0x398: {  	v22 =	vld [tilespmem:s3+$0x10650];
	[tilespmem:$0x1FC70] =	vst v60;
	v63 =	vmul.f32 v10, v48;
	v1 =	vadd.f32 v59, v1  }
0x399: {  	p2 =	por $0x0, $0x0;
	v20 =	vld [tilespmem:s3+$0x10660];
	[tilespmem:$0x1FC80] =	vst v56;
	v31 =	vmax.f32 v53, v45;
	v30 =	vmax.f32 v3, v37;
	v27 =	vmax.f32 v4, v33  }
0x39a: {  	p3 =	por $0x0, $0x0;
	p1 =	por $0x0, $0x0;
	v21 =	vld [tilespmem:s3+$0x10670];
	s11 =	sadd.s32 $0x80, s11;
	[tilespmem:$0x1FC90] =	vst v58;
	v26 =	vmax.f32 v5, v46;
	v25 =	vmul.f32 v29, v15;
	v16 =	vadd.f32 v63, v1  }
0x39b: {  	v19 =	vld [tilespmem:s11+$0x0]  }
0x39c: {  	v38 =	vld [tilespmem:s11+$0x10]  }
0x39d: {  	v49 =	vld [tilespmem:s11+$0x20];
	v0 =	vadd.f32 v25, v16  }
0x39e: {  	v3 =	vld [tilespmem:$0x1FFB0]  }
0x39f: {  	v1 =	vperm.xlane v0, v8  }
0x3a0: {  	v41 =	vld [tilespmem:s11+$0x30]  }
0x3a1: {  	v2 =	vmul.f32 v19, v62;
	v0 =	vadd.f32 v0, v1;
	v39 =	vmul.f32 v38, v13  }
0x3a2: {  	v43 =	vld [tilespmem:s11+$0x40]  }
0x3a3: {  	v42 =	vmul.f32 v49, v61;
	v3 =	vperm.xlane v0, v3;
	v1 =	vadd.f32 v39, v2  }
0x3a4: {  	v51 =	vld [tilespmem:s11+$0x50]  }
0x3a5: {  	v47 =	vmul.f32 v41, v44;
	v0 =	vadd.f32 v0, v3;
	v1 =	vadd.f32 v42, v1  }
0x3a6: {  	v52 =	vld [tilespmem:s11+$0x60]  }
0x3a7: {  	v57 =	vmul.f32 v43, v7;
	v3 =	vperm.xlane v0, v11;
	v1 =	vadd.f32 v47, v1  }
0x3a8: {  	p4 =	sgt.s32 s9, $0x2;
	v28 =	vmax.f32 v28, v36;
	v22 =	vmax.f32 v22, v9;
	v39 =	vld [tilespmem:s11+$0x70]  }
.Ltmp34:
0x3a9: {  	v59 =	vmul.f32 v51, v14;
	v0 =	vadd.f32 v0, v3;
	v1 =	vadd.f32 v57, v1;
	(pc) =	sbr.rel @!p4 .LBB2_38-.Ltmp34, $4  }
0x3aa: {  	v20 =	vmax.f32 v20, v10;
	v21 =	vmax.f32 v21, v29;
	v31 =	vmax.f32 v31, v19  }
0x3ab: {  	v63 =	vmul.f32 v52, v48;
	v3 =	vperm.xlane v0, v6;
	v1 =	vadd.f32 v59, v1  }
0x3ac: {  	v30 =	vmax.f32 v30, v38;
	v27 =	vmax.f32 v27, v49;
	v26 =	vmax.f32 v26, v41  }
0x3ad: {  	p1 =	por $0x1, $0x1;
	s11 =	sadd.s32 $0x80, s11;
	v25 =	vmul.f32 v39, v15;
	v34 =	vadd.f32 v0, v3;
	v16 =	vadd.f32 v63, v1  }
0x3ae: {  	_ = 	snop  }
0x3af: {  	v0 =	vadd.f32 v34, v50;
	_ =	sdelay $0x1  }
0x3b0: {  	v0 =	vadd.f32 v0, v0  }
0x3b1: {  	v55 =	vld [tilespmem:s11+$0x0]  }
0x3b2: {  	v54 =	vld [tilespmem:s11+$0x10];
	v0 =	vmul.f32 $1.442695020e+00, v0  }
0x3b3: {  	v57 =	vld [tilespmem:s11+$0x20];
	v1 =	vadd.f32 v25, v16  }
0x3b4: {  	(erf) = vpow2.f32 v0;
	v0 =	vld [tilespmem:$0x1FFB0]  }
0x3b5: {  	v2 =	vperm.xlane v1, v8  }
0x3b6: {  	v63 =	vld [tilespmem:s11+$0x30]  }
0x3b7: {  	v3 =	vmul.f32 v55, v62;
	v1 =	vadd.f32 v1, v2;
	v2 =	vmul.f32 v54, v13  }
0x3b8: {  	[tilespmem:$0x1FBA0] =	vst v10;
	v10 =	vmov v50;
	v50 =	vld [tilespmem:s11+$0x40]  }
0x3b9: {  	v2 =	vadd.f32 v2, v3;
	v3 =	vmul.f32 v57, v61;
	v4 =	vperm.xlane v1, v0  }
0x3ba: {  	v0 =	vld [tilespmem:s11+$0x50]  }
0x3bb: {  	v2 =	vadd.f32 v3, v2;
	v3 =	vmul.f32 v63, v44;
	v1 =	vadd.f32 v1, v4  }
0x3bc: {  	[tilespmem:$0x1FBB0] =	vst v9;
	v23 =	vmovc v11;
	v11 =	vmov v8;
	v28 =	vmax.f32 v28, v43;
	v8 =	vmov v61;
	v61 =	vld [tilespmem:s11+$0x60]  }
0x3bd: {  	v9 =	vmovc v62;
	v62 =	vld [tilespmem:s11+$0x70];
	v2 =	vadd.f32 v3, v2;
	v3 =	vmul.f32 v50, v7;
	v4 =	vperm.xlane v1, v23  }
0x3be: {  	v22 =	vmax.f32 v22, v51;
	v20 =	vmax.f32 v20, v52;
	v21 =	vmax.f32 v21, v39;
	p4 =	sgt.s32 s9, $0x3;
	[tilespmem:$0x1FBC0] =	vst v29  }
.Ltmp35:
0x3bf: {  	[tilespmem:$0x1FBD0] =	vst v33;
	v2 =	vadd.f32 v3, v2;
	v53 =	vpop (erf);
	v3 =	vmul.f32 v0, v14;
	v1 =	vadd.f32 v1, v4;
	(pc) =	sbr.rel @!p4 .LBB2_40-.Ltmp35, $4  }
0x3c0: {  	[tilespmem:$0x1FBE0] =	vst v37;
	v31 =	vmax.f32 v31, v55;
	v30 =	vmax.f32 v30, v54;
	v5 =	vadd.f32 $1.000000000e+00, v53  }
0x3c1: {  	[tilespmem:$0x1FBF0] =	vst v45;
	v2 =	vadd.f32 v3, v2;
	v3 =	vmul.f32 v61, v48;
	v4 =	vperm.xlane v1, v6  }
0x3c2: {  	[tilespmem:$0x1FC00] =	vst v46;
	v27 =	vmax.f32 v27, v57;
	v26 =	vmax.f32 v26, v63;
	v25 =	vmul.f32 v62, v15  }
0x3c3: {  	s14 =	sadd.s32 $0x80, s11;
	p2 =	por $0x1, $0x1;
	[tilespmem:$0x1FC10] =	vst v53;
	(erf) = vrcp.f32 v5;
	v16 =	vadd.f32 v3, v2;
	v34 =	vadd.f32 v1, v4  }
0x3c4: {  	_ = 	snop  }
0x3c5: {  	v1 =	vadd.f32 v34, v10;
	v10 =	vmov v17;
	v17 =	vmov v36;
	v36 =	vld [tilespmem:s14+$0x10]  }
0x3c6: {  	v2 =	vadd.f32 v25, v16;
	_ =	sdelay $0x1  }
0x3c7: {  	v3 =	vperm.xlane v2, v11  }
0x3c8: {  	v35 =	vld [tilespmem:s14+$0x0]  }
0x3c9: {  	v2 =	vadd.f32 v2, v3;
	v3 =	vmul.f32 v36, v13;
	v13 =	vld [tilespmem:$0x1FFB0]  }
0x3ca: {  	v1 =	vadd.f32 v1, v1  }
0x3cb: {  	v47 =	vld [tilespmem:s14+$0x20]  }
0x3cc: {  	v1 =	vmul.f32 $1.442695020e+00, v1  }
0x3cd: {  	v4 =	vmul.f32 v35, v9  }
0x3ce: {  	(erf) = vpow2.f32 v1;
	v1 =	vperm.xlane v2, v13;
	_ =	sdelay $0x1  }
0x3cf: {  	v32 =	vld [tilespmem:s14+$0x30];
	v3 =	vadd.f32 v3, v4;
	v4 =	vmul.f32 v47, v8;
	v1 =	vadd.f32 v2, v1;
	_ =	sdelay $0x1  }
0x3d0: {  	v42 =	vld [tilespmem:s14+$0x40];
	v2 =	vadd.f32 v4, v3;
	v4 =	vperm.xlane v1, v23  }
0x3d1: {  	v28 =	vmax.f32 v28, v50;
	v22 =	vmax.f32 v22, v0;
	v20 =	vmax.f32 v20, v61;
	v24 =	vmovc v48;
	v48 =	vld [tilespmem:s14+$0x70]  }
0x3d2: {  	v12 =	vmovc v9;
	v5 =	vadd.f32 $-1.000000000e+00, v53;
	v21 =	vmax.f32 v21, v62;
	v40 =	vld [tilespmem:s14+$0x50];
	v1 =	vadd.f32 v1, v4  }
0x3d3: {  	v31 =	vmax.f32 v31, v35;
	v9 =	vmov v6;
	v6 =	vpop (erf);
	v3 =	vmul.f32 v32, v44  }
0x3d4: {  	v27 =	vmax.f32 v27, v47;
	v59 =	vmul.f32 v6, v5;
	v44 =	vld [tilespmem:s14+$0x60];
	v4 =	vperm.xlane v1, v9  }
0x3d5: {  	v16 =	vld [tilespmem:$0x1FC20];
	v26 =	vmax.f32 v26, v32;
	v2 =	vadd.f32 v3, v2;
	v3 =	vmul.f32 v42, v7  }
0x3d6: {  	v25 =	vmul.f32 v48, v15;
	v5 =	vmul.f32 v59, v29;
	v34 =	vadd.f32 v1, v4;
	v1 =	vld [tilespmem:$0x1FBB0]  }
0x3d7: {  	p4 =	sgt.s32 s9, $0x4;
	v6 =	vmul.f32 v59, v45;
	v2 =	vadd.f32 v3, v2;
	v3 =	vmul.f32 v40, v14  }
.Ltmp36:
0x3d8: {  	v30 =	vmax.f32 v30, v36;
	v29 =	vmul.f32 v59, v37;
	v37 =	vmul.f32 v59, v46;
	(pc) =	sbr.rel @!p4 .LBB2_42-.Ltmp36, $4  }
0x3d9: {  	v46 =	vld [tilespmem:$0x1FBA0];
	v5 =	vadd.f32 v5, v18;
	v53 =	vpop (erf);
	v2 =	vadd.f32 v3, v2;
	v3 =	vmul.f32 v44, v24  }
0x3da: {  	v33 =	vmul.f32 v59, v33;
	v18 =	vadd.f32 v6, v16;
	v6 =	vadd.f32 $1.000000000e+00, v53;
	v9 =	vld [tilespmem:$0x1FFD0]  }
0x3db: {  	v45 =	vmul.f32 v59, v17;
	v16 =	vadd.f32 v3, v2;
	v3 =	vld [tilespmem:$0x1FC30];
	v24 =	vmul.f32 v59, v1;
	v1 =	vmovc v23  }
0x3dc: {  	s11 =	simm.s32 $0x4;
	p3 =	por $0x1, $0x1;
	[tilespmem:$0x1FB30] =	vst v17;
	v17 =	vmovc v10;
	v10 =	vmovc v13;
	v13 =	vmov v7;
	s14 =	sadd.s32 $0x80, s14;
	(erf) = vrcp.f32 v6;
	v23 =	vld [tilespmem:$0x1FC40];
	v11 =	vmov v1  }
.LBB2_43:
0x3dd: {  	_ = 	snop  }
0x3de: {  	v8 =	vadd.f32 v25, v16;
	_ =	sdelay $0x1  }
0x3df: {  	v1 =	vld [tilespmem:s14+$0x0];
	v25 =	vperm.xlane v8, v9  }
0x3e0: {  	v7 =	vld [tilespmem:s14+$0x10]  }
0x3e1: {  	v8 =	vadd.f32 v8, v25;
	v25 =	vld [tilespmem:$0x1FF50];
	_ =	sdelay $0x4  }
0x3e2: {  	v2 =	vld [tilespmem:$0x1FF60];
	v17 =	vadd.f32 v24, v17;
	v24 =	vmul.f32 v1, v12;
	v25 =	vmul.f32 v7, v25  }
0x3e3: {  	v6 =	vmov v47;
	v47 =	vld [tilespmem:s14+$0x20]  }
0x3e4: {  	v24 =	vadd.f32 v25, v24;
	v25 =	vld [tilespmem:$0x1FF70];
	_ =	sdelay $0x3  }
0x3e5: {  	v2 =	vadd.f32 v34, v2  }
0x3e6: {  	v4 =	vmul.f32 v59, v46;
	v25 =	vmul.f32 v47, v25  }
0x3e7: {  	v16 =	vmovc v41;
	v41 =	vmov v63;
	v63 =	vmov v32;
	v32 =	vld [tilespmem:s14+$0x30];
	v2 =	vadd.f32 v2, v2  }
0x3e8: {  	v24 =	vadd.f32 v25, v24;
	v25 =	vld [tilespmem:$0x1FF30]  }
0x3e9: {  	v56 =	vadd.f32 v29, v56;
	v29 =	vmul.f32 $1.442695020e+00, v2  }
0x3ea: {  	v28 =	vmax.f32 v28, v42;
	v23 =	vadd.f32 v4, v23;
	v4 =	vmovc v43;
	v43 =	vmovc v50;
	v50 =	vmov v42;
	v42 =	vld [tilespmem:s14+$0x40]  }
0x3eb: {  	(erf) = vpow2.f32 v29  }
0x3ec: {  	v22 =	vmax.f32 v22, v40;
	v2 =	vmovc v51;
	v51 =	vmov v0;
	v0 =	vmov v40;
	v40 =	vld [tilespmem:s14+$0x50]  }
0x3ed: {  	v58 =	vadd.f32 v33, v58;
	v25 =	vmul.f32 v32, v25  }
0x3ee: {  	v60 =	vadd.f32 v37, v60;
	v20 =	vmax.f32 v20, v44;
	v53 =	vadd.f32 $-1.000000000e+00, v53  }
0x3ef: {  	v59 =	vpop (erf);
	v29 =	vperm.xlane v8, v10;
	v24 =	vadd.f32 v25, v24;
	v25 =	vmul.f32 v42, v13  }
0x3f0: {  	v46 =	vmovc v52;
	v52 =	vmov v61;
	v31 =	vmax.f32 v31, v1;
	v59 =	vmul.f32 v59, v53  }
0x3f1: {  	v61 =	vmovc v44;
	v44 =	vld [tilespmem:s14+$0x60];
	v8 =	vadd.f32 v8, v29;
	v24 =	vadd.f32 v25, v24;
	v25 =	vmul.f32 v40, v14  }
0x3f2: {  	v33 =	vmul.f32 v59, v39;
	v34 =	vmul.f32 v59, v19;
	v19 =	vmovc v55;
	v55 =	vmovc v35;
	v35 =	vmov v1;
	v1 =	vld [tilespmem:$0x1FFE0]  }
0x3f3: {  	v37 =	vmul.f32 v59, v16;
	v29 =	vperm.xlane v8, v11;
	v16 =	vadd.f32 v25, v24;
	v24 =	vld [tilespmem:$0x1FF40]  }
0x3f4: {  	s11 =	sadd.s32 $0x1, s11;
	v21 =	vmax.f32 v21, v48;
	v5 =	vadd.f32 v33, v5;
	v53 =	vpop (erf)  }
0x3f5: {  	p4 =	slt.s32 s11, s9;
	v39 =	vmovc v62;
	v62 =	vmovc v48;
	v48 =	vld [tilespmem:s14+$0x70];
	v33 =	vmul.f32 v59, v49;
	v8 =	vadd.f32 v8, v29;
	v49 =	vadd.f32 $1.000000000e+00, v53  }
.Ltmp37:
0x3f6: {  	v3 =	vadd.f32 v45, v3;
	v30 =	vmax.f32 v30, v7;
	v27 =	vmax.f32 v27, v47;
	(pc) =	sbr.rel @p4 .LBB2_43-.Ltmp37, $4  }
0x3f7: {  	v26 =	vmax.f32 v26, v32;
	v45 =	vmul.f32 v59, v4;
	v1 =	vperm.xlane v8, v1  }
0x3f8: {  	v18 =	vadd.f32 v34, v18;
	v29 =	vmul.f32 v59, v38;
	v38 =	vmovc v54;
	v25 =	vmul.f32 v44, v24  }
0x3f9: {  	v54 =	vmovc v36;
	v36 =	vmovc v7;
	v34 =	vadd.f32 v8, v1;
	(erf) = vrcp.f32 v49;
	v49 =	vmov v57  }
0x3fa: {  	s14 =	sadd.s32 $0x80, s14;
	v57 =	vmovc v6;
	v24 =	vmul.f32 v59, v2;
	v16 =	vadd.f32 v25, v16;
	v25 =	vmul.f32 v48, v15  }
0x3fb: {  	v6 =	vld [tilespmem:$0x1FFE0]  }
0x3fc: {  	v13 =	vld [tilespmem:$0x1FF50]  }
0x3fd: {  	[tilespmem:$0x1FB40] =	vst v43;
	v2 =	vmov v39;
	v39 =	vmov v62;
	v62 =	vmov v12;
	v12 =	vld [tilespmem:$0x1FF40]  }
.Ltmp38:
0x3fe: {  	[tilespmem:$0x1FB60] =	vst v52;
	v52 =	vmov v61;
	v61 =	vld [tilespmem:$0x1FF70];
	(pc) =	sbr.rel .LBB2_45-.Ltmp38, $4  }
0x3ff: {  	[tilespmem:$0x1FB50] =	vst v51;
	v43 =	vmov v50;
	v50 =	vld [tilespmem:$0x1FF60]  }
0x400: {  	v1 =	vmov v41;
	[tilespmem:$0x1FB80] =	vst v38;
	v38 =	vmov v36;
	v36 =	vld [tilespmem:$0x1FB30]  }
0x401: {  	[tilespmem:$0x1FB90] =	vst v49;
	v41 =	vmovc v32;
	v51 =	vmovc v0;
	v32 =	vmov v55;
	v55 =	vmov v63;
	v49 =	vmov v57;
	v57 =	vld [tilespmem:$0x1FBB0]  }
0x402: {  	[tilespmem:$0x1FB70] =	vst v19;
	v19 =	vmovc v35;
	v35 =	vmovc v54;
	v8 =	vmov v9;
	v63 =	vld [tilespmem:$0x1FBA0];
	v54 =	vmov v1;
	v10 =	vmov v2  }
.LBB2_38:
0x403: {  	_ = 	snop  }
0x404: {  	_ = 	snop  }
0x405: {  	_ = 	snop  }
0x406: {  	_ = 	snop  }
0x407: {  	_ = 	snop  }
0x408: {  	_ = 	snop  }
0x409: {  	_ = 	snop  }
.Ltmp39:
0x40a: {  	(pc) =	sbr.rel .LBB2_45-.Ltmp39, $4  }
0x40b: {  	_ = 	snop  }
0x40c: {  	v12 =	vmovc v48;
	v47 =	vmovc v49;
	v42 =	vmov v43;
	v40 =	vmov v51;
	v44 =	vmov v52;
	v3 =	vld [tilespmem:$0x1FC30]  }
0x40d: {  	v48 =	vmovc v39;
	v55 =	vmovc v46;
	v43 =	vmov v36;
	v51 =	vmov v9;
	v52 =	vmov v10;
	v23 =	vld [tilespmem:$0x1FC40]  }
0x40e: {  	v39 =	vmovc v29;
	v32 =	vmovc v45;
	v35 =	vmov v37;
	v49 =	vmov v33;
	v5 =	vmov v18;
	v18 =	vld [tilespmem:$0x1FC20]  }
.LBB2_40:
0x40f: {  	v47 =	vmov v57;
	v57 =	vld [tilespmem:$0x1FBB0]  }
0x410: {  	v10 =	vmov v41;
	v4 =	vmov v45;
	v41 =	vmov v63;
	[tilespmem:$0x1FB40] =	vst v36;
	v63 =	vld [tilespmem:$0x1FBA0]  }
.Ltmp40:
0x411: {  	v12 =	vmov v48;
	v40 =	vmov v0;
	v0 =	vmov v37;
	[tilespmem:$0x1FB70] =	vst v4;
	(pc) =	sbr.rel .LBB2_45-.Ltmp40, $4  }
0x412: {  	v32 =	vmovc v19;
	v35 =	vmovc v38;
	v2 =	vmov v33;
	v7 =	vmov v11;
	v11 =	vmov v23;
	v23 =	vld [tilespmem:$0x1FC40];
	[tilespmem:$0x1FB80] =	vst v0  }
0x413: {  	v1 =	vmovc v29;
	v3 =	vmovc v46;
	v42 =	vmov v50;
	v44 =	vmov v61;
	v5 =	vmov v18;
	v18 =	vld [tilespmem:$0x1FC20];
	[tilespmem:$0x1FB90] =	vst v2  }
0x414: {  	v48 =	vmovc v62;
	v19 =	vmovc v55;
	v38 =	vmov v54;
	v61 =	vmov v8;
	v50 =	vmov v3;
	v3 =	vld [tilespmem:$0x1FC30];
	[tilespmem:$0x1FB50] =	vst v57  }
0x415: {  	v62 =	vmovc v9;
	v55 =	vmovc v10;
	v8 =	vmov v7;
	v54 =	vmov v50;
	v50 =	vld [tilespmem:$0x1FF60];
	v10 =	vmov v1;
	[tilespmem:$0x1FB60] =	vst v63  }
.LBB2_42:
0x416: {  	v56 =	vld [tilespmem:$0x1FC80]  }
0x417: {  	v1 =	vld [tilespmem:$0x1FBA0]  }
0x418: {  	v58 =	vld [tilespmem:$0x1FC90]  }
0x419: {  	v60 =	vld [tilespmem:$0x1FC70]  }
0x41a: {  	v3 =	vld [tilespmem:$0x1FC30]  }
0x41b: {  	v17 =	vld [tilespmem:$0x1FC50]  }
0x41c: {  	v23 =	vld [tilespmem:$0x1FC40]  }
0x41d: {  	[tilespmem:$0x1FB40] =	vst v43;
	v13 =	vld [tilespmem:$0x1FF50]  }
0x41e: {  	[tilespmem:$0x1FB50] =	vst v51;
	v6 =	vmov v39;
	v39 =	vmov v62;
	v62 =	vmov v12;
	v12 =	vld [tilespmem:$0x1FF40]  }
.Ltmp41:
0x41f: {  	[tilespmem:$0x1FB60] =	vst v52;
	v52 =	vmov v61;
	v61 =	vld [tilespmem:$0x1FF70];
	(pc) =	sbr.rel .LBB2_45-.Ltmp41, $4  }
0x420: {  	[tilespmem:$0x1FB70] =	vst v19;
	v43 =	vmov v50;
	v50 =	vld [tilespmem:$0x1FF60]  }
0x421: {  	v2 =	vmovc v41;
	[tilespmem:$0x1FB80] =	vst v38;
	v4 =	vmovc v63;
	v41 =	vmov v32;
	v51 =	vmov v0;
	v38 =	vmov v36;
	v36 =	vld [tilespmem:$0x1FB30]  }
0x422: {  	[tilespmem:$0x1FB90] =	vst v49;
	v32 =	vmovc v55;
	v19 =	vmovc v35;
	v35 =	vmov v54;
	v49 =	vmov v57;
	v57 =	vld [tilespmem:$0x1FBB0];
	v55 =	vmov v4  }
0x423: {  	v54 =	vmovc v2;
	v10 =	vmovc v6;
	v6 =	vld [tilespmem:$0x1FFE0];
	v8 =	vmov v9;
	v46 =	vmov v1;
	v63 =	vmov v1  }
.LBB2_47:
0x424: {  	s0 =	sadd.s32 $0x6, s26  }
0x425: {  	p1 =	sge.s32 s0, s17  }
0x426: {  	s0 =	sshll.u32 @!p1 s0, $0x7  }
0x427: {  	s0 =	sadd.s32 @!p1 s16, s0  }
0x428: {  	p2 =	slt.s32 @!p1 s0, $0x4E180  }
0x429: {  	p2 =	por !p2, p1  }
0x42a: {  	s0 =	simm.s32 @p2 $0x4E180  }
0x42b: {  	s0 =	sshll.u32 @!p1 s0, $0x4  }
0x42c: {  	s0 =	sand.u32 @!p1 $0x1FFFFFF0, s0  }
0x42d: {  	s3 =	simm.s32 @!p1 $0x0;
	s5 =	simm.s32 @!p1 $0x8000;
	s0 =	sadd.s32 @!p1 s1, s0  }
0x42e: {  	[tilespmem:s5], [sflag:$0x4] =	stream.linear.gather @!p1 [hbm4b:s0+s3], $0x4000, $0x38;
	[tilespmem:$0x10A00] =	vst v63  }
.Ltmp42:
0x42f: {  	_ = 	snop;
	(pc) =	sbr.rel .LBB2_48-.Ltmp42, $4  }
0x430: {  	s30 =	sshll.u32 s24, $0x7;
	s0 =	simm.s32 @!p0 $0x5  }
0x431: {  	s24 =	sadd.s32 s16, s30;
	_ =	swait.ge @!p0 [sflag:s0], $0x4000  }
0x432: {  	s31 =	sshra.s32 s25, $0x2;
	s25 =	sadd.s32 $0x80, s24;
	[sflag:s0] =	ssyncset.done @!p0 $0x0  }
0x433: {  	s5 =	sadd.s32 $0xC000, s31;
	[sflag:s0] =	ssyncadd.s32 @!p0 $0xFFFFC000;
	s0 =	simm.s32 $0x0  }
.LBB2_50:
0x434: {  	_ = 	snop  }
0x435: {  	_ = 	snop  }
0x436: {  	_ = 	snop  }
0x437: {  	_ = 	snop  }
0x438: {  	_ = 	snop  }
0x439: {  	_ = 	snop  }
0x43a: {  	_ = 	snop  }
0x43b: {  	_ = 	snop  }
0x43c: {  	v47 =	vmov v33;
	v3 =	vld [tilespmem:$0x1FAC0]  }
0x43d: {  	v42 =	vmovc v36;
	v40 =	vmovc v9;
	v41 =	vmov v46;
	v44 =	vmov v12;
	v17 =	vmov v23;
	v23 =	vld [tilespmem:$0x1FAD0]  }
0x43e: {  	v48 =	vmovc v29;
	v19 =	vmovc v45;
	v38 =	vmov v37;
	v5 =	vmov v18;
	v18 =	vld [tilespmem:$0x1FAB0];
	v10 =	vmov v13  }
.LBB2_59:
0x43f: {  	_ =	sdelay $0x1  }
0x440: {  	v0 =	vadd.f32 v25, v16  }
0x441: {  	v2 =	vld [tilespmem:$0x1FFB0]  }
0x442: {  	v1 =	vperm.xlane v0, v8;
	_ =	sdelay $0x1  }
0x443: {  	v0 =	vadd.f32 v0, v1  }
0x444: {  	v1 =	vadd.f32 @p0 v34, v50  }
0x445: {  	v2 =	vperm.xlane v0, v2  }
0x446: {  	v1 =	vadd.f32 @p0 v1, v1  }
0x447: {  	v0 =	vadd.f32 v0, v2  }
0x448: {  	v1 =	vmul.f32 @p0 $1.442695020e+00, v1  }
0x449: {  	v2 =	vperm.xlane v0, v11  }
0x44a: {  	(erf) = vpow2.f32 @p0 v1  }
0x44b: {  	v0 =	vadd.f32 v0, v2;
	_ =	sdelay $0x1  }
0x44c: {  	v34 =	vperm.xlane v0, v6;
	_ =	sdelay $0x1  }
0x44d: {  	v0 =	vadd.f32 v0, v34;
	_ =	sdelay $0x1  }
0x44e: {  	v0 =	vadd.f32 v0, v50  }
0x44f: {  	v1 =	vpop @p1 (erf)  }
0x450: {  	v2 =	vpop @p0 (erf);
	v0 =	vadd.f32 v0, v0  }
0x451: {  	v4 =	vadd.f32 @p0 $1.000000000e+00, v2  }
0x452: {  	v0 =	vmul.f32 $1.442695020e+00, v0  }
0x453: {  	(erf) = vrcp.f32 @p0 v4  }
0x454: {  	(erf) = vpow2.f32 v0;
	v0 =	vadd.f32 @p1 $-1.000000000e+00, v53;
	_ =	sdelay $0x1  }
0x455: {  	v0 =	vmul.f32 @p1 v1, v0;
	_ =	sdelay $0x1  }
0x456: {  	v8 =	vmul.f32 @p1 v0, v12;
	v12 =	vld [tilespmem:$0x1FA00];
	_ =	sdelay $0x4  }
0x457: {  	v16 =	vadd.f32 @p2 v24, v17;
	v17 =	vmul.f32 @p1 v0, v12;
	v12 =	vld [tilespmem:$0x1FA90];
	_ =	sdelay $0x3  }
0x458: {  	v5 =	vadd.f32 @p1 v8, v5;
	v8 =	vmov @p0 v63  }
0x459: {  	v8 =	vpsel p0, v8, v12;
	v12 =	vld [tilespmem:$0x1FAA0];
	_ =	sdelay $0x4  }
0x45a: {  	v2 =	vpsel p0, v2, v12;
	v12 =	vld [tilespmem:$0x1FA80];
	_ =	sdelay $0x4  }
0x45b: {  	v32 =	vpsel p0, v32, v12;
	v12 =	vld [tilespmem:$0x1FA10];
	_ =	sdelay $0x4  }
0x45c: {  	v34 =	vmul.f32 @p1 v0, v12;
	v12 =	vld [tilespmem:$0x1FA70];
	_ =	sdelay $0x4  }
0x45d: {  	v35 =	vpsel p0, v35, v12;
	v12 =	vld [tilespmem:$0x1FA20];
	_ =	sdelay $0x4  }
0x45e: {  	v7 =	vadd.f32 @p2 v37, v60;
	v37 =	vmul.f32 @p1 v0, v12;
	v12 =	vld [tilespmem:$0x1F9E0];
	_ =	sdelay $0x2  }
0x45f: {  	v4 =	vmul.f32 @p2 v59, v46  }
0x460: {  	v9 =	vmov v6;
	v6 =	vadd.f32 @p2 v33, v58;
	v58 =	vld [tilespmem:$0x1FB10]  }
0x461: {  	v4 =	vadd.f32 @p2 v4, v23;
	v23 =	vmov @p0 v43;
	v43 =	vmov @p1 v12;
	v12 =	vld [tilespmem:$0x1F9F0];
	_ =	sdelay $0x1  }
0x462: {  	v1 =	vadd.f32 @p2 v29, v56;
	v34 =	vpsel p1, v34, v0  }
0x463: {  	v33 =	vmov @p1 v54;
	v23 =	vpsel p0, v23, v36  }
0x464: {  	v60 =	vld [tilespmem:$0x1FB00];
	v36 =	vmovc @p1 v55;
	v33 =	vmul.f32 @p1 v0, v33;
	v1 =	vpsel p2, v1, v58;
	v17 =	vadd.f32 @p1 v17, v18  }
0x465: {  	v36 =	vmul.f32 @p1 v0, v36;
	v2 =	vadd.f32 @p0 $-1.000000000e+00, v2;
	v1 =	vadd.f32 @p1 v34, v1;
	v34 =	vmovc @p1 v12  }
0x466: {  	v18 =	vpop @p0 (erf);
	v43 =	vmul.f32 @p1 v0, v43;
	v34 =	vpsel p1, v34, v0;
	v0 =	vpsel p1, v0, v0  }
0x467: {  	v25 =	vpop (erf);
	v0 =	vmul.f32 @p1 v0, v34  }
0x468: {  	v29 =	vmov @p0 v52;
	v52 =	vld [tilespmem:$0x1FAB0];
	v56 =	vadd.f32 $1.000000000e+00, v25;
	v2 =	vmul.f32 @p0 v18, v2  }
0x469: {  	v7 =	vpsel p2, v7, v60;
	v53 =	vld [tilespmem:$0x1FA60];
	v18 =	vpsel p1, v33, v0  }
0x46a: {  	(erf) = vrcp.f32 v56;
	v12 =	vld [tilespmem:$0x1FAD0];
	v7 =	vadd.f32 @p1 v18, v7;
	v18 =	vmul.f32 @p0 v2, v32;
	_ =	sdelay $0x1  }
0x46b: {  	v59 =	vld [tilespmem:$0x1FB20]  }
0x46c: {  	v17 =	vpsel p1, v17, v52  }
0x46d: {  	v34 =	vpsel p1, v37, v0;
	v17 =	vadd.f32 @p0 v18, v17;
	v18 =	vmov @p0 v49  }
0x46e: {  	v63 =	vld [tilespmem:$0x1FAC0];
	v33 =	vpsel p1, v36, v0;
	v4 =	vpsel p2, v4, v12;
	v18 =	vpsel p0, v18, v53  }
0x46f: {  	v32 =	vpsel p1, v43, v0;
	v0 =	vadd.f32 @p1 v0, v4;
	v18 =	vmul.f32 @p0 v2, v18  }
0x470: {  	v3 =	vadd.f32 @p2 v45, v3;
	v6 =	vpsel p2, v6, v59  }
0x471: {  	v6 =	vadd.f32 @p1 v34, v6;
	v4 =	vmovc @p0 v8;
	v8 =	vadd.f32 $-1.000000000e+00, v25;
	v18 =	vpsel p0, v18, v0  }
0x472: {  	v54 =	vpop (erf)  }
0x473: {  	v24 =	vmovc @p0 v51;
	v3 =	vpsel p2, v3, v63;
	v6 =	vpsel p1, v6, v59;
	v8 =	vmul.f32 v54, v8  }
0x474: {  	v51 =	vld [tilespmem:$0x1FAE0];
	v3 =	vadd.f32 @p1 v33, v3;
	v4 =	vmul.f32 @p0 v2, v4;
	v6 =	vadd.f32 @p0 v18, v6;
	v18 =	vmovc @p0 v23  }
0x475: {  	v7 =	vpsel p1, v7, v60;
	v19 =	vmul.f32 v8, v19;
	v18 =	vmul.f32 @p0 v2, v18  }
0x476: {  	v3 =	vpsel p1, v3, v63;
	v17 =	vpsel p0, v17, v52;
	v4 =	vpsel p0, v4, v0  }
0x477: {  	v4 =	vadd.f32 @p0 v4, v7;
	v7 =	vadd.f32 v19, v17;
	v17 =	vpsel p0, v18, v0  }
0x478: {  	v25 =	vmul.f32 @p0 v2, v35;
	v3 =	vadd.f32 @p0 v17, v3;
	v17 =	vmul.f32 v8, v47  }
0x479: {  	v24 =	vpsel p0, v24, v13;
	v16 =	vpsel p2, v16, v51  }
0x47a: {  	v1 =	vpsel p1, v1, v58;
	v16 =	vadd.f32 @p1 v32, v16;
	v25 =	vpsel p0, v25, v0  }
0x47b: {  	v1 =	vadd.f32 @p0 v25, v1;
	v6 =	vpsel p0, v6, v59;
	[tilespmem:s3+$0x10200] =	vst v7;
	v7 =	vmul.f32 v8, v41  }
0x47c: {  	v56 =	vmul.f32 v8, v38;
	v4 =	vpsel p0, v4, v60;
	v6 =	vadd.f32 v17, v6;
	v17 =	vmovc @p0 v24  }
0x47d: {  	v1 =	vpsel p0, v1, v58;
	v4 =	vadd.f32 v7, v4;
	v7 =	vmul.f32 @p0 v2, v17  }
0x47e: {  	v55 =	vld [tilespmem:$0x1FA50];
	v1 =	vadd.f32 v56, v1  }
0x47f: {  	[tilespmem:s3+$0x10220] =	vst v6;
	v6 =	vpsel p1, v16, v51;
	v7 =	vpsel p0, v7, v0  }
0x480: {  	[tilespmem:s3+$0x10600] =	vst v31;
	v6 =	vadd.f32 @p0 v7, v6  }
0x481: {  	[tilespmem:s3+$0x10610] =	vst v30;
	v29 =	vpsel p0, v29, v57;
	v58 =	vmul.f32 v8, v44  }
0x482: {  	v60 =	vmax.f32 v20, v44;
	v23 =	vmovc @p0 v39;
	[tilespmem:s3+$0x10210] =	vst v1;
	v1 =	vmov @p0 v29;
	v57 =	vpsel p0, v6, v51;
	v6 =	vld [tilespmem:$0x1FAF0]  }
0x483: {  	[tilespmem:s3+$0x10620] =	vst v27;
	v23 =	vpsel p0, v23, v55;
	v1 =	vpsel p0, v1, v0;
	v18 =	vpsel p0, v2, v0  }
0x484: {  	v1 =	vmul.f32 @p0 v18, v1;
	[tilespmem:s3+$0x10230] =	vst v4;
	v4 =	vmul.f32 v8, v40;
	v3 =	vpsel p0, v3, v63  }
0x485: {  	[tilespmem:s3+$0x10630] =	vst v26;
	v63 =	vmax.f32 v21, v48;
	v16 =	vmul.f32 v8, v42;
	v0 =	vpsel p1, v0, v12  }
0x486: {  	[tilespmem:s3+$0x10660] =	vst v60;
	v17 =	vmax.f32 v28, v42;
	v2 =	vmul.f32 @p0 v2, v23;
	v0 =	vadd.f32 @p0 v1, v0  }
0x487: {  	[tilespmem:s3+$0x10670] =	vst v63;
	v3 =	vadd.f32 v16, v3;
	v1 =	vadd.f32 v4, v57;
	v4 =	vpsel p1, v5, v6  }
0x488: {  	[tilespmem:s3+$0x10640] =	vst v17;
	v0 =	vpsel p0, v0, v12;
	v2 =	vadd.f32 @p0 v2, v4  }
0x489: {  	v59 =	vmul.f32 v8, v48;
	[tilespmem:s3+$0x10240] =	vst v3;
	v0 =	vadd.f32 v58, v0  }
0x48a: {  	v44 =	vld [tilespmem:$0x1FF30];
	[tilespmem:s3+$0x10250] =	vst v1;
	v2 =	vpsel p0, v2, v6  }
0x48b: {  	v48 =	vld [tilespmem:$0x1FF40];
	[tilespmem:s3+$0x10260] =	vst v0;
	v4 =	vmax.f32 v22, v40;
	v1 =	vadd.f32 v59, v2  }
0x48c: {  	v8 =	vld [tilespmem:$0x1FFD0];
	[tilespmem:s3+$0x10650] =	vst v4  }
0x48d: {  	v13 =	vmov v10;
	v7 =	vld [tilespmem:$0x1FF20];
	v6 =	vmov v9;
	[tilespmem:s3+$0x10270] =	vst v1  }
.LBB2_60:
0x48e: {  	s0 =	sadd.s32 $0x1, s0  }
0x48f: {  	p0 =	sne.s32 s0, $0x8  }
.Ltmp43:
0x490: {  	_ = 	snop;
	(pc) =	sbr.rel @!p0 .LBB2_61-.Ltmp43, $1  }
0x491: {  	_ =	sdelay $0x3  }
.LBB2_48:
0x492: {  	v0 =	vld [tilespmem:s0+$0x10100]  }
0x493: {  	v1 =	vld [tilespmem:s0+$0x10101];
	_ =	sdelay $0x3  }
0x494: {  	(v2sf) =	vpush v0, $0x0  }
0x495: {  	(v2sf) =	vpush v1, $0x0;
	_ =	sdelay $0xd  }
0x496: {  	s11 =	spop (v2sf)  }
0x497: {  	s9 =	smov.u32 s24;
	s3 =	spop (v2sf)  }
0x498: {  	s14 =	smov.u32 s25;
	p0 =	sgt.s32 s11, s24;
	p1 =	slt.s32 s3, s25  }
0x499: {  	s9 =	smov.u32 @p0 s11;
	s14 =	smov.u32 @p1 s3  }
0x49a: {  	s9 =	ssub.s32 s14, s9  }
0x49b: {  	p0 =	slt.s32 s9, $0x1  }
.Ltmp44:
0x49c: {  	_ = 	snop;
	(pc) =	sbr.rel @p0 .LBB2_60-.Ltmp44, $1  }
0x49d: {  	_ =	sdelay $0x3  }
0x49e: {  	s3 =	sshll.u32 s0, $0x7  }
0x49f: {  	s3 =	sand.u32 $0x3FFFFF80, s3  }
0x4a0: {  	v0 =	vld [tilespmem:s3+$0x10200]  }
0x4a1: {  	p0 =	sgt.s32 s11, s21;
	s14 =	smov.u32 s21;
	v56 =	vld [tilespmem:s3+$0x10210]  }
0x4a2: {  	s14 =	smov.u32 @p0 s11;
	v58 =	vld [tilespmem:s3+$0x10220]  }
0x4a3: {  	s11 =	sshll.u32 s14, $0x9;
	v60 =	vld [tilespmem:s3+$0x10230]  }
0x4a4: {  	v51 =	vld [tilespmem:s3+$0x10240];
	s11 =	sshra.s32 s11, $0x2  }
0x4a5: {  	v23 =	vld [tilespmem:s3+$0x10250];
	s11 =	sadd.s32 s11, s5  }
0x4a6: {  	v45 =	vld [tilespmem:s11+$0x0]  }
0x4a7: {  	v37 =	vld [tilespmem:s11+$0x10]  }
0x4a8: {  	v52 =	vld [tilespmem:s3+$0x10260]  }
0x4a9: {  	v33 =	vld [tilespmem:s11+$0x20]  }
0x4aa: {  	v53 =	vld [tilespmem:s3+$0x10600]  }
0x4ab: {  	v46 =	vld [tilespmem:s11+$0x30]  }
0x4ac: {  	v3 =	vld [tilespmem:s3+$0x10610];
	v1 =	vmul.f32 v45, v62;
	v2 =	vmul.f32 v37, v13  }
0x4ad: {  	v36 =	vld [tilespmem:s11+$0x40]  }
0x4ae: {  	v4 =	vld [tilespmem:s3+$0x10620];
	v54 =	vmul.f32 v33, v61;
	v1 =	vadd.f32 v2, v1  }
0x4af: {  	v9 =	vld [tilespmem:s11+$0x50]  }
0x4b0: {  	v18 =	vld [tilespmem:s3+$0x10270];
	v55 =	vmul.f32 v46, v44;
	v1 =	vadd.f32 v54, v1  }
0x4b1: {  	v12 =	vld [tilespmem:s11+$0x60];
	[tilespmem:$0x1FAB0] =	vst v0  }
0x4b2: {  	v5 =	vld [tilespmem:s3+$0x10630];
	[tilespmem:$0x1FAC0] =	vst v51;
	v57 =	vmul.f32 v36, v7;
	v1 =	vadd.f32 v55, v1  }
0x4b3: {  	p3 =	sgt.s32 s9, $0x1;
	v29 =	vld [tilespmem:s11+$0x70];
	[tilespmem:$0x1FAD0] =	vst v52  }
.Ltmp45:
0x4b4: {  	[tilespmem:$0x1FAE0] =	vst v23;
	v59 =	vmul.f32 v9, v14;
	v1 =	vadd.f32 v57, v1;
	(pc) =	sbr.rel @!p3 .LBB2_50-.Ltmp45, $4  }
0x4b5: {  	v28 =	vld [tilespmem:s3+$0x10640];
	[tilespmem:$0x1FAF0] =	vst v18  }
0x4b6: {  	v22 =	vld [tilespmem:s3+$0x10650];
	[tilespmem:$0x1FB00] =	vst v60;
	v63 =	vmul.f32 v12, v48;
	v1 =	vadd.f32 v59, v1  }
0x4b7: {  	p1 =	por $0x0, $0x0;
	v20 =	vld [tilespmem:s3+$0x10660];
	[tilespmem:$0x1FB10] =	vst v56;
	v31 =	vmax.f32 v53, v45;
	v30 =	vmax.f32 v3, v37;
	v27 =	vmax.f32 v4, v33  }
0x4b8: {  	p2 =	por $0x0, $0x0;
	p0 =	por $0x0, $0x0;
	v21 =	vld [tilespmem:s3+$0x10670];
	s11 =	sadd.s32 $0x80, s11;
	[tilespmem:$0x1FB20] =	vst v58;
	v26 =	vmax.f32 v5, v46;
	v25 =	vmul.f32 v29, v15;
	v16 =	vadd.f32 v63, v1  }
0x4b9: {  	v19 =	vld [tilespmem:s11+$0x0]  }
0x4ba: {  	v38 =	vld [tilespmem:s11+$0x10]  }
0x4bb: {  	v49 =	vld [tilespmem:s11+$0x20];
	v0 =	vadd.f32 v25, v16  }
0x4bc: {  	v3 =	vld [tilespmem:$0x1FFB0]  }
0x4bd: {  	v1 =	vperm.xlane v0, v8  }
0x4be: {  	v41 =	vld [tilespmem:s11+$0x30]  }
0x4bf: {  	v2 =	vmul.f32 v19, v62;
	v0 =	vadd.f32 v0, v1;
	v39 =	vmul.f32 v38, v13  }
0x4c0: {  	v43 =	vld [tilespmem:s11+$0x40]  }
0x4c1: {  	v42 =	vmul.f32 v49, v61;
	v3 =	vperm.xlane v0, v3;
	v1 =	vadd.f32 v39, v2  }
0x4c2: {  	v51 =	vld [tilespmem:s11+$0x50]  }
0x4c3: {  	v47 =	vmul.f32 v41, v44;
	v0 =	vadd.f32 v0, v3;
	v1 =	vadd.f32 v42, v1  }
0x4c4: {  	v52 =	vld [tilespmem:s11+$0x60]  }
0x4c5: {  	v57 =	vmul.f32 v43, v7;
	v3 =	vperm.xlane v0, v11;
	v1 =	vadd.f32 v47, v1  }
0x4c6: {  	p3 =	sgt.s32 s9, $0x2;
	v28 =	vmax.f32 v28, v36;
	v22 =	vmax.f32 v22, v9;
	v39 =	vld [tilespmem:s11+$0x70]  }
.Ltmp46:
0x4c7: {  	v59 =	vmul.f32 v51, v14;
	v0 =	vadd.f32 v0, v3;
	v1 =	vadd.f32 v57, v1;
	(pc) =	sbr.rel @!p3 .LBB2_52-.Ltmp46, $4  }
0x4c8: {  	v20 =	vmax.f32 v20, v12;
	v21 =	vmax.f32 v21, v29;
	v31 =	vmax.f32 v31, v19  }
0x4c9: {  	v63 =	vmul.f32 v52, v48;
	v3 =	vperm.xlane v0, v6;
	v1 =	vadd.f32 v59, v1  }
0x4ca: {  	v30 =	vmax.f32 v30, v38;
	v27 =	vmax.f32 v27, v49;
	v26 =	vmax.f32 v26, v41  }
0x4cb: {  	p0 =	por $0x1, $0x1;
	s11 =	sadd.s32 $0x80, s11;
	v25 =	vmul.f32 v39, v15;
	v34 =	vadd.f32 v0, v3;
	v16 =	vadd.f32 v63, v1  }
0x4cc: {  	_ = 	snop  }
0x4cd: {  	v0 =	vadd.f32 v34, v50;
	_ =	sdelay $0x1  }
0x4ce: {  	v0 =	vadd.f32 v0, v0  }
0x4cf: {  	v55 =	vld [tilespmem:s11+$0x0]  }
0x4d0: {  	v54 =	vld [tilespmem:s11+$0x10];
	v0 =	vmul.f32 $1.442695020e+00, v0  }
0x4d1: {  	v57 =	vld [tilespmem:s11+$0x20];
	v1 =	vadd.f32 v25, v16  }
0x4d2: {  	(erf) = vpow2.f32 v0;
	v0 =	vld [tilespmem:$0x1FFB0]  }
0x4d3: {  	v2 =	vperm.xlane v1, v8  }
0x4d4: {  	v63 =	vld [tilespmem:s11+$0x30]  }
0x4d5: {  	v3 =	vmul.f32 v55, v62;
	v1 =	vadd.f32 v1, v2;
	v2 =	vmul.f32 v54, v13  }
0x4d6: {  	[tilespmem:$0x1FA30] =	vst v12;
	v12 =	vmov v50;
	v50 =	vld [tilespmem:s11+$0x40]  }
0x4d7: {  	v2 =	vadd.f32 v2, v3;
	v3 =	vmul.f32 v57, v61;
	v4 =	vperm.xlane v1, v0  }
0x4d8: {  	v0 =	vld [tilespmem:s11+$0x50]  }
0x4d9: {  	v2 =	vadd.f32 v3, v2;
	v3 =	vmul.f32 v63, v44;
	v1 =	vadd.f32 v1, v4  }
0x4da: {  	[tilespmem:$0x1FA40] =	vst v9;
	v10 =	vmov v61;
	v28 =	vmax.f32 v28, v43;
	v61 =	vld [tilespmem:s11+$0x60]  }
0x4db: {  	v9 =	vmovc v62;
	v62 =	vld [tilespmem:s11+$0x70];
	v2 =	vadd.f32 v3, v2;
	v3 =	vmul.f32 v50, v7;
	v4 =	vperm.xlane v1, v11  }
0x4dc: {  	v22 =	vmax.f32 v22, v51;
	v20 =	vmax.f32 v20, v52;
	v21 =	vmax.f32 v21, v39;
	p3 =	sgt.s32 s9, $0x3;
	[tilespmem:$0x1FA50] =	vst v29  }
.Ltmp47:
0x4dd: {  	[tilespmem:$0x1FA60] =	vst v33;
	v2 =	vadd.f32 v3, v2;
	v53 =	vpop (erf);
	v3 =	vmul.f32 v0, v14;
	v1 =	vadd.f32 v1, v4;
	(pc) =	sbr.rel @!p3 .LBB2_54-.Ltmp47, $4  }
0x4de: {  	[tilespmem:$0x1FA70] =	vst v37;
	v31 =	vmax.f32 v31, v55;
	v30 =	vmax.f32 v30, v54;
	v5 =	vadd.f32 $1.000000000e+00, v53  }
0x4df: {  	[tilespmem:$0x1FA80] =	vst v45;
	v2 =	vadd.f32 v3, v2;
	v3 =	vmul.f32 v61, v48;
	v4 =	vperm.xlane v1, v6  }
0x4e0: {  	[tilespmem:$0x1FA90] =	vst v46;
	v27 =	vmax.f32 v27, v57;
	v26 =	vmax.f32 v26, v63;
	v25 =	vmul.f32 v62, v15  }
0x4e1: {  	s14 =	sadd.s32 $0x80, s11;
	p1 =	por $0x1, $0x1;
	[tilespmem:$0x1FAA0] =	vst v53;
	(erf) = vrcp.f32 v5;
	v16 =	vadd.f32 v3, v2;
	v34 =	vadd.f32 v1, v4  }
0x4e2: {  	v17 =	vmov v36;
	v36 =	vld [tilespmem:s14+$0x10]  }
0x4e3: {  	v2 =	vadd.f32 v25, v16;
	_ =	sdelay $0x1  }
0x4e4: {  	v3 =	vperm.xlane v2, v8  }
0x4e5: {  	v35 =	vld [tilespmem:s14+$0x0];
	v1 =	vadd.f32 v34, v12  }
0x4e6: {  	v2 =	vadd.f32 v2, v3;
	v3 =	vmul.f32 v36, v13;
	v13 =	vld [tilespmem:$0x1FFB0]  }
0x4e7: {  	v1 =	vadd.f32 v1, v1  }
0x4e8: {  	v47 =	vld [tilespmem:s14+$0x20]  }
0x4e9: {  	v1 =	vmul.f32 $1.442695020e+00, v1  }
0x4ea: {  	v4 =	vmul.f32 v35, v9  }
0x4eb: {  	(erf) = vpow2.f32 v1;
	v1 =	vperm.xlane v2, v13;
	_ =	sdelay $0x1  }
0x4ec: {  	v32 =	vld [tilespmem:s14+$0x30];
	v3 =	vadd.f32 v3, v4;
	v4 =	vmul.f32 v47, v10;
	v1 =	vadd.f32 v2, v1  }
0x4ed: {  	v42 =	vld [tilespmem:s14+$0x40]  }
0x4ee: {  	v28 =	vmax.f32 v28, v50;
	v24 =	vmovc v48;
	v48 =	vld [tilespmem:s14+$0x70];
	v2 =	vadd.f32 v4, v3;
	v4 =	vperm.xlane v1, v11  }
0x4ef: {  	v22 =	vmax.f32 v22, v0;
	v20 =	vmax.f32 v20, v61;
	v5 =	vadd.f32 $-1.000000000e+00, v53  }
0x4f0: {  	v21 =	vmax.f32 v21, v62;
	v40 =	vld [tilespmem:s14+$0x50];
	v8 =	vmovc v6;
	v31 =	vmax.f32 v31, v35;
	v1 =	vadd.f32 v1, v4  }
0x4f1: {  	v16 =	vld [tilespmem:$0x1FAB0];
	v30 =	vmax.f32 v30, v36;
	v27 =	vmax.f32 v27, v47;
	v6 =	vpop (erf);
	v3 =	vmul.f32 v32, v44  }
0x4f2: {  	v26 =	vmax.f32 v26, v32;
	v59 =	vmul.f32 v6, v5;
	v44 =	vld [tilespmem:s14+$0x60];
	v4 =	vperm.xlane v1, v8  }
0x4f3: {  	v25 =	vmul.f32 v48, v15;
	v2 =	vadd.f32 v3, v2;
	v3 =	vmul.f32 v42, v7  }
0x4f4: {  	p3 =	sgt.s32 s9, $0x4;
	v5 =	vmul.f32 v59, v29;
	v6 =	vmul.f32 v59, v45;
	v34 =	vadd.f32 v1, v4;
	v1 =	vld [tilespmem:$0x1FA40]  }
.Ltmp48:
0x4f5: {  	v29 =	vmul.f32 v59, v37;
	v2 =	vadd.f32 v3, v2;
	v3 =	vmul.f32 v40, v14;
	(pc) =	sbr.rel @!p3 .LBB2_56-.Ltmp48, $4  }
0x4f6: {  	[tilespmem:$0x1F9D0] =	vst v17;
	v9 =	vld [tilespmem:$0x1FFD0];
	v37 =	vmul.f32 v59, v46;
	v5 =	vadd.f32 v5, v18;
	v18 =	vadd.f32 v6, v16;
	v53 =	vpop (erf)  }
0x4f7: {  	v12 =	vmovc v15;
	v15 =	vmovc v14;
	v46 =	vld [tilespmem:$0x1FA30];
	v6 =	vadd.f32 $1.000000000e+00, v53;
	v2 =	vadd.f32 v3, v2;
	v3 =	vmul.f32 v44, v24  }
0x4f8: {  	v10 =	vmovc v13;
	v33 =	vmul.f32 v59, v33;
	v45 =	vmul.f32 v59, v17;
	v17 =	vmovc v23;
	v23 =	vld [tilespmem:$0x1FAD0];
	v4 =	vmov v24  }
0x4f9: {  	s11 =	simm.s32 $0x4;
	p2 =	por $0x1, $0x1;
	s14 =	sadd.s32 $0x80, s14;
	v14 =	vmovc v7;
	(erf) = vrcp.f32 v6;
	v16 =	vadd.f32 v3, v2;
	v3 =	vld [tilespmem:$0x1FAC0];
	v13 =	vmovc v4;
	v24 =	vmul.f32 v59, v1  }
.LBB2_57:
0x4fa: {  	_ = 	snop  }
0x4fb: {  	v8 =	vadd.f32 v25, v16  }
0x4fc: {  	v1 =	vld [tilespmem:s14+$0x0]  }
0x4fd: {  	v7 =	vld [tilespmem:s14+$0x10];
	v25 =	vperm.xlane v8, v9  }
0x4fe: {  	v17 =	vadd.f32 v24, v17;
	v24 =	vld [tilespmem:$0x1FF90]  }
0x4ff: {  	v8 =	vadd.f32 v8, v25;
	v25 =	vld [tilespmem:$0x1FF50]  }
0x500: {  	v2 =	vld [tilespmem:$0x1FF60];
	_ =	sdelay $0x3  }
0x501: {  	v24 =	vmul.f32 v1, v24;
	v25 =	vmul.f32 v7, v25  }
0x502: {  	v6 =	vmov v47;
	v47 =	vld [tilespmem:s14+$0x20];
	v2 =	vadd.f32 v34, v2  }
0x503: {  	v24 =	vadd.f32 v25, v24;
	v25 =	vld [tilespmem:$0x1FF70]  }
0x504: {  	v2 =	vadd.f32 v2, v2;
	_ =	sdelay $0x1  }
0x505: {  	v56 =	vadd.f32 v29, v56;
	v29 =	vmul.f32 $1.442695020e+00, v2  }
0x506: {  	v4 =	vmul.f32 v59, v46;
	v28 =	vmax.f32 v28, v42  }
0x507: {  	v58 =	vadd.f32 v33, v58;
	(erf) = vpow2.f32 v29;
	v25 =	vmul.f32 v47, v25  }
0x508: {  	v22 =	vmax.f32 v22, v40;
	v60 =	vadd.f32 v37, v60;
	v16 =	vmovc v41;
	v41 =	vmovc v63;
	v63 =	vmov v32;
	v32 =	vld [tilespmem:s14+$0x30]  }
0x509: {  	v20 =	vmax.f32 v20, v44;
	v53 =	vadd.f32 $-1.000000000e+00, v53;
	v24 =	vadd.f32 v25, v24;
	v25 =	vld [tilespmem:$0x1FF30]  }
0x50a: {  	v21 =	vmax.f32 v21, v48;
	v46 =	vmov v52;
	v23 =	vadd.f32 v4, v23;
	v59 =	vpop (erf)  }
0x50b: {  	v4 =	vmovc v43;
	v43 =	vmovc v50;
	v50 =	vmov v42;
	v42 =	vld [tilespmem:s14+$0x40];
	v59 =	vmul.f32 v59, v53;
	v29 =	vperm.xlane v8, v10  }
0x50c: {  	v52 =	vmovc v61;
	v3 =	vadd.f32 v45, v3;
	v31 =	vmax.f32 v31, v1;
	v30 =	vmax.f32 v30, v7  }
0x50d: {  	v2 =	vmovc v51;
	v51 =	vmovc v0;
	v0 =	vmov v40;
	v40 =	vld [tilespmem:s14+$0x50];
	v33 =	vmul.f32 v59, v39;
	v8 =	vadd.f32 v8, v29  }
0x50e: {  	v34 =	vmul.f32 v59, v19;
	v19 =	vmovc v55;
	v55 =	vmovc v35;
	v35 =	vmov v1;
	v1 =	vld [tilespmem:$0x1FFE0];
	v25 =	vmul.f32 v32, v25  }
0x50f: {  	v61 =	vmovc v44;
	v44 =	vld [tilespmem:s14+$0x60];
	v27 =	vmax.f32 v27, v47;
	v26 =	vmax.f32 v26, v32;
	v29 =	vperm.xlane v8, v11  }
0x510: {  	s11 =	sadd.s32 $0x1, s11;
	v5 =	vadd.f32 v33, v5;
	v53 =	vpop (erf);
	v24 =	vadd.f32 v25, v24;
	v25 =	vmul.f32 v42, v14  }
0x511: {  	p3 =	slt.s32 s11, s9;
	v39 =	vmovc v62;
	v62 =	vmovc v48;
	v48 =	vld [tilespmem:s14+$0x70];
	v33 =	vmul.f32 v59, v49;
	v8 =	vadd.f32 v8, v29;
	v49 =	vadd.f32 $1.000000000e+00, v53  }
.Ltmp49:
0x512: {  	v37 =	vmul.f32 v59, v16;
	v24 =	vadd.f32 v25, v24;
	v25 =	vmul.f32 v40, v15;
	(pc) =	sbr.rel @p3 .LBB2_57-.Ltmp49, $4  }
0x513: {  	v45 =	vmul.f32 v59, v4;
	v18 =	vadd.f32 v34, v18;
	v1 =	vperm.xlane v8, v1  }
0x514: {  	v29 =	vmul.f32 v59, v38;
	v38 =	vmovc v54;
	v16 =	vadd.f32 v25, v24;
	v25 =	vmul.f32 v44, v13  }
0x515: {  	v54 =	vmovc v36;
	v36 =	vmovc v7;
	v34 =	vadd.f32 v8, v1;
	(erf) = vrcp.f32 v49;
	v49 =	vmov v57  }
0x516: {  	s14 =	sadd.s32 $0x80, s14;
	v57 =	vmovc v6;
	v24 =	vmul.f32 v59, v2;
	v16 =	vadd.f32 v25, v16;
	v25 =	vmul.f32 v48, v12  }
0x517: {  	[tilespmem:$0x1F9F0] =	vst v52;
	v52 =	vmov v61;
	v61 =	vld [tilespmem:$0x1FF70]  }
0x518: {  	v6 =	vld [tilespmem:$0x1FFE0]  }
0x519: {  	v7 =	vmov v39;
	v39 =	vmov v62;
	v62 =	vld [tilespmem:$0x1FF90]  }
.Ltmp50:
0x51a: {  	[tilespmem:$0x1F9E0] =	vst v51;
	v10 =	vld [tilespmem:$0x1FF50];
	(pc) =	sbr.rel .LBB2_59-.Ltmp50, $4  }
0x51b: {  	v2 =	vmov v43;
	[tilespmem:$0x1FA00] =	vst v19;
	v43 =	vmov v50;
	v50 =	vld [tilespmem:$0x1FF60]  }
0x51c: {  	v1 =	vmovc v41;
	[tilespmem:$0x1FA10] =	vst v38;
	v41 =	vmov v32;
	v51 =	vmov v0;
	v38 =	vmov v36;
	v36 =	vld [tilespmem:$0x1F9D0]  }
0x51d: {  	[tilespmem:$0x1FA20] =	vst v49;
	v32 =	vmovc v55;
	v19 =	vmovc v35;
	v35 =	vmov v54;
	v49 =	vmov v57;
	v8 =	vmov v9;
	v13 =	vld [tilespmem:$0x1FA40]  }
0x51e: {  	v14 =	vmovc v15;
	v15 =	vmovc v12;
	v57 =	vld [tilespmem:$0x1FA30];
	v55 =	vmov v2;
	v54 =	vmov v1;
	v12 =	vmov v7  }
.LBB2_52:
0x51f: {  	_ = 	snop  }
0x520: {  	_ = 	snop  }
0x521: {  	_ = 	snop  }
0x522: {  	_ = 	snop  }
0x523: {  	_ = 	snop  }
0x524: {  	_ = 	snop  }
.Ltmp51:
0x525: {  	(pc) =	sbr.rel .LBB2_59-.Ltmp51, $4  }
0x526: {  	v10 =	vmov v13  }
0x527: {  	v47 =	vmovc v49;
	v42 =	vmovc v43;
	v40 =	vmov v51;
	v44 =	vmov v52;
	v48 =	vmov v39;
	v3 =	vld [tilespmem:$0x1FAC0]  }
0x528: {  	v63 =	vmovc v46;
	v43 =	vmovc v36;
	v51 =	vmov v9;
	v52 =	vmov v12;
	v17 =	vmov v23;
	v23 =	vld [tilespmem:$0x1FAD0]  }
0x529: {  	v39 =	vmovc v29;
	v32 =	vmovc v45;
	v35 =	vmov v37;
	v49 =	vmov v33;
	v5 =	vmov v18;
	v18 =	vld [tilespmem:$0x1FAB0]  }
.LBB2_54:
0x52a: {  	v10 =	vmov v13;
	v13 =	vld [tilespmem:$0x1FA40]  }
0x52b: {  	v47 =	vmov v57;
	v4 =	vmov v45;
	v57 =	vld [tilespmem:$0x1FA30]  }
.Ltmp52:
0x52c: {  	v5 =	vmov v41;
	v40 =	vmov v0;
	v0 =	vmov v37;
	[tilespmem:$0x1FA00] =	vst v4;
	(pc) =	sbr.rel .LBB2_59-.Ltmp52, $4  }
0x52d: {  	v32 =	vmovc v19;
	v35 =	vmovc v38;
	v1 =	vmov v29;
	v2 =	vmov v33;
	v17 =	vmov v23;
	v23 =	vld [tilespmem:$0x1FAD0];
	[tilespmem:$0x1FA10] =	vst v0  }
0x52e: {  	v3 =	vmovc v46;
	v42 =	vmovc v50;
	v41 =	vmov v63;
	v44 =	vmov v61;
	v50 =	vmov v12;
	v61 =	vld [tilespmem:$0x1FF70];
	[tilespmem:$0x1FA20] =	vst v2  }
0x52f: {  	v48 =	vmovc v62;
	v19 =	vmovc v55;
	v55 =	vmov v36;
	v38 =	vmov v54;
	v7 =	vmov v3;
	v3 =	vld [tilespmem:$0x1FAC0];
	[tilespmem:$0x1F9E0] =	vst v13  }
0x530: {  	v62 =	vmovc v9;
	v63 =	vmovc v5;
	v12 =	vmov v1;
	v54 =	vmov v7;
	v5 =	vmov v18;
	v18 =	vld [tilespmem:$0x1FAB0];
	[tilespmem:$0x1F9F0] =	vst v57  }
.LBB2_56:
0x531: {  	v56 =	vld [tilespmem:$0x1FB10]  }
0x532: {  	v1 =	vld [tilespmem:$0x1FA30]  }
0x533: {  	v58 =	vld [tilespmem:$0x1FB20]  }
0x534: {  	v60 =	vld [tilespmem:$0x1FB00]  }
0x535: {  	v3 =	vld [tilespmem:$0x1FAC0]  }
0x536: {  	v17 =	vld [tilespmem:$0x1FAE0]  }
0x537: {  	v23 =	vld [tilespmem:$0x1FAD0]  }
0x538: {  	[tilespmem:$0x1F9F0] =	vst v52;
	v52 =	vmov v61;
	v61 =	vld [tilespmem:$0x1FF70]  }
0x539: {  	v6 =	vld [tilespmem:$0x1FFE0]  }
.Ltmp53:
0x53a: {  	[tilespmem:$0x1F9E0] =	vst v51;
	v7 =	vmov v39;
	v39 =	vmov v62;
	v62 =	vld [tilespmem:$0x1FF90];
	(pc) =	sbr.rel .LBB2_59-.Ltmp53, $4  }
0x53b: {  	v2 =	vmov v41;
	v4 =	vmov v43;
	[tilespmem:$0x1FA00] =	vst v19;
	v41 =	vmov v32;
	v10 =	vld [tilespmem:$0x1FF50]  }
0x53c: {  	[tilespmem:$0x1FA10] =	vst v38;
	v43 =	vmovc v50;
	v51 =	vmovc v0;
	v32 =	vmov v55;
	v19 =	vmov v35;
	v35 =	vmov v54;
	v50 =	vld [tilespmem:$0x1FF60]  }
0x53d: {  	[tilespmem:$0x1FA20] =	vst v49;
	v38 =	vmovc v36;
	v49 =	vmovc v57;
	v14 =	vmov v15;
	v15 =	vmov v12;
	v36 =	vld [tilespmem:$0x1F9D0];
	v55 =	vmov v4  }
0x53e: {  	v13 =	vld [tilespmem:$0x1FA40];
	v54 =	vmovc v2;
	v8 =	vmovc v9;
	v12 =	vmov v7;
	v46 =	vmov v1;
	v57 =	vmov v1  }
.LBB2_63:
0x53f: {  	_ =	sfence.sel $0x180000  }
0x540: {  	[bflag:$0x0] =	sbarrier.arrive $0xFFFF  }
0x541: {  	_ =	strace $0x90000047  }
0x542: {  	s0 =	stileid.u32;
	[bflag:$0x2] =	sbarrier.arrive $0xFFFF  }
0x543: {  	p0 =	sne.s32 s0, $0x0;
	s0 =	rddreg [dreg:$0x5]  }
0x544: {  	s0 =	sadd.s32 @!p0 $0x100000, s0  }
0x545: {  	[sflag:s0] =	ssyncadd.tile.s32 @!p0 $0x1;
	_ =	shalt  }
.Lfunc_end2:
_tile_overlayer_lowered:
.L_overlay_start_2:
0x546: {  	(tag) =	ssettag $0x2  }
0x547: {  	s0 =	rddreg [dreg:$0x0];
	s2 =	stileid.u32  }
0x548: {  	s1 =	rddreg [dreg:$0x1];
	p0 =	sne.s32 s2, $0x0  }
0x549: {  	s3 =	rddreg [dreg:$0x2];
	[bflag:$0x3] =	sbarrier.arrive $0xFFFF;
	s2 =	simm.s32 @!p0 $0x1C06  }
0x54a: {  	[timem:s3], [sflag:s2] =	dma.local @!p0 [hbm:s0], s1  }
0x54b: {  	s0 =	simm.s32 @!p0 $0x6  }
0x54c: {  	_ =	swait.ge @!p0 [sflag:s0], s1  }
0x54d: {  	s1 =	ssub.s32 @!p0 $0x0, s1;
	[sflag:s0] =	ssyncset.done @!p0 $0x0  }
0x54e: {  	[sflag:s0] =	ssyncadd.s32 @!p0 s1  }
0x54f: {  	[bflag:$0x3] =	sbarrier.arrive $0xFFFF  }
0x550: {  	_ =	shalt  }

</sc_bundles>
